<compile_context>
chip_gen: v7x
topology: tpu7x:2x2x1
jax: 0.10.2.dev20260603
libtpu: 0.0.44.dev20260713+nightly
codegen_flags: <defaults>
</compile_context>

<pallas_src>
import functools

import jax
import jax.numpy as jnp
from jax import lax
from jax.experimental import pallas as pl
from jax.experimental.pallas import tpu as pltpu
from jax.experimental.pallas import tpu_sc as plsc

M0 = 0.3
SIZE = (40, 40)
LIMS = [[1.0, -1.0], [-1.0, 1.0]]
N = SIZE[0] * SIZE[1]
B = 8

SC_SPLIT = 384
TC_ROWS = 608

NW = 32
LANES = 16
J = N // LANES


def _grid_points():
    e0 = jnp.linspace(LIMS[0][0], LIMS[0][1], SIZE[0])
    e1 = jnp.linspace(LIMS[1][0], LIMS[1][1], SIZE[1])
    g = jnp.stack([jnp.tile(e1, SIZE[0]), jnp.repeat(e0, SIZE[1])], axis=1)
    return g.astype(jnp.float32)



def _tc_body(rows, y0_ref, y1_ref, xt_ref, w_ref, o_ref):
    y0 = y0_ref[:, :]
    y1 = y1_ref[:, :]
    x0 = xt_ref[0, 0:1, :]
    x1 = xt_ref[0, 1:2, :]
    w = w_ref[0, :, :]

    d0 = y0 - x0
    d1 = y1 - x1
    dist = jnp.sqrt(d0 * d0 + d1 * d1)
    t = dist * dist
    t_bits = lax.bitcast_convert_type(t, jnp.int32)

    wb = M0 * jnp.sum(w)

    lo0 = jnp.min(t_bits, axis=1, keepdims=True) - 1
    hi0 = jnp.max(t_bits, axis=1, keepdims=True)

    def body(_, carry):
        lo, hi = carry
        mid = lo + ((hi - lo) >> 1)
        cnt = jnp.sum(jnp.where(t_bits <= mid, w, 0.0), axis=1,
                      keepdims=True)
        pred = cnt >= wb
        return jnp.where(pred, lo, mid), jnp.where(pred, mid, hi)

    lo, hi = lax.fori_loop(0, 14, body, (lo0, hi0))

    t_star = lax.bitcast_convert_type(hi, jnp.float32)
    mask = t_bits < hi
    s_w = jnp.sum(jnp.where(mask, w, 0.0), axis=1, keepdims=True)
    s_d = jnp.sum(jnp.where(mask, w * t, 0.0), axis=1, keepdims=True)
    val = jnp.maximum(s_d + t_star * (wb - s_w), 0.0)
    o_ref[0, :, :] = jnp.sqrt(val / wb)


def _tc_call(y0, y1, xt, weight, n_tc):
    nb = n_tc // TC_ROWS
    out = pl.pallas_call(
        functools.partial(_tc_body, TC_ROWS),
        grid=(B, nb),
        in_specs=[
            pl.BlockSpec((TC_ROWS, 1), lambda b, rb: (rb, 0)),
            pl.BlockSpec((TC_ROWS, 1), lambda b, rb: (rb, 0)),
            pl.BlockSpec((1, 2, N), lambda b, rb: (b, 0, 0)),
            pl.BlockSpec((1, 1, N), lambda b, rb: (b, 0, 0)),
        ],
        out_specs=pl.BlockSpec((1, TC_ROWS, 1), lambda b, rb: (b, rb, 0)),
        out_shape=jax.ShapeDtypeStruct((B, n_tc, 1), jnp.float32),
    )(y0[:n_tc], y1[:n_tc], xt, weight.reshape(B, 1, N))
    return out.reshape(B, n_tc)



def _lane_sum(x):
    iota = lax.broadcasted_iota(jnp.int32, (LANES,), 0)
    dnums = lax.GatherDimensionNumbers(
        offset_dims=(), collapsed_slice_dims=(0,), start_index_map=(0,))
    for k in (8, 4, 2, 1):
        perm = lax.gather(
            x, (iota ^ k)[:, None], dimension_numbers=dnums,
            slice_sizes=(1,), mode=lax.GatherScatterMode.PROMISE_IN_BOUNDS)
        x = x + perm
    return x


def _splat(vec, lane):
    dnums = lax.GatherDimensionNumbers(
        offset_dims=(), collapsed_slice_dims=(0,), start_index_map=(0,))
    idx = jnp.full((LANES, 1), lane, jnp.int32)
    return lax.gather(vec, idx, dimension_numbers=dnums, slice_sizes=(1,),
                      mode=lax.GatherScatterMode.PROMISE_IN_BOUNDS)


SC_U = 32
SC_ITERS = 14


def _sc_call(x0, x1, w, y0f, y1f, split):
    rpw = split // 4
    tc_rows = N - split
    groups = rpw // LANES
    nch = N // SC_U
    mesh = plsc.VectorSubcoreMesh(core_axis_name="c", subcore_axis_name="s")

    @functools.partial(
        pl.kernel, mesh=mesh,
        out_type=jax.ShapeDtypeStruct((NW, rpw), jnp.float32),
        scratch_types=[
            pltpu.VMEM((N,), jnp.float32),
            pltpu.VMEM((N,), jnp.float32),
            pltpu.VMEM((N,), jnp.float32),
            pltpu.VMEM((N * LANES,), jnp.int32),
            pltpu.VMEM((rpw,), jnp.float32),
            pltpu.VMEM((rpw,), jnp.float32),
            pltpu.VMEM((rpw,), jnp.float32),
        ],
    )
    def sc_kernel(x0h, x1h, wh, y0h, y1h, oh, x0v, x1v, wv, tbv, y0v, y1v, ov):
        wid = lax.axis_index("s") * 2 + lax.axis_index("c")
        b = wid // 4
        roff = tc_rows + (wid % 4) * rpw
        pltpu.sync_copy(x0h.at[b], x0v)
        pltpu.sync_copy(x1h.at[b], x1v)
        pltpu.sync_copy(wh.at[b], wv)
        pltpu.sync_copy(y0h.at[pl.ds(roff, rpw)], y0v)
        pltpu.sync_copy(y1h.at[pl.ds(roff, rpw)], y1v)

        acc = jnp.zeros((LANES,), jnp.float32)
        for j in range(J):
            acc = acc + wv[pl.ds(j * LANES, LANES)]
        wb = M0 * _lane_sum(acc)

        def group_body(g, _):
            gbase = pl.multiple_of(g * LANES, LANES)
            y0r = y0v[pl.ds(gbase, LANES)]
            y1r = y1v[pl.ds(gbase, LANES)]

            def dist_body(c, mm):
                tmin, tmax = mm
                cb16 = pl.multiple_of(c * SC_U, SC_U)
                cbT = pl.multiple_of(c * (SC_U * LANES), SC_U * LANES)
                x0c = [x0v[pl.ds(cb16 + h * LANES, LANES)]
                       for h in range(SC_U // LANES)]
                x1c = [x1v[pl.ds(cb16 + h * LANES, LANES)]
                       for h in range(SC_U // LANES)]
                for u in range(SC_U):
                    uu = u % LANES
                    x0s = _splat(x0c[u // LANES], uu)
                    x1s = _splat(x1c[u // LANES], uu)
                    d0 = y0r - x0s
                    d1 = y1r - x1s
                    t = d0 * d0 + d1 * d1
                    tmin = jnp.minimum(tmin, t)
                    tmax = jnp.maximum(tmax, t)
                    tbv[pl.ds(cbT + u * LANES, LANES)] = (
                        lax.bitcast_convert_type(t, jnp.int32))
                return tmin, tmax

            big = jnp.full((LANES,), 3.4e38, jnp.float32)
            zz = jnp.zeros((LANES,), jnp.float32)
            tmin, tmax = lax.fori_loop(0, nch, dist_body, (big, zz))

            lo0 = lax.bitcast_convert_type(tmin, jnp.int32) - 1
            hi0 = lax.bitcast_convert_type(tmax, jnp.int32)

            def bis(_, lh):
                lo, hi = lh
                mid = lo + ((hi - lo) >> 1)

                def cnt_body(c, a):
                    cb16 = pl.multiple_of(c * SC_U, SC_U)
                    cbT = pl.multiple_of(c * (SC_U * LANES), SC_U * LANES)
                    wc = [wv[pl.ds(cb16 + h * LANES, LANES)]
                          for h in range(SC_U // LANES)]
                    for u in range(SC_U):
                        ws = _splat(wc[u // LANES], u % LANES)
                        tb = tbv[pl.ds(cbT + u * LANES, LANES)]
                        a = a + jnp.where(tb <= mid, ws, 0.0)
                    return a

                cnt = lax.fori_loop(
                    0, nch, cnt_body, jnp.zeros((LANES,), jnp.float32))
                pred = cnt >= wb
                return (jnp.where(pred, lo, mid), jnp.where(pred, mid, hi))

            lo, hi = lax.fori_loop(0, SC_ITERS, bis, (lo0, hi0))

            def tail_body(c, ab):
                aw, ad = ab
                cb16 = pl.multiple_of(c * SC_U, SC_U)
                cbT = pl.multiple_of(c * (SC_U * LANES), SC_U * LANES)
                wc = [wv[pl.ds(cb16 + h * LANES, LANES)]
                      for h in range(SC_U // LANES)]
                for u in range(SC_U):
                    ws = _splat(wc[u // LANES], u % LANES)
                    tb = tbv[pl.ds(cbT + u * LANES, LANES)]
                    msk = tb < hi
                    tf = lax.bitcast_convert_type(tb, jnp.float32)
                    aw = aw + jnp.where(msk, ws, 0.0)
                    ad = ad + jnp.where(msk, ws * tf, 0.0)
                return aw, ad

            aw, ad = lax.fori_loop(0, nch, tail_body, (zz, zz))
            t_star = lax.bitcast_convert_type(hi, jnp.float32)
            val = jnp.maximum(ad + t_star * (wb - aw), 0.0)
            v = val / wb
            vb = lax.bitcast_convert_type(v, jnp.int32)
            s = lax.bitcast_convert_type((vb >> 1) + 0x1FBD1DF5, jnp.float32)
            for _ in range(4):
                s = 0.5 * (s + v / s)
            ov[pl.ds(gbase, LANES)] = jnp.where(v > 0, s, 0.0)
            return 0

        lax.fori_loop(0, groups, group_body, 0)
        pltpu.sync_copy(ov, oh.at[wid])

    out = sc_kernel(x0, x1, w, y0f, y1f)
    return out.reshape(B, split)



def kernel(input, weight):
    g = _grid_points()
    y0 = g[:, 0:1]
    y1 = g[:, 1:2]
    parts = []
    if SC_SPLIT < N:
        xt = jnp.swapaxes(input, 1, 2)
        parts.append(_tc_call(y0, y1, xt, weight, N - SC_SPLIT))
    if SC_SPLIT > 0:
        x0 = input[:, :, 0]
        x1 = input[:, :, 1]
        parts.append(_sc_call(x0, x1, weight, g[:, 0], g[:, 1], SC_SPLIT))
    if len(parts) == 1:
        return parts[0]
    return jnp.concatenate(parts, axis=1)

# --- scband reference (transcript-rebuilt; emitter-appended) ---
"""Pipeline reference for scband-dtmlayer-10325101379889 (READ-ONLY COPY).

The authoritative reference and input builder live on the scoring server;
editing this copy changes nothing except your own understanding.
"""

import jax, jax.numpy as jnp
import numpy as np

M0 = 0.3
SIZE = (40, 40)
LIMS = [[1.0, -1.0], [-1.0, 1.0]]
R = 2
B = 8
N = SIZE[0] * SIZE[1]
D = 2


def _grid():
    # torch: cartesian_prod(linspace(lims[0]), linspace(lims[1])) then index_select columns [1,0]
    e0 = jnp.linspace(LIMS[0][0], LIMS[0][1], SIZE[0])
    e1 = jnp.linspace(LIMS[1][0], LIMS[1][1], SIZE[1])
    g = jnp.stack([jnp.tile(e1, SIZE[0]), jnp.repeat(e0, SIZE[1])], axis=1)
    return g.astype(jnp.float32)


def setup_inputs(seed: int = 0) -> dict:
    key = jax.random.key(seed)
    k1, k2 = jax.random.split(key)
    inp = jax.random.normal(k1, (B, N, D), dtype=jnp.float32)
    weight = jax.random.uniform(k2, (B, N), dtype=jnp.float32)
    return {"input": inp, "weight": weight}


def _knn(X, Y, k):
    # X: [B, N, D], Y: [N, D]
    diff = X[:, :, None, :] - Y[None, None, :, :]
    neg_dist = -jnp.sqrt(jnp.sum(diff ** 2, axis=-1))  # [B, N_x, N_y]
    neg_dist = jnp.swapaxes(neg_dist, -1, -2)          # [B, N_y, N_x]
    dist, index = jax.lax.top_k(neg_dist, k)
    return -dist, index


def _dtm_using_knn(knn_dist, knn_index, weight, weight_bound, r=2, k_cap=None):
    wb = weight_bound[..., None]  # [B, 1, 1]
    # gather weight along last dim with knn_index (gather on expanded weight)
    knn_weight = jax.vmap(lambda w, idx: w[idx])(weight, knn_index)  # [B, N, k]
    cum_knn_weight = jnp.cumsum(knn_weight, axis=-1)
    # searchsorted(left): count of elements strictly less than bound
    k_index = jnp.sum(cum_knn_weight < wb, axis=-1, keepdims=True)  # [B, N, 1]
    if k_cap is not None:
        # k_index <= k_cap always holds by construction; clipping is a no-op
        # that keeps the adaptive-bound value in the computation graph.
        k_index = jnp.minimum(k_index, k_cap[:, None, None])
    if r == 2:
        r_dist = jnp.square(knn_dist)
        cum_dist = jnp.cumsum(r_dist * knn_weight, axis=-1)
        vals = cum_dist + r_dist * (wb - cum_knn_weight)
        dtm_val = jnp.take_along_axis(vals, k_index, axis=-1)
        dtm_val = jnp.sqrt(dtm_val / wb)
    elif r == 1:
        r_dist = knn_dist
        cum_dist = jnp.cumsum(r_dist * knn_weight, axis=-1)
        vals = cum_dist + r_dist * (wb - cum_knn_weight)
        dtm_val = jnp.take_along_axis(vals, k_index, axis=-1)
        dtm_val = dtm_val / wb
    else:
        r_dist = jnp.power(knn_dist, r)
        cum_dist = jnp.cumsum(r_dist * knn_weight, axis=-1)
        vals = cum_dist + r_dist * (wb - cum_knn_weight)
        dtm_val = jnp.take_along_axis(vals, k_index, axis=-1)
        dtm_val = jnp.power(dtm_val / wb, 1.0 / r)
    return jnp.squeeze(dtm_val, -1)


def reference(input, weight):
    grid = _grid()
    weight_bound = M0 * jnp.sum(weight, axis=-1, keepdims=True)  # [B, 1]
    # adaptive max_k (no-grad in torch): searchsorted on sorted-cumsum
    sorted_weight = jnp.sort(weight, axis=-1)
    swc = jnp.cumsum(sorted_weight, axis=-1)
    index = jnp.sum(swc < weight_bound, axis=-1)
    max_k = grid.shape[0]
    knn_dist, knn_index = _knn(input, grid, max_k)
    return _dtm_using_knn(knn_dist, knn_index, weight, weight_bound, R, k_cap=index + 1)

if __name__ == "__main__":
    import jax
    _d = setup_inputs()
    print(jax.jit(kernel)(*tuple(_d.values())))

</pallas_src>

<mosaic_0001>
#map = affine_map<(d0, d1) -> (0, 0)>
#map1 = affine_map<(d0, d1) -> (0)>
module attributes {stable_mosaic.version = 14 : i64} {
  func.func @sc_kernel(%arg0: i32, %arg1: i32, %arg2: memref<8x1600xf32, #tpu.memory_space<hbm>>, %arg3: memref<8x1600xf32, #tpu.memory_space<hbm>>, %arg4: memref<8x1600xf32, #tpu.memory_space<hbm>>, %arg5: memref<1600xf32, #tpu.memory_space<hbm>>, %arg6: memref<1600xf32, #tpu.memory_space<hbm>>, %arg7: memref<32x96xf32, #tpu.memory_space<hbm>>, %arg8: memref<1600xf32, #tpu.memory_space<vmem>>, %arg9: memref<1600xf32, #tpu.memory_space<vmem>>, %arg10: memref<1600xf32, #tpu.memory_space<vmem>>, %arg11: memref<25600xi32, #tpu.memory_space<vmem>>, %arg12: memref<96xf32, #tpu.memory_space<vmem>>, %arg13: memref<96xf32, #tpu.memory_space<vmem>>, %arg14: memref<96xf32, #tpu.memory_space<vmem>>) attributes {dimension_semantics = [#tpu.dimension_semantics<core_parallel>, #tpu.dimension_semantics<subcore_parallel>], iteration_bounds = array<i64: 2, 16>, scalar_prefetch = 0 : i64, scratch_operands = 7 : i64, tpu.core_type = #tpu.core_type<sc_vector_subcore>, window_params = [{transform_indices = #map}, {transform_indices = #map}, {transform_indices = #map}, {transform_indices = #map1}, {transform_indices = #map1}, {transform_indices = #map}]} {
    %mul3A = arith.constant 2 : i32
    %mul3A_0 = arith.muli %arg1, %mul3A : i32
    %add3A = arith.addi %mul3A_0, %arg0 : i32
    %jit3A = arith.constant 4 : i32
    %div3A = arith.divsi %add3A, %jit3A : i32
    %sign3A = arith.constant 0 : i32
    %sign3A_1 = arith.cmpi sgt, %add3A, %sign3A : i32
    %sign3A_2 = arith.extui %sign3A_1 : i1 to i32
    %sign3A_3 = arith.constant 0 : i32
    %sign3A_4 = arith.cmpi slt, %add3A, %sign3A_3 : i32
    %sign3A_5 = arith.extui %sign3A_4 : i1 to i32
    %sign3A_6 = arith.subi %sign3A_2, %sign3A_5 : i32
    %sign3A_7 = arith.constant 0 : i32
    %sign3A_8 = arith.cmpi sgt, %jit3A, %sign3A_7 : i32
    %sign3A_9 = arith.extui %sign3A_8 : i1 to i32
    %sign3A_10 = arith.constant 0 : i32
    %sign3A_11 = arith.cmpi slt, %jit3A, %sign3A_10 : i32
    %sign3A_12 = arith.extui %sign3A_11 : i1 to i32
    %sign3A_13 = arith.subi %sign3A_9, %sign3A_12 : i32
    %ne3A = arith.cmpi ne, %sign3A_6, %sign3A_13 : i32
    %rem3A = arith.remsi %add3A, %jit3A : i32
    %ne3A_14 = arith.constant 0 : i32
    %ne3A_15 = arith.cmpi ne, %rem3A, %ne3A_14 : i32
    %and3A = arith.andi %ne3A, %ne3A_15 : i1
    %sub3A = arith.constant 1 : i32
    %sub3A_16 = arith.subi %div3A, %sub3A : i32
    %select_n3A = arith.select %and3A, %sub3A_16, %div3A : i32
    %jit3A_17 = arith.constant 4 : i32
    %eq3A = arith.constant 0 : i32
    %eq3A_18 = arith.cmpi eq, %jit3A_17, %eq3A : i32
    %jit3A_19 = arith.constant 1 : i32
    %select_n3A_20 = arith.select %eq3A_18, %jit3A_19, %jit3A_17 : i32
    %rem3A_21 = arith.remsi %add3A, %select_n3A_20 : i32
    %ne3A_22 = arith.constant 0 : i32
    %ne3A_23 = arith.cmpi ne, %rem3A_21, %ne3A_22 : i32
    %lt3A = arith.constant 0 : i32
    %lt3A_24 = arith.cmpi slt, %rem3A_21, %lt3A : i32
    %lt3A_25 = arith.constant 0 : i32
    %lt3A_26 = arith.cmpi slt, %select_n3A_20, %lt3A_25 : i32
    %ne3A_27 = arith.xori %lt3A_24, %lt3A_26 : i1
    %and3A_28 = arith.andi %ne3A_27, %ne3A_23 : i1
    %add3A_29 = arith.addi %rem3A_21, %select_n3A_20 : i32
    %select_n3A_30 = arith.select %and3A_28, %add3A_29, %rem3A_21 : i32
    %mul3A_31 = arith.constant 96 : i32
    %mul3A_32 = arith.muli %select_n3A_30, %mul3A_31 : i32
    %add3A_33 = arith.constant 1216 : i32
    %add3A_34 = arith.addi %add3A_33, %mul3A_32 : i32
    "tpu.region"() ({
      %run_scoped3A = tpu.sem_alloc : memref<!tpu.dma_semaphore, #tpu.memory_space<semaphore_mem>>
      %dma_start3A = arith.constant 0 : i32
      %dma_start3A_470 = tpu.memref_slice %arg2[%select_n3A, %dma_start3A] : memref<8x1600xf32, #tpu.memory_space<hbm>> -> memref<1x1600xf32, #tpu.memory_space<hbm>>
      %dma_start3A_471 = tpu.memref_squeeze %dma_start3A_470 : memref<1x1600xf32, #tpu.memory_space<hbm>> -> memref<1600xf32, #tpu.memory_space<hbm>>
      %dma_start3A_472 = arith.constant 0 : i32
      %dma_start3A_473 = tpu.memref_slice %arg2[%select_n3A, %dma_start3A_472] : memref<8x1600xf32, #tpu.memory_space<hbm>> -> memref<1x1600xf32, #tpu.memory_space<hbm>>
      %dma_start3A_474 = tpu.memref_squeeze %dma_start3A_473 : memref<1x1600xf32, #tpu.memory_space<hbm>> -> memref<1600xf32, #tpu.memory_space<hbm>>
      tpu.enqueue_dma source(%dma_start3A_474 : memref<1600xf32, #tpu.memory_space<hbm>>) target(%arg8 : memref<1600xf32, #tpu.memory_space<vmem>>) target_semaphore(%run_scoped3A : memref<!tpu.dma_semaphore, #tpu.memory_space<semaphore_mem>>)
      %dma_wait3A = arith.constant 0 : i32
      %dma_wait3A_475 = tpu.memref_slice %arg2[%select_n3A, %dma_wait3A] : memref<8x1600xf32, #tpu.memory_space<hbm>> -> memref<1x1600xf32, #tpu.memory_space<hbm>>
      %dma_wait3A_476 = tpu.memref_squeeze %dma_wait3A_475 : memref<1x1600xf32, #tpu.memory_space<hbm>> -> memref<1600xf32, #tpu.memory_space<hbm>>
      %dma_wait3A_477 = arith.constant 0 : i32
      %dma_wait3A_478 = tpu.memref_slice %arg2[%select_n3A, %dma_wait3A_477] : memref<8x1600xf32, #tpu.memory_space<hbm>> -> memref<1x1600xf32, #tpu.memory_space<hbm>>
      %dma_wait3A_479 = tpu.memref_squeeze %dma_wait3A_478 : memref<1x1600xf32, #tpu.memory_space<hbm>> -> memref<1600xf32, #tpu.memory_space<hbm>>
      tpu.wait_dma2 semaphore(%run_scoped3A : memref<!tpu.dma_semaphore, #tpu.memory_space<semaphore_mem>>) src(%dma_wait3A_479 : memref<1600xf32, #tpu.memory_space<hbm>>) dst(%arg8 : memref<1600xf32, #tpu.memory_space<vmem>>)
      tpu.yield
    }) : () -> ()
    "tpu.region"() ({
      %run_scoped3A = tpu.sem_alloc : memref<!tpu.dma_semaphore, #tpu.memory_space<semaphore_mem>>
      %dma_start3A = arith.constant 0 : i32
      %dma_start3A_470 = tpu.memref_slice %arg3[%select_n3A, %dma_start3A] : memref<8x1600xf32, #tpu.memory_space<hbm>> -> memref<1x1600xf32, #tpu.memory_space<hbm>>
      %dma_start3A_471 = tpu.memref_squeeze %dma_start3A_470 : memref<1x1600xf32, #tpu.memory_space<hbm>> -> memref<1600xf32, #tpu.memory_space<hbm>>
      %dma_start3A_472 = arith.constant 0 : i32
      %dma_start3A_473 = tpu.memref_slice %arg3[%select_n3A, %dma_start3A_472] : memref<8x1600xf32, #tpu.memory_space<hbm>> -> memref<1x1600xf32, #tpu.memory_space<hbm>>
      %dma_start3A_474 = tpu.memref_squeeze %dma_start3A_473 : memref<1x1600xf32, #tpu.memory_space<hbm>> -> memref<1600xf32, #tpu.memory_space<hbm>>
      tpu.enqueue_dma source(%dma_start3A_474 : memref<1600xf32, #tpu.memory_space<hbm>>) target(%arg9 : memref<1600xf32, #tpu.memory_space<vmem>>) target_semaphore(%run_scoped3A : memref<!tpu.dma_semaphore, #tpu.memory_space<semaphore_mem>>)
      %dma_wait3A = arith.constant 0 : i32
      %dma_wait3A_475 = tpu.memref_slice %arg3[%select_n3A, %dma_wait3A] : memref<8x1600xf32, #tpu.memory_space<hbm>> -> memref<1x1600xf32, #tpu.memory_space<hbm>>
      %dma_wait3A_476 = tpu.memref_squeeze %dma_wait3A_475 : memref<1x1600xf32, #tpu.memory_space<hbm>> -> memref<1600xf32, #tpu.memory_space<hbm>>
      %dma_wait3A_477 = arith.constant 0 : i32
      %dma_wait3A_478 = tpu.memref_slice %arg3[%select_n3A, %dma_wait3A_477] : memref<8x1600xf32, #tpu.memory_space<hbm>> -> memref<1x1600xf32, #tpu.memory_space<hbm>>
      %dma_wait3A_479 = tpu.memref_squeeze %dma_wait3A_478 : memref<1x1600xf32, #tpu.memory_space<hbm>> -> memref<1600xf32, #tpu.memory_space<hbm>>
      tpu.wait_dma2 semaphore(%run_scoped3A : memref<!tpu.dma_semaphore, #tpu.memory_space<semaphore_mem>>) src(%dma_wait3A_479 : memref<1600xf32, #tpu.memory_space<hbm>>) dst(%arg9 : memref<1600xf32, #tpu.memory_space<vmem>>)
      tpu.yield
    }) : () -> ()
    "tpu.region"() ({
      %run_scoped3A = tpu.sem_alloc : memref<!tpu.dma_semaphore, #tpu.memory_space<semaphore_mem>>
      %dma_start3A = arith.constant 0 : i32
      %dma_start3A_470 = tpu.memref_slice %arg4[%select_n3A, %dma_start3A] : memref<8x1600xf32, #tpu.memory_space<hbm>> -> memref<1x1600xf32, #tpu.memory_space<hbm>>
      %dma_start3A_471 = tpu.memref_squeeze %dma_start3A_470 : memref<1x1600xf32, #tpu.memory_space<hbm>> -> memref<1600xf32, #tpu.memory_space<hbm>>
      %dma_start3A_472 = arith.constant 0 : i32
      %dma_start3A_473 = tpu.memref_slice %arg4[%select_n3A, %dma_start3A_472] : memref<8x1600xf32, #tpu.memory_space<hbm>> -> memref<1x1600xf32, #tpu.memory_space<hbm>>
      %dma_start3A_474 = tpu.memref_squeeze %dma_start3A_473 : memref<1x1600xf32, #tpu.memory_space<hbm>> -> memref<1600xf32, #tpu.memory_space<hbm>>
      tpu.enqueue_dma source(%dma_start3A_474 : memref<1600xf32, #tpu.memory_space<hbm>>) target(%arg10 : memref<1600xf32, #tpu.memory_space<vmem>>) target_semaphore(%run_scoped3A : memref<!tpu.dma_semaphore, #tpu.memory_space<semaphore_mem>>)
      %dma_wait3A = arith.constant 0 : i32
      %dma_wait3A_475 = tpu.memref_slice %arg4[%select_n3A, %dma_wait3A] : memref<8x1600xf32, #tpu.memory_space<hbm>> -> memref<1x1600xf32, #tpu.memory_space<hbm>>
      %dma_wait3A_476 = tpu.memref_squeeze %dma_wait3A_475 : memref<1x1600xf32, #tpu.memory_space<hbm>> -> memref<1600xf32, #tpu.memory_space<hbm>>
      %dma_wait3A_477 = arith.constant 0 : i32
      %dma_wait3A_478 = tpu.memref_slice %arg4[%select_n3A, %dma_wait3A_477] : memref<8x1600xf32, #tpu.memory_space<hbm>> -> memref<1x1600xf32, #tpu.memory_space<hbm>>
      %dma_wait3A_479 = tpu.memref_squeeze %dma_wait3A_478 : memref<1x1600xf32, #tpu.memory_space<hbm>> -> memref<1600xf32, #tpu.memory_space<hbm>>
      tpu.wait_dma2 semaphore(%run_scoped3A : memref<!tpu.dma_semaphore, #tpu.memory_space<semaphore_mem>>) src(%dma_wait3A_479 : memref<1600xf32, #tpu.memory_space<hbm>>) dst(%arg10 : memref<1600xf32, #tpu.memory_space<vmem>>)
      tpu.yield
    }) : () -> ()
    "tpu.region"() ({
      %run_scoped3A = tpu.sem_alloc : memref<!tpu.dma_semaphore, #tpu.memory_space<semaphore_mem>>
      %dma_start3A = tpu.memref_slice %arg5[%add3A_34] : memref<1600xf32, #tpu.memory_space<hbm>> -> memref<96xf32, #tpu.memory_space<hbm>>
      %dma_start3A_470 = tpu.memref_slice %arg5[%add3A_34] : memref<1600xf32, #tpu.memory_space<hbm>> -> memref<96xf32, #tpu.memory_space<hbm>>
      tpu.enqueue_dma source(%dma_start3A_470 : memref<96xf32, #tpu.memory_space<hbm>>) target(%arg12 : memref<96xf32, #tpu.memory_space<vmem>>) target_semaphore(%run_scoped3A : memref<!tpu.dma_semaphore, #tpu.memory_space<semaphore_mem>>)
      %dma_wait3A = tpu.memref_slice %arg5[%add3A_34] : memref<1600xf32, #tpu.memory_space<hbm>> -> memref<96xf32, #tpu.memory_space<hbm>>
      %dma_wait3A_471 = tpu.memref_slice %arg5[%add3A_34] : memref<1600xf32, #tpu.memory_space<hbm>> -> memref<96xf32, #tpu.memory_space<hbm>>
      tpu.wait_dma2 semaphore(%run_scoped3A : memref<!tpu.dma_semaphore, #tpu.memory_space<semaphore_mem>>) src(%dma_wait3A_471 : memref<96xf32, #tpu.memory_space<hbm>>) dst(%arg12 : memref<96xf32, #tpu.memory_space<vmem>>)
      tpu.yield
    }) : () -> ()
    "tpu.region"() ({
      %run_scoped3A = tpu.sem_alloc : memref<!tpu.dma_semaphore, #tpu.memory_space<semaphore_mem>>
      %dma_start3A = tpu.memref_slice %arg6[%add3A_34] : memref<1600xf32, #tpu.memory_space<hbm>> -> memref<96xf32, #tpu.memory_space<hbm>>
      %dma_start3A_470 = tpu.memref_slice %arg6[%add3A_34] : memref<1600xf32, #tpu.memory_space<hbm>> -> memref<96xf32, #tpu.memory_space<hbm>>
      tpu.enqueue_dma source(%dma_start3A_470 : memref<96xf32, #tpu.memory_space<hbm>>) target(%arg13 : memref<96xf32, #tpu.memory_space<vmem>>) target_semaphore(%run_scoped3A : memref<!tpu.dma_semaphore, #tpu.memory_space<semaphore_mem>>)
      %dma_wait3A = tpu.memref_slice %arg6[%add3A_34] : memref<1600xf32, #tpu.memory_space<hbm>> -> memref<96xf32, #tpu.memory_space<hbm>>
      %dma_wait3A_471 = tpu.memref_slice %arg6[%add3A_34] : memref<1600xf32, #tpu.memory_space<hbm>> -> memref<96xf32, #tpu.memory_space<hbm>>
      tpu.wait_dma2 semaphore(%run_scoped3A : memref<!tpu.dma_semaphore, #tpu.memory_space<semaphore_mem>>) src(%dma_wait3A_471 : memref<96xf32, #tpu.memory_space<hbm>>) dst(%arg13 : memref<96xf32, #tpu.memory_space<vmem>>)
      tpu.yield
    }) : () -> ()
    %broadcast_in_dim3A = arith.constant 0.000000e+00 : f32
    %broadcast_in_dim3A_35 = vector.broadcast %broadcast_in_dim3A : f32 to vector<16xf32>
    %get3A = arith.constant 0 : index
    %get3A_36 = tpu.vector_load %arg10[%get3A] {strides = array<i32>} : memref<1600xf32, #tpu.memory_space<vmem>>, vector<16xf32>,
    %get3A_37 = vector.shape_cast %get3A_36 : vector<16xf32> to vector<16xf32>
    %add3A_38 = arith.addf %broadcast_in_dim3A_35, %get3A_37 : vector<16xf32>
    %get3A_39 = arith.constant 16 : index
    %get3A_40 = tpu.vector_load %arg10[%get3A_39] {strides = array<i32>} : memref<1600xf32, #tpu.memory_space<vmem>>, vector<16xf32>,
    %get3A_41 = vector.shape_cast %get3A_40 : vector<16xf32> to vector<16xf32>
    %add3A_42 = arith.addf %add3A_38, %get3A_41 : vector<16xf32>
    %get3A_43 = arith.constant 32 : index
    %get3A_44 = tpu.vector_load %arg10[%get3A_43] {strides = array<i32>} : memref<1600xf32, #tpu.memory_space<vmem>>, vector<16xf32>,
    %get3A_45 = vector.shape_cast %get3A_44 : vector<16xf32> to vector<16xf32>
    %add3A_46 = arith.addf %add3A_42, %get3A_45 : vector<16xf32>
    %get3A_47 = arith.constant 48 : index
    %get3A_48 = tpu.vector_load %arg10[%get3A_47] {strides = array<i32>} : memref<1600xf32, #tpu.memory_space<vmem>>, vector<16xf32>,
    %get3A_49 = vector.shape_cast %get3A_48 : vector<16xf32> to vector<16xf32>
    %add3A_50 = arith.addf %add3A_46, %get3A_49 : vector<16xf32>
    %get3A_51 = arith.constant 64 : index
    %get3A_52 = tpu.vector_load %arg10[%get3A_51] {strides = array<i32>} : memref<1600xf32, #tpu.memory_space<vmem>>, vector<16xf32>,
    %get3A_53 = vector.shape_cast %get3A_52 : vector<16xf32> to vector<16xf32>
    %add3A_54 = arith.addf %add3A_50, %get3A_53 : vector<16xf32>
    %get3A_55 = arith.constant 80 : index
    %get3A_56 = tpu.vector_load %arg10[%get3A_55] {strides = array<i32>} : memref<1600xf32, #tpu.memory_space<vmem>>, vector<16xf32>,
    %get3A_57 = vector.shape_cast %get3A_56 : vector<16xf32> to vector<16xf32>
    %add3A_58 = arith.addf %add3A_54, %get3A_57 : vector<16xf32>
    %get3A_59 = arith.constant 96 : index
    %get3A_60 = tpu.vector_load %arg10[%get3A_59] {strides = array<i32>} : memref<1600xf32, #tpu.memory_space<vmem>>, vector<16xf32>,
    %get3A_61 = vector.shape_cast %get3A_60 : vector<16xf32> to vector<16xf32>
    %add3A_62 = arith.addf %add3A_58, %get3A_61 : vector<16xf32>
    %get3A_63 = arith.constant 112 : index
    %get3A_64 = tpu.vector_load %arg10[%get3A_63] {strides = array<i32>} : memref<1600xf32, #tpu.memory_space<vmem>>, vector<16xf32>,
    %get3A_65 = vector.shape_cast %get3A_64 : vector<16xf32> to vector<16xf32>
    %add3A_66 = arith.addf %add3A_62, %get3A_65 : vector<16xf32>
    %get3A_67 = arith.constant 128 : index
    %get3A_68 = tpu.vector_load %arg10[%get3A_67] {strides = array<i32>} : memref<1600xf32, #tpu.memory_space<vmem>>, vector<16xf32>,
    %get3A_69 = vector.shape_cast %get3A_68 : vector<16xf32> to vector<16xf32>
    %add3A_70 = arith.addf %add3A_66, %get3A_69 : vector<16xf32>
    %get3A_71 = arith.constant 144 : index
    %get3A_72 = tpu.vector_load %arg10[%get3A_71] {strides = array<i32>} : memref<1600xf32, #tpu.memory_space<vmem>>, vector<16xf32>,
    %get3A_73 = vector.shape_cast %get3A_72 : vector<16xf32> to vector<16xf32>
    %add3A_74 = arith.addf %add3A_70, %get3A_73 : vector<16xf32>
    %get3A_75 = arith.constant 160 : index
    %get3A_76 = tpu.vector_load %arg10[%get3A_75] {strides = array<i32>} : memref<1600xf32, #tpu.memory_space<vmem>>, vector<16xf32>,
    %get3A_77 = vector.shape_cast %get3A_76 : vector<16xf32> to vector<16xf32>
    %add3A_78 = arith.addf %add3A_74, %get3A_77 : vector<16xf32>
    %get3A_79 = arith.constant 176 : index
    %get3A_80 = tpu.vector_load %arg10[%get3A_79] {strides = array<i32>} : memref<1600xf32, #tpu.memory_space<vmem>>, vector<16xf32>,
    %get3A_81 = vector.shape_cast %get3A_80 : vector<16xf32> to vector<16xf32>
    %add3A_82 = arith.addf %add3A_78, %get3A_81 : vector<16xf32>
    %get3A_83 = arith.constant 192 : index
    %get3A_84 = tpu.vector_load %arg10[%get3A_83] {strides = array<i32>} : memref<1600xf32, #tpu.memory_space<vmem>>, vector<16xf32>,
    %get3A_85 = vector.shape_cast %get3A_84 : vector<16xf32> to vector<16xf32>
    %add3A_86 = arith.addf %add3A_82, %get3A_85 : vector<16xf32>
    %get3A_87 = arith.constant 208 : index
    %get3A_88 = tpu.vector_load %arg10[%get3A_87] {strides = array<i32>} : memref<1600xf32, #tpu.memory_space<vmem>>, vector<16xf32>,
    %get3A_89 = vector.shape_cast %get3A_88 : vector<16xf32> to vector<16xf32>
    %add3A_90 = arith.addf %add3A_86, %get3A_89 : vector<16xf32>
    %get3A_91 = arith.constant 224 : index
    %get3A_92 = tpu.vector_load %arg10[%get3A_91] {strides = array<i32>} : memref<1600xf32, #tpu.memory_space<vmem>>, vector<16xf32>,
    %get3A_93 = vector.shape_cast %get3A_92 : vector<16xf32> to vector<16xf32>
    %add3A_94 = arith.addf %add3A_90, %get3A_93 : vector<16xf32>
    %get3A_95 = arith.constant 240 : index
    %get3A_96 = tpu.vector_load %arg10[%get3A_95] {strides = array<i32>} : memref<1600xf32, #tpu.memory_space<vmem>>, vector<16xf32>,
    %get3A_97 = vector.shape_cast %get3A_96 : vector<16xf32> to vector<16xf32>
    %add3A_98 = arith.addf %add3A_94, %get3A_97 : vector<16xf32>
    %get3A_99 = arith.constant 256 : index
    %get3A_100 = tpu.vector_load %arg10[%get3A_99] {strides = array<i32>} : memref<1600xf32, #tpu.memory_space<vmem>>, vector<16xf32>,
    %get3A_101 = vector.shape_cast %get3A_100 : vector<16xf32> to vector<16xf32>
    %add3A_102 = arith.addf %add3A_98, %get3A_101 : vector<16xf32>
    %get3A_103 = arith.constant 272 : index
    %get3A_104 = tpu.vector_load %arg10[%get3A_103] {strides = array<i32>} : memref<1600xf32, #tpu.memory_space<vmem>>, vector<16xf32>,
    %get3A_105 = vector.shape_cast %get3A_104 : vector<16xf32> to vector<16xf32>
    %add3A_106 = arith.addf %add3A_102, %get3A_105 : vector<16xf32>
    %get3A_107 = arith.constant 288 : index
    %get3A_108 = tpu.vector_load %arg10[%get3A_107] {strides = array<i32>} : memref<1600xf32, #tpu.memory_space<vmem>>, vector<16xf32>,
    %get3A_109 = vector.shape_cast %get3A_108 : vector<16xf32> to vector<16xf32>
    %add3A_110 = arith.addf %add3A_106, %get3A_109 : vector<16xf32>
    %get3A_111 = arith.constant 304 : index
    %get3A_112 = tpu.vector_load %arg10[%get3A_111] {strides = array<i32>} : memref<1600xf32, #tpu.memory_space<vmem>>, vector<16xf32>,
    %get3A_113 = vector.shape_cast %get3A_112 : vector<16xf32> to vector<16xf32>
    %add3A_114 = arith.addf %add3A_110, %get3A_113 : vector<16xf32>
    %get3A_115 = arith.constant 320 : index
    %get3A_116 = tpu.vector_load %arg10[%get3A_115] {strides = array<i32>} : memref<1600xf32, #tpu.memory_space<vmem>>, vector<16xf32>,
    %get3A_117 = vector.shape_cast %get3A_116 : vector<16xf32> to vector<16xf32>
    %add3A_118 = arith.addf %add3A_114, %get3A_117 : vector<16xf32>
    %get3A_119 = arith.constant 336 : index
    %get3A_120 = tpu.vector_load %arg10[%get3A_119] {strides = array<i32>} : memref<1600xf32, #tpu.memory_space<vmem>>, vector<16xf32>,
    %get3A_121 = vector.shape_cast %get3A_120 : vector<16xf32> to vector<16xf32>
    %add3A_122 = arith.addf %add3A_118, %get3A_121 : vector<16xf32>
    %get3A_123 = arith.constant 352 : index
    %get3A_124 = tpu.vector_load %arg10[%get3A_123] {strides = array<i32>} : memref<1600xf32, #tpu.memory_space<vmem>>, vector<16xf32>,
    %get3A_125 = vector.shape_cast %get3A_124 : vector<16xf32> to vector<16xf32>
    %add3A_126 = arith.addf %add3A_122, %get3A_125 : vector<16xf32>
    %get3A_127 = arith.constant 368 : index
    %get3A_128 = tpu.vector_load %arg10[%get3A_127] {strides = array<i32>} : memref<1600xf32, #tpu.memory_space<vmem>>, vector<16xf32>,
    %get3A_129 = vector.shape_cast %get3A_128 : vector<16xf32> to vector<16xf32>
    %add3A_130 = arith.addf %add3A_126, %get3A_129 : vector<16xf32>
    %get3A_131 = arith.constant 384 : index
    %get3A_132 = tpu.vector_load %arg10[%get3A_131] {strides = array<i32>} : memref<1600xf32, #tpu.memory_space<vmem>>, vector<16xf32>,
    %get3A_133 = vector.shape_cast %get3A_132 : vector<16xf32> to vector<16xf32>
    %add3A_134 = arith.addf %add3A_130, %get3A_133 : vector<16xf32>
    %get3A_135 = arith.constant 400 : index
    %get3A_136 = tpu.vector_load %arg10[%get3A_135] {strides = array<i32>} : memref<1600xf32, #tpu.memory_space<vmem>>, vector<16xf32>,
    %get3A_137 = vector.shape_cast %get3A_136 : vector<16xf32> to vector<16xf32>
    %add3A_138 = arith.addf %add3A_134, %get3A_137 : vector<16xf32>
    %get3A_139 = arith.constant 416 : index
    %get3A_140 = tpu.vector_load %arg10[%get3A_139] {strides = array<i32>} : memref<1600xf32, #tpu.memory_space<vmem>>, vector<16xf32>,
    %get3A_141 = vector.shape_cast %get3A_140 : vector<16xf32> to vector<16xf32>
    %add3A_142 = arith.addf %add3A_138, %get3A_141 : vector<16xf32>
    %get3A_143 = arith.constant 432 : index
    %get3A_144 = tpu.vector_load %arg10[%get3A_143] {strides = array<i32>} : memref<1600xf32, #tpu.memory_space<vmem>>, vector<16xf32>,
    %get3A_145 = vector.shape_cast %get3A_144 : vector<16xf32> to vector<16xf32>
    %add3A_146 = arith.addf %add3A_142, %get3A_145 : vector<16xf32>
    %get3A_147 = arith.constant 448 : index
    %get3A_148 = tpu.vector_load %arg10[%get3A_147] {strides = array<i32>} : memref<1600xf32, #tpu.memory_space<vmem>>, vector<16xf32>,
    %get3A_149 = vector.shape_cast %get3A_148 : vector<16xf32> to vector<16xf32>
    %add3A_150 = arith.addf %add3A_146, %get3A_149 : vector<16xf32>
    %get3A_151 = arith.constant 464 : index
    %get3A_152 = tpu.vector_load %arg10[%get3A_151] {strides = array<i32>} : memref<1600xf32, #tpu.memory_space<vmem>>, vector<16xf32>,
    %get3A_153 = vector.shape_cast %get3A_152 : vector<16xf32> to vector<16xf32>
    %add3A_154 = arith.addf %add3A_150, %get3A_153 : vector<16xf32>
    %get3A_155 = arith.constant 480 : index
    %get3A_156 = tpu.vector_load %arg10[%get3A_155] {strides = array<i32>} : memref<1600xf32, #tpu.memory_space<vmem>>, vector<16xf32>,
    %get3A_157 = vector.shape_cast %get3A_156 : vector<16xf32> to vector<16xf32>
    %add3A_158 = arith.addf %add3A_154, %get3A_157 : vector<16xf32>
    %get3A_159 = arith.constant 496 : index
    %get3A_160 = tpu.vector_load %arg10[%get3A_159] {strides = array<i32>} : memref<1600xf32, #tpu.memory_space<vmem>>, vector<16xf32>,
    %get3A_161 = vector.shape_cast %get3A_160 : vector<16xf32> to vector<16xf32>
    %add3A_162 = arith.addf %add3A_158, %get3A_161 : vector<16xf32>
    %get3A_163 = arith.constant 512 : index
    %get3A_164 = tpu.vector_load %arg10[%get3A_163] {strides = array<i32>} : memref<1600xf32, #tpu.memory_space<vmem>>, vector<16xf32>,
    %get3A_165 = vector.shape_cast %get3A_164 : vector<16xf32> to vector<16xf32>
    %add3A_166 = arith.addf %add3A_162, %get3A_165 : vector<16xf32>
    %get3A_167 = arith.constant 528 : index
    %get3A_168 = tpu.vector_load %arg10[%get3A_167] {strides = array<i32>} : memref<1600xf32, #tpu.memory_space<vmem>>, vector<16xf32>,
    %get3A_169 = vector.shape_cast %get3A_168 : vector<16xf32> to vector<16xf32>
    %add3A_170 = arith.addf %add3A_166, %get3A_169 : vector<16xf32>
    %get3A_171 = arith.constant 544 : index
    %get3A_172 = tpu.vector_load %arg10[%get3A_171] {strides = array<i32>} : memref<1600xf32, #tpu.memory_space<vmem>>, vector<16xf32>,
    %get3A_173 = vector.shape_cast %get3A_172 : vector<16xf32> to vector<16xf32>
    %add3A_174 = arith.addf %add3A_170, %get3A_173 : vector<16xf32>
    %get3A_175 = arith.constant 560 : index
    %get3A_176 = tpu.vector_load %arg10[%get3A_175] {strides = array<i32>} : memref<1600xf32, #tpu.memory_space<vmem>>, vector<16xf32>,
    %get3A_177 = vector.shape_cast %get3A_176 : vector<16xf32> to vector<16xf32>
    %add3A_178 = arith.addf %add3A_174, %get3A_177 : vector<16xf32>
    %get3A_179 = arith.constant 576 : index
    %get3A_180 = tpu.vector_load %arg10[%get3A_179] {strides = array<i32>} : memref<1600xf32, #tpu.memory_space<vmem>>, vector<16xf32>,
    %get3A_181 = vector.shape_cast %get3A_180 : vector<16xf32> to vector<16xf32>
    %add3A_182 = arith.addf %add3A_178, %get3A_181 : vector<16xf32>
    %get3A_183 = arith.constant 592 : index
    %get3A_184 = tpu.vector_load %arg10[%get3A_183] {strides = array<i32>} : memref<1600xf32, #tpu.memory_space<vmem>>, vector<16xf32>,
    %get3A_185 = vector.shape_cast %get3A_184 : vector<16xf32> to vector<16xf32>
    %add3A_186 = arith.addf %add3A_182, %get3A_185 : vector<16xf32>
    %get3A_187 = arith.constant 608 : index
    %get3A_188 = tpu.vector_load %arg10[%get3A_187] {strides = array<i32>} : memref<1600xf32, #tpu.memory_space<vmem>>, vector<16xf32>,
    %get3A_189 = vector.shape_cast %get3A_188 : vector<16xf32> to vector<16xf32>
    %add3A_190 = arith.addf %add3A_186, %get3A_189 : vector<16xf32>
    %get3A_191 = arith.constant 624 : index
    %get3A_192 = tpu.vector_load %arg10[%get3A_191] {strides = array<i32>} : memref<1600xf32, #tpu.memory_space<vmem>>, vector<16xf32>,
    %get3A_193 = vector.shape_cast %get3A_192 : vector<16xf32> to vector<16xf32>
    %add3A_194 = arith.addf %add3A_190, %get3A_193 : vector<16xf32>
    %get3A_195 = arith.constant 640 : index
    %get3A_196 = tpu.vector_load %arg10[%get3A_195] {strides = array<i32>} : memref<1600xf32, #tpu.memory_space<vmem>>, vector<16xf32>,
    %get3A_197 = vector.shape_cast %get3A_196 : vector<16xf32> to vector<16xf32>
    %add3A_198 = arith.addf %add3A_194, %get3A_197 : vector<16xf32>
    %get3A_199 = arith.constant 656 : index
    %get3A_200 = tpu.vector_load %arg10[%get3A_199] {strides = array<i32>} : memref<1600xf32, #tpu.memory_space<vmem>>, vector<16xf32>,
    %get3A_201 = vector.shape_cast %get3A_200 : vector<16xf32> to vector<16xf32>
    %add3A_202 = arith.addf %add3A_198, %get3A_201 : vector<16xf32>
    %get3A_203 = arith.constant 672 : index
    %get3A_204 = tpu.vector_load %arg10[%get3A_203] {strides = array<i32>} : memref<1600xf32, #tpu.memory_space<vmem>>, vector<16xf32>,
    %get3A_205 = vector.shape_cast %get3A_204 : vector<16xf32> to vector<16xf32>
    %add3A_206 = arith.addf %add3A_202, %get3A_205 : vector<16xf32>
    %get3A_207 = arith.constant 688 : index
    %get3A_208 = tpu.vector_load %arg10[%get3A_207] {strides = array<i32>} : memref<1600xf32, #tpu.memory_space<vmem>>, vector<16xf32>,
    %get3A_209 = vector.shape_cast %get3A_208 : vector<16xf32> to vector<16xf32>
    %add3A_210 = arith.addf %add3A_206, %get3A_209 : vector<16xf32>
    %get3A_211 = arith.constant 704 : index
    %get3A_212 = tpu.vector_load %arg10[%get3A_211] {strides = array<i32>} : memref<1600xf32, #tpu.memory_space<vmem>>, vector<16xf32>,
    %get3A_213 = vector.shape_cast %get3A_212 : vector<16xf32> to vector<16xf32>
    %add3A_214 = arith.addf %add3A_210, %get3A_213 : vector<16xf32>
    %get3A_215 = arith.constant 720 : index
    %get3A_216 = tpu.vector_load %arg10[%get3A_215] {strides = array<i32>} : memref<1600xf32, #tpu.memory_space<vmem>>, vector<16xf32>,
    %get3A_217 = vector.shape_cast %get3A_216 : vector<16xf32> to vector<16xf32>
    %add3A_218 = arith.addf %add3A_214, %get3A_217 : vector<16xf32>
    %get3A_219 = arith.constant 736 : index
    %get3A_220 = tpu.vector_load %arg10[%get3A_219] {strides = array<i32>} : memref<1600xf32, #tpu.memory_space<vmem>>, vector<16xf32>,
    %get3A_221 = vector.shape_cast %get3A_220 : vector<16xf32> to vector<16xf32>
    %add3A_222 = arith.addf %add3A_218, %get3A_221 : vector<16xf32>
    %get3A_223 = arith.constant 752 : index
    %get3A_224 = tpu.vector_load %arg10[%get3A_223] {strides = array<i32>} : memref<1600xf32, #tpu.memory_space<vmem>>, vector<16xf32>,
    %get3A_225 = vector.shape_cast %get3A_224 : vector<16xf32> to vector<16xf32>
    %add3A_226 = arith.addf %add3A_222, %get3A_225 : vector<16xf32>
    %get3A_227 = arith.constant 768 : index
    %get3A_228 = tpu.vector_load %arg10[%get3A_227] {strides = array<i32>} : memref<1600xf32, #tpu.memory_space<vmem>>, vector<16xf32>,
    %get3A_229 = vector.shape_cast %get3A_228 : vector<16xf32> to vector<16xf32>
    %add3A_230 = arith.addf %add3A_226, %get3A_229 : vector<16xf32>
    %get3A_231 = arith.constant 784 : index
    %get3A_232 = tpu.vector_load %arg10[%get3A_231] {strides = array<i32>} : memref<1600xf32, #tpu.memory_space<vmem>>, vector<16xf32>,
    %get3A_233 = vector.shape_cast %get3A_232 : vector<16xf32> to vector<16xf32>
    %add3A_234 = arith.addf %add3A_230, %get3A_233 : vector<16xf32>
    %get3A_235 = arith.constant 800 : index
    %get3A_236 = tpu.vector_load %arg10[%get3A_235] {strides = array<i32>} : memref<1600xf32, #tpu.memory_space<vmem>>, vector<16xf32>,
    %get3A_237 = vector.shape_cast %get3A_236 : vector<16xf32> to vector<16xf32>
    %add3A_238 = arith.addf %add3A_234, %get3A_237 : vector<16xf32>
    %get3A_239 = arith.constant 816 : index
    %get3A_240 = tpu.vector_load %arg10[%get3A_239] {strides = array<i32>} : memref<1600xf32, #tpu.memory_space<vmem>>, vector<16xf32>,
    %get3A_241 = vector.shape_cast %get3A_240 : vector<16xf32> to vector<16xf32>
    %add3A_242 = arith.addf %add3A_238, %get3A_241 : vector<16xf32>
    %get3A_243 = arith.constant 832 : index
    %get3A_244 = tpu.vector_load %arg10[%get3A_243] {strides = array<i32>} : memref<1600xf32, #tpu.memory_space<vmem>>, vector<16xf32>,
    %get3A_245 = vector.shape_cast %get3A_244 : vector<16xf32> to vector<16xf32>
    %add3A_246 = arith.addf %add3A_242, %get3A_245 : vector<16xf32>
    %get3A_247 = arith.constant 848 : index
    %get3A_248 = tpu.vector_load %arg10[%get3A_247] {strides = array<i32>} : memref<1600xf32, #tpu.memory_space<vmem>>, vector<16xf32>,
    %get3A_249 = vector.shape_cast %get3A_248 : vector<16xf32> to vector<16xf32>
    %add3A_250 = arith.addf %add3A_246, %get3A_249 : vector<16xf32>
    %get3A_251 = arith.constant 864 : index
    %get3A_252 = tpu.vector_load %arg10[%get3A_251] {strides = array<i32>} : memref<1600xf32, #tpu.memory_space<vmem>>, vector<16xf32>,
    %get3A_253 = vector.shape_cast %get3A_252 : vector<16xf32> to vector<16xf32>
    %add3A_254 = arith.addf %add3A_250, %get3A_253 : vector<16xf32>
    %get3A_255 = arith.constant 880 : index
    %get3A_256 = tpu.vector_load %arg10[%get3A_255] {strides = array<i32>} : memref<1600xf32, #tpu.memory_space<vmem>>, vector<16xf32>,
    %get3A_257 = vector.shape_cast %get3A_256 : vector<16xf32> to vector<16xf32>
    %add3A_258 = arith.addf %add3A_254, %get3A_257 : vector<16xf32>
    %get3A_259 = arith.constant 896 : index
    %get3A_260 = tpu.vector_load %arg10[%get3A_259] {strides = array<i32>} : memref<1600xf32, #tpu.memory_space<vmem>>, vector<16xf32>,
    %get3A_261 = vector.shape_cast %get3A_260 : vector<16xf32> to vector<16xf32>
    %add3A_262 = arith.addf %add3A_258, %get3A_261 : vector<16xf32>
    %get3A_263 = arith.constant 912 : index
    %get3A_264 = tpu.vector_load %arg10[%get3A_263] {strides = array<i32>} : memref<1600xf32, #tpu.memory_space<vmem>>, vector<16xf32>,
    %get3A_265 = vector.shape_cast %get3A_264 : vector<16xf32> to vector<16xf32>
    %add3A_266 = arith.addf %add3A_262, %get3A_265 : vector<16xf32>
    %get3A_267 = arith.constant 928 : index
    %get3A_268 = tpu.vector_load %arg10[%get3A_267] {strides = array<i32>} : memref<1600xf32, #tpu.memory_space<vmem>>, vector<16xf32>,
    %get3A_269 = vector.shape_cast %get3A_268 : vector<16xf32> to vector<16xf32>
    %add3A_270 = arith.addf %add3A_266, %get3A_269 : vector<16xf32>
    %get3A_271 = arith.constant 944 : index
    %get3A_272 = tpu.vector_load %arg10[%get3A_271] {strides = array<i32>} : memref<1600xf32, #tpu.memory_space<vmem>>, vector<16xf32>,
    %get3A_273 = vector.shape_cast %get3A_272 : vector<16xf32> to vector<16xf32>
    %add3A_274 = arith.addf %add3A_270, %get3A_273 : vector<16xf32>
    %get3A_275 = arith.constant 960 : index
    %get3A_276 = tpu.vector_load %arg10[%get3A_275] {strides = array<i32>} : memref<1600xf32, #tpu.memory_space<vmem>>, vector<16xf32>,
    %get3A_277 = vector.shape_cast %get3A_276 : vector<16xf32> to vector<16xf32>
    %add3A_278 = arith.addf %add3A_274, %get3A_277 : vector<16xf32>
    %get3A_279 = arith.constant 976 : index
    %get3A_280 = tpu.vector_load %arg10[%get3A_279] {strides = array<i32>} : memref<1600xf32, #tpu.memory_space<vmem>>, vector<16xf32>,
    %get3A_281 = vector.shape_cast %get3A_280 : vector<16xf32> to vector<16xf32>
    %add3A_282 = arith.addf %add3A_278, %get3A_281 : vector<16xf32>
    %get3A_283 = arith.constant 992 : index
    %get3A_284 = tpu.vector_load %arg10[%get3A_283] {strides = array<i32>} : memref<1600xf32, #tpu.memory_space<vmem>>, vector<16xf32>,
    %get3A_285 = vector.shape_cast %get3A_284 : vector<16xf32> to vector<16xf32>
    %add3A_286 = arith.addf %add3A_282, %get3A_285 : vector<16xf32>
    %get3A_287 = arith.constant 1008 : index
    %get3A_288 = tpu.vector_load %arg10[%get3A_287] {strides = array<i32>} : memref<1600xf32, #tpu.memory_space<vmem>>, vector<16xf32>,
    %get3A_289 = vector.shape_cast %get3A_288 : vector<16xf32> to vector<16xf32>
    %add3A_290 = arith.addf %add3A_286, %get3A_289 : vector<16xf32>
    %get3A_291 = arith.constant 1024 : index
    %get3A_292 = tpu.vector_load %arg10[%get3A_291] {strides = array<i32>} : memref<1600xf32, #tpu.memory_space<vmem>>, vector<16xf32>,
    %get3A_293 = vector.shape_cast %get3A_292 : vector<16xf32> to vector<16xf32>
    %add3A_294 = arith.addf %add3A_290, %get3A_293 : vector<16xf32>
    %get3A_295 = arith.constant 1040 : index
    %get3A_296 = tpu.vector_load %arg10[%get3A_295] {strides = array<i32>} : memref<1600xf32, #tpu.memory_space<vmem>>, vector<16xf32>,
    %get3A_297 = vector.shape_cast %get3A_296 : vector<16xf32> to vector<16xf32>
    %add3A_298 = arith.addf %add3A_294, %get3A_297 : vector<16xf32>
    %get3A_299 = arith.constant 1056 : index
    %get3A_300 = tpu.vector_load %arg10[%get3A_299] {strides = array<i32>} : memref<1600xf32, #tpu.memory_space<vmem>>, vector<16xf32>,
    %get3A_301 = vector.shape_cast %get3A_300 : vector<16xf32> to vector<16xf32>
    %add3A_302 = arith.addf %add3A_298, %get3A_301 : vector<16xf32>
    %get3A_303 = arith.constant 1072 : index
    %get3A_304 = tpu.vector_load %arg10[%get3A_303] {strides = array<i32>} : memref<1600xf32, #tpu.memory_space<vmem>>, vector<16xf32>,
    %get3A_305 = vector.shape_cast %get3A_304 : vector<16xf32> to vector<16xf32>
    %add3A_306 = arith.addf %add3A_302, %get3A_305 : vector<16xf32>
    %get3A_307 = arith.constant 1088 : index
    %get3A_308 = tpu.vector_load %arg10[%get3A_307] {strides = array<i32>} : memref<1600xf32, #tpu.memory_space<vmem>>, vector<16xf32>,
    %get3A_309 = vector.shape_cast %get3A_308 : vector<16xf32> to vector<16xf32>
    %add3A_310 = arith.addf %add3A_306, %get3A_309 : vector<16xf32>
    %get3A_311 = arith.constant 1104 : index
    %get3A_312 = tpu.vector_load %arg10[%get3A_311] {strides = array<i32>} : memref<1600xf32, #tpu.memory_space<vmem>>, vector<16xf32>,
    %get3A_313 = vector.shape_cast %get3A_312 : vector<16xf32> to vector<16xf32>
    %add3A_314 = arith.addf %add3A_310, %get3A_313 : vector<16xf32>
    %get3A_315 = arith.constant 1120 : index
    %get3A_316 = tpu.vector_load %arg10[%get3A_315] {strides = array<i32>} : memref<1600xf32, #tpu.memory_space<vmem>>, vector<16xf32>,
    %get3A_317 = vector.shape_cast %get3A_316 : vector<16xf32> to vector<16xf32>
    %add3A_318 = arith.addf %add3A_314, %get3A_317 : vector<16xf32>
    %get3A_319 = arith.constant 1136 : index
    %get3A_320 = tpu.vector_load %arg10[%get3A_319] {strides = array<i32>} : memref<1600xf32, #tpu.memory_space<vmem>>, vector<16xf32>,
    %get3A_321 = vector.shape_cast %get3A_320 : vector<16xf32> to vector<16xf32>
    %add3A_322 = arith.addf %add3A_318, %get3A_321 : vector<16xf32>
    %get3A_323 = arith.constant 1152 : index
    %get3A_324 = tpu.vector_load %arg10[%get3A_323] {strides = array<i32>} : memref<1600xf32, #tpu.memory_space<vmem>>, vector<16xf32>,
    %get3A_325 = vector.shape_cast %get3A_324 : vector<16xf32> to vector<16xf32>
    %add3A_326 = arith.addf %add3A_322, %get3A_325 : vector<16xf32>
    %get3A_327 = arith.constant 1168 : index
    %get3A_328 = tpu.vector_load %arg10[%get3A_327] {strides = array<i32>} : memref<1600xf32, #tpu.memory_space<vmem>>, vector<16xf32>,
    %get3A_329 = vector.shape_cast %get3A_328 : vector<16xf32> to vector<16xf32>
    %add3A_330 = arith.addf %add3A_326, %get3A_329 : vector<16xf32>
    %get3A_331 = arith.constant 1184 : index
    %get3A_332 = tpu.vector_load %arg10[%get3A_331] {strides = array<i32>} : memref<1600xf32, #tpu.memory_space<vmem>>, vector<16xf32>,
    %get3A_333 = vector.shape_cast %get3A_332 : vector<16xf32> to vector<16xf32>
    %add3A_334 = arith.addf %add3A_330, %get3A_333 : vector<16xf32>
    %get3A_335 = arith.constant 1200 : index
    %get3A_336 = tpu.vector_load %arg10[%get3A_335] {strides = array<i32>} : memref<1600xf32, #tpu.memory_space<vmem>>, vector<16xf32>,
    %get3A_337 = vector.shape_cast %get3A_336 : vector<16xf32> to vector<16xf32>
    %add3A_338 = arith.addf %add3A_334, %get3A_337 : vector<16xf32>
    %get3A_339 = arith.constant 1216 : index
    %get3A_340 = tpu.vector_load %arg10[%get3A_339] {strides = array<i32>} : memref<1600xf32, #tpu.memory_space<vmem>>, vector<16xf32>,
    %get3A_341 = vector.shape_cast %get3A_340 : vector<16xf32> to vector<16xf32>
    %add3A_342 = arith.addf %add3A_338, %get3A_341 : vector<16xf32>
    %get3A_343 = arith.constant 1232 : index
    %get3A_344 = tpu.vector_load %arg10[%get3A_343] {strides = array<i32>} : memref<1600xf32, #tpu.memory_space<vmem>>, vector<16xf32>,
    %get3A_345 = vector.shape_cast %get3A_344 : vector<16xf32> to vector<16xf32>
    %add3A_346 = arith.addf %add3A_342, %get3A_345 : vector<16xf32>
    %get3A_347 = arith.constant 1248 : index
    %get3A_348 = tpu.vector_load %arg10[%get3A_347] {strides = array<i32>} : memref<1600xf32, #tpu.memory_space<vmem>>, vector<16xf32>,
    %get3A_349 = vector.shape_cast %get3A_348 : vector<16xf32> to vector<16xf32>
    %add3A_350 = arith.addf %add3A_346, %get3A_349 : vector<16xf32>
    %get3A_351 = arith.constant 1264 : index
    %get3A_352 = tpu.vector_load %arg10[%get3A_351] {strides = array<i32>} : memref<1600xf32, #tpu.memory_space<vmem>>, vector<16xf32>,
    %get3A_353 = vector.shape_cast %get3A_352 : vector<16xf32> to vector<16xf32>
    %add3A_354 = arith.addf %add3A_350, %get3A_353 : vector<16xf32>
    %get3A_355 = arith.constant 1280 : index
    %get3A_356 = tpu.vector_load %arg10[%get3A_355] {strides = array<i32>} : memref<1600xf32, #tpu.memory_space<vmem>>, vector<16xf32>,
    %get3A_357 = vector.shape_cast %get3A_356 : vector<16xf32> to vector<16xf32>
    %add3A_358 = arith.addf %add3A_354, %get3A_357 : vector<16xf32>
    %get3A_359 = arith.constant 1296 : index
    %get3A_360 = tpu.vector_load %arg10[%get3A_359] {strides = array<i32>} : memref<1600xf32, #tpu.memory_space<vmem>>, vector<16xf32>,
    %get3A_361 = vector.shape_cast %get3A_360 : vector<16xf32> to vector<16xf32>
    %add3A_362 = arith.addf %add3A_358, %get3A_361 : vector<16xf32>
    %get3A_363 = arith.constant 1312 : index
    %get3A_364 = tpu.vector_load %arg10[%get3A_363] {strides = array<i32>} : memref<1600xf32, #tpu.memory_space<vmem>>, vector<16xf32>,
    %get3A_365 = vector.shape_cast %get3A_364 : vector<16xf32> to vector<16xf32>
    %add3A_366 = arith.addf %add3A_362, %get3A_365 : vector<16xf32>
    %get3A_367 = arith.constant 1328 : index
    %get3A_368 = tpu.vector_load %arg10[%get3A_367] {strides = array<i32>} : memref<1600xf32, #tpu.memory_space<vmem>>, vector<16xf32>,
    %get3A_369 = vector.shape_cast %get3A_368 : vector<16xf32> to vector<16xf32>
    %add3A_370 = arith.addf %add3A_366, %get3A_369 : vector<16xf32>
    %get3A_371 = arith.constant 1344 : index
    %get3A_372 = tpu.vector_load %arg10[%get3A_371] {strides = array<i32>} : memref<1600xf32, #tpu.memory_space<vmem>>, vector<16xf32>,
    %get3A_373 = vector.shape_cast %get3A_372 : vector<16xf32> to vector<16xf32>
    %add3A_374 = arith.addf %add3A_370, %get3A_373 : vector<16xf32>
    %get3A_375 = arith.constant 1360 : index
    %get3A_376 = tpu.vector_load %arg10[%get3A_375] {strides = array<i32>} : memref<1600xf32, #tpu.memory_space<vmem>>, vector<16xf32>,
    %get3A_377 = vector.shape_cast %get3A_376 : vector<16xf32> to vector<16xf32>
    %add3A_378 = arith.addf %add3A_374, %get3A_377 : vector<16xf32>
    %get3A_379 = arith.constant 1376 : index
    %get3A_380 = tpu.vector_load %arg10[%get3A_379] {strides = array<i32>} : memref<1600xf32, #tpu.memory_space<vmem>>, vector<16xf32>,
    %get3A_381 = vector.shape_cast %get3A_380 : vector<16xf32> to vector<16xf32>
    %add3A_382 = arith.addf %add3A_378, %get3A_381 : vector<16xf32>
    %get3A_383 = arith.constant 1392 : index
    %get3A_384 = tpu.vector_load %arg10[%get3A_383] {strides = array<i32>} : memref<1600xf32, #tpu.memory_space<vmem>>, vector<16xf32>,
    %get3A_385 = vector.shape_cast %get3A_384 : vector<16xf32> to vector<16xf32>
    %add3A_386 = arith.addf %add3A_382, %get3A_385 : vector<16xf32>
    %get3A_387 = arith.constant 1408 : index
    %get3A_388 = tpu.vector_load %arg10[%get3A_387] {strides = array<i32>} : memref<1600xf32, #tpu.memory_space<vmem>>, vector<16xf32>,
    %get3A_389 = vector.shape_cast %get3A_388 : vector<16xf32> to vector<16xf32>
    %add3A_390 = arith.addf %add3A_386, %get3A_389 : vector<16xf32>
    %get3A_391 = arith.constant 1424 : index
    %get3A_392 = tpu.vector_load %arg10[%get3A_391] {strides = array<i32>} : memref<1600xf32, #tpu.memory_space<vmem>>, vector<16xf32>,
    %get3A_393 = vector.shape_cast %get3A_392 : vector<16xf32> to vector<16xf32>
    %add3A_394 = arith.addf %add3A_390, %get3A_393 : vector<16xf32>
    %get3A_395 = arith.constant 1440 : index
    %get3A_396 = tpu.vector_load %arg10[%get3A_395] {strides = array<i32>} : memref<1600xf32, #tpu.memory_space<vmem>>, vector<16xf32>,
    %get3A_397 = vector.shape_cast %get3A_396 : vector<16xf32> to vector<16xf32>
    %add3A_398 = arith.addf %add3A_394, %get3A_397 : vector<16xf32>
    %get3A_399 = arith.constant 1456 : index
    %get3A_400 = tpu.vector_load %arg10[%get3A_399] {strides = array<i32>} : memref<1600xf32, #tpu.memory_space<vmem>>, vector<16xf32>,
    %get3A_401 = vector.shape_cast %get3A_400 : vector<16xf32> to vector<16xf32>
    %add3A_402 = arith.addf %add3A_398, %get3A_401 : vector<16xf32>
    %get3A_403 = arith.constant 1472 : index
    %get3A_404 = tpu.vector_load %arg10[%get3A_403] {strides = array<i32>} : memref<1600xf32, #tpu.memory_space<vmem>>, vector<16xf32>,
    %get3A_405 = vector.shape_cast %get3A_404 : vector<16xf32> to vector<16xf32>
    %add3A_406 = arith.addf %add3A_402, %get3A_405 : vector<16xf32>
    %get3A_407 = arith.constant 1488 : index
    %get3A_408 = tpu.vector_load %arg10[%get3A_407] {strides = array<i32>} : memref<1600xf32, #tpu.memory_space<vmem>>, vector<16xf32>,
    %get3A_409 = vector.shape_cast %get3A_408 : vector<16xf32> to vector<16xf32>
    %add3A_410 = arith.addf %add3A_406, %get3A_409 : vector<16xf32>
    %get3A_411 = arith.constant 1504 : index
    %get3A_412 = tpu.vector_load %arg10[%get3A_411] {strides = array<i32>} : memref<1600xf32, #tpu.memory_space<vmem>>, vector<16xf32>,
    %get3A_413 = vector.shape_cast %get3A_412 : vector<16xf32> to vector<16xf32>
    %add3A_414 = arith.addf %add3A_410, %get3A_413 : vector<16xf32>
    %get3A_415 = arith.constant 1520 : index
    %get3A_416 = tpu.vector_load %arg10[%get3A_415] {strides = array<i32>} : memref<1600xf32, #tpu.memory_space<vmem>>, vector<16xf32>,
    %get3A_417 = vector.shape_cast %get3A_416 : vector<16xf32> to vector<16xf32>
    %add3A_418 = arith.addf %add3A_414, %get3A_417 : vector<16xf32>
    %get3A_419 = arith.constant 1536 : index
    %get3A_420 = tpu.vector_load %arg10[%get3A_419] {strides = array<i32>} : memref<1600xf32, #tpu.memory_space<vmem>>, vector<16xf32>,
    %get3A_421 = vector.shape_cast %get3A_420 : vector<16xf32> to vector<16xf32>
    %add3A_422 = arith.addf %add3A_418, %get3A_421 : vector<16xf32>
    %get3A_423 = arith.constant 1552 : index
    %get3A_424 = tpu.vector_load %arg10[%get3A_423] {strides = array<i32>} : memref<1600xf32, #tpu.memory_space<vmem>>, vector<16xf32>,
    %get3A_425 = vector.shape_cast %get3A_424 : vector<16xf32> to vector<16xf32>
    %add3A_426 = arith.addf %add3A_422, %get3A_425 : vector<16xf32>
    %get3A_427 = arith.constant 1568 : index
    %get3A_428 = tpu.vector_load %arg10[%get3A_427] {strides = array<i32>} : memref<1600xf32, #tpu.memory_space<vmem>>, vector<16xf32>,
    %get3A_429 = vector.shape_cast %get3A_428 : vector<16xf32> to vector<16xf32>
    %add3A_430 = arith.addf %add3A_426, %get3A_429 : vector<16xf32>
    %get3A_431 = arith.constant 1584 : index
    %get3A_432 = tpu.vector_load %arg10[%get3A_431] {strides = array<i32>} : memref<1600xf32, #tpu.memory_space<vmem>>, vector<16xf32>,
    %get3A_433 = vector.shape_cast %get3A_432 : vector<16xf32> to vector<16xf32>
    %add3A_434 = arith.addf %add3A_430, %get3A_433 : vector<16xf32>
    %iota3A = tpu.iota {dimensions = array<i32: 0>} : vector<16xi32>
    %xor3A = arith.constant 8 : i32
    %xor3A_435 = vector.broadcast %xor3A : i32 to vector<16xi32>
    %xor3A_436 = arith.xori %iota3A, %xor3A_435 : vector<16xi32>
    %broadcast_in_dim3A_437 = vector.shape_cast %xor3A_436 : vector<16xi32> to vector<16x1xi32>
    %gather3A = vector.shape_cast %broadcast_in_dim3A_437 : vector<16x1xi32> to vector<16xi32>
    %gather3A_438 = tpu.dynamic_gather %add3A_434[%gather3A] in [0] : vector<16xf32>, vector<16xi32> -> vector<16xf32>
    %add3A_439 = arith.addf %add3A_434, %gather3A_438 : vector<16xf32>
    %xor3A_440 = arith.constant 4 : i32
    %xor3A_441 = vector.broadcast %xor3A_440 : i32 to vector<16xi32>
    %xor3A_442 = arith.xori %iota3A, %xor3A_441 : vector<16xi32>
    %broadcast_in_dim3A_443 = vector.shape_cast %xor3A_442 : vector<16xi32> to vector<16x1xi32>
    %gather3A_444 = vector.shape_cast %broadcast_in_dim3A_443 : vector<16x1xi32> to vector<16xi32>
    %gather3A_445 = tpu.dynamic_gather %add3A_439[%gather3A_444] in [0] : vector<16xf32>, vector<16xi32> -> vector<16xf32>
    %add3A_446 = arith.addf %add3A_439, %gather3A_445 : vector<16xf32>
    %xor3A_447 = arith.constant 2 : i32
    %xor3A_448 = vector.broadcast %xor3A_447 : i32 to vector<16xi32>
    %xor3A_449 = arith.xori %iota3A, %xor3A_448 : vector<16xi32>
    %broadcast_in_dim3A_450 = vector.shape_cast %xor3A_449 : vector<16xi32> to vector<16x1xi32>
    %gather3A_451 = vector.shape_cast %broadcast_in_dim3A_450 : vector<16x1xi32> to vector<16xi32>
    %gather3A_452 = tpu.dynamic_gather %add3A_446[%gather3A_451] in [0] : vector<16xf32>, vector<16xi32> -> vector<16xf32>
    %add3A_453 = arith.addf %add3A_446, %gather3A_452 : vector<16xf32>
    %xor3A_454 = arith.constant 1 : i32
    %xor3A_455 = vector.broadcast %xor3A_454 : i32 to vector<16xi32>
    %xor3A_456 = arith.xori %iota3A, %xor3A_455 : vector<16xi32>
    %broadcast_in_dim3A_457 = vector.shape_cast %xor3A_456 : vector<16xi32> to vector<16x1xi32>
    %gather3A_458 = vector.shape_cast %broadcast_in_dim3A_457 : vector<16x1xi32> to vector<16xi32>
    %gather3A_459 = tpu.dynamic_gather %add3A_453[%gather3A_458] in [0] : vector<16xf32>, vector<16xi32> -> vector<16xf32>
    %add3A_460 = arith.addf %add3A_453, %gather3A_459 : vector<16xf32>
    %mul3A_461 = arith.constant 3.000000e-01 : f32
    %mul3A_462 = vector.broadcast %mul3A_461 : f32 to vector<16xf32>
    %mul3A_463 = arith.mulf %mul3A_462, %add3A_460 : vector<16xf32>
    %scan3A = arith.constant 0 : i32
    %scan3A_464 = arith.constant 0 : i32
    %scan3A_465 = arith.constant 6 : i32
    %scan3A_466 = arith.addi %scan3A_464, %scan3A_465 : i32
    %scan3A_467 = arith.constant 1 : i32
    %scan3A_468 = scf.for %scan3A_470 = %scan3A_464 to %scan3A_466 step %scan3A_467 iter_args(%scan3A_471 = %scan3A) -> (i32)  : i32 {
      %mul3A_472 = arith.constant 16 : i32
      %mul3A_473 = arith.muli %scan3A_470, %mul3A_472 : i32
      %multiple_of3A = tpu.assume_multiple %mul3A_473, 16 : i32
      %get3A_474 = arith.index_cast %multiple_of3A : i32 to index
      %get3A_475 = tpu.vector_load %arg12[%get3A_474] {strides = array<i32>} : memref<96xf32, #tpu.memory_space<vmem>>, vector<16xf32>,
      %get3A_476 = vector.shape_cast %get3A_475 : vector<16xf32> to vector<16xf32>
      %get3A_477 = arith.index_cast %multiple_of3A : i32 to index
      %get3A_478 = tpu.vector_load %arg13[%get3A_477] {strides = array<i32>} : memref<96xf32, #tpu.memory_space<vmem>>, vector<16xf32>,
      %get3A_479 = vector.shape_cast %get3A_478 : vector<16xf32> to vector<16xf32>
      %broadcast_in_dim3A_480 = arith.constant 3.400000e+38 : f32
      %broadcast_in_dim3A_481 = vector.broadcast %broadcast_in_dim3A_480 : f32 to vector<16xf32>
      %broadcast_in_dim3A_482 = arith.constant 0.000000e+00 : f32
      %broadcast_in_dim3A_483 = vector.broadcast %broadcast_in_dim3A_482 : f32 to vector<16xf32>
      %scan3A_484 = arith.constant 0 : i32
      %scan3A_485 = arith.constant 50 : i32
      %scan3A_486 = arith.addi %scan3A_484, %scan3A_485 : i32
      %scan3A_487 = arith.constant 1 : i32
      %scan3A_488:2 = scf.for %scan3A_549 = %scan3A_484 to %scan3A_486 step %scan3A_487 iter_args(%scan3A_550 = %broadcast_in_dim3A_481, %scan3A_551 = %broadcast_in_dim3A_483) -> (vector<16xf32>, vector<16xf32>)  : i32 {
        %mul3A_552 = arith.constant 32 : i32
        %mul3A_553 = arith.muli %scan3A_549, %mul3A_552 : i32
        %multiple_of3A_554 = tpu.assume_multiple %mul3A_553, 32 : i32
        %mul3A_555 = arith.constant 512 : i32
        %mul3A_556 = arith.muli %scan3A_549, %mul3A_555 : i32
        %multiple_of3A_557 = tpu.assume_multiple %mul3A_556, 512 : i32
        %add3A_558 = arith.constant 0 : i32
        %add3A_559 = arith.addi %multiple_of3A_554, %add3A_558 : i32
        %get3A_560 = arith.index_cast %add3A_559 : i32 to index
        %get3A_561 = tpu.vector_load %arg8[%get3A_560] {strides = array<i32>} : memref<1600xf32, #tpu.memory_space<vmem>>, vector<16xf32>,
        %get3A_562 = vector.shape_cast %get3A_561 : vector<16xf32> to vector<16xf32>
        %add3A_563 = arith.constant 16 : i32
        %add3A_564 = arith.addi %multiple_of3A_554, %add3A_563 : i32
        %get3A_565 = arith.index_cast %add3A_564 : i32 to index
        %get3A_566 = tpu.vector_load %arg8[%get3A_565] {strides = array<i32>} : memref<1600xf32, #tpu.memory_space<vmem>>, vector<16xf32>,
        %get3A_567 = vector.shape_cast %get3A_566 : vector<16xf32> to vector<16xf32>
        %add3A_568 = arith.constant 0 : i32
        %add3A_569 = arith.addi %multiple_of3A_554, %add3A_568 : i32
        %get3A_570 = arith.index_cast %add3A_569 : i32 to index
        %get3A_571 = tpu.vector_load %arg9[%get3A_570] {strides = array<i32>} : memref<1600xf32, #tpu.memory_space<vmem>>, vector<16xf32>,
        %get3A_572 = vector.shape_cast %get3A_571 : vector<16xf32> to vector<16xf32>
        %add3A_573 = arith.constant 16 : i32
        %add3A_574 = arith.addi %multiple_of3A_554, %add3A_573 : i32
        %get3A_575 = arith.index_cast %add3A_574 : i32 to index
        %get3A_576 = tpu.vector_load %arg9[%get3A_575] {strides = array<i32>} : memref<1600xf32, #tpu.memory_space<vmem>>, vector<16xf32>,
        %get3A_577 = vector.shape_cast %get3A_576 : vector<16xf32> to vector<16xf32>
        %broadcast_in_dim3A_578 = arith.constant 0 : i32
        %broadcast_in_dim3A_579 = vector.broadcast %broadcast_in_dim3A_578 : i32 to vector<16x1xi32>
        %gather3A_580 = vector.shape_cast %broadcast_in_dim3A_579 : vector<16x1xi32> to vector<16xi32>
        %gather3A_581 = tpu.dynamic_gather %get3A_562[%gather3A_580] in [0] : vector<16xf32>, vector<16xi32> -> vector<16xf32>
        %broadcast_in_dim3A_582 = arith.constant 0 : i32
        %broadcast_in_dim3A_583 = vector.broadcast %broadcast_in_dim3A_582 : i32 to vector<16x1xi32>
        %gather3A_584 = vector.shape_cast %broadcast_in_dim3A_583 : vector<16x1xi32> to vector<16xi32>
        %gather3A_585 = tpu.dynamic_gather %get3A_572[%gather3A_584] in [0] : vector<16xf32>, vector<16xi32> -> vector<16xf32>
        %sub3A_586 = arith.subf %get3A_476, %gather3A_581 : vector<16xf32>
        %sub3A_587 = arith.subf %get3A_479, %gather3A_585 : vector<16xf32>
        %mul3A_588 = arith.mulf %sub3A_586, %sub3A_586 : vector<16xf32>
        %mul3A_589 = arith.mulf %sub3A_587, %sub3A_587 : vector<16xf32>
        %add3A_590 = arith.addf %mul3A_588, %mul3A_589 : vector<16xf32>
        %min3A = arith.minimumf %scan3A_550, %add3A_590 : vector<16xf32>
        %max3A_591 = arith.maximumf %scan3A_551, %add3A_590 : vector<16xf32>
        %bitcast_convert_type3A_592 = tpu.bitcast %add3A_590 : vector<16xf32> -> vector<16xi32>
        %add3A_593 = arith.constant 0 : i32
        %add3A_594 = arith.addi %multiple_of3A_557, %add3A_593 : i32
        %swap3A_595 = arith.index_cast %add3A_594 : i32 to index
        %swap3A_596 = tpu.vector_load %arg11[%swap3A_595] {strides = array<i32>} : memref<25600xi32, #tpu.memory_space<vmem>>, vector<16xi32>,
        %swap3A_597 = vector.shape_cast %swap3A_596 : vector<16xi32> to vector<16xi32>
        %swap3A_598 = vector.shape_cast %bitcast_convert_type3A_592 : vector<16xi32> to vector<16xi32>
        tpu.vector_store %arg11[%swap3A_595], %swap3A_598 {strides = array<i32>} : memref<25600xi32, #tpu.memory_space<vmem>>, vector<16xi32>,
        %broadcast_in_dim3A_599 = arith.constant 1 : i32
        %broadcast_in_dim3A_600 = vector.broadcast %broadcast_in_dim3A_599 : i32 to vector<16x1xi32>
        %gather3A_601 = vector.shape_cast %broadcast_in_dim3A_600 : vector<16x1xi32> to vector<16xi32>
        %gather3A_602 = tpu.dynamic_gather %get3A_562[%gather3A_601] in [0] : vector<16xf32>, vector<16xi32> -> vector<16xf32>
        %broadcast_in_dim3A_603 = arith.constant 1 : i32
        %broadcast_in_dim3A_604 = vector.broadcast %broadcast_in_dim3A_603 : i32 to vector<16x1xi32>
        %gather3A_605 = vector.shape_cast %broadcast_in_dim3A_604 : vector<16x1xi32> to vector<16xi32>
        %gather3A_606 = tpu.dynamic_gather %get3A_572[%gather3A_605] in [0] : vector<16xf32>, vector<16xi32> -> vector<16xf32>
        %sub3A_607 = arith.subf %get3A_476, %gather3A_602 : vector<16xf32>
        %sub3A_608 = arith.subf %get3A_479, %gather3A_606 : vector<16xf32>
        %mul3A_609 = arith.mulf %sub3A_607, %sub3A_607 : vector<16xf32>
        %mul3A_610 = arith.mulf %sub3A_608, %sub3A_608 : vector<16xf32>
        %add3A_611 = arith.addf %mul3A_609, %mul3A_610 : vector<16xf32>
        %min3A_612 = arith.minimumf %min3A, %add3A_611 : vector<16xf32>
        %max3A_613 = arith.maximumf %max3A_591, %add3A_611 : vector<16xf32>
        %bitcast_convert_type3A_614 = tpu.bitcast %add3A_611 : vector<16xf32> -> vector<16xi32>
        %add3A_615 = arith.constant 16 : i32
        %add3A_616 = arith.addi %multiple_of3A_557, %add3A_615 : i32
        %swap3A_617 = arith.index_cast %add3A_616 : i32 to index
        %swap3A_618 = tpu.vector_load %arg11[%swap3A_617] {strides = array<i32>} : memref<25600xi32, #tpu.memory_space<vmem>>, vector<16xi32>,
        %swap3A_619 = vector.shape_cast %swap3A_618 : vector<16xi32> to vector<16xi32>
        %swap3A_620 = vector.shape_cast %bitcast_convert_type3A_614 : vector<16xi32> to vector<16xi32>
        tpu.vector_store %arg11[%swap3A_617], %swap3A_620 {strides = array<i32>} : memref<25600xi32, #tpu.memory_space<vmem>>, vector<16xi32>,
        %broadcast_in_dim3A_621 = arith.constant 2 : i32
        %broadcast_in_dim3A_622 = vector.broadcast %broadcast_in_dim3A_621 : i32 to vector<16x1xi32>
        %gather3A_623 = vector.shape_cast %broadcast_in_dim3A_622 : vector<16x1xi32> to vector<16xi32>
        %gather3A_624 = tpu.dynamic_gather %get3A_562[%gather3A_623] in [0] : vector<16xf32>, vector<16xi32> -> vector<16xf32>
        %broadcast_in_dim3A_625 = arith.constant 2 : i32
        %broadcast_in_dim3A_626 = vector.broadcast %broadcast_in_dim3A_625 : i32 to vector<16x1xi32>
        %gather3A_627 = vector.shape_cast %broadcast_in_dim3A_626 : vector<16x1xi32> to vector<16xi32>
        %gather3A_628 = tpu.dynamic_gather %get3A_572[%gather3A_627] in [0] : vector<16xf32>, vector<16xi32> -> vector<16xf32>
        %sub3A_629 = arith.subf %get3A_476, %gather3A_624 : vector<16xf32>
        %sub3A_630 = arith.subf %get3A_479, %gather3A_628 : vector<16xf32>
        %mul3A_631 = arith.mulf %sub3A_629, %sub3A_629 : vector<16xf32>
        %mul3A_632 = arith.mulf %sub3A_630, %sub3A_630 : vector<16xf32>
        %add3A_633 = arith.addf %mul3A_631, %mul3A_632 : vector<16xf32>
        %min3A_634 = arith.minimumf %min3A_612, %add3A_633 : vector<16xf32>
        %max3A_635 = arith.maximumf %max3A_613, %add3A_633 : vector<16xf32>
        %bitcast_convert_type3A_636 = tpu.bitcast %add3A_633 : vector<16xf32> -> vector<16xi32>
        %add3A_637 = arith.constant 32 : i32
        %add3A_638 = arith.addi %multiple_of3A_557, %add3A_637 : i32
        %swap3A_639 = arith.index_cast %add3A_638 : i32 to index
        %swap3A_640 = tpu.vector_load %arg11[%swap3A_639] {strides = array<i32>} : memref<25600xi32, #tpu.memory_space<vmem>>, vector<16xi32>,
        %swap3A_641 = vector.shape_cast %swap3A_640 : vector<16xi32> to vector<16xi32>
        %swap3A_642 = vector.shape_cast %bitcast_convert_type3A_636 : vector<16xi32> to vector<16xi32>
        tpu.vector_store %arg11[%swap3A_639], %swap3A_642 {strides = array<i32>} : memref<25600xi32, #tpu.memory_space<vmem>>, vector<16xi32>,
        %broadcast_in_dim3A_643 = arith.constant 3 : i32
        %broadcast_in_dim3A_644 = vector.broadcast %broadcast_in_dim3A_643 : i32 to vector<16x1xi32>
        %gather3A_645 = vector.shape_cast %broadcast_in_dim3A_644 : vector<16x1xi32> to vector<16xi32>
        %gather3A_646 = tpu.dynamic_gather %get3A_562[%gather3A_645] in [0] : vector<16xf32>, vector<16xi32> -> vector<16xf32>
        %broadcast_in_dim3A_647 = arith.constant 3 : i32
        %broadcast_in_dim3A_648 = vector.broadcast %broadcast_in_dim3A_647 : i32 to vector<16x1xi32>
        %gather3A_649 = vector.shape_cast %broadcast_in_dim3A_648 : vector<16x1xi32> to vector<16xi32>
        %gather3A_650 = tpu.dynamic_gather %get3A_572[%gather3A_649] in [0] : vector<16xf32>, vector<16xi32> -> vector<16xf32>
        %sub3A_651 = arith.subf %get3A_476, %gather3A_646 : vector<16xf32>
        %sub3A_652 = arith.subf %get3A_479, %gather3A_650 : vector<16xf32>
        %mul3A_653 = arith.mulf %sub3A_651, %sub3A_651 : vector<16xf32>
        %mul3A_654 = arith.mulf %sub3A_652, %sub3A_652 : vector<16xf32>
        %add3A_655 = arith.addf %mul3A_653, %mul3A_654 : vector<16xf32>
        %min3A_656 = arith.minimumf %min3A_634, %add3A_655 : vector<16xf32>
        %max3A_657 = arith.maximumf %max3A_635, %add3A_655 : vector<16xf32>
        %bitcast_convert_type3A_658 = tpu.bitcast %add3A_655 : vector<16xf32> -> vector<16xi32>
        %add3A_659 = arith.constant 48 : i32
        %add3A_660 = arith.addi %multiple_of3A_557, %add3A_659 : i32
        %swap3A_661 = arith.index_cast %add3A_660 : i32 to index
        %swap3A_662 = tpu.vector_load %arg11[%swap3A_661] {strides = array<i32>} : memref<25600xi32, #tpu.memory_space<vmem>>, vector<16xi32>,
        %swap3A_663 = vector.shape_cast %swap3A_662 : vector<16xi32> to vector<16xi32>
        %swap3A_664 = vector.shape_cast %bitcast_convert_type3A_658 : vector<16xi32> to vector<16xi32>
        tpu.vector_store %arg11[%swap3A_661], %swap3A_664 {strides = array<i32>} : memref<25600xi32, #tpu.memory_space<vmem>>, vector<16xi32>,
        %broadcast_in_dim3A_665 = arith.constant 4 : i32
        %broadcast_in_dim3A_666 = vector.broadcast %broadcast_in_dim3A_665 : i32 to vector<16x1xi32>
        %gather3A_667 = vector.shape_cast %broadcast_in_dim3A_666 : vector<16x1xi32> to vector<16xi32>
        %gather3A_668 = tpu.dynamic_gather %get3A_562[%gather3A_667] in [0] : vector<16xf32>, vector<16xi32> -> vector<16xf32>
        %broadcast_in_dim3A_669 = arith.constant 4 : i32
        %broadcast_in_dim3A_670 = vector.broadcast %broadcast_in_dim3A_669 : i32 to vector<16x1xi32>
        %gather3A_671 = vector.shape_cast %broadcast_in_dim3A_670 : vector<16x1xi32> to vector<16xi32>
        %gather3A_672 = tpu.dynamic_gather %get3A_572[%gather3A_671] in [0] : vector<16xf32>, vector<16xi32> -> vector<16xf32>
        %sub3A_673 = arith.subf %get3A_476, %gather3A_668 : vector<16xf32>
        %sub3A_674 = arith.subf %get3A_479, %gather3A_672 : vector<16xf32>
        %mul3A_675 = arith.mulf %sub3A_673, %sub3A_673 : vector<16xf32>
        %mul3A_676 = arith.mulf %sub3A_674, %sub3A_674 : vector<16xf32>
        %add3A_677 = arith.addf %mul3A_675, %mul3A_676 : vector<16xf32>
        %min3A_678 = arith.minimumf %min3A_656, %add3A_677 : vector<16xf32>
        %max3A_679 = arith.maximumf %max3A_657, %add3A_677 : vector<16xf32>
        %bitcast_convert_type3A_680 = tpu.bitcast %add3A_677 : vector<16xf32> -> vector<16xi32>
        %add3A_681 = arith.constant 64 : i32
        %add3A_682 = arith.addi %multiple_of3A_557, %add3A_681 : i32
        %swap3A_683 = arith.index_cast %add3A_682 : i32 to index
        %swap3A_684 = tpu.vector_load %arg11[%swap3A_683] {strides = array<i32>} : memref<25600xi32, #tpu.memory_space<vmem>>, vector<16xi32>,
        %swap3A_685 = vector.shape_cast %swap3A_684 : vector<16xi32> to vector<16xi32>
        %swap3A_686 = vector.shape_cast %bitcast_convert_type3A_680 : vector<16xi32> to vector<16xi32>
        tpu.vector_store %arg11[%swap3A_683], %swap3A_686 {strides = array<i32>} : memref<25600xi32, #tpu.memory_space<vmem>>, vector<16xi32>,
        %broadcast_in_dim3A_687 = arith.constant 5 : i32
        %broadcast_in_dim3A_688 = vector.broadcast %broadcast_in_dim3A_687 : i32 to vector<16x1xi32>
        %gather3A_689 = vector.shape_cast %broadcast_in_dim3A_688 : vector<16x1xi32> to vector<16xi32>
        %gather3A_690 = tpu.dynamic_gather %get3A_562[%gather3A_689] in [0] : vector<16xf32>, vector<16xi32> -> vector<16xf32>
        %broadcast_in_dim3A_691 = arith.constant 5 : i32
        %broadcast_in_dim3A_692 = vector.broadcast %broadcast_in_dim3A_691 : i32 to vector<16x1xi32>
        %gather3A_693 = vector.shape_cast %broadcast_in_dim3A_692 : vector<16x1xi32> to vector<16xi32>
        %gather3A_694 = tpu.dynamic_gather %get3A_572[%gather3A_693] in [0] : vector<16xf32>, vector<16xi32> -> vector<16xf32>
        %sub3A_695 = arith.subf %get3A_476, %gather3A_690 : vector<16xf32>
        %sub3A_696 = arith.subf %get3A_479, %gather3A_694 : vector<16xf32>
        %mul3A_697 = arith.mulf %sub3A_695, %sub3A_695 : vector<16xf32>
        %mul3A_698 = arith.mulf %sub3A_696, %sub3A_696 : vector<16xf32>
        %add3A_699 = arith.addf %mul3A_697, %mul3A_698 : vector<16xf32>
        %min3A_700 = arith.minimumf %min3A_678, %add3A_699 : vector<16xf32>
        %max3A_701 = arith.maximumf %max3A_679, %add3A_699 : vector<16xf32>
        %bitcast_convert_type3A_702 = tpu.bitcast %add3A_699 : vector<16xf32> -> vector<16xi32>
        %add3A_703 = arith.constant 80 : i32
        %add3A_704 = arith.addi %multiple_of3A_557, %add3A_703 : i32
        %swap3A_705 = arith.index_cast %add3A_704 : i32 to index
        %swap3A_706 = tpu.vector_load %arg11[%swap3A_705] {strides = array<i32>} : memref<25600xi32, #tpu.memory_space<vmem>>, vector<16xi32>,
        %swap3A_707 = vector.shape_cast %swap3A_706 : vector<16xi32> to vector<16xi32>
        %swap3A_708 = vector.shape_cast %bitcast_convert_type3A_702 : vector<16xi32> to vector<16xi32>
        tpu.vector_store %arg11[%swap3A_705], %swap3A_708 {strides = array<i32>} : memref<25600xi32, #tpu.memory_space<vmem>>, vector<16xi32>,
        %broadcast_in_dim3A_709 = arith.constant 6 : i32
        %broadcast_in_dim3A_710 = vector.broadcast %broadcast_in_dim3A_709 : i32 to vector<16x1xi32>
        %gather3A_711 = vector.shape_cast %broadcast_in_dim3A_710 : vector<16x1xi32> to vector<16xi32>
        %gather3A_712 = tpu.dynamic_gather %get3A_562[%gather3A_711] in [0] : vector<16xf32>, vector<16xi32> -> vector<16xf32>
        %broadcast_in_dim3A_713 = arith.constant 6 : i32
        %broadcast_in_dim3A_714 = vector.broadcast %broadcast_in_dim3A_713 : i32 to vector<16x1xi32>
        %gather3A_715 = vector.shape_cast %broadcast_in_dim3A_714 : vector<16x1xi32> to vector<16xi32>
        %gather3A_716 = tpu.dynamic_gather %get3A_572[%gather3A_715] in [0] : vector<16xf32>, vector<16xi32> -> vector<16xf32>
        %sub3A_717 = arith.subf %get3A_476, %gather3A_712 : vector<16xf32>
        %sub3A_718 = arith.subf %get3A_479, %gather3A_716 : vector<16xf32>
        %mul3A_719 = arith.mulf %sub3A_717, %sub3A_717 : vector<16xf32>
        %mul3A_720 = arith.mulf %sub3A_718, %sub3A_718 : vector<16xf32>
        %add3A_721 = arith.addf %mul3A_719, %mul3A_720 : vector<16xf32>
        %min3A_722 = arith.minimumf %min3A_700, %add3A_721 : vector<16xf32>
        %max3A_723 = arith.maximumf %max3A_701, %add3A_721 : vector<16xf32>
        %bitcast_convert_type3A_724 = tpu.bitcast %add3A_721 : vector<16xf32> -> vector<16xi32>
        %add3A_725 = arith.constant 96 : i32
        %add3A_726 = arith.addi %multiple_of3A_557, %add3A_725 : i32
        %swap3A_727 = arith.index_cast %add3A_726 : i32 to index
        %swap3A_728 = tpu.vector_load %arg11[%swap3A_727] {strides = array<i32>} : memref<25600xi32, #tpu.memory_space<vmem>>, vector<16xi32>,
        %swap3A_729 = vector.shape_cast %swap3A_728 : vector<16xi32> to vector<16xi32>
        %swap3A_730 = vector.shape_cast %bitcast_convert_type3A_724 : vector<16xi32> to vector<16xi32>
        tpu.vector_store %arg11[%swap3A_727], %swap3A_730 {strides = array<i32>} : memref<25600xi32, #tpu.memory_space<vmem>>, vector<16xi32>,
        %broadcast_in_dim3A_731 = arith.constant 7 : i32
        %broadcast_in_dim3A_732 = vector.broadcast %broadcast_in_dim3A_731 : i32 to vector<16x1xi32>
        %gather3A_733 = vector.shape_cast %broadcast_in_dim3A_732 : vector<16x1xi32> to vector<16xi32>
        %gather3A_734 = tpu.dynamic_gather %get3A_562[%gather3A_733] in [0] : vector<16xf32>, vector<16xi32> -> vector<16xf32>
        %broadcast_in_dim3A_735 = arith.constant 7 : i32
        %broadcast_in_dim3A_736 = vector.broadcast %broadcast_in_dim3A_735 : i32 to vector<16x1xi32>
        %gather3A_737 = vector.shape_cast %broadcast_in_dim3A_736 : vector<16x1xi32> to vector<16xi32>
        %gather3A_738 = tpu.dynamic_gather %get3A_572[%gather3A_737] in [0] : vector<16xf32>, vector<16xi32> -> vector<16xf32>
        %sub3A_739 = arith.subf %get3A_476, %gather3A_734 : vector<16xf32>
        %sub3A_740 = arith.subf %get3A_479, %gather3A_738 : vector<16xf32>
        %mul3A_741 = arith.mulf %sub3A_739, %sub3A_739 : vector<16xf32>
        %mul3A_742 = arith.mulf %sub3A_740, %sub3A_740 : vector<16xf32>
        %add3A_743 = arith.addf %mul3A_741, %mul3A_742 : vector<16xf32>
        %min3A_744 = arith.minimumf %min3A_722, %add3A_743 : vector<16xf32>
        %max3A_745 = arith.maximumf %max3A_723, %add3A_743 : vector<16xf32>
        %bitcast_convert_type3A_746 = tpu.bitcast %add3A_743 : vector<16xf32> -> vector<16xi32>
        %add3A_747 = arith.constant 112 : i32
        %add3A_748 = arith.addi %multiple_of3A_557, %add3A_747 : i32
        %swap3A_749 = arith.index_cast %add3A_748 : i32 to index
        %swap3A_750 = tpu.vector_load %arg11[%swap3A_749] {strides = array<i32>} : memref<25600xi32, #tpu.memory_space<vmem>>, vector<16xi32>,
        %swap3A_751 = vector.shape_cast %swap3A_750 : vector<16xi32> to vector<16xi32>
        %swap3A_752 = vector.shape_cast %bitcast_convert_type3A_746 : vector<16xi32> to vector<16xi32>
        tpu.vector_store %arg11[%swap3A_749], %swap3A_752 {strides = array<i32>} : memref<25600xi32, #tpu.memory_space<vmem>>, vector<16xi32>,
        %broadcast_in_dim3A_753 = arith.constant 8 : i32
        %broadcast_in_dim3A_754 = vector.broadcast %broadcast_in_dim3A_753 : i32 to vector<16x1xi32>
        %gather3A_755 = vector.shape_cast %broadcast_in_dim3A_754 : vector<16x1xi32> to vector<16xi32>
        %gather3A_756 = tpu.dynamic_gather %get3A_562[%gather3A_755] in [0] : vector<16xf32>, vector<16xi32> -> vector<16xf32>
        %broadcast_in_dim3A_757 = arith.constant 8 : i32
        %broadcast_in_dim3A_758 = vector.broadcast %broadcast_in_dim3A_757 : i32 to vector<16x1xi32>
        %gather3A_759 = vector.shape_cast %broadcast_in_dim3A_758 : vector<16x1xi32> to vector<16xi32>
        %gather3A_760 = tpu.dynamic_gather %get3A_572[%gather3A_759] in [0] : vector<16xf32>, vector<16xi32> -> vector<16xf32>
        %sub3A_761 = arith.subf %get3A_476, %gather3A_756 : vector<16xf32>
        %sub3A_762 = arith.subf %get3A_479, %gather3A_760 : vector<16xf32>
        %mul3A_763 = arith.mulf %sub3A_761, %sub3A_761 : vector<16xf32>
        %mul3A_764 = arith.mulf %sub3A_762, %sub3A_762 : vector<16xf32>
        %add3A_765 = arith.addf %mul3A_763, %mul3A_764 : vector<16xf32>
        %min3A_766 = arith.minimumf %min3A_744, %add3A_765 : vector<16xf32>
        %max3A_767 = arith.maximumf %max3A_745, %add3A_765 : vector<16xf32>
        %bitcast_convert_type3A_768 = tpu.bitcast %add3A_765 : vector<16xf32> -> vector<16xi32>
        %add3A_769 = arith.constant 128 : i32
        %add3A_770 = arith.addi %multiple_of3A_557, %add3A_769 : i32
        %swap3A_771 = arith.index_cast %add3A_770 : i32 to index
        %swap3A_772 = tpu.vector_load %arg11[%swap3A_771] {strides = array<i32>} : memref<25600xi32, #tpu.memory_space<vmem>>, vector<16xi32>,
        %swap3A_773 = vector.shape_cast %swap3A_772 : vector<16xi32> to vector<16xi32>
        %swap3A_774 = vector.shape_cast %bitcast_convert_type3A_768 : vector<16xi32> to vector<16xi32>
        tpu.vector_store %arg11[%swap3A_771], %swap3A_774 {strides = array<i32>} : memref<25600xi32, #tpu.memory_space<vmem>>, vector<16xi32>,
        %broadcast_in_dim3A_775 = arith.constant 9 : i32
        %broadcast_in_dim3A_776 = vector.broadcast %broadcast_in_dim3A_775 : i32 to vector<16x1xi32>
        %gather3A_777 = vector.shape_cast %broadcast_in_dim3A_776 : vector<16x1xi32> to vector<16xi32>
        %gather3A_778 = tpu.dynamic_gather %get3A_562[%gather3A_777] in [0] : vector<16xf32>, vector<16xi32> -> vector<16xf32>
        %broadcast_in_dim3A_779 = arith.constant 9 : i32
        %broadcast_in_dim3A_780 = vector.broadcast %broadcast_in_dim3A_779 : i32 to vector<16x1xi32>
        %gather3A_781 = vector.shape_cast %broadcast_in_dim3A_780 : vector<16x1xi32> to vector<16xi32>
        %gather3A_782 = tpu.dynamic_gather %get3A_572[%gather3A_781] in [0] : vector<16xf32>, vector<16xi32> -> vector<16xf32>
        %sub3A_783 = arith.subf %get3A_476, %gather3A_778 : vector<16xf32>
        %sub3A_784 = arith.subf %get3A_479, %gather3A_782 : vector<16xf32>
        %mul3A_785 = arith.mulf %sub3A_783, %sub3A_783 : vector<16xf32>
        %mul3A_786 = arith.mulf %sub3A_784, %sub3A_784 : vector<16xf32>
        %add3A_787 = arith.addf %mul3A_785, %mul3A_786 : vector<16xf32>
        %min3A_788 = arith.minimumf %min3A_766, %add3A_787 : vector<16xf32>
        %max3A_789 = arith.maximumf %max3A_767, %add3A_787 : vector<16xf32>
        %bitcast_convert_type3A_790 = tpu.bitcast %add3A_787 : vector<16xf32> -> vector<16xi32>
        %add3A_791 = arith.constant 144 : i32
        %add3A_792 = arith.addi %multiple_of3A_557, %add3A_791 : i32
        %swap3A_793 = arith.index_cast %add3A_792 : i32 to index
        %swap3A_794 = tpu.vector_load %arg11[%swap3A_793] {strides = array<i32>} : memref<25600xi32, #tpu.memory_space<vmem>>, vector<16xi32>,
        %swap3A_795 = vector.shape_cast %swap3A_794 : vector<16xi32> to vector<16xi32>
        %swap3A_796 = vector.shape_cast %bitcast_convert_type3A_790 : vector<16xi32> to vector<16xi32>
        tpu.vector_store %arg11[%swap3A_793], %swap3A_796 {strides = array<i32>} : memref<25600xi32, #tpu.memory_space<vmem>>, vector<16xi32>,
        %broadcast_in_dim3A_797 = arith.constant 10 : i32
        %broadcast_in_dim3A_798 = vector.broadcast %broadcast_in_dim3A_797 : i32 to vector<16x1xi32>
        %gather3A_799 = vector.shape_cast %broadcast_in_dim3A_798 : vector<16x1xi32> to vector<16xi32>
        %gather3A_800 = tpu.dynamic_gather %get3A_562[%gather3A_799] in [0] : vector<16xf32>, vector<16xi32> -> vector<16xf32>
        %broadcast_in_dim3A_801 = arith.constant 10 : i32
        %broadcast_in_dim3A_802 = vector.broadcast %broadcast_in_dim3A_801 : i32 to vector<16x1xi32>
        %gather3A_803 = vector.shape_cast %broadcast_in_dim3A_802 : vector<16x1xi32> to vector<16xi32>
        %gather3A_804 = tpu.dynamic_gather %get3A_572[%gather3A_803] in [0] : vector<16xf32>, vector<16xi32> -> vector<16xf32>
        %sub3A_805 = arith.subf %get3A_476, %gather3A_800 : vector<16xf32>
        %sub3A_806 = arith.subf %get3A_479, %gather3A_804 : vector<16xf32>
        %mul3A_807 = arith.mulf %sub3A_805, %sub3A_805 : vector<16xf32>
        %mul3A_808 = arith.mulf %sub3A_806, %sub3A_806 : vector<16xf32>
        %add3A_809 = arith.addf %mul3A_807, %mul3A_808 : vector<16xf32>
        %min3A_810 = arith.minimumf %min3A_788, %add3A_809 : vector<16xf32>
        %max3A_811 = arith.maximumf %max3A_789, %add3A_809 : vector<16xf32>
        %bitcast_convert_type3A_812 = tpu.bitcast %add3A_809 : vector<16xf32> -> vector<16xi32>
        %add3A_813 = arith.constant 160 : i32
        %add3A_814 = arith.addi %multiple_of3A_557, %add3A_813 : i32
        %swap3A_815 = arith.index_cast %add3A_814 : i32 to index
        %swap3A_816 = tpu.vector_load %arg11[%swap3A_815] {strides = array<i32>} : memref<25600xi32, #tpu.memory_space<vmem>>, vector<16xi32>,
        %swap3A_817 = vector.shape_cast %swap3A_816 : vector<16xi32> to vector<16xi32>
        %swap3A_818 = vector.shape_cast %bitcast_convert_type3A_812 : vector<16xi32> to vector<16xi32>
        tpu.vector_store %arg11[%swap3A_815], %swap3A_818 {strides = array<i32>} : memref<25600xi32, #tpu.memory_space<vmem>>, vector<16xi32>,
        %broadcast_in_dim3A_819 = arith.constant 11 : i32
        %broadcast_in_dim3A_820 = vector.broadcast %broadcast_in_dim3A_819 : i32 to vector<16x1xi32>
        %gather3A_821 = vector.shape_cast %broadcast_in_dim3A_820 : vector<16x1xi32> to vector<16xi32>
        %gather3A_822 = tpu.dynamic_gather %get3A_562[%gather3A_821] in [0] : vector<16xf32>, vector<16xi32> -> vector<16xf32>
        %broadcast_in_dim3A_823 = arith.constant 11 : i32
        %broadcast_in_dim3A_824 = vector.broadcast %broadcast_in_dim3A_823 : i32 to vector<16x1xi32>
        %gather3A_825 = vector.shape_cast %broadcast_in_dim3A_824 : vector<16x1xi32> to vector<16xi32>
        %gather3A_826 = tpu.dynamic_gather %get3A_572[%gather3A_825] in [0] : vector<16xf32>, vector<16xi32> -> vector<16xf32>
        %sub3A_827 = arith.subf %get3A_476, %gather3A_822 : vector<16xf32>
        %sub3A_828 = arith.subf %get3A_479, %gather3A_826 : vector<16xf32>
        %mul3A_829 = arith.mulf %sub3A_827, %sub3A_827 : vector<16xf32>
        %mul3A_830 = arith.mulf %sub3A_828, %sub3A_828 : vector<16xf32>
        %add3A_831 = arith.addf %mul3A_829, %mul3A_830 : vector<16xf32>
        %min3A_832 = arith.minimumf %min3A_810, %add3A_831 : vector<16xf32>
        %max3A_833 = arith.maximumf %max3A_811, %add3A_831 : vector<16xf32>
        %bitcast_convert_type3A_834 = tpu.bitcast %add3A_831 : vector<16xf32> -> vector<16xi32>
        %add3A_835 = arith.constant 176 : i32
        %add3A_836 = arith.addi %multiple_of3A_557, %add3A_835 : i32
        %swap3A_837 = arith.index_cast %add3A_836 : i32 to index
        %swap3A_838 = tpu.vector_load %arg11[%swap3A_837] {strides = array<i32>} : memref<25600xi32, #tpu.memory_space<vmem>>, vector<16xi32>,
        %swap3A_839 = vector.shape_cast %swap3A_838 : vector<16xi32> to vector<16xi32>
        %swap3A_840 = vector.shape_cast %bitcast_convert_type3A_834 : vector<16xi32> to vector<16xi32>
        tpu.vector_store %arg11[%swap3A_837], %swap3A_840 {strides = array<i32>} : memref<25600xi32, #tpu.memory_space<vmem>>, vector<16xi32>,
        %broadcast_in_dim3A_841 = arith.constant 12 : i32
        %broadcast_in_dim3A_842 = vector.broadcast %broadcast_in_dim3A_841 : i32 to vector<16x1xi32>
        %gather3A_843 = vector.shape_cast %broadcast_in_dim3A_842 : vector<16x1xi32> to vector<16xi32>
        %gather3A_844 = tpu.dynamic_gather %get3A_562[%gather3A_843] in [0] : vector<16xf32>, vector<16xi32> -> vector<16xf32>
        %broadcast_in_dim3A_845 = arith.constant 12 : i32
        %broadcast_in_dim3A_846 = vector.broadcast %broadcast_in_dim3A_845 : i32 to vector<16x1xi32>
        %gather3A_847 = vector.shape_cast %broadcast_in_dim3A_846 : vector<16x1xi32> to vector<16xi32>
        %gather3A_848 = tpu.dynamic_gather %get3A_572[%gather3A_847] in [0] : vector<16xf32>, vector<16xi32> -> vector<16xf32>
        %sub3A_849 = arith.subf %get3A_476, %gather3A_844 : vector<16xf32>
        %sub3A_850 = arith.subf %get3A_479, %gather3A_848 : vector<16xf32>
        %mul3A_851 = arith.mulf %sub3A_849, %sub3A_849 : vector<16xf32>
        %mul3A_852 = arith.mulf %sub3A_850, %sub3A_850 : vector<16xf32>
        %add3A_853 = arith.addf %mul3A_851, %mul3A_852 : vector<16xf32>
        %min3A_854 = arith.minimumf %min3A_832, %add3A_853 : vector<16xf32>
        %max3A_855 = arith.maximumf %max3A_833, %add3A_853 : vector<16xf32>
        %bitcast_convert_type3A_856 = tpu.bitcast %add3A_853 : vector<16xf32> -> vector<16xi32>
        %add3A_857 = arith.constant 192 : i32
        %add3A_858 = arith.addi %multiple_of3A_557, %add3A_857 : i32
        %swap3A_859 = arith.index_cast %add3A_858 : i32 to index
        %swap3A_860 = tpu.vector_load %arg11[%swap3A_859] {strides = array<i32>} : memref<25600xi32, #tpu.memory_space<vmem>>, vector<16xi32>,
        %swap3A_861 = vector.shape_cast %swap3A_860 : vector<16xi32> to vector<16xi32>
        %swap3A_862 = vector.shape_cast %bitcast_convert_type3A_856 : vector<16xi32> to vector<16xi32>
        tpu.vector_store %arg11[%swap3A_859], %swap3A_862 {strides = array<i32>} : memref<25600xi32, #tpu.memory_space<vmem>>, vector<16xi32>,
        %broadcast_in_dim3A_863 = arith.constant 13 : i32
        %broadcast_in_dim3A_864 = vector.broadcast %broadcast_in_dim3A_863 : i32 to vector<16x1xi32>
        %gather3A_865 = vector.shape_cast %broadcast_in_dim3A_864 : vector<16x1xi32> to vector<16xi32>
        %gather3A_866 = tpu.dynamic_gather %get3A_562[%gather3A_865] in [0] : vector<16xf32>, vector<16xi32> -> vector<16xf32>
        %broadcast_in_dim3A_867 = arith.constant 13 : i32
        %broadcast_in_dim3A_868 = vector.broadcast %broadcast_in_dim3A_867 : i32 to vector<16x1xi32>
        %gather3A_869 = vector.shape_cast %broadcast_in_dim3A_868 : vector<16x1xi32> to vector<16xi32>
        %gather3A_870 = tpu.dynamic_gather %get3A_572[%gather3A_869] in [0] : vector<16xf32>, vector<16xi32> -> vector<16xf32>
        %sub3A_871 = arith.subf %get3A_476, %gather3A_866 : vector<16xf32>
        %sub3A_872 = arith.subf %get3A_479, %gather3A_870 : vector<16xf32>
        %mul3A_873 = arith.mulf %sub3A_871, %sub3A_871 : vector<16xf32>
        %mul3A_874 = arith.mulf %sub3A_872, %sub3A_872 : vector<16xf32>
        %add3A_875 = arith.addf %mul3A_873, %mul3A_874 : vector<16xf32>
        %min3A_876 = arith.minimumf %min3A_854, %add3A_875 : vector<16xf32>
        %max3A_877 = arith.maximumf %max3A_855, %add3A_875 : vector<16xf32>
        %bitcast_convert_type3A_878 = tpu.bitcast %add3A_875 : vector<16xf32> -> vector<16xi32>
        %add3A_879 = arith.constant 208 : i32
        %add3A_880 = arith.addi %multiple_of3A_557, %add3A_879 : i32
        %swap3A_881 = arith.index_cast %add3A_880 : i32 to index
        %swap3A_882 = tpu.vector_load %arg11[%swap3A_881] {strides = array<i32>} : memref<25600xi32, #tpu.memory_space<vmem>>, vector<16xi32>,
        %swap3A_883 = vector.shape_cast %swap3A_882 : vector<16xi32> to vector<16xi32>
        %swap3A_884 = vector.shape_cast %bitcast_convert_type3A_878 : vector<16xi32> to vector<16xi32>
        tpu.vector_store %arg11[%swap3A_881], %swap3A_884 {strides = array<i32>} : memref<25600xi32, #tpu.memory_space<vmem>>, vector<16xi32>,
        %broadcast_in_dim3A_885 = arith.constant 14 : i32
        %broadcast_in_dim3A_886 = vector.broadcast %broadcast_in_dim3A_885 : i32 to vector<16x1xi32>
        %gather3A_887 = vector.shape_cast %broadcast_in_dim3A_886 : vector<16x1xi32> to vector<16xi32>
        %gather3A_888 = tpu.dynamic_gather %get3A_562[%gather3A_887] in [0] : vector<16xf32>, vector<16xi32> -> vector<16xf32>
        %broadcast_in_dim3A_889 = arith.constant 14 : i32
        %broadcast_in_dim3A_890 = vector.broadcast %broadcast_in_dim3A_889 : i32 to vector<16x1xi32>
        %gather3A_891 = vector.shape_cast %broadcast_in_dim3A_890 : vector<16x1xi32> to vector<16xi32>
        %gather3A_892 = tpu.dynamic_gather %get3A_572[%gather3A_891] in [0] : vector<16xf32>, vector<16xi32> -> vector<16xf32>
        %sub3A_893 = arith.subf %get3A_476, %gather3A_888 : vector<16xf32>
        %sub3A_894 = arith.subf %get3A_479, %gather3A_892 : vector<16xf32>
        %mul3A_895 = arith.mulf %sub3A_893, %sub3A_893 : vector<16xf32>
        %mul3A_896 = arith.mulf %sub3A_894, %sub3A_894 : vector<16xf32>
        %add3A_897 = arith.addf %mul3A_895, %mul3A_896 : vector<16xf32>
        %min3A_898 = arith.minimumf %min3A_876, %add3A_897 : vector<16xf32>
        %max3A_899 = arith.maximumf %max3A_877, %add3A_897 : vector<16xf32>
        %bitcast_convert_type3A_900 = tpu.bitcast %add3A_897 : vector<16xf32> -> vector<16xi32>
        %add3A_901 = arith.constant 224 : i32
        %add3A_902 = arith.addi %multiple_of3A_557, %add3A_901 : i32
        %swap3A_903 = arith.index_cast %add3A_902 : i32 to index
        %swap3A_904 = tpu.vector_load %arg11[%swap3A_903] {strides = array<i32>} : memref<25600xi32, #tpu.memory_space<vmem>>, vector<16xi32>,
        %swap3A_905 = vector.shape_cast %swap3A_904 : vector<16xi32> to vector<16xi32>
        %swap3A_906 = vector.shape_cast %bitcast_convert_type3A_900 : vector<16xi32> to vector<16xi32>
        tpu.vector_store %arg11[%swap3A_903], %swap3A_906 {strides = array<i32>} : memref<25600xi32, #tpu.memory_space<vmem>>, vector<16xi32>,
        %broadcast_in_dim3A_907 = arith.constant 15 : i32
        %broadcast_in_dim3A_908 = vector.broadcast %broadcast_in_dim3A_907 : i32 to vector<16x1xi32>
        %gather3A_909 = vector.shape_cast %broadcast_in_dim3A_908 : vector<16x1xi32> to vector<16xi32>
        %gather3A_910 = tpu.dynamic_gather %get3A_562[%gather3A_909] in [0] : vector<16xf32>, vector<16xi32> -> vector<16xf32>
        %broadcast_in_dim3A_911 = arith.constant 15 : i32
        %broadcast_in_dim3A_912 = vector.broadcast %broadcast_in_dim3A_911 : i32 to vector<16x1xi32>
        %gather3A_913 = vector.shape_cast %broadcast_in_dim3A_912 : vector<16x1xi32> to vector<16xi32>
        %gather3A_914 = tpu.dynamic_gather %get3A_572[%gather3A_913] in [0] : vector<16xf32>, vector<16xi32> -> vector<16xf32>
        %sub3A_915 = arith.subf %get3A_476, %gather3A_910 : vector<16xf32>
        %sub3A_916 = arith.subf %get3A_479, %gather3A_914 : vector<16xf32>
        %mul3A_917 = arith.mulf %sub3A_915, %sub3A_915 : vector<16xf32>
        %mul3A_918 = arith.mulf %sub3A_916, %sub3A_916 : vector<16xf32>
        %add3A_919 = arith.addf %mul3A_917, %mul3A_918 : vector<16xf32>
        %min3A_920 = arith.minimumf %min3A_898, %add3A_919 : vector<16xf32>
        %max3A_921 = arith.maximumf %max3A_899, %add3A_919 : vector<16xf32>
        %bitcast_convert_type3A_922 = tpu.bitcast %add3A_919 : vector<16xf32> -> vector<16xi32>
        %add3A_923 = arith.constant 240 : i32
        %add3A_924 = arith.addi %multiple_of3A_557, %add3A_923 : i32
        %swap3A_925 = arith.index_cast %add3A_924 : i32 to index
        %swap3A_926 = tpu.vector_load %arg11[%swap3A_925] {strides = array<i32>} : memref<25600xi32, #tpu.memory_space<vmem>>, vector<16xi32>,
        %swap3A_927 = vector.shape_cast %swap3A_926 : vector<16xi32> to vector<16xi32>
        %swap3A_928 = vector.shape_cast %bitcast_convert_type3A_922 : vector<16xi32> to vector<16xi32>
        tpu.vector_store %arg11[%swap3A_925], %swap3A_928 {strides = array<i32>} : memref<25600xi32, #tpu.memory_space<vmem>>, vector<16xi32>,
        %broadcast_in_dim3A_929 = arith.constant 0 : i32
        %broadcast_in_dim3A_930 = vector.broadcast %broadcast_in_dim3A_929 : i32 to vector<16x1xi32>
        %gather3A_931 = vector.shape_cast %broadcast_in_dim3A_930 : vector<16x1xi32> to vector<16xi32>
        %gather3A_932 = tpu.dynamic_gather %get3A_567[%gather3A_931] in [0] : vector<16xf32>, vector<16xi32> -> vector<16xf32>
        %broadcast_in_dim3A_933 = arith.constant 0 : i32
        %broadcast_in_dim3A_934 = vector.broadcast %broadcast_in_dim3A_933 : i32 to vector<16x1xi32>
        %gather3A_935 = vector.shape_cast %broadcast_in_dim3A_934 : vector<16x1xi32> to vector<16xi32>
        %gather3A_936 = tpu.dynamic_gather %get3A_577[%gather3A_935] in [0] : vector<16xf32>, vector<16xi32> -> vector<16xf32>
        %sub3A_937 = arith.subf %get3A_476, %gather3A_932 : vector<16xf32>
        %sub3A_938 = arith.subf %get3A_479, %gather3A_936 : vector<16xf32>
        %mul3A_939 = arith.mulf %sub3A_937, %sub3A_937 : vector<16xf32>
        %mul3A_940 = arith.mulf %sub3A_938, %sub3A_938 : vector<16xf32>
        %add3A_941 = arith.addf %mul3A_939, %mul3A_940 : vector<16xf32>
        %min3A_942 = arith.minimumf %min3A_920, %add3A_941 : vector<16xf32>
        %max3A_943 = arith.maximumf %max3A_921, %add3A_941 : vector<16xf32>
        %bitcast_convert_type3A_944 = tpu.bitcast %add3A_941 : vector<16xf32> -> vector<16xi32>
        %add3A_945 = arith.constant 256 : i32
        %add3A_946 = arith.addi %multiple_of3A_557, %add3A_945 : i32
        %swap3A_947 = arith.index_cast %add3A_946 : i32 to index
        %swap3A_948 = tpu.vector_load %arg11[%swap3A_947] {strides = array<i32>} : memref<25600xi32, #tpu.memory_space<vmem>>, vector<16xi32>,
        %swap3A_949 = vector.shape_cast %swap3A_948 : vector<16xi32> to vector<16xi32>
        %swap3A_950 = vector.shape_cast %bitcast_convert_type3A_944 : vector<16xi32> to vector<16xi32>
        tpu.vector_store %arg11[%swap3A_947], %swap3A_950 {strides = array<i32>} : memref<25600xi32, #tpu.memory_space<vmem>>, vector<16xi32>,
        %broadcast_in_dim3A_951 = arith.constant 1 : i32
        %broadcast_in_dim3A_952 = vector.broadcast %broadcast_in_dim3A_951 : i32 to vector<16x1xi32>
        %gather3A_953 = vector.shape_cast %broadcast_in_dim3A_952 : vector<16x1xi32> to vector<16xi32>
        %gather3A_954 = tpu.dynamic_gather %get3A_567[%gather3A_953] in [0] : vector<16xf32>, vector<16xi32> -> vector<16xf32>
        %broadcast_in_dim3A_955 = arith.constant 1 : i32
        %broadcast_in_dim3A_956 = vector.broadcast %broadcast_in_dim3A_955 : i32 to vector<16x1xi32>
        %gather3A_957 = vector.shape_cast %broadcast_in_dim3A_956 : vector<16x1xi32> to vector<16xi32>
        %gather3A_958 = tpu.dynamic_gather %get3A_577[%gather3A_957] in [0] : vector<16xf32>, vector<16xi32> -> vector<16xf32>
        %sub3A_959 = arith.subf %get3A_476, %gather3A_954 : vector<16xf32>
        %sub3A_960 = arith.subf %get3A_479, %gather3A_958 : vector<16xf32>
        %mul3A_961 = arith.mulf %sub3A_959, %sub3A_959 : vector<16xf32>
        %mul3A_962 = arith.mulf %sub3A_960, %sub3A_960 : vector<16xf32>
        %add3A_963 = arith.addf %mul3A_961, %mul3A_962 : vector<16xf32>
        %min3A_964 = arith.minimumf %min3A_942, %add3A_963 : vector<16xf32>
        %max3A_965 = arith.maximumf %max3A_943, %add3A_963 : vector<16xf32>
        %bitcast_convert_type3A_966 = tpu.bitcast %add3A_963 : vector<16xf32> -> vector<16xi32>
        %add3A_967 = arith.constant 272 : i32
        %add3A_968 = arith.addi %multiple_of3A_557, %add3A_967 : i32
        %swap3A_969 = arith.index_cast %add3A_968 : i32 to index
        %swap3A_970 = tpu.vector_load %arg11[%swap3A_969] {strides = array<i32>} : memref<25600xi32, #tpu.memory_space<vmem>>, vector<16xi32>,
        %swap3A_971 = vector.shape_cast %swap3A_970 : vector<16xi32> to vector<16xi32>
        %swap3A_972 = vector.shape_cast %bitcast_convert_type3A_966 : vector<16xi32> to vector<16xi32>
        tpu.vector_store %arg11[%swap3A_969], %swap3A_972 {strides = array<i32>} : memref<25600xi32, #tpu.memory_space<vmem>>, vector<16xi32>,
        %broadcast_in_dim3A_973 = arith.constant 2 : i32
        %broadcast_in_dim3A_974 = vector.broadcast %broadcast_in_dim3A_973 : i32 to vector<16x1xi32>
        %gather3A_975 = vector.shape_cast %broadcast_in_dim3A_974 : vector<16x1xi32> to vector<16xi32>
        %gather3A_976 = tpu.dynamic_gather %get3A_567[%gather3A_975] in [0] : vector<16xf32>, vector<16xi32> -> vector<16xf32>
        %broadcast_in_dim3A_977 = arith.constant 2 : i32
        %broadcast_in_dim3A_978 = vector.broadcast %broadcast_in_dim3A_977 : i32 to vector<16x1xi32>
        %gather3A_979 = vector.shape_cast %broadcast_in_dim3A_978 : vector<16x1xi32> to vector<16xi32>
        %gather3A_980 = tpu.dynamic_gather %get3A_577[%gather3A_979] in [0] : vector<16xf32>, vector<16xi32> -> vector<16xf32>
        %sub3A_981 = arith.subf %get3A_476, %gather3A_976 : vector<16xf32>
        %sub3A_982 = arith.subf %get3A_479, %gather3A_980 : vector<16xf32>
        %mul3A_983 = arith.mulf %sub3A_981, %sub3A_981 : vector<16xf32>
        %mul3A_984 = arith.mulf %sub3A_982, %sub3A_982 : vector<16xf32>
        %add3A_985 = arith.addf %mul3A_983, %mul3A_984 : vector<16xf32>
        %min3A_986 = arith.minimumf %min3A_964, %add3A_985 : vector<16xf32>
        %max3A_987 = arith.maximumf %max3A_965, %add3A_985 : vector<16xf32>
        %bitcast_convert_type3A_988 = tpu.bitcast %add3A_985 : vector<16xf32> -> vector<16xi32>
        %add3A_989 = arith.constant 288 : i32
        %add3A_990 = arith.addi %multiple_of3A_557, %add3A_989 : i32
        %swap3A_991 = arith.index_cast %add3A_990 : i32 to index
        %swap3A_992 = tpu.vector_load %arg11[%swap3A_991] {strides = array<i32>} : memref<25600xi32, #tpu.memory_space<vmem>>, vector<16xi32>,
        %swap3A_993 = vector.shape_cast %swap3A_992 : vector<16xi32> to vector<16xi32>
        %swap3A_994 = vector.shape_cast %bitcast_convert_type3A_988 : vector<16xi32> to vector<16xi32>
        tpu.vector_store %arg11[%swap3A_991], %swap3A_994 {strides = array<i32>} : memref<25600xi32, #tpu.memory_space<vmem>>, vector<16xi32>,
        %broadcast_in_dim3A_995 = arith.constant 3 : i32
        %broadcast_in_dim3A_996 = vector.broadcast %broadcast_in_dim3A_995 : i32 to vector<16x1xi32>
        %gather3A_997 = vector.shape_cast %broadcast_in_dim3A_996 : vector<16x1xi32> to vector<16xi32>
        %gather3A_998 = tpu.dynamic_gather %get3A_567[%gather3A_997] in [0] : vector<16xf32>, vector<16xi32> -> vector<16xf32>
        %broadcast_in_dim3A_999 = arith.constant 3 : i32
        %broadcast_in_dim3A_1000 = vector.broadcast %broadcast_in_dim3A_999 : i32 to vector<16x1xi32>
        %gather3A_1001 = vector.shape_cast %broadcast_in_dim3A_1000 : vector<16x1xi32> to vector<16xi32>
        %gather3A_1002 = tpu.dynamic_gather %get3A_577[%gather3A_1001] in [0] : vector<16xf32>, vector<16xi32> -> vector<16xf32>
        %sub3A_1003 = arith.subf %get3A_476, %gather3A_998 : vector<16xf32>
        %sub3A_1004 = arith.subf %get3A_479, %gather3A_1002 : vector<16xf32>
        %mul3A_1005 = arith.mulf %sub3A_1003, %sub3A_1003 : vector<16xf32>
        %mul3A_1006 = arith.mulf %sub3A_1004, %sub3A_1004 : vector<16xf32>
        %add3A_1007 = arith.addf %mul3A_1005, %mul3A_1006 : vector<16xf32>
        %min3A_1008 = arith.minimumf %min3A_986, %add3A_1007 : vector<16xf32>
        %max3A_1009 = arith.maximumf %max3A_987, %add3A_1007 : vector<16xf32>
        %bitcast_convert_type3A_1010 = tpu.bitcast %add3A_1007 : vector<16xf32> -> vector<16xi32>
        %add3A_1011 = arith.constant 304 : i32
        %add3A_1012 = arith.addi %multiple_of3A_557, %add3A_1011 : i32
        %swap3A_1013 = arith.index_cast %add3A_1012 : i32 to index
        %swap3A_1014 = tpu.vector_load %arg11[%swap3A_1013] {strides = array<i32>} : memref<25600xi32, #tpu.memory_space<vmem>>, vector<16xi32>,
        %swap3A_1015 = vector.shape_cast %swap3A_1014 : vector<16xi32> to vector<16xi32>
        %swap3A_1016 = vector.shape_cast %bitcast_convert_type3A_1010 : vector<16xi32> to vector<16xi32>
        tpu.vector_store %arg11[%swap3A_1013], %swap3A_1016 {strides = array<i32>} : memref<25600xi32, #tpu.memory_space<vmem>>, vector<16xi32>,
        %broadcast_in_dim3A_1017 = arith.constant 4 : i32
        %broadcast_in_dim3A_1018 = vector.broadcast %broadcast_in_dim3A_1017 : i32 to vector<16x1xi32>
        %gather3A_1019 = vector.shape_cast %broadcast_in_dim3A_1018 : vector<16x1xi32> to vector<16xi32>
        %gather3A_1020 = tpu.dynamic_gather %get3A_567[%gather3A_1019] in [0] : vector<16xf32>, vector<16xi32> -> vector<16xf32>
        %broadcast_in_dim3A_1021 = arith.constant 4 : i32
        %broadcast_in_dim3A_1022 = vector.broadcast %broadcast_in_dim3A_1021 : i32 to vector<16x1xi32>
        %gather3A_1023 = vector.shape_cast %broadcast_in_dim3A_1022 : vector<16x1xi32> to vector<16xi32>
        %gather3A_1024 = tpu.dynamic_gather %get3A_577[%gather3A_1023] in [0] : vector<16xf32>, vector<16xi32> -> vector<16xf32>
        %sub3A_1025 = arith.subf %get3A_476, %gather3A_1020 : vector<16xf32>
        %sub3A_1026 = arith.subf %get3A_479, %gather3A_1024 : vector<16xf32>
        %mul3A_1027 = arith.mulf %sub3A_1025, %sub3A_1025 : vector<16xf32>
        %mul3A_1028 = arith.mulf %sub3A_1026, %sub3A_1026 : vector<16xf32>
        %add3A_1029 = arith.addf %mul3A_1027, %mul3A_1028 : vector<16xf32>
        %min3A_1030 = arith.minimumf %min3A_1008, %add3A_1029 : vector<16xf32>
        %max3A_1031 = arith.maximumf %max3A_1009, %add3A_1029 : vector<16xf32>
        %bitcast_convert_type3A_1032 = tpu.bitcast %add3A_1029 : vector<16xf32> -> vector<16xi32>
        %add3A_1033 = arith.constant 320 : i32
        %add3A_1034 = arith.addi %multiple_of3A_557, %add3A_1033 : i32
        %swap3A_1035 = arith.index_cast %add3A_1034 : i32 to index
        %swap3A_1036 = tpu.vector_load %arg11[%swap3A_1035] {strides = array<i32>} : memref<25600xi32, #tpu.memory_space<vmem>>, vector<16xi32>,
        %swap3A_1037 = vector.shape_cast %swap3A_1036 : vector<16xi32> to vector<16xi32>
        %swap3A_1038 = vector.shape_cast %bitcast_convert_type3A_1032 : vector<16xi32> to vector<16xi32>
        tpu.vector_store %arg11[%swap3A_1035], %swap3A_1038 {strides = array<i32>} : memref<25600xi32, #tpu.memory_space<vmem>>, vector<16xi32>,
        %broadcast_in_dim3A_1039 = arith.constant 5 : i32
        %broadcast_in_dim3A_1040 = vector.broadcast %broadcast_in_dim3A_1039 : i32 to vector<16x1xi32>
        %gather3A_1041 = vector.shape_cast %broadcast_in_dim3A_1040 : vector<16x1xi32> to vector<16xi32>
        %gather3A_1042 = tpu.dynamic_gather %get3A_567[%gather3A_1041] in [0] : vector<16xf32>, vector<16xi32> -> vector<16xf32>
        %broadcast_in_dim3A_1043 = arith.constant 5 : i32
        %broadcast_in_dim3A_1044 = vector.broadcast %broadcast_in_dim3A_1043 : i32 to vector<16x1xi32>
        %gather3A_1045 = vector.shape_cast %broadcast_in_dim3A_1044 : vector<16x1xi32> to vector<16xi32>
        %gather3A_1046 = tpu.dynamic_gather %get3A_577[%gather3A_1045] in [0] : vector<16xf32>, vector<16xi32> -> vector<16xf32>
        %sub3A_1047 = arith.subf %get3A_476, %gather3A_1042 : vector<16xf32>
        %sub3A_1048 = arith.subf %get3A_479, %gather3A_1046 : vector<16xf32>
        %mul3A_1049 = arith.mulf %sub3A_1047, %sub3A_1047 : vector<16xf32>
        %mul3A_1050 = arith.mulf %sub3A_1048, %sub3A_1048 : vector<16xf32>
        %add3A_1051 = arith.addf %mul3A_1049, %mul3A_1050 : vector<16xf32>
        %min3A_1052 = arith.minimumf %min3A_1030, %add3A_1051 : vector<16xf32>
        %max3A_1053 = arith.maximumf %max3A_1031, %add3A_1051 : vector<16xf32>
        %bitcast_convert_type3A_1054 = tpu.bitcast %add3A_1051 : vector<16xf32> -> vector<16xi32>
        %add3A_1055 = arith.constant 336 : i32
        %add3A_1056 = arith.addi %multiple_of3A_557, %add3A_1055 : i32
        %swap3A_1057 = arith.index_cast %add3A_1056 : i32 to index
        %swap3A_1058 = tpu.vector_load %arg11[%swap3A_1057] {strides = array<i32>} : memref<25600xi32, #tpu.memory_space<vmem>>, vector<16xi32>,
        %swap3A_1059 = vector.shape_cast %swap3A_1058 : vector<16xi32> to vector<16xi32>
        %swap3A_1060 = vector.shape_cast %bitcast_convert_type3A_1054 : vector<16xi32> to vector<16xi32>
        tpu.vector_store %arg11[%swap3A_1057], %swap3A_1060 {strides = array<i32>} : memref<25600xi32, #tpu.memory_space<vmem>>, vector<16xi32>,
        %broadcast_in_dim3A_1061 = arith.constant 6 : i32
        %broadcast_in_dim3A_1062 = vector.broadcast %broadcast_in_dim3A_1061 : i32 to vector<16x1xi32>
        %gather3A_1063 = vector.shape_cast %broadcast_in_dim3A_1062 : vector<16x1xi32> to vector<16xi32>
        %gather3A_1064 = tpu.dynamic_gather %get3A_567[%gather3A_1063] in [0] : vector<16xf32>, vector<16xi32> -> vector<16xf32>
        %broadcast_in_dim3A_1065 = arith.constant 6 : i32
        %broadcast_in_dim3A_1066 = vector.broadcast %broadcast_in_dim3A_1065 : i32 to vector<16x1xi32>
        %gather3A_1067 = vector.shape_cast %broadcast_in_dim3A_1066 : vector<16x1xi32> to vector<16xi32>
        %gather3A_1068 = tpu.dynamic_gather %get3A_577[%gather3A_1067] in [0] : vector<16xf32>, vector<16xi32> -> vector<16xf32>
        %sub3A_1069 = arith.subf %get3A_476, %gather3A_1064 : vector<16xf32>
        %sub3A_1070 = arith.subf %get3A_479, %gather3A_1068 : vector<16xf32>
        %mul3A_1071 = arith.mulf %sub3A_1069, %sub3A_1069 : vector<16xf32>
        %mul3A_1072 = arith.mulf %sub3A_1070, %sub3A_1070 : vector<16xf32>
        %add3A_1073 = arith.addf %mul3A_1071, %mul3A_1072 : vector<16xf32>
        %min3A_1074 = arith.minimumf %min3A_1052, %add3A_1073 : vector<16xf32>
        %max3A_1075 = arith.maximumf %max3A_1053, %add3A_1073 : vector<16xf32>
        %bitcast_convert_type3A_1076 = tpu.bitcast %add3A_1073 : vector<16xf32> -> vector<16xi32>
        %add3A_1077 = arith.constant 352 : i32
        %add3A_1078 = arith.addi %multiple_of3A_557, %add3A_1077 : i32
        %swap3A_1079 = arith.index_cast %add3A_1078 : i32 to index
        %swap3A_1080 = tpu.vector_load %arg11[%swap3A_1079] {strides = array<i32>} : memref<25600xi32, #tpu.memory_space<vmem>>, vector<16xi32>,
        %swap3A_1081 = vector.shape_cast %swap3A_1080 : vector<16xi32> to vector<16xi32>
        %swap3A_1082 = vector.shape_cast %bitcast_convert_type3A_1076 : vector<16xi32> to vector<16xi32>
        tpu.vector_store %arg11[%swap3A_1079], %swap3A_1082 {strides = array<i32>} : memref<25600xi32, #tpu.memory_space<vmem>>, vector<16xi32>,
        %broadcast_in_dim3A_1083 = arith.constant 7 : i32
        %broadcast_in_dim3A_1084 = vector.broadcast %broadcast_in_dim3A_1083 : i32 to vector<16x1xi32>
        %gather3A_1085 = vector.shape_cast %broadcast_in_dim3A_1084 : vector<16x1xi32> to vector<16xi32>
        %gather3A_1086 = tpu.dynamic_gather %get3A_567[%gather3A_1085] in [0] : vector<16xf32>, vector<16xi32> -> vector<16xf32>
        %broadcast_in_dim3A_1087 = arith.constant 7 : i32
        %broadcast_in_dim3A_1088 = vector.broadcast %broadcast_in_dim3A_1087 : i32 to vector<16x1xi32>
        %gather3A_1089 = vector.shape_cast %broadcast_in_dim3A_1088 : vector<16x1xi32> to vector<16xi32>
        %gather3A_1090 = tpu.dynamic_gather %get3A_577[%gather3A_1089] in [0] : vector<16xf32>, vector<16xi32> -> vector<16xf32>
        %sub3A_1091 = arith.subf %get3A_476, %gather3A_1086 : vector<16xf32>
        %sub3A_1092 = arith.subf %get3A_479, %gather3A_1090 : vector<16xf32>
        %mul3A_1093 = arith.mulf %sub3A_1091, %sub3A_1091 : vector<16xf32>
        %mul3A_1094 = arith.mulf %sub3A_1092, %sub3A_1092 : vector<16xf32>
        %add3A_1095 = arith.addf %mul3A_1093, %mul3A_1094 : vector<16xf32>
        %min3A_1096 = arith.minimumf %min3A_1074, %add3A_1095 : vector<16xf32>
        %max3A_1097 = arith.maximumf %max3A_1075, %add3A_1095 : vector<16xf32>
        %bitcast_convert_type3A_1098 = tpu.bitcast %add3A_1095 : vector<16xf32> -> vector<16xi32>
        %add3A_1099 = arith.constant 368 : i32
        %add3A_1100 = arith.addi %multiple_of3A_557, %add3A_1099 : i32
        %swap3A_1101 = arith.index_cast %add3A_1100 : i32 to index
        %swap3A_1102 = tpu.vector_load %arg11[%swap3A_1101] {strides = array<i32>} : memref<25600xi32, #tpu.memory_space<vmem>>, vector<16xi32>,
        %swap3A_1103 = vector.shape_cast %swap3A_1102 : vector<16xi32> to vector<16xi32>
        %swap3A_1104 = vector.shape_cast %bitcast_convert_type3A_1098 : vector<16xi32> to vector<16xi32>
        tpu.vector_store %arg11[%swap3A_1101], %swap3A_1104 {strides = array<i32>} : memref<25600xi32, #tpu.memory_space<vmem>>, vector<16xi32>,
        %broadcast_in_dim3A_1105 = arith.constant 8 : i32
        %broadcast_in_dim3A_1106 = vector.broadcast %broadcast_in_dim3A_1105 : i32 to vector<16x1xi32>
        %gather3A_1107 = vector.shape_cast %broadcast_in_dim3A_1106 : vector<16x1xi32> to vector<16xi32>
        %gather3A_1108 = tpu.dynamic_gather %get3A_567[%gather3A_1107] in [0] : vector<16xf32>, vector<16xi32> -> vector<16xf32>
        %broadcast_in_dim3A_1109 = arith.constant 8 : i32
        %broadcast_in_dim3A_1110 = vector.broadcast %broadcast_in_dim3A_1109 : i32 to vector<16x1xi32>
        %gather3A_1111 = vector.shape_cast %broadcast_in_dim3A_1110 : vector<16x1xi32> to vector<16xi32>
        %gather3A_1112 = tpu.dynamic_gather %get3A_577[%gather3A_1111] in [0] : vector<16xf32>, vector<16xi32> -> vector<16xf32>
        %sub3A_1113 = arith.subf %get3A_476, %gather3A_1108 : vector<16xf32>
        %sub3A_1114 = arith.subf %get3A_479, %gather3A_1112 : vector<16xf32>
        %mul3A_1115 = arith.mulf %sub3A_1113, %sub3A_1113 : vector<16xf32>
        %mul3A_1116 = arith.mulf %sub3A_1114, %sub3A_1114 : vector<16xf32>
        %add3A_1117 = arith.addf %mul3A_1115, %mul3A_1116 : vector<16xf32>
        %min3A_1118 = arith.minimumf %min3A_1096, %add3A_1117 : vector<16xf32>
        %max3A_1119 = arith.maximumf %max3A_1097, %add3A_1117 : vector<16xf32>
        %bitcast_convert_type3A_1120 = tpu.bitcast %add3A_1117 : vector<16xf32> -> vector<16xi32>
        %add3A_1121 = arith.constant 384 : i32
        %add3A_1122 = arith.addi %multiple_of3A_557, %add3A_1121 : i32
        %swap3A_1123 = arith.index_cast %add3A_1122 : i32 to index
        %swap3A_1124 = tpu.vector_load %arg11[%swap3A_1123] {strides = array<i32>} : memref<25600xi32, #tpu.memory_space<vmem>>, vector<16xi32>,
        %swap3A_1125 = vector.shape_cast %swap3A_1124 : vector<16xi32> to vector<16xi32>
        %swap3A_1126 = vector.shape_cast %bitcast_convert_type3A_1120 : vector<16xi32> to vector<16xi32>
        tpu.vector_store %arg11[%swap3A_1123], %swap3A_1126 {strides = array<i32>} : memref<25600xi32, #tpu.memory_space<vmem>>, vector<16xi32>,
        %broadcast_in_dim3A_1127 = arith.constant 9 : i32
        %broadcast_in_dim3A_1128 = vector.broadcast %broadcast_in_dim3A_1127 : i32 to vector<16x1xi32>
        %gather3A_1129 = vector.shape_cast %broadcast_in_dim3A_1128 : vector<16x1xi32> to vector<16xi32>
        %gather3A_1130 = tpu.dynamic_gather %get3A_567[%gather3A_1129] in [0] : vector<16xf32>, vector<16xi32> -> vector<16xf32>
        %broadcast_in_dim3A_1131 = arith.constant 9 : i32
        %broadcast_in_dim3A_1132 = vector.broadcast %broadcast_in_dim3A_1131 : i32 to vector<16x1xi32>
        %gather3A_1133 = vector.shape_cast %broadcast_in_dim3A_1132 : vector<16x1xi32> to vector<16xi32>
        %gather3A_1134 = tpu.dynamic_gather %get3A_577[%gather3A_1133] in [0] : vector<16xf32>, vector<16xi32> -> vector<16xf32>
        %sub3A_1135 = arith.subf %get3A_476, %gather3A_1130 : vector<16xf32>
        %sub3A_1136 = arith.subf %get3A_479, %gather3A_1134 : vector<16xf32>
        %mul3A_1137 = arith.mulf %sub3A_1135, %sub3A_1135 : vector<16xf32>
        %mul3A_1138 = arith.mulf %sub3A_1136, %sub3A_1136 : vector<16xf32>
        %add3A_1139 = arith.addf %mul3A_1137, %mul3A_1138 : vector<16xf32>
        %min3A_1140 = arith.minimumf %min3A_1118, %add3A_1139 : vector<16xf32>
        %max3A_1141 = arith.maximumf %max3A_1119, %add3A_1139 : vector<16xf32>
        %bitcast_convert_type3A_1142 = tpu.bitcast %add3A_1139 : vector<16xf32> -> vector<16xi32>
        %add3A_1143 = arith.constant 400 : i32
        %add3A_1144 = arith.addi %multiple_of3A_557, %add3A_1143 : i32
        %swap3A_1145 = arith.index_cast %add3A_1144 : i32 to index
        %swap3A_1146 = tpu.vector_load %arg11[%swap3A_1145] {strides = array<i32>} : memref<25600xi32, #tpu.memory_space<vmem>>, vector<16xi32>,
        %swap3A_1147 = vector.shape_cast %swap3A_1146 : vector<16xi32> to vector<16xi32>
        %swap3A_1148 = vector.shape_cast %bitcast_convert_type3A_1142 : vector<16xi32> to vector<16xi32>
        tpu.vector_store %arg11[%swap3A_1145], %swap3A_1148 {strides = array<i32>} : memref<25600xi32, #tpu.memory_space<vmem>>, vector<16xi32>,
        %broadcast_in_dim3A_1149 = arith.constant 10 : i32
        %broadcast_in_dim3A_1150 = vector.broadcast %broadcast_in_dim3A_1149 : i32 to vector<16x1xi32>
        %gather3A_1151 = vector.shape_cast %broadcast_in_dim3A_1150 : vector<16x1xi32> to vector<16xi32>
        %gather3A_1152 = tpu.dynamic_gather %get3A_567[%gather3A_1151] in [0] : vector<16xf32>, vector<16xi32> -> vector<16xf32>
        %broadcast_in_dim3A_1153 = arith.constant 10 : i32
        %broadcast_in_dim3A_1154 = vector.broadcast %broadcast_in_dim3A_1153 : i32 to vector<16x1xi32>
        %gather3A_1155 = vector.shape_cast %broadcast_in_dim3A_1154 : vector<16x1xi32> to vector<16xi32>
        %gather3A_1156 = tpu.dynamic_gather %get3A_577[%gather3A_1155] in [0] : vector<16xf32>, vector<16xi32> -> vector<16xf32>
        %sub3A_1157 = arith.subf %get3A_476, %gather3A_1152 : vector<16xf32>
        %sub3A_1158 = arith.subf %get3A_479, %gather3A_1156 : vector<16xf32>
        %mul3A_1159 = arith.mulf %sub3A_1157, %sub3A_1157 : vector<16xf32>
        %mul3A_1160 = arith.mulf %sub3A_1158, %sub3A_1158 : vector<16xf32>
        %add3A_1161 = arith.addf %mul3A_1159, %mul3A_1160 : vector<16xf32>
        %min3A_1162 = arith.minimumf %min3A_1140, %add3A_1161 : vector<16xf32>
        %max3A_1163 = arith.maximumf %max3A_1141, %add3A_1161 : vector<16xf32>
        %bitcast_convert_type3A_1164 = tpu.bitcast %add3A_1161 : vector<16xf32> -> vector<16xi32>
        %add3A_1165 = arith.constant 416 : i32
        %add3A_1166 = arith.addi %multiple_of3A_557, %add3A_1165 : i32
        %swap3A_1167 = arith.index_cast %add3A_1166 : i32 to index
        %swap3A_1168 = tpu.vector_load %arg11[%swap3A_1167] {strides = array<i32>} : memref<25600xi32, #tpu.memory_space<vmem>>, vector<16xi32>,
        %swap3A_1169 = vector.shape_cast %swap3A_1168 : vector<16xi32> to vector<16xi32>
        %swap3A_1170 = vector.shape_cast %bitcast_convert_type3A_1164 : vector<16xi32> to vector<16xi32>
        tpu.vector_store %arg11[%swap3A_1167], %swap3A_1170 {strides = array<i32>} : memref<25600xi32, #tpu.memory_space<vmem>>, vector<16xi32>,
        %broadcast_in_dim3A_1171 = arith.constant 11 : i32
        %broadcast_in_dim3A_1172 = vector.broadcast %broadcast_in_dim3A_1171 : i32 to vector<16x1xi32>
        %gather3A_1173 = vector.shape_cast %broadcast_in_dim3A_1172 : vector<16x1xi32> to vector<16xi32>
        %gather3A_1174 = tpu.dynamic_gather %get3A_567[%gather3A_1173] in [0] : vector<16xf32>, vector<16xi32> -> vector<16xf32>
        %broadcast_in_dim3A_1175 = arith.constant 11 : i32
        %broadcast_in_dim3A_1176 = vector.broadcast %broadcast_in_dim3A_1175 : i32 to vector<16x1xi32>
        %gather3A_1177 = vector.shape_cast %broadcast_in_dim3A_1176 : vector<16x1xi32> to vector<16xi32>
        %gather3A_1178 = tpu.dynamic_gather %get3A_577[%gather3A_1177] in [0] : vector<16xf32>, vector<16xi32> -> vector<16xf32>
        %sub3A_1179 = arith.subf %get3A_476, %gather3A_1174 : vector<16xf32>
        %sub3A_1180 = arith.subf %get3A_479, %gather3A_1178 : vector<16xf32>
        %mul3A_1181 = arith.mulf %sub3A_1179, %sub3A_1179 : vector<16xf32>
        %mul3A_1182 = arith.mulf %sub3A_1180, %sub3A_1180 : vector<16xf32>
        %add3A_1183 = arith.addf %mul3A_1181, %mul3A_1182 : vector<16xf32>
        %min3A_1184 = arith.minimumf %min3A_1162, %add3A_1183 : vector<16xf32>
        %max3A_1185 = arith.maximumf %max3A_1163, %add3A_1183 : vector<16xf32>
        %bitcast_convert_type3A_1186 = tpu.bitcast %add3A_1183 : vector<16xf32> -> vector<16xi32>
        %add3A_1187 = arith.constant 432 : i32
        %add3A_1188 = arith.addi %multiple_of3A_557, %add3A_1187 : i32
        %swap3A_1189 = arith.index_cast %add3A_1188 : i32 to index
        %swap3A_1190 = tpu.vector_load %arg11[%swap3A_1189] {strides = array<i32>} : memref<25600xi32, #tpu.memory_space<vmem>>, vector<16xi32>,
        %swap3A_1191 = vector.shape_cast %swap3A_1190 : vector<16xi32> to vector<16xi32>
        %swap3A_1192 = vector.shape_cast %bitcast_convert_type3A_1186 : vector<16xi32> to vector<16xi32>
        tpu.vector_store %arg11[%swap3A_1189], %swap3A_1192 {strides = array<i32>} : memref<25600xi32, #tpu.memory_space<vmem>>, vector<16xi32>,
        %broadcast_in_dim3A_1193 = arith.constant 12 : i32
        %broadcast_in_dim3A_1194 = vector.broadcast %broadcast_in_dim3A_1193 : i32 to vector<16x1xi32>
        %gather3A_1195 = vector.shape_cast %broadcast_in_dim3A_1194 : vector<16x1xi32> to vector<16xi32>
        %gather3A_1196 = tpu.dynamic_gather %get3A_567[%gather3A_1195] in [0] : vector<16xf32>, vector<16xi32> -> vector<16xf32>
        %broadcast_in_dim3A_1197 = arith.constant 12 : i32
        %broadcast_in_dim3A_1198 = vector.broadcast %broadcast_in_dim3A_1197 : i32 to vector<16x1xi32>
        %gather3A_1199 = vector.shape_cast %broadcast_in_dim3A_1198 : vector<16x1xi32> to vector<16xi32>
        %gather3A_1200 = tpu.dynamic_gather %get3A_577[%gather3A_1199] in [0] : vector<16xf32>, vector<16xi32> -> vector<16xf32>
        %sub3A_1201 = arith.subf %get3A_476, %gather3A_1196 : vector<16xf32>
        %sub3A_1202 = arith.subf %get3A_479, %gather3A_1200 : vector<16xf32>
        %mul3A_1203 = arith.mulf %sub3A_1201, %sub3A_1201 : vector<16xf32>
        %mul3A_1204 = arith.mulf %sub3A_1202, %sub3A_1202 : vector<16xf32>
        %add3A_1205 = arith.addf %mul3A_1203, %mul3A_1204 : vector<16xf32>
        %min3A_1206 = arith.minimumf %min3A_1184, %add3A_1205 : vector<16xf32>
        %max3A_1207 = arith.maximumf %max3A_1185, %add3A_1205 : vector<16xf32>
        %bitcast_convert_type3A_1208 = tpu.bitcast %add3A_1205 : vector<16xf32> -> vector<16xi32>
        %add3A_1209 = arith.constant 448 : i32
        %add3A_1210 = arith.addi %multiple_of3A_557, %add3A_1209 : i32
        %swap3A_1211 = arith.index_cast %add3A_1210 : i32 to index
        %swap3A_1212 = tpu.vector_load %arg11[%swap3A_1211] {strides = array<i32>} : memref<25600xi32, #tpu.memory_space<vmem>>, vector<16xi32>,
        %swap3A_1213 = vector.shape_cast %swap3A_1212 : vector<16xi32> to vector<16xi32>
        %swap3A_1214 = vector.shape_cast %bitcast_convert_type3A_1208 : vector<16xi32> to vector<16xi32>
        tpu.vector_store %arg11[%swap3A_1211], %swap3A_1214 {strides = array<i32>} : memref<25600xi32, #tpu.memory_space<vmem>>, vector<16xi32>,
        %broadcast_in_dim3A_1215 = arith.constant 13 : i32
        %broadcast_in_dim3A_1216 = vector.broadcast %broadcast_in_dim3A_1215 : i32 to vector<16x1xi32>
        %gather3A_1217 = vector.shape_cast %broadcast_in_dim3A_1216 : vector<16x1xi32> to vector<16xi32>
        %gather3A_1218 = tpu.dynamic_gather %get3A_567[%gather3A_1217] in [0] : vector<16xf32>, vector<16xi32> -> vector<16xf32>
        %broadcast_in_dim3A_1219 = arith.constant 13 : i32
        %broadcast_in_dim3A_1220 = vector.broadcast %broadcast_in_dim3A_1219 : i32 to vector<16x1xi32>
        %gather3A_1221 = vector.shape_cast %broadcast_in_dim3A_1220 : vector<16x1xi32> to vector<16xi32>
        %gather3A_1222 = tpu.dynamic_gather %get3A_577[%gather3A_1221] in [0] : vector<16xf32>, vector<16xi32> -> vector<16xf32>
        %sub3A_1223 = arith.subf %get3A_476, %gather3A_1218 : vector<16xf32>
        %sub3A_1224 = arith.subf %get3A_479, %gather3A_1222 : vector<16xf32>
        %mul3A_1225 = arith.mulf %sub3A_1223, %sub3A_1223 : vector<16xf32>
        %mul3A_1226 = arith.mulf %sub3A_1224, %sub3A_1224 : vector<16xf32>
        %add3A_1227 = arith.addf %mul3A_1225, %mul3A_1226 : vector<16xf32>
        %min3A_1228 = arith.minimumf %min3A_1206, %add3A_1227 : vector<16xf32>
        %max3A_1229 = arith.maximumf %max3A_1207, %add3A_1227 : vector<16xf32>
        %bitcast_convert_type3A_1230 = tpu.bitcast %add3A_1227 : vector<16xf32> -> vector<16xi32>
        %add3A_1231 = arith.constant 464 : i32
        %add3A_1232 = arith.addi %multiple_of3A_557, %add3A_1231 : i32
        %swap3A_1233 = arith.index_cast %add3A_1232 : i32 to index
        %swap3A_1234 = tpu.vector_load %arg11[%swap3A_1233] {strides = array<i32>} : memref<25600xi32, #tpu.memory_space<vmem>>, vector<16xi32>,
        %swap3A_1235 = vector.shape_cast %swap3A_1234 : vector<16xi32> to vector<16xi32>
        %swap3A_1236 = vector.shape_cast %bitcast_convert_type3A_1230 : vector<16xi32> to vector<16xi32>
        tpu.vector_store %arg11[%swap3A_1233], %swap3A_1236 {strides = array<i32>} : memref<25600xi32, #tpu.memory_space<vmem>>, vector<16xi32>,
        %broadcast_in_dim3A_1237 = arith.constant 14 : i32
        %broadcast_in_dim3A_1238 = vector.broadcast %broadcast_in_dim3A_1237 : i32 to vector<16x1xi32>
        %gather3A_1239 = vector.shape_cast %broadcast_in_dim3A_1238 : vector<16x1xi32> to vector<16xi32>
        %gather3A_1240 = tpu.dynamic_gather %get3A_567[%gather3A_1239] in [0] : vector<16xf32>, vector<16xi32> -> vector<16xf32>
        %broadcast_in_dim3A_1241 = arith.constant 14 : i32
        %broadcast_in_dim3A_1242 = vector.broadcast %broadcast_in_dim3A_1241 : i32 to vector<16x1xi32>
        %gather3A_1243 = vector.shape_cast %broadcast_in_dim3A_1242 : vector<16x1xi32> to vector<16xi32>
        %gather3A_1244 = tpu.dynamic_gather %get3A_577[%gather3A_1243] in [0] : vector<16xf32>, vector<16xi32> -> vector<16xf32>
        %sub3A_1245 = arith.subf %get3A_476, %gather3A_1240 : vector<16xf32>
        %sub3A_1246 = arith.subf %get3A_479, %gather3A_1244 : vector<16xf32>
        %mul3A_1247 = arith.mulf %sub3A_1245, %sub3A_1245 : vector<16xf32>
        %mul3A_1248 = arith.mulf %sub3A_1246, %sub3A_1246 : vector<16xf32>
        %add3A_1249 = arith.addf %mul3A_1247, %mul3A_1248 : vector<16xf32>
        %min3A_1250 = arith.minimumf %min3A_1228, %add3A_1249 : vector<16xf32>
        %max3A_1251 = arith.maximumf %max3A_1229, %add3A_1249 : vector<16xf32>
        %bitcast_convert_type3A_1252 = tpu.bitcast %add3A_1249 : vector<16xf32> -> vector<16xi32>
        %add3A_1253 = arith.constant 480 : i32
        %add3A_1254 = arith.addi %multiple_of3A_557, %add3A_1253 : i32
        %swap3A_1255 = arith.index_cast %add3A_1254 : i32 to index
        %swap3A_1256 = tpu.vector_load %arg11[%swap3A_1255] {strides = array<i32>} : memref<25600xi32, #tpu.memory_space<vmem>>, vector<16xi32>,
        %swap3A_1257 = vector.shape_cast %swap3A_1256 : vector<16xi32> to vector<16xi32>
        %swap3A_1258 = vector.shape_cast %bitcast_convert_type3A_1252 : vector<16xi32> to vector<16xi32>
        tpu.vector_store %arg11[%swap3A_1255], %swap3A_1258 {strides = array<i32>} : memref<25600xi32, #tpu.memory_space<vmem>>, vector<16xi32>,
        %broadcast_in_dim3A_1259 = arith.constant 15 : i32
        %broadcast_in_dim3A_1260 = vector.broadcast %broadcast_in_dim3A_1259 : i32 to vector<16x1xi32>
        %gather3A_1261 = vector.shape_cast %broadcast_in_dim3A_1260 : vector<16x1xi32> to vector<16xi32>
        %gather3A_1262 = tpu.dynamic_gather %get3A_567[%gather3A_1261] in [0] : vector<16xf32>, vector<16xi32> -> vector<16xf32>
        %broadcast_in_dim3A_1263 = arith.constant 15 : i32
        %broadcast_in_dim3A_1264 = vector.broadcast %broadcast_in_dim3A_1263 : i32 to vector<16x1xi32>
        %gather3A_1265 = vector.shape_cast %broadcast_in_dim3A_1264 : vector<16x1xi32> to vector<16xi32>
        %gather3A_1266 = tpu.dynamic_gather %get3A_577[%gather3A_1265] in [0] : vector<16xf32>, vector<16xi32> -> vector<16xf32>
        %sub3A_1267 = arith.subf %get3A_476, %gather3A_1262 : vector<16xf32>
        %sub3A_1268 = arith.subf %get3A_479, %gather3A_1266 : vector<16xf32>
        %mul3A_1269 = arith.mulf %sub3A_1267, %sub3A_1267 : vector<16xf32>
        %mul3A_1270 = arith.mulf %sub3A_1268, %sub3A_1268 : vector<16xf32>
        %add3A_1271 = arith.addf %mul3A_1269, %mul3A_1270 : vector<16xf32>
        %min3A_1272 = arith.minimumf %min3A_1250, %add3A_1271 : vector<16xf32>
        %max3A_1273 = arith.maximumf %max3A_1251, %add3A_1271 : vector<16xf32>
        %bitcast_convert_type3A_1274 = tpu.bitcast %add3A_1271 : vector<16xf32> -> vector<16xi32>
        %add3A_1275 = arith.constant 496 : i32
        %add3A_1276 = arith.addi %multiple_of3A_557, %add3A_1275 : i32
        %swap3A_1277 = arith.index_cast %add3A_1276 : i32 to index
        %swap3A_1278 = tpu.vector_load %arg11[%swap3A_1277] {strides = array<i32>} : memref<25600xi32, #tpu.memory_space<vmem>>, vector<16xi32>,
        %swap3A_1279 = vector.shape_cast %swap3A_1278 : vector<16xi32> to vector<16xi32>
        %swap3A_1280 = vector.shape_cast %bitcast_convert_type3A_1274 : vector<16xi32> to vector<16xi32>
        tpu.vector_store %arg11[%swap3A_1277], %swap3A_1280 {strides = array<i32>} : memref<25600xi32, #tpu.memory_space<vmem>>, vector<16xi32>,
        scf.yield %min3A_1272, %max3A_1273 : vector<16xf32>, vector<16xf32>
      }
      %scan3A_489 = arith.constant 50 : i32
      %bitcast_convert_type3A = tpu.bitcast %scan3A_488#0 : vector<16xf32> -> vector<16xi32>
      %sub3A_490 = arith.constant 1 : i32
      %sub3A_491 = vector.broadcast %sub3A_490 : i32 to vector<16xi32>
      %sub3A_492 = arith.subi %bitcast_convert_type3A, %sub3A_491 : vector<16xi32>
      %bitcast_convert_type3A_493 = tpu.bitcast %scan3A_488#1 : vector<16xf32> -> vector<16xi32>
      %scan3A_494 = arith.constant 0 : i32
      %scan3A_495 = arith.constant 14 : i32
      %scan3A_496 = arith.addi %scan3A_494, %scan3A_495 : i32
      %scan3A_497 = arith.constant 1 : i32
      %scan3A_498:2 = scf.for %scan3A_549 = %scan3A_494 to %scan3A_496 step %scan3A_497 iter_args(%scan3A_550 = %sub3A_492, %scan3A_551 = %bitcast_convert_type3A_493) -> (vector<16xi32>, vector<16xi32>)  : i32 {
        %sub3A_552 = arith.subi %scan3A_551, %scan3A_550 : vector<16xi32>
        %shift_right_arithmetic3A_553 = arith.constant 1 : i32
        %shift_right_arithmetic3A_554 = vector.broadcast %shift_right_arithmetic3A_553 : i32 to vector<16xi32>
        %shift_right_arithmetic3A_555 = arith.shrsi %sub3A_552, %shift_right_arithmetic3A_554 : vector<16xi32>
        %add3A_556 = arith.addi %scan3A_550, %shift_right_arithmetic3A_555 : vector<16xi32>
        %broadcast_in_dim3A_557 = arith.constant 0.000000e+00 : f32
        %broadcast_in_dim3A_558 = vector.broadcast %broadcast_in_dim3A_557 : f32 to vector<16xf32>
        %scan3A_559 = arith.constant 0 : i32
        %scan3A_560 = arith.constant 50 : i32
        %scan3A_561 = arith.addi %scan3A_559, %scan3A_560 : i32
        %scan3A_562 = arith.constant 1 : i32
        %scan3A_563 = scf.for %scan3A_567 = %scan3A_559 to %scan3A_561 step %scan3A_562 iter_args(%scan3A_568 = %broadcast_in_dim3A_558) -> (vector<16xf32>)  : i32 {
          %mul3A_569 = arith.constant 32 : i32
          %mul3A_570 = arith.muli %scan3A_567, %mul3A_569 : i32
          %multiple_of3A_571 = tpu.assume_multiple %mul3A_570, 32 : i32
          %mul3A_572 = arith.constant 512 : i32
          %mul3A_573 = arith.muli %scan3A_567, %mul3A_572 : i32
          %multiple_of3A_574 = tpu.assume_multiple %mul3A_573, 512 : i32
          %add3A_575 = arith.constant 0 : i32
          %add3A_576 = arith.addi %multiple_of3A_571, %add3A_575 : i32
          %get3A_577 = arith.index_cast %add3A_576 : i32 to index
          %get3A_578 = tpu.vector_load %arg10[%get3A_577] {strides = array<i32>} : memref<1600xf32, #tpu.memory_space<vmem>>, vector<16xf32>,
          %get3A_579 = vector.shape_cast %get3A_578 : vector<16xf32> to vector<16xf32>
          %add3A_580 = arith.constant 16 : i32
          %add3A_581 = arith.addi %multiple_of3A_571, %add3A_580 : i32
          %get3A_582 = arith.index_cast %add3A_581 : i32 to index
          %get3A_583 = tpu.vector_load %arg10[%get3A_582] {strides = array<i32>} : memref<1600xf32, #tpu.memory_space<vmem>>, vector<16xf32>,
          %get3A_584 = vector.shape_cast %get3A_583 : vector<16xf32> to vector<16xf32>
          %broadcast_in_dim3A_585 = arith.constant 0 : i32
          %broadcast_in_dim3A_586 = vector.broadcast %broadcast_in_dim3A_585 : i32 to vector<16x1xi32>
          %gather3A_587 = vector.shape_cast %broadcast_in_dim3A_586 : vector<16x1xi32> to vector<16xi32>
          %gather3A_588 = tpu.dynamic_gather %get3A_579[%gather3A_587] in [0] : vector<16xf32>, vector<16xi32> -> vector<16xf32>
          %add3A_589 = arith.constant 0 : i32
          %add3A_590 = arith.addi %multiple_of3A_574, %add3A_589 : i32
          %get3A_591 = arith.index_cast %add3A_590 : i32 to index
          %get3A_592 = tpu.vector_load %arg11[%get3A_591] {strides = array<i32>} : memref<25600xi32, #tpu.memory_space<vmem>>, vector<16xi32>,
          %get3A_593 = vector.shape_cast %get3A_592 : vector<16xi32> to vector<16xi32>
          %le3A = arith.cmpi sle, %get3A_593, %add3A_556 : vector<16xi32>
          %jit3A_594 = arith.constant 0.000000e+00 : f32
          %broadcast_in_dim3A_595 = vector.broadcast %jit3A_594 : f32 to vector<16xf32>
          %select_n3A_596 = arith.select %le3A, %gather3A_588, %broadcast_in_dim3A_595 : vector<16xi1>, vector<16xf32>
          %add3A_597 = arith.addf %scan3A_568, %select_n3A_596 : vector<16xf32>
          %broadcast_in_dim3A_598 = arith.constant 1 : i32
          %broadcast_in_dim3A_599 = vector.broadcast %broadcast_in_dim3A_598 : i32 to vector<16x1xi32>
          %gather3A_600 = vector.shape_cast %broadcast_in_dim3A_599 : vector<16x1xi32> to vector<16xi32>
          %gather3A_601 = tpu.dynamic_gather %get3A_579[%gather3A_600] in [0] : vector<16xf32>, vector<16xi32> -> vector<16xf32>
          %add3A_602 = arith.constant 16 : i32
          %add3A_603 = arith.addi %multiple_of3A_574, %add3A_602 : i32
          %get3A_604 = arith.index_cast %add3A_603 : i32 to index
          %get3A_605 = tpu.vector_load %arg11[%get3A_604] {strides = array<i32>} : memref<25600xi32, #tpu.memory_space<vmem>>, vector<16xi32>,
          %get3A_606 = vector.shape_cast %get3A_605 : vector<16xi32> to vector<16xi32>
          %le3A_607 = arith.cmpi sle, %get3A_606, %add3A_556 : vector<16xi32>
          %jit3A_608 = arith.constant 0.000000e+00 : f32
          %broadcast_in_dim3A_609 = vector.broadcast %jit3A_608 : f32 to vector<16xf32>
          %select_n3A_610 = arith.select %le3A_607, %gather3A_601, %broadcast_in_dim3A_609 : vector<16xi1>, vector<16xf32>
          %add3A_611 = arith.addf %add3A_597, %select_n3A_610 : vector<16xf32>
          %broadcast_in_dim3A_612 = arith.constant 2 : i32
          %broadcast_in_dim3A_613 = vector.broadcast %broadcast_in_dim3A_612 : i32 to vector<16x1xi32>
          %gather3A_614 = vector.shape_cast %broadcast_in_dim3A_613 : vector<16x1xi32> to vector<16xi32>
          %gather3A_615 = tpu.dynamic_gather %get3A_579[%gather3A_614] in [0] : vector<16xf32>, vector<16xi32> -> vector<16xf32>
          %add3A_616 = arith.constant 32 : i32
          %add3A_617 = arith.addi %multiple_of3A_574, %add3A_616 : i32
          %get3A_618 = arith.index_cast %add3A_617 : i32 to index
          %get3A_619 = tpu.vector_load %arg11[%get3A_618] {strides = array<i32>} : memref<25600xi32, #tpu.memory_space<vmem>>, vector<16xi32>,
          %get3A_620 = vector.shape_cast %get3A_619 : vector<16xi32> to vector<16xi32>
          %le3A_621 = arith.cmpi sle, %get3A_620, %add3A_556 : vector<16xi32>
          %jit3A_622 = arith.constant 0.000000e+00 : f32
          %broadcast_in_dim3A_623 = vector.broadcast %jit3A_622 : f32 to vector<16xf32>
          %select_n3A_624 = arith.select %le3A_621, %gather3A_615, %broadcast_in_dim3A_623 : vector<16xi1>, vector<16xf32>
          %add3A_625 = arith.addf %add3A_611, %select_n3A_624 : vector<16xf32>
          %broadcast_in_dim3A_626 = arith.constant 3 : i32
          %broadcast_in_dim3A_627 = vector.broadcast %broadcast_in_dim3A_626 : i32 to vector<16x1xi32>
          %gather3A_628 = vector.shape_cast %broadcast_in_dim3A_627 : vector<16x1xi32> to vector<16xi32>
          %gather3A_629 = tpu.dynamic_gather %get3A_579[%gather3A_628] in [0] : vector<16xf32>, vector<16xi32> -> vector<16xf32>
          %add3A_630 = arith.constant 48 : i32
          %add3A_631 = arith.addi %multiple_of3A_574, %add3A_630 : i32
          %get3A_632 = arith.index_cast %add3A_631 : i32 to index
          %get3A_633 = tpu.vector_load %arg11[%get3A_632] {strides = array<i32>} : memref<25600xi32, #tpu.memory_space<vmem>>, vector<16xi32>,
          %get3A_634 = vector.shape_cast %get3A_633 : vector<16xi32> to vector<16xi32>
          %le3A_635 = arith.cmpi sle, %get3A_634, %add3A_556 : vector<16xi32>
          %jit3A_636 = arith.constant 0.000000e+00 : f32
          %broadcast_in_dim3A_637 = vector.broadcast %jit3A_636 : f32 to vector<16xf32>
          %select_n3A_638 = arith.select %le3A_635, %gather3A_629, %broadcast_in_dim3A_637 : vector<16xi1>, vector<16xf32>
          %add3A_639 = arith.addf %add3A_625, %select_n3A_638 : vector<16xf32>
          %broadcast_in_dim3A_640 = arith.constant 4 : i32
          %broadcast_in_dim3A_641 = vector.broadcast %broadcast_in_dim3A_640 : i32 to vector<16x1xi32>
          %gather3A_642 = vector.shape_cast %broadcast_in_dim3A_641 : vector<16x1xi32> to vector<16xi32>
          %gather3A_643 = tpu.dynamic_gather %get3A_579[%gather3A_642] in [0] : vector<16xf32>, vector<16xi32> -> vector<16xf32>
          %add3A_644 = arith.constant 64 : i32
          %add3A_645 = arith.addi %multiple_of3A_574, %add3A_644 : i32
          %get3A_646 = arith.index_cast %add3A_645 : i32 to index
          %get3A_647 = tpu.vector_load %arg11[%get3A_646] {strides = array<i32>} : memref<25600xi32, #tpu.memory_space<vmem>>, vector<16xi32>,
          %get3A_648 = vector.shape_cast %get3A_647 : vector<16xi32> to vector<16xi32>
          %le3A_649 = arith.cmpi sle, %get3A_648, %add3A_556 : vector<16xi32>
          %jit3A_650 = arith.constant 0.000000e+00 : f32
          %broadcast_in_dim3A_651 = vector.broadcast %jit3A_650 : f32 to vector<16xf32>
          %select_n3A_652 = arith.select %le3A_649, %gather3A_643, %broadcast_in_dim3A_651 : vector<16xi1>, vector<16xf32>
          %add3A_653 = arith.addf %add3A_639, %select_n3A_652 : vector<16xf32>
          %broadcast_in_dim3A_654 = arith.constant 5 : i32
          %broadcast_in_dim3A_655 = vector.broadcast %broadcast_in_dim3A_654 : i32 to vector<16x1xi32>
          %gather3A_656 = vector.shape_cast %broadcast_in_dim3A_655 : vector<16x1xi32> to vector<16xi32>
          %gather3A_657 = tpu.dynamic_gather %get3A_579[%gather3A_656] in [0] : vector<16xf32>, vector<16xi32> -> vector<16xf32>
          %add3A_658 = arith.constant 80 : i32
          %add3A_659 = arith.addi %multiple_of3A_574, %add3A_658 : i32
          %get3A_660 = arith.index_cast %add3A_659 : i32 to index
          %get3A_661 = tpu.vector_load %arg11[%get3A_660] {strides = array<i32>} : memref<25600xi32, #tpu.memory_space<vmem>>, vector<16xi32>,
          %get3A_662 = vector.shape_cast %get3A_661 : vector<16xi32> to vector<16xi32>
          %le3A_663 = arith.cmpi sle, %get3A_662, %add3A_556 : vector<16xi32>
          %jit3A_664 = arith.constant 0.000000e+00 : f32
          %broadcast_in_dim3A_665 = vector.broadcast %jit3A_664 : f32 to vector<16xf32>
          %select_n3A_666 = arith.select %le3A_663, %gather3A_657, %broadcast_in_dim3A_665 : vector<16xi1>, vector<16xf32>
          %add3A_667 = arith.addf %add3A_653, %select_n3A_666 : vector<16xf32>
          %broadcast_in_dim3A_668 = arith.constant 6 : i32
          %broadcast_in_dim3A_669 = vector.broadcast %broadcast_in_dim3A_668 : i32 to vector<16x1xi32>
          %gather3A_670 = vector.shape_cast %broadcast_in_dim3A_669 : vector<16x1xi32> to vector<16xi32>
          %gather3A_671 = tpu.dynamic_gather %get3A_579[%gather3A_670] in [0] : vector<16xf32>, vector<16xi32> -> vector<16xf32>
          %add3A_672 = arith.constant 96 : i32
          %add3A_673 = arith.addi %multiple_of3A_574, %add3A_672 : i32
          %get3A_674 = arith.index_cast %add3A_673 : i32 to index
          %get3A_675 = tpu.vector_load %arg11[%get3A_674] {strides = array<i32>} : memref<25600xi32, #tpu.memory_space<vmem>>, vector<16xi32>,
          %get3A_676 = vector.shape_cast %get3A_675 : vector<16xi32> to vector<16xi32>
          %le3A_677 = arith.cmpi sle, %get3A_676, %add3A_556 : vector<16xi32>
          %jit3A_678 = arith.constant 0.000000e+00 : f32
          %broadcast_in_dim3A_679 = vector.broadcast %jit3A_678 : f32 to vector<16xf32>
          %select_n3A_680 = arith.select %le3A_677, %gather3A_671, %broadcast_in_dim3A_679 : vector<16xi1>, vector<16xf32>
          %add3A_681 = arith.addf %add3A_667, %select_n3A_680 : vector<16xf32>
          %broadcast_in_dim3A_682 = arith.constant 7 : i32
          %broadcast_in_dim3A_683 = vector.broadcast %broadcast_in_dim3A_682 : i32 to vector<16x1xi32>
          %gather3A_684 = vector.shape_cast %broadcast_in_dim3A_683 : vector<16x1xi32> to vector<16xi32>
          %gather3A_685 = tpu.dynamic_gather %get3A_579[%gather3A_684] in [0] : vector<16xf32>, vector<16xi32> -> vector<16xf32>
          %add3A_686 = arith.constant 112 : i32
          %add3A_687 = arith.addi %multiple_of3A_574, %add3A_686 : i32
          %get3A_688 = arith.index_cast %add3A_687 : i32 to index
          %get3A_689 = tpu.vector_load %arg11[%get3A_688] {strides = array<i32>} : memref<25600xi32, #tpu.memory_space<vmem>>, vector<16xi32>,
          %get3A_690 = vector.shape_cast %get3A_689 : vector<16xi32> to vector<16xi32>
          %le3A_691 = arith.cmpi sle, %get3A_690, %add3A_556 : vector<16xi32>
          %jit3A_692 = arith.constant 0.000000e+00 : f32
          %broadcast_in_dim3A_693 = vector.broadcast %jit3A_692 : f32 to vector<16xf32>
          %select_n3A_694 = arith.select %le3A_691, %gather3A_685, %broadcast_in_dim3A_693 : vector<16xi1>, vector<16xf32>
          %add3A_695 = arith.addf %add3A_681, %select_n3A_694 : vector<16xf32>
          %broadcast_in_dim3A_696 = arith.constant 8 : i32
          %broadcast_in_dim3A_697 = vector.broadcast %broadcast_in_dim3A_696 : i32 to vector<16x1xi32>
          %gather3A_698 = vector.shape_cast %broadcast_in_dim3A_697 : vector<16x1xi32> to vector<16xi32>
          %gather3A_699 = tpu.dynamic_gather %get3A_579[%gather3A_698] in [0] : vector<16xf32>, vector<16xi32> -> vector<16xf32>
          %add3A_700 = arith.constant 128 : i32
          %add3A_701 = arith.addi %multiple_of3A_574, %add3A_700 : i32
          %get3A_702 = arith.index_cast %add3A_701 : i32 to index
          %get3A_703 = tpu.vector_load %arg11[%get3A_702] {strides = array<i32>} : memref<25600xi32, #tpu.memory_space<vmem>>, vector<16xi32>,
          %get3A_704 = vector.shape_cast %get3A_703 : vector<16xi32> to vector<16xi32>
          %le3A_705 = arith.cmpi sle, %get3A_704, %add3A_556 : vector<16xi32>
          %jit3A_706 = arith.constant 0.000000e+00 : f32
          %broadcast_in_dim3A_707 = vector.broadcast %jit3A_706 : f32 to vector<16xf32>
          %select_n3A_708 = arith.select %le3A_705, %gather3A_699, %broadcast_in_dim3A_707 : vector<16xi1>, vector<16xf32>
          %add3A_709 = arith.addf %add3A_695, %select_n3A_708 : vector<16xf32>
          %broadcast_in_dim3A_710 = arith.constant 9 : i32
          %broadcast_in_dim3A_711 = vector.broadcast %broadcast_in_dim3A_710 : i32 to vector<16x1xi32>
          %gather3A_712 = vector.shape_cast %broadcast_in_dim3A_711 : vector<16x1xi32> to vector<16xi32>
          %gather3A_713 = tpu.dynamic_gather %get3A_579[%gather3A_712] in [0] : vector<16xf32>, vector<16xi32> -> vector<16xf32>
          %add3A_714 = arith.constant 144 : i32
          %add3A_715 = arith.addi %multiple_of3A_574, %add3A_714 : i32
          %get3A_716 = arith.index_cast %add3A_715 : i32 to index
          %get3A_717 = tpu.vector_load %arg11[%get3A_716] {strides = array<i32>} : memref<25600xi32, #tpu.memory_space<vmem>>, vector<16xi32>,
          %get3A_718 = vector.shape_cast %get3A_717 : vector<16xi32> to vector<16xi32>
          %le3A_719 = arith.cmpi sle, %get3A_718, %add3A_556 : vector<16xi32>
          %jit3A_720 = arith.constant 0.000000e+00 : f32
          %broadcast_in_dim3A_721 = vector.broadcast %jit3A_720 : f32 to vector<16xf32>
          %select_n3A_722 = arith.select %le3A_719, %gather3A_713, %broadcast_in_dim3A_721 : vector<16xi1>, vector<16xf32>
          %add3A_723 = arith.addf %add3A_709, %select_n3A_722 : vector<16xf32>
          %broadcast_in_dim3A_724 = arith.constant 10 : i32
          %broadcast_in_dim3A_725 = vector.broadcast %broadcast_in_dim3A_724 : i32 to vector<16x1xi32>
          %gather3A_726 = vector.shape_cast %broadcast_in_dim3A_725 : vector<16x1xi32> to vector<16xi32>
          %gather3A_727 = tpu.dynamic_gather %get3A_579[%gather3A_726] in [0] : vector<16xf32>, vector<16xi32> -> vector<16xf32>
          %add3A_728 = arith.constant 160 : i32
          %add3A_729 = arith.addi %multiple_of3A_574, %add3A_728 : i32
          %get3A_730 = arith.index_cast %add3A_729 : i32 to index
          %get3A_731 = tpu.vector_load %arg11[%get3A_730] {strides = array<i32>} : memref<25600xi32, #tpu.memory_space<vmem>>, vector<16xi32>,
          %get3A_732 = vector.shape_cast %get3A_731 : vector<16xi32> to vector<16xi32>
          %le3A_733 = arith.cmpi sle, %get3A_732, %add3A_556 : vector<16xi32>
          %jit3A_734 = arith.constant 0.000000e+00 : f32
          %broadcast_in_dim3A_735 = vector.broadcast %jit3A_734 : f32 to vector<16xf32>
          %select_n3A_736 = arith.select %le3A_733, %gather3A_727, %broadcast_in_dim3A_735 : vector<16xi1>, vector<16xf32>
          %add3A_737 = arith.addf %add3A_723, %select_n3A_736 : vector<16xf32>
          %broadcast_in_dim3A_738 = arith.constant 11 : i32
          %broadcast_in_dim3A_739 = vector.broadcast %broadcast_in_dim3A_738 : i32 to vector<16x1xi32>
          %gather3A_740 = vector.shape_cast %broadcast_in_dim3A_739 : vector<16x1xi32> to vector<16xi32>
          %gather3A_741 = tpu.dynamic_gather %get3A_579[%gather3A_740] in [0] : vector<16xf32>, vector<16xi32> -> vector<16xf32>
          %add3A_742 = arith.constant 176 : i32
          %add3A_743 = arith.addi %multiple_of3A_574, %add3A_742 : i32
          %get3A_744 = arith.index_cast %add3A_743 : i32 to index
          %get3A_745 = tpu.vector_load %arg11[%get3A_744] {strides = array<i32>} : memref<25600xi32, #tpu.memory_space<vmem>>, vector<16xi32>,
          %get3A_746 = vector.shape_cast %get3A_745 : vector<16xi32> to vector<16xi32>
          %le3A_747 = arith.cmpi sle, %get3A_746, %add3A_556 : vector<16xi32>
          %jit3A_748 = arith.constant 0.000000e+00 : f32
          %broadcast_in_dim3A_749 = vector.broadcast %jit3A_748 : f32 to vector<16xf32>
          %select_n3A_750 = arith.select %le3A_747, %gather3A_741, %broadcast_in_dim3A_749 : vector<16xi1>, vector<16xf32>
          %add3A_751 = arith.addf %add3A_737, %select_n3A_750 : vector<16xf32>
          %broadcast_in_dim3A_752 = arith.constant 12 : i32
          %broadcast_in_dim3A_753 = vector.broadcast %broadcast_in_dim3A_752 : i32 to vector<16x1xi32>
          %gather3A_754 = vector.shape_cast %broadcast_in_dim3A_753 : vector<16x1xi32> to vector<16xi32>
          %gather3A_755 = tpu.dynamic_gather %get3A_579[%gather3A_754] in [0] : vector<16xf32>, vector<16xi32> -> vector<16xf32>
          %add3A_756 = arith.constant 192 : i32
          %add3A_757 = arith.addi %multiple_of3A_574, %add3A_756 : i32
          %get3A_758 = arith.index_cast %add3A_757 : i32 to index
          %get3A_759 = tpu.vector_load %arg11[%get3A_758] {strides = array<i32>} : memref<25600xi32, #tpu.memory_space<vmem>>, vector<16xi32>,
          %get3A_760 = vector.shape_cast %get3A_759 : vector<16xi32> to vector<16xi32>
          %le3A_761 = arith.cmpi sle, %get3A_760, %add3A_556 : vector<16xi32>
          %jit3A_762 = arith.constant 0.000000e+00 : f32
          %broadcast_in_dim3A_763 = vector.broadcast %jit3A_762 : f32 to vector<16xf32>
          %select_n3A_764 = arith.select %le3A_761, %gather3A_755, %broadcast_in_dim3A_763 : vector<16xi1>, vector<16xf32>
          %add3A_765 = arith.addf %add3A_751, %select_n3A_764 : vector<16xf32>
          %broadcast_in_dim3A_766 = arith.constant 13 : i32
          %broadcast_in_dim3A_767 = vector.broadcast %broadcast_in_dim3A_766 : i32 to vector<16x1xi32>
          %gather3A_768 = vector.shape_cast %broadcast_in_dim3A_767 : vector<16x1xi32> to vector<16xi32>
          %gather3A_769 = tpu.dynamic_gather %get3A_579[%gather3A_768] in [0] : vector<16xf32>, vector<16xi32> -> vector<16xf32>
          %add3A_770 = arith.constant 208 : i32
          %add3A_771 = arith.addi %multiple_of3A_574, %add3A_770 : i32
          %get3A_772 = arith.index_cast %add3A_771 : i32 to index
          %get3A_773 = tpu.vector_load %arg11[%get3A_772] {strides = array<i32>} : memref<25600xi32, #tpu.memory_space<vmem>>, vector<16xi32>,
          %get3A_774 = vector.shape_cast %get3A_773 : vector<16xi32> to vector<16xi32>
          %le3A_775 = arith.cmpi sle, %get3A_774, %add3A_556 : vector<16xi32>
          %jit3A_776 = arith.constant 0.000000e+00 : f32
          %broadcast_in_dim3A_777 = vector.broadcast %jit3A_776 : f32 to vector<16xf32>
          %select_n3A_778 = arith.select %le3A_775, %gather3A_769, %broadcast_in_dim3A_777 : vector<16xi1>, vector<16xf32>
          %add3A_779 = arith.addf %add3A_765, %select_n3A_778 : vector<16xf32>
          %broadcast_in_dim3A_780 = arith.constant 14 : i32
          %broadcast_in_dim3A_781 = vector.broadcast %broadcast_in_dim3A_780 : i32 to vector<16x1xi32>
          %gather3A_782 = vector.shape_cast %broadcast_in_dim3A_781 : vector<16x1xi32> to vector<16xi32>
          %gather3A_783 = tpu.dynamic_gather %get3A_579[%gather3A_782] in [0] : vector<16xf32>, vector<16xi32> -> vector<16xf32>
          %add3A_784 = arith.constant 224 : i32
          %add3A_785 = arith.addi %multiple_of3A_574, %add3A_784 : i32
          %get3A_786 = arith.index_cast %add3A_785 : i32 to index
          %get3A_787 = tpu.vector_load %arg11[%get3A_786] {strides = array<i32>} : memref<25600xi32, #tpu.memory_space<vmem>>, vector<16xi32>,
          %get3A_788 = vector.shape_cast %get3A_787 : vector<16xi32> to vector<16xi32>
          %le3A_789 = arith.cmpi sle, %get3A_788, %add3A_556 : vector<16xi32>
          %jit3A_790 = arith.constant 0.000000e+00 : f32
          %broadcast_in_dim3A_791 = vector.broadcast %jit3A_790 : f32 to vector<16xf32>
          %select_n3A_792 = arith.select %le3A_789, %gather3A_783, %broadcast_in_dim3A_791 : vector<16xi1>, vector<16xf32>
          %add3A_793 = arith.addf %add3A_779, %select_n3A_792 : vector<16xf32>
          %broadcast_in_dim3A_794 = arith.constant 15 : i32
          %broadcast_in_dim3A_795 = vector.broadcast %broadcast_in_dim3A_794 : i32 to vector<16x1xi32>
          %gather3A_796 = vector.shape_cast %broadcast_in_dim3A_795 : vector<16x1xi32> to vector<16xi32>
          %gather3A_797 = tpu.dynamic_gather %get3A_579[%gather3A_796] in [0] : vector<16xf32>, vector<16xi32> -> vector<16xf32>
          %add3A_798 = arith.constant 240 : i32
          %add3A_799 = arith.addi %multiple_of3A_574, %add3A_798 : i32
          %get3A_800 = arith.index_cast %add3A_799 : i32 to index
          %get3A_801 = tpu.vector_load %arg11[%get3A_800] {strides = array<i32>} : memref<25600xi32, #tpu.memory_space<vmem>>, vector<16xi32>,
          %get3A_802 = vector.shape_cast %get3A_801 : vector<16xi32> to vector<16xi32>
          %le3A_803 = arith.cmpi sle, %get3A_802, %add3A_556 : vector<16xi32>
          %jit3A_804 = arith.constant 0.000000e+00 : f32
          %broadcast_in_dim3A_805 = vector.broadcast %jit3A_804 : f32 to vector<16xf32>
          %select_n3A_806 = arith.select %le3A_803, %gather3A_797, %broadcast_in_dim3A_805 : vector<16xi1>, vector<16xf32>
          %add3A_807 = arith.addf %add3A_793, %select_n3A_806 : vector<16xf32>
          %broadcast_in_dim3A_808 = arith.constant 0 : i32
          %broadcast_in_dim3A_809 = vector.broadcast %broadcast_in_dim3A_808 : i32 to vector<16x1xi32>
          %gather3A_810 = vector.shape_cast %broadcast_in_dim3A_809 : vector<16x1xi32> to vector<16xi32>
          %gather3A_811 = tpu.dynamic_gather %get3A_584[%gather3A_810] in [0] : vector<16xf32>, vector<16xi32> -> vector<16xf32>
          %add3A_812 = arith.constant 256 : i32
          %add3A_813 = arith.addi %multiple_of3A_574, %add3A_812 : i32
          %get3A_814 = arith.index_cast %add3A_813 : i32 to index
          %get3A_815 = tpu.vector_load %arg11[%get3A_814] {strides = array<i32>} : memref<25600xi32, #tpu.memory_space<vmem>>, vector<16xi32>,
          %get3A_816 = vector.shape_cast %get3A_815 : vector<16xi32> to vector<16xi32>
          %le3A_817 = arith.cmpi sle, %get3A_816, %add3A_556 : vector<16xi32>
          %jit3A_818 = arith.constant 0.000000e+00 : f32
          %broadcast_in_dim3A_819 = vector.broadcast %jit3A_818 : f32 to vector<16xf32>
          %select_n3A_820 = arith.select %le3A_817, %gather3A_811, %broadcast_in_dim3A_819 : vector<16xi1>, vector<16xf32>
          %add3A_821 = arith.addf %add3A_807, %select_n3A_820 : vector<16xf32>
          %broadcast_in_dim3A_822 = arith.constant 1 : i32
          %broadcast_in_dim3A_823 = vector.broadcast %broadcast_in_dim3A_822 : i32 to vector<16x1xi32>
          %gather3A_824 = vector.shape_cast %broadcast_in_dim3A_823 : vector<16x1xi32> to vector<16xi32>
          %gather3A_825 = tpu.dynamic_gather %get3A_584[%gather3A_824] in [0] : vector<16xf32>, vector<16xi32> -> vector<16xf32>
          %add3A_826 = arith.constant 272 : i32
          %add3A_827 = arith.addi %multiple_of3A_574, %add3A_826 : i32
          %get3A_828 = arith.index_cast %add3A_827 : i32 to index
          %get3A_829 = tpu.vector_load %arg11[%get3A_828] {strides = array<i32>} : memref<25600xi32, #tpu.memory_space<vmem>>, vector<16xi32>,
          %get3A_830 = vector.shape_cast %get3A_829 : vector<16xi32> to vector<16xi32>
          %le3A_831 = arith.cmpi sle, %get3A_830, %add3A_556 : vector<16xi32>
          %jit3A_832 = arith.constant 0.000000e+00 : f32
          %broadcast_in_dim3A_833 = vector.broadcast %jit3A_832 : f32 to vector<16xf32>
          %select_n3A_834 = arith.select %le3A_831, %gather3A_825, %broadcast_in_dim3A_833 : vector<16xi1>, vector<16xf32>
          %add3A_835 = arith.addf %add3A_821, %select_n3A_834 : vector<16xf32>
          %broadcast_in_dim3A_836 = arith.constant 2 : i32
          %broadcast_in_dim3A_837 = vector.broadcast %broadcast_in_dim3A_836 : i32 to vector<16x1xi32>
          %gather3A_838 = vector.shape_cast %broadcast_in_dim3A_837 : vector<16x1xi32> to vector<16xi32>
          %gather3A_839 = tpu.dynamic_gather %get3A_584[%gather3A_838] in [0] : vector<16xf32>, vector<16xi32> -> vector<16xf32>
          %add3A_840 = arith.constant 288 : i32
          %add3A_841 = arith.addi %multiple_of3A_574, %add3A_840 : i32
          %get3A_842 = arith.index_cast %add3A_841 : i32 to index
          %get3A_843 = tpu.vector_load %arg11[%get3A_842] {strides = array<i32>} : memref<25600xi32, #tpu.memory_space<vmem>>, vector<16xi32>,
          %get3A_844 = vector.shape_cast %get3A_843 : vector<16xi32> to vector<16xi32>
          %le3A_845 = arith.cmpi sle, %get3A_844, %add3A_556 : vector<16xi32>
          %jit3A_846 = arith.constant 0.000000e+00 : f32
          %broadcast_in_dim3A_847 = vector.broadcast %jit3A_846 : f32 to vector<16xf32>
          %select_n3A_848 = arith.select %le3A_845, %gather3A_839, %broadcast_in_dim3A_847 : vector<16xi1>, vector<16xf32>
          %add3A_849 = arith.addf %add3A_835, %select_n3A_848 : vector<16xf32>
          %broadcast_in_dim3A_850 = arith.constant 3 : i32
          %broadcast_in_dim3A_851 = vector.broadcast %broadcast_in_dim3A_850 : i32 to vector<16x1xi32>
          %gather3A_852 = vector.shape_cast %broadcast_in_dim3A_851 : vector<16x1xi32> to vector<16xi32>
          %gather3A_853 = tpu.dynamic_gather %get3A_584[%gather3A_852] in [0] : vector<16xf32>, vector<16xi32> -> vector<16xf32>
          %add3A_854 = arith.constant 304 : i32
          %add3A_855 = arith.addi %multiple_of3A_574, %add3A_854 : i32
          %get3A_856 = arith.index_cast %add3A_855 : i32 to index
          %get3A_857 = tpu.vector_load %arg11[%get3A_856] {strides = array<i32>} : memref<25600xi32, #tpu.memory_space<vmem>>, vector<16xi32>,
          %get3A_858 = vector.shape_cast %get3A_857 : vector<16xi32> to vector<16xi32>
          %le3A_859 = arith.cmpi sle, %get3A_858, %add3A_556 : vector<16xi32>
          %jit3A_860 = arith.constant 0.000000e+00 : f32
          %broadcast_in_dim3A_861 = vector.broadcast %jit3A_860 : f32 to vector<16xf32>
          %select_n3A_862 = arith.select %le3A_859, %gather3A_853, %broadcast_in_dim3A_861 : vector<16xi1>, vector<16xf32>
          %add3A_863 = arith.addf %add3A_849, %select_n3A_862 : vector<16xf32>
          %broadcast_in_dim3A_864 = arith.constant 4 : i32
          %broadcast_in_dim3A_865 = vector.broadcast %broadcast_in_dim3A_864 : i32 to vector<16x1xi32>
          %gather3A_866 = vector.shape_cast %broadcast_in_dim3A_865 : vector<16x1xi32> to vector<16xi32>
          %gather3A_867 = tpu.dynamic_gather %get3A_584[%gather3A_866] in [0] : vector<16xf32>, vector<16xi32> -> vector<16xf32>
          %add3A_868 = arith.constant 320 : i32
          %add3A_869 = arith.addi %multiple_of3A_574, %add3A_868 : i32
          %get3A_870 = arith.index_cast %add3A_869 : i32 to index
          %get3A_871 = tpu.vector_load %arg11[%get3A_870] {strides = array<i32>} : memref<25600xi32, #tpu.memory_space<vmem>>, vector<16xi32>,
          %get3A_872 = vector.shape_cast %get3A_871 : vector<16xi32> to vector<16xi32>
          %le3A_873 = arith.cmpi sle, %get3A_872, %add3A_556 : vector<16xi32>
          %jit3A_874 = arith.constant 0.000000e+00 : f32
          %broadcast_in_dim3A_875 = vector.broadcast %jit3A_874 : f32 to vector<16xf32>
          %select_n3A_876 = arith.select %le3A_873, %gather3A_867, %broadcast_in_dim3A_875 : vector<16xi1>, vector<16xf32>
          %add3A_877 = arith.addf %add3A_863, %select_n3A_876 : vector<16xf32>
          %broadcast_in_dim3A_878 = arith.constant 5 : i32
          %broadcast_in_dim3A_879 = vector.broadcast %broadcast_in_dim3A_878 : i32 to vector<16x1xi32>
          %gather3A_880 = vector.shape_cast %broadcast_in_dim3A_879 : vector<16x1xi32> to vector<16xi32>
          %gather3A_881 = tpu.dynamic_gather %get3A_584[%gather3A_880] in [0] : vector<16xf32>, vector<16xi32> -> vector<16xf32>
          %add3A_882 = arith.constant 336 : i32
          %add3A_883 = arith.addi %multiple_of3A_574, %add3A_882 : i32
          %get3A_884 = arith.index_cast %add3A_883 : i32 to index
          %get3A_885 = tpu.vector_load %arg11[%get3A_884] {strides = array<i32>} : memref<25600xi32, #tpu.memory_space<vmem>>, vector<16xi32>,
          %get3A_886 = vector.shape_cast %get3A_885 : vector<16xi32> to vector<16xi32>
          %le3A_887 = arith.cmpi sle, %get3A_886, %add3A_556 : vector<16xi32>
          %jit3A_888 = arith.constant 0.000000e+00 : f32
          %broadcast_in_dim3A_889 = vector.broadcast %jit3A_888 : f32 to vector<16xf32>
          %select_n3A_890 = arith.select %le3A_887, %gather3A_881, %broadcast_in_dim3A_889 : vector<16xi1>, vector<16xf32>
          %add3A_891 = arith.addf %add3A_877, %select_n3A_890 : vector<16xf32>
          %broadcast_in_dim3A_892 = arith.constant 6 : i32
          %broadcast_in_dim3A_893 = vector.broadcast %broadcast_in_dim3A_892 : i32 to vector<16x1xi32>
          %gather3A_894 = vector.shape_cast %broadcast_in_dim3A_893 : vector<16x1xi32> to vector<16xi32>
          %gather3A_895 = tpu.dynamic_gather %get3A_584[%gather3A_894] in [0] : vector<16xf32>, vector<16xi32> -> vector<16xf32>
          %add3A_896 = arith.constant 352 : i32
          %add3A_897 = arith.addi %multiple_of3A_574, %add3A_896 : i32
          %get3A_898 = arith.index_cast %add3A_897 : i32 to index
          %get3A_899 = tpu.vector_load %arg11[%get3A_898] {strides = array<i32>} : memref<25600xi32, #tpu.memory_space<vmem>>, vector<16xi32>,
          %get3A_900 = vector.shape_cast %get3A_899 : vector<16xi32> to vector<16xi32>
          %le3A_901 = arith.cmpi sle, %get3A_900, %add3A_556 : vector<16xi32>
          %jit3A_902 = arith.constant 0.000000e+00 : f32
          %broadcast_in_dim3A_903 = vector.broadcast %jit3A_902 : f32 to vector<16xf32>
          %select_n3A_904 = arith.select %le3A_901, %gather3A_895, %broadcast_in_dim3A_903 : vector<16xi1>, vector<16xf32>
          %add3A_905 = arith.addf %add3A_891, %select_n3A_904 : vector<16xf32>
          %broadcast_in_dim3A_906 = arith.constant 7 : i32
          %broadcast_in_dim3A_907 = vector.broadcast %broadcast_in_dim3A_906 : i32 to vector<16x1xi32>
          %gather3A_908 = vector.shape_cast %broadcast_in_dim3A_907 : vector<16x1xi32> to vector<16xi32>
          %gather3A_909 = tpu.dynamic_gather %get3A_584[%gather3A_908] in [0] : vector<16xf32>, vector<16xi32> -> vector<16xf32>
          %add3A_910 = arith.constant 368 : i32
          %add3A_911 = arith.addi %multiple_of3A_574, %add3A_910 : i32
          %get3A_912 = arith.index_cast %add3A_911 : i32 to index
          %get3A_913 = tpu.vector_load %arg11[%get3A_912] {strides = array<i32>} : memref<25600xi32, #tpu.memory_space<vmem>>, vector<16xi32>,
          %get3A_914 = vector.shape_cast %get3A_913 : vector<16xi32> to vector<16xi32>
          %le3A_915 = arith.cmpi sle, %get3A_914, %add3A_556 : vector<16xi32>
          %jit3A_916 = arith.constant 0.000000e+00 : f32
          %broadcast_in_dim3A_917 = vector.broadcast %jit3A_916 : f32 to vector<16xf32>
          %select_n3A_918 = arith.select %le3A_915, %gather3A_909, %broadcast_in_dim3A_917 : vector<16xi1>, vector<16xf32>
          %add3A_919 = arith.addf %add3A_905, %select_n3A_918 : vector<16xf32>
          %broadcast_in_dim3A_920 = arith.constant 8 : i32
          %broadcast_in_dim3A_921 = vector.broadcast %broadcast_in_dim3A_920 : i32 to vector<16x1xi32>
          %gather3A_922 = vector.shape_cast %broadcast_in_dim3A_921 : vector<16x1xi32> to vector<16xi32>
          %gather3A_923 = tpu.dynamic_gather %get3A_584[%gather3A_922] in [0] : vector<16xf32>, vector<16xi32> -> vector<16xf32>
          %add3A_924 = arith.constant 384 : i32
          %add3A_925 = arith.addi %multiple_of3A_574, %add3A_924 : i32
          %get3A_926 = arith.index_cast %add3A_925 : i32 to index
          %get3A_927 = tpu.vector_load %arg11[%get3A_926] {strides = array<i32>} : memref<25600xi32, #tpu.memory_space<vmem>>, vector<16xi32>,
          %get3A_928 = vector.shape_cast %get3A_927 : vector<16xi32> to vector<16xi32>
          %le3A_929 = arith.cmpi sle, %get3A_928, %add3A_556 : vector<16xi32>
          %jit3A_930 = arith.constant 0.000000e+00 : f32
          %broadcast_in_dim3A_931 = vector.broadcast %jit3A_930 : f32 to vector<16xf32>
          %select_n3A_932 = arith.select %le3A_929, %gather3A_923, %broadcast_in_dim3A_931 : vector<16xi1>, vector<16xf32>
          %add3A_933 = arith.addf %add3A_919, %select_n3A_932 : vector<16xf32>
          %broadcast_in_dim3A_934 = arith.constant 9 : i32
          %broadcast_in_dim3A_935 = vector.broadcast %broadcast_in_dim3A_934 : i32 to vector<16x1xi32>
          %gather3A_936 = vector.shape_cast %broadcast_in_dim3A_935 : vector<16x1xi32> to vector<16xi32>
          %gather3A_937 = tpu.dynamic_gather %get3A_584[%gather3A_936] in [0] : vector<16xf32>, vector<16xi32> -> vector<16xf32>
          %add3A_938 = arith.constant 400 : i32
          %add3A_939 = arith.addi %multiple_of3A_574, %add3A_938 : i32
          %get3A_940 = arith.index_cast %add3A_939 : i32 to index
          %get3A_941 = tpu.vector_load %arg11[%get3A_940] {strides = array<i32>} : memref<25600xi32, #tpu.memory_space<vmem>>, vector<16xi32>,
          %get3A_942 = vector.shape_cast %get3A_941 : vector<16xi32> to vector<16xi32>
          %le3A_943 = arith.cmpi sle, %get3A_942, %add3A_556 : vector<16xi32>
          %jit3A_944 = arith.constant 0.000000e+00 : f32
          %broadcast_in_dim3A_945 = vector.broadcast %jit3A_944 : f32 to vector<16xf32>
          %select_n3A_946 = arith.select %le3A_943, %gather3A_937, %broadcast_in_dim3A_945 : vector<16xi1>, vector<16xf32>
          %add3A_947 = arith.addf %add3A_933, %select_n3A_946 : vector<16xf32>
          %broadcast_in_dim3A_948 = arith.constant 10 : i32
          %broadcast_in_dim3A_949 = vector.broadcast %broadcast_in_dim3A_948 : i32 to vector<16x1xi32>
          %gather3A_950 = vector.shape_cast %broadcast_in_dim3A_949 : vector<16x1xi32> to vector<16xi32>
          %gather3A_951 = tpu.dynamic_gather %get3A_584[%gather3A_950] in [0] : vector<16xf32>, vector<16xi32> -> vector<16xf32>
          %add3A_952 = arith.constant 416 : i32
          %add3A_953 = arith.addi %multiple_of3A_574, %add3A_952 : i32
          %get3A_954 = arith.index_cast %add3A_953 : i32 to index
          %get3A_955 = tpu.vector_load %arg11[%get3A_954] {strides = array<i32>} : memref<25600xi32, #tpu.memory_space<vmem>>, vector<16xi32>,
          %get3A_956 = vector.shape_cast %get3A_955 : vector<16xi32> to vector<16xi32>
          %le3A_957 = arith.cmpi sle, %get3A_956, %add3A_556 : vector<16xi32>
          %jit3A_958 = arith.constant 0.000000e+00 : f32
          %broadcast_in_dim3A_959 = vector.broadcast %jit3A_958 : f32 to vector<16xf32>
          %select_n3A_960 = arith.select %le3A_957, %gather3A_951, %broadcast_in_dim3A_959 : vector<16xi1>, vector<16xf32>
          %add3A_961 = arith.addf %add3A_947, %select_n3A_960 : vector<16xf32>
          %broadcast_in_dim3A_962 = arith.constant 11 : i32
          %broadcast_in_dim3A_963 = vector.broadcast %broadcast_in_dim3A_962 : i32 to vector<16x1xi32>
          %gather3A_964 = vector.shape_cast %broadcast_in_dim3A_963 : vector<16x1xi32> to vector<16xi32>
          %gather3A_965 = tpu.dynamic_gather %get3A_584[%gather3A_964] in [0] : vector<16xf32>, vector<16xi32> -> vector<16xf32>
          %add3A_966 = arith.constant 432 : i32
          %add3A_967 = arith.addi %multiple_of3A_574, %add3A_966 : i32
          %get3A_968 = arith.index_cast %add3A_967 : i32 to index
          %get3A_969 = tpu.vector_load %arg11[%get3A_968] {strides = array<i32>} : memref<25600xi32, #tpu.memory_space<vmem>>, vector<16xi32>,
          %get3A_970 = vector.shape_cast %get3A_969 : vector<16xi32> to vector<16xi32>
          %le3A_971 = arith.cmpi sle, %get3A_970, %add3A_556 : vector<16xi32>
          %jit3A_972 = arith.constant 0.000000e+00 : f32
          %broadcast_in_dim3A_973 = vector.broadcast %jit3A_972 : f32 to vector<16xf32>
          %select_n3A_974 = arith.select %le3A_971, %gather3A_965, %broadcast_in_dim3A_973 : vector<16xi1>, vector<16xf32>
          %add3A_975 = arith.addf %add3A_961, %select_n3A_974 : vector<16xf32>
          %broadcast_in_dim3A_976 = arith.constant 12 : i32
          %broadcast_in_dim3A_977 = vector.broadcast %broadcast_in_dim3A_976 : i32 to vector<16x1xi32>
          %gather3A_978 = vector.shape_cast %broadcast_in_dim3A_977 : vector<16x1xi32> to vector<16xi32>
          %gather3A_979 = tpu.dynamic_gather %get3A_584[%gather3A_978] in [0] : vector<16xf32>, vector<16xi32> -> vector<16xf32>
          %add3A_980 = arith.constant 448 : i32
          %add3A_981 = arith.addi %multiple_of3A_574, %add3A_980 : i32
          %get3A_982 = arith.index_cast %add3A_981 : i32 to index
          %get3A_983 = tpu.vector_load %arg11[%get3A_982] {strides = array<i32>} : memref<25600xi32, #tpu.memory_space<vmem>>, vector<16xi32>,
          %get3A_984 = vector.shape_cast %get3A_983 : vector<16xi32> to vector<16xi32>
          %le3A_985 = arith.cmpi sle, %get3A_984, %add3A_556 : vector<16xi32>
          %jit3A_986 = arith.constant 0.000000e+00 : f32
          %broadcast_in_dim3A_987 = vector.broadcast %jit3A_986 : f32 to vector<16xf32>
          %select_n3A_988 = arith.select %le3A_985, %gather3A_979, %broadcast_in_dim3A_987 : vector<16xi1>, vector<16xf32>
          %add3A_989 = arith.addf %add3A_975, %select_n3A_988 : vector<16xf32>
          %broadcast_in_dim3A_990 = arith.constant 13 : i32
          %broadcast_in_dim3A_991 = vector.broadcast %broadcast_in_dim3A_990 : i32 to vector<16x1xi32>
          %gather3A_992 = vector.shape_cast %broadcast_in_dim3A_991 : vector<16x1xi32> to vector<16xi32>
          %gather3A_993 = tpu.dynamic_gather %get3A_584[%gather3A_992] in [0] : vector<16xf32>, vector<16xi32> -> vector<16xf32>
          %add3A_994 = arith.constant 464 : i32
          %add3A_995 = arith.addi %multiple_of3A_574, %add3A_994 : i32
          %get3A_996 = arith.index_cast %add3A_995 : i32 to index
          %get3A_997 = tpu.vector_load %arg11[%get3A_996] {strides = array<i32>} : memref<25600xi32, #tpu.memory_space<vmem>>, vector<16xi32>,
          %get3A_998 = vector.shape_cast %get3A_997 : vector<16xi32> to vector<16xi32>
          %le3A_999 = arith.cmpi sle, %get3A_998, %add3A_556 : vector<16xi32>
          %jit3A_1000 = arith.constant 0.000000e+00 : f32
          %broadcast_in_dim3A_1001 = vector.broadcast %jit3A_1000 : f32 to vector<16xf32>
          %select_n3A_1002 = arith.select %le3A_999, %gather3A_993, %broadcast_in_dim3A_1001 : vector<16xi1>, vector<16xf32>
          %add3A_1003 = arith.addf %add3A_989, %select_n3A_1002 : vector<16xf32>
          %broadcast_in_dim3A_1004 = arith.constant 14 : i32
          %broadcast_in_dim3A_1005 = vector.broadcast %broadcast_in_dim3A_1004 : i32 to vector<16x1xi32>
          %gather3A_1006 = vector.shape_cast %broadcast_in_dim3A_1005 : vector<16x1xi32> to vector<16xi32>
          %gather3A_1007 = tpu.dynamic_gather %get3A_584[%gather3A_1006] in [0] : vector<16xf32>, vector<16xi32> -> vector<16xf32>
          %add3A_1008 = arith.constant 480 : i32
          %add3A_1009 = arith.addi %multiple_of3A_574, %add3A_1008 : i32
          %get3A_1010 = arith.index_cast %add3A_1009 : i32 to index
          %get3A_1011 = tpu.vector_load %arg11[%get3A_1010] {strides = array<i32>} : memref<25600xi32, #tpu.memory_space<vmem>>, vector<16xi32>,
          %get3A_1012 = vector.shape_cast %get3A_1011 : vector<16xi32> to vector<16xi32>
          %le3A_1013 = arith.cmpi sle, %get3A_1012, %add3A_556 : vector<16xi32>
          %jit3A_1014 = arith.constant 0.000000e+00 : f32
          %broadcast_in_dim3A_1015 = vector.broadcast %jit3A_1014 : f32 to vector<16xf32>
          %select_n3A_1016 = arith.select %le3A_1013, %gather3A_1007, %broadcast_in_dim3A_1015 : vector<16xi1>, vector<16xf32>
          %add3A_1017 = arith.addf %add3A_1003, %select_n3A_1016 : vector<16xf32>
          %broadcast_in_dim3A_1018 = arith.constant 15 : i32
          %broadcast_in_dim3A_1019 = vector.broadcast %broadcast_in_dim3A_1018 : i32 to vector<16x1xi32>
          %gather3A_1020 = vector.shape_cast %broadcast_in_dim3A_1019 : vector<16x1xi32> to vector<16xi32>
          %gather3A_1021 = tpu.dynamic_gather %get3A_584[%gather3A_1020] in [0] : vector<16xf32>, vector<16xi32> -> vector<16xf32>
          %add3A_1022 = arith.constant 496 : i32
          %add3A_1023 = arith.addi %multiple_of3A_574, %add3A_1022 : i32
          %get3A_1024 = arith.index_cast %add3A_1023 : i32 to index
          %get3A_1025 = tpu.vector_load %arg11[%get3A_1024] {strides = array<i32>} : memref<25600xi32, #tpu.memory_space<vmem>>, vector<16xi32>,
          %get3A_1026 = vector.shape_cast %get3A_1025 : vector<16xi32> to vector<16xi32>
          %le3A_1027 = arith.cmpi sle, %get3A_1026, %add3A_556 : vector<16xi32>
          %jit3A_1028 = arith.constant 0.000000e+00 : f32
          %broadcast_in_dim3A_1029 = vector.broadcast %jit3A_1028 : f32 to vector<16xf32>
          %select_n3A_1030 = arith.select %le3A_1027, %gather3A_1021, %broadcast_in_dim3A_1029 : vector<16xi1>, vector<16xf32>
          %add3A_1031 = arith.addf %add3A_1017, %select_n3A_1030 : vector<16xf32>
          scf.yield %add3A_1031 : vector<16xf32>
        }
        %scan3A_564 = arith.constant 50 : i32
        %ge3A = arith.cmpf oge, %scan3A_563, %mul3A_463 : vector<16xf32>
        %select_n3A_565 = arith.select %ge3A, %scan3A_550, %add3A_556 : vector<16xi1>, vector<16xi32>
        %select_n3A_566 = arith.select %ge3A, %add3A_556, %scan3A_551 : vector<16xi1>, vector<16xi32>
        scf.yield %select_n3A_565, %select_n3A_566 : vector<16xi32>, vector<16xi32>
      }
      %scan3A_499 = arith.constant 14 : i32
      %scan3A_500 = arith.constant 0 : i32
      %scan3A_501 = arith.constant 50 : i32
      %scan3A_502 = arith.addi %scan3A_500, %scan3A_501 : i32
      %scan3A_503 = arith.constant 1 : i32
      %scan3A_504:2 = scf.for %scan3A_549 = %scan3A_500 to %scan3A_502 step %scan3A_503 iter_args(%scan3A_550 = %broadcast_in_dim3A_483, %scan3A_551 = %broadcast_in_dim3A_483) -> (vector<16xf32>, vector<16xf32>)  : i32 {
        %mul3A_552 = arith.constant 32 : i32
        %mul3A_553 = arith.muli %scan3A_549, %mul3A_552 : i32
        %multiple_of3A_554 = tpu.assume_multiple %mul3A_553, 32 : i32
        %mul3A_555 = arith.constant 512 : i32
        %mul3A_556 = arith.muli %scan3A_549, %mul3A_555 : i32
        %multiple_of3A_557 = tpu.assume_multiple %mul3A_556, 512 : i32
        %add3A_558 = arith.constant 0 : i32
        %add3A_559 = arith.addi %multiple_of3A_554, %add3A_558 : i32
        %get3A_560 = arith.index_cast %add3A_559 : i32 to index
        %get3A_561 = tpu.vector_load %arg10[%get3A_560] {strides = array<i32>} : memref<1600xf32, #tpu.memory_space<vmem>>, vector<16xf32>,
        %get3A_562 = vector.shape_cast %get3A_561 : vector<16xf32> to vector<16xf32>
        %add3A_563 = arith.constant 16 : i32
        %add3A_564 = arith.addi %multiple_of3A_554, %add3A_563 : i32
        %get3A_565 = arith.index_cast %add3A_564 : i32 to index
        %get3A_566 = tpu.vector_load %arg10[%get3A_565] {strides = array<i32>} : memref<1600xf32, #tpu.memory_space<vmem>>, vector<16xf32>,
        %get3A_567 = vector.shape_cast %get3A_566 : vector<16xf32> to vector<16xf32>
        %broadcast_in_dim3A_568 = arith.constant 0 : i32
        %broadcast_in_dim3A_569 = vector.broadcast %broadcast_in_dim3A_568 : i32 to vector<16x1xi32>
        %gather3A_570 = vector.shape_cast %broadcast_in_dim3A_569 : vector<16x1xi32> to vector<16xi32>
        %gather3A_571 = tpu.dynamic_gather %get3A_562[%gather3A_570] in [0] : vector<16xf32>, vector<16xi32> -> vector<16xf32>
        %add3A_572 = arith.constant 0 : i32
        %add3A_573 = arith.addi %multiple_of3A_557, %add3A_572 : i32
        %get3A_574 = arith.index_cast %add3A_573 : i32 to index
        %get3A_575 = tpu.vector_load %arg11[%get3A_574] {strides = array<i32>} : memref<25600xi32, #tpu.memory_space<vmem>>, vector<16xi32>,
        %get3A_576 = vector.shape_cast %get3A_575 : vector<16xi32> to vector<16xi32>
        %lt3A_577 = arith.cmpi slt, %get3A_576, %scan3A_498#1 : vector<16xi32>
        %bitcast_convert_type3A_578 = tpu.bitcast %get3A_576 : vector<16xi32> -> vector<16xf32>
        %jit3A_579 = arith.constant 0.000000e+00 : f32
        %broadcast_in_dim3A_580 = vector.broadcast %jit3A_579 : f32 to vector<16xf32>
        %select_n3A_581 = arith.select %lt3A_577, %gather3A_571, %broadcast_in_dim3A_580 : vector<16xi1>, vector<16xf32>
        %add3A_582 = arith.addf %scan3A_550, %select_n3A_581 : vector<16xf32>
        %mul3A_583 = arith.mulf %gather3A_571, %bitcast_convert_type3A_578 : vector<16xf32>
        %jit3A_584 = arith.constant 0.000000e+00 : f32
        %broadcast_in_dim3A_585 = vector.broadcast %jit3A_584 : f32 to vector<16xf32>
        %select_n3A_586 = arith.select %lt3A_577, %mul3A_583, %broadcast_in_dim3A_585 : vector<16xi1>, vector<16xf32>
        %add3A_587 = arith.addf %scan3A_551, %select_n3A_586 : vector<16xf32>
        %broadcast_in_dim3A_588 = arith.constant 1 : i32
        %broadcast_in_dim3A_589 = vector.broadcast %broadcast_in_dim3A_588 : i32 to vector<16x1xi32>
        %gather3A_590 = vector.shape_cast %broadcast_in_dim3A_589 : vector<16x1xi32> to vector<16xi32>
        %gather3A_591 = tpu.dynamic_gather %get3A_562[%gather3A_590] in [0] : vector<16xf32>, vector<16xi32> -> vector<16xf32>
        %add3A_592 = arith.constant 16 : i32
        %add3A_593 = arith.addi %multiple_of3A_557, %add3A_592 : i32
        %get3A_594 = arith.index_cast %add3A_593 : i32 to index
        %get3A_595 = tpu.vector_load %arg11[%get3A_594] {strides = array<i32>} : memref<25600xi32, #tpu.memory_space<vmem>>, vector<16xi32>,
        %get3A_596 = vector.shape_cast %get3A_595 : vector<16xi32> to vector<16xi32>
        %lt3A_597 = arith.cmpi slt, %get3A_596, %scan3A_498#1 : vector<16xi32>
        %bitcast_convert_type3A_598 = tpu.bitcast %get3A_596 : vector<16xi32> -> vector<16xf32>
        %jit3A_599 = arith.constant 0.000000e+00 : f32
        %broadcast_in_dim3A_600 = vector.broadcast %jit3A_599 : f32 to vector<16xf32>
        %select_n3A_601 = arith.select %lt3A_597, %gather3A_591, %broadcast_in_dim3A_600 : vector<16xi1>, vector<16xf32>
        %add3A_602 = arith.addf %add3A_582, %select_n3A_601 : vector<16xf32>
        %mul3A_603 = arith.mulf %gather3A_591, %bitcast_convert_type3A_598 : vector<16xf32>
        %jit3A_604 = arith.constant 0.000000e+00 : f32
        %broadcast_in_dim3A_605 = vector.broadcast %jit3A_604 : f32 to vector<16xf32>
        %select_n3A_606 = arith.select %lt3A_597, %mul3A_603, %broadcast_in_dim3A_605 : vector<16xi1>, vector<16xf32>
        %add3A_607 = arith.addf %add3A_587, %select_n3A_606 : vector<16xf32>
        %broadcast_in_dim3A_608 = arith.constant 2 : i32
        %broadcast_in_dim3A_609 = vector.broadcast %broadcast_in_dim3A_608 : i32 to vector<16x1xi32>
        %gather3A_610 = vector.shape_cast %broadcast_in_dim3A_609 : vector<16x1xi32> to vector<16xi32>
        %gather3A_611 = tpu.dynamic_gather %get3A_562[%gather3A_610] in [0] : vector<16xf32>, vector<16xi32> -> vector<16xf32>
        %add3A_612 = arith.constant 32 : i32
        %add3A_613 = arith.addi %multiple_of3A_557, %add3A_612 : i32
        %get3A_614 = arith.index_cast %add3A_613 : i32 to index
        %get3A_615 = tpu.vector_load %arg11[%get3A_614] {strides = array<i32>} : memref<25600xi32, #tpu.memory_space<vmem>>, vector<16xi32>,
        %get3A_616 = vector.shape_cast %get3A_615 : vector<16xi32> to vector<16xi32>
        %lt3A_617 = arith.cmpi slt, %get3A_616, %scan3A_498#1 : vector<16xi32>
        %bitcast_convert_type3A_618 = tpu.bitcast %get3A_616 : vector<16xi32> -> vector<16xf32>
        %jit3A_619 = arith.constant 0.000000e+00 : f32
        %broadcast_in_dim3A_620 = vector.broadcast %jit3A_619 : f32 to vector<16xf32>
        %select_n3A_621 = arith.select %lt3A_617, %gather3A_611, %broadcast_in_dim3A_620 : vector<16xi1>, vector<16xf32>
        %add3A_622 = arith.addf %add3A_602, %select_n3A_621 : vector<16xf32>
        %mul3A_623 = arith.mulf %gather3A_611, %bitcast_convert_type3A_618 : vector<16xf32>
        %jit3A_624 = arith.constant 0.000000e+00 : f32
        %broadcast_in_dim3A_625 = vector.broadcast %jit3A_624 : f32 to vector<16xf32>
        %select_n3A_626 = arith.select %lt3A_617, %mul3A_623, %broadcast_in_dim3A_625 : vector<16xi1>, vector<16xf32>
        %add3A_627 = arith.addf %add3A_607, %select_n3A_626 : vector<16xf32>
        %broadcast_in_dim3A_628 = arith.constant 3 : i32
        %broadcast_in_dim3A_629 = vector.broadcast %broadcast_in_dim3A_628 : i32 to vector<16x1xi32>
        %gather3A_630 = vector.shape_cast %broadcast_in_dim3A_629 : vector<16x1xi32> to vector<16xi32>
        %gather3A_631 = tpu.dynamic_gather %get3A_562[%gather3A_630] in [0] : vector<16xf32>, vector<16xi32> -> vector<16xf32>
        %add3A_632 = arith.constant 48 : i32
        %add3A_633 = arith.addi %multiple_of3A_557, %add3A_632 : i32
        %get3A_634 = arith.index_cast %add3A_633 : i32 to index
        %get3A_635 = tpu.vector_load %arg11[%get3A_634] {strides = array<i32>} : memref<25600xi32, #tpu.memory_space<vmem>>, vector<16xi32>,
        %get3A_636 = vector.shape_cast %get3A_635 : vector<16xi32> to vector<16xi32>
        %lt3A_637 = arith.cmpi slt, %get3A_636, %scan3A_498#1 : vector<16xi32>
        %bitcast_convert_type3A_638 = tpu.bitcast %get3A_636 : vector<16xi32> -> vector<16xf32>
        %jit3A_639 = arith.constant 0.000000e+00 : f32
        %broadcast_in_dim3A_640 = vector.broadcast %jit3A_639 : f32 to vector<16xf32>
        %select_n3A_641 = arith.select %lt3A_637, %gather3A_631, %broadcast_in_dim3A_640 : vector<16xi1>, vector<16xf32>
        %add3A_642 = arith.addf %add3A_622, %select_n3A_641 : vector<16xf32>
        %mul3A_643 = arith.mulf %gather3A_631, %bitcast_convert_type3A_638 : vector<16xf32>
        %jit3A_644 = arith.constant 0.000000e+00 : f32
        %broadcast_in_dim3A_645 = vector.broadcast %jit3A_644 : f32 to vector<16xf32>
        %select_n3A_646 = arith.select %lt3A_637, %mul3A_643, %broadcast_in_dim3A_645 : vector<16xi1>, vector<16xf32>
        %add3A_647 = arith.addf %add3A_627, %select_n3A_646 : vector<16xf32>
        %broadcast_in_dim3A_648 = arith.constant 4 : i32
        %broadcast_in_dim3A_649 = vector.broadcast %broadcast_in_dim3A_648 : i32 to vector<16x1xi32>
        %gather3A_650 = vector.shape_cast %broadcast_in_dim3A_649 : vector<16x1xi32> to vector<16xi32>
        %gather3A_651 = tpu.dynamic_gather %get3A_562[%gather3A_650] in [0] : vector<16xf32>, vector<16xi32> -> vector<16xf32>
        %add3A_652 = arith.constant 64 : i32
        %add3A_653 = arith.addi %multiple_of3A_557, %add3A_652 : i32
        %get3A_654 = arith.index_cast %add3A_653 : i32 to index
        %get3A_655 = tpu.vector_load %arg11[%get3A_654] {strides = array<i32>} : memref<25600xi32, #tpu.memory_space<vmem>>, vector<16xi32>,
        %get3A_656 = vector.shape_cast %get3A_655 : vector<16xi32> to vector<16xi32>
        %lt3A_657 = arith.cmpi slt, %get3A_656, %scan3A_498#1 : vector<16xi32>
        %bitcast_convert_type3A_658 = tpu.bitcast %get3A_656 : vector<16xi32> -> vector<16xf32>
        %jit3A_659 = arith.constant 0.000000e+00 : f32
        %broadcast_in_dim3A_660 = vector.broadcast %jit3A_659 : f32 to vector<16xf32>
        %select_n3A_661 = arith.select %lt3A_657, %gather3A_651, %broadcast_in_dim3A_660 : vector<16xi1>, vector<16xf32>
        %add3A_662 = arith.addf %add3A_642, %select_n3A_661 : vector<16xf32>
        %mul3A_663 = arith.mulf %gather3A_651, %bitcast_convert_type3A_658 : vector<16xf32>
        %jit3A_664 = arith.constant 0.000000e+00 : f32
        %broadcast_in_dim3A_665 = vector.broadcast %jit3A_664 : f32 to vector<16xf32>
        %select_n3A_666 = arith.select %lt3A_657, %mul3A_663, %broadcast_in_dim3A_665 : vector<16xi1>, vector<16xf32>
        %add3A_667 = arith.addf %add3A_647, %select_n3A_666 : vector<16xf32>
        %broadcast_in_dim3A_668 = arith.constant 5 : i32
        %broadcast_in_dim3A_669 = vector.broadcast %broadcast_in_dim3A_668 : i32 to vector<16x1xi32>
        %gather3A_670 = vector.shape_cast %broadcast_in_dim3A_669 : vector<16x1xi32> to vector<16xi32>
        %gather3A_671 = tpu.dynamic_gather %get3A_562[%gather3A_670] in [0] : vector<16xf32>, vector<16xi32> -> vector<16xf32>
        %add3A_672 = arith.constant 80 : i32
        %add3A_673 = arith.addi %multiple_of3A_557, %add3A_672 : i32
        %get3A_674 = arith.index_cast %add3A_673 : i32 to index
        %get3A_675 = tpu.vector_load %arg11[%get3A_674] {strides = array<i32>} : memref<25600xi32, #tpu.memory_space<vmem>>, vector<16xi32>,
        %get3A_676 = vector.shape_cast %get3A_675 : vector<16xi32> to vector<16xi32>
        %lt3A_677 = arith.cmpi slt, %get3A_676, %scan3A_498#1 : vector<16xi32>
        %bitcast_convert_type3A_678 = tpu.bitcast %get3A_676 : vector<16xi32> -> vector<16xf32>
        %jit3A_679 = arith.constant 0.000000e+00 : f32
        %broadcast_in_dim3A_680 = vector.broadcast %jit3A_679 : f32 to vector<16xf32>
        %select_n3A_681 = arith.select %lt3A_677, %gather3A_671, %broadcast_in_dim3A_680 : vector<16xi1>, vector<16xf32>
        %add3A_682 = arith.addf %add3A_662, %select_n3A_681 : vector<16xf32>
        %mul3A_683 = arith.mulf %gather3A_671, %bitcast_convert_type3A_678 : vector<16xf32>
        %jit3A_684 = arith.constant 0.000000e+00 : f32
        %broadcast_in_dim3A_685 = vector.broadcast %jit3A_684 : f32 to vector<16xf32>
        %select_n3A_686 = arith.select %lt3A_677, %mul3A_683, %broadcast_in_dim3A_685 : vector<16xi1>, vector<16xf32>
        %add3A_687 = arith.addf %add3A_667, %select_n3A_686 : vector<16xf32>
        %broadcast_in_dim3A_688 = arith.constant 6 : i32
        %broadcast_in_dim3A_689 = vector.broadcast %broadcast_in_dim3A_688 : i32 to vector<16x1xi32>
        %gather3A_690 = vector.shape_cast %broadcast_in_dim3A_689 : vector<16x1xi32> to vector<16xi32>
        %gather3A_691 = tpu.dynamic_gather %get3A_562[%gather3A_690] in [0] : vector<16xf32>, vector<16xi32> -> vector<16xf32>
        %add3A_692 = arith.constant 96 : i32
        %add3A_693 = arith.addi %multiple_of3A_557, %add3A_692 : i32
        %get3A_694 = arith.index_cast %add3A_693 : i32 to index
        %get3A_695 = tpu.vector_load %arg11[%get3A_694] {strides = array<i32>} : memref<25600xi32, #tpu.memory_space<vmem>>, vector<16xi32>,
        %get3A_696 = vector.shape_cast %get3A_695 : vector<16xi32> to vector<16xi32>
        %lt3A_697 = arith.cmpi slt, %get3A_696, %scan3A_498#1 : vector<16xi32>
        %bitcast_convert_type3A_698 = tpu.bitcast %get3A_696 : vector<16xi32> -> vector<16xf32>
        %jit3A_699 = arith.constant 0.000000e+00 : f32
        %broadcast_in_dim3A_700 = vector.broadcast %jit3A_699 : f32 to vector<16xf32>
        %select_n3A_701 = arith.select %lt3A_697, %gather3A_691, %broadcast_in_dim3A_700 : vector<16xi1>, vector<16xf32>
        %add3A_702 = arith.addf %add3A_682, %select_n3A_701 : vector<16xf32>
        %mul3A_703 = arith.mulf %gather3A_691, %bitcast_convert_type3A_698 : vector<16xf32>
        %jit3A_704 = arith.constant 0.000000e+00 : f32
        %broadcast_in_dim3A_705 = vector.broadcast %jit3A_704 : f32 to vector<16xf32>
        %select_n3A_706 = arith.select %lt3A_697, %mul3A_703, %broadcast_in_dim3A_705 : vector<16xi1>, vector<16xf32>
        %add3A_707 = arith.addf %add3A_687, %select_n3A_706 : vector<16xf32>
        %broadcast_in_dim3A_708 = arith.constant 7 : i32
        %broadcast_in_dim3A_709 = vector.broadcast %broadcast_in_dim3A_708 : i32 to vector<16x1xi32>
        %gather3A_710 = vector.shape_cast %broadcast_in_dim3A_709 : vector<16x1xi32> to vector<16xi32>
        %gather3A_711 = tpu.dynamic_gather %get3A_562[%gather3A_710] in [0] : vector<16xf32>, vector<16xi32> -> vector<16xf32>
        %add3A_712 = arith.constant 112 : i32
        %add3A_713 = arith.addi %multiple_of3A_557, %add3A_712 : i32
        %get3A_714 = arith.index_cast %add3A_713 : i32 to index
        %get3A_715 = tpu.vector_load %arg11[%get3A_714] {strides = array<i32>} : memref<25600xi32, #tpu.memory_space<vmem>>, vector<16xi32>,
        %get3A_716 = vector.shape_cast %get3A_715 : vector<16xi32> to vector<16xi32>
        %lt3A_717 = arith.cmpi slt, %get3A_716, %scan3A_498#1 : vector<16xi32>
        %bitcast_convert_type3A_718 = tpu.bitcast %get3A_716 : vector<16xi32> -> vector<16xf32>
        %jit3A_719 = arith.constant 0.000000e+00 : f32
        %broadcast_in_dim3A_720 = vector.broadcast %jit3A_719 : f32 to vector<16xf32>
        %select_n3A_721 = arith.select %lt3A_717, %gather3A_711, %broadcast_in_dim3A_720 : vector<16xi1>, vector<16xf32>
        %add3A_722 = arith.addf %add3A_702, %select_n3A_721 : vector<16xf32>
        %mul3A_723 = arith.mulf %gather3A_711, %bitcast_convert_type3A_718 : vector<16xf32>
        %jit3A_724 = arith.constant 0.000000e+00 : f32
        %broadcast_in_dim3A_725 = vector.broadcast %jit3A_724 : f32 to vector<16xf32>
        %select_n3A_726 = arith.select %lt3A_717, %mul3A_723, %broadcast_in_dim3A_725 : vector<16xi1>, vector<16xf32>
        %add3A_727 = arith.addf %add3A_707, %select_n3A_726 : vector<16xf32>
        %broadcast_in_dim3A_728 = arith.constant 8 : i32
        %broadcast_in_dim3A_729 = vector.broadcast %broadcast_in_dim3A_728 : i32 to vector<16x1xi32>
        %gather3A_730 = vector.shape_cast %broadcast_in_dim3A_729 : vector<16x1xi32> to vector<16xi32>
        %gather3A_731 = tpu.dynamic_gather %get3A_562[%gather3A_730] in [0] : vector<16xf32>, vector<16xi32> -> vector<16xf32>
        %add3A_732 = arith.constant 128 : i32
        %add3A_733 = arith.addi %multiple_of3A_557, %add3A_732 : i32
        %get3A_734 = arith.index_cast %add3A_733 : i32 to index
        %get3A_735 = tpu.vector_load %arg11[%get3A_734] {strides = array<i32>} : memref<25600xi32, #tpu.memory_space<vmem>>, vector<16xi32>,
        %get3A_736 = vector.shape_cast %get3A_735 : vector<16xi32> to vector<16xi32>
        %lt3A_737 = arith.cmpi slt, %get3A_736, %scan3A_498#1 : vector<16xi32>
        %bitcast_convert_type3A_738 = tpu.bitcast %get3A_736 : vector<16xi32> -> vector<16xf32>
        %jit3A_739 = arith.constant 0.000000e+00 : f32
        %broadcast_in_dim3A_740 = vector.broadcast %jit3A_739 : f32 to vector<16xf32>
        %select_n3A_741 = arith.select %lt3A_737, %gather3A_731, %broadcast_in_dim3A_740 : vector<16xi1>, vector<16xf32>
        %add3A_742 = arith.addf %add3A_722, %select_n3A_741 : vector<16xf32>
        %mul3A_743 = arith.mulf %gather3A_731, %bitcast_convert_type3A_738 : vector<16xf32>
        %jit3A_744 = arith.constant 0.000000e+00 : f32
        %broadcast_in_dim3A_745 = vector.broadcast %jit3A_744 : f32 to vector<16xf32>
        %select_n3A_746 = arith.select %lt3A_737, %mul3A_743, %broadcast_in_dim3A_745 : vector<16xi1>, vector<16xf32>
        %add3A_747 = arith.addf %add3A_727, %select_n3A_746 : vector<16xf32>
        %broadcast_in_dim3A_748 = arith.constant 9 : i32
        %broadcast_in_dim3A_749 = vector.broadcast %broadcast_in_dim3A_748 : i32 to vector<16x1xi32>
        %gather3A_750 = vector.shape_cast %broadcast_in_dim3A_749 : vector<16x1xi32> to vector<16xi32>
        %gather3A_751 = tpu.dynamic_gather %get3A_562[%gather3A_750] in [0] : vector<16xf32>, vector<16xi32> -> vector<16xf32>
        %add3A_752 = arith.constant 144 : i32
        %add3A_753 = arith.addi %multiple_of3A_557, %add3A_752 : i32
        %get3A_754 = arith.index_cast %add3A_753 : i32 to index
        %get3A_755 = tpu.vector_load %arg11[%get3A_754] {strides = array<i32>} : memref<25600xi32, #tpu.memory_space<vmem>>, vector<16xi32>,
        %get3A_756 = vector.shape_cast %get3A_755 : vector<16xi32> to vector<16xi32>
        %lt3A_757 = arith.cmpi slt, %get3A_756, %scan3A_498#1 : vector<16xi32>
        %bitcast_convert_type3A_758 = tpu.bitcast %get3A_756 : vector<16xi32> -> vector<16xf32>
        %jit3A_759 = arith.constant 0.000000e+00 : f32
        %broadcast_in_dim3A_760 = vector.broadcast %jit3A_759 : f32 to vector<16xf32>
        %select_n3A_761 = arith.select %lt3A_757, %gather3A_751, %broadcast_in_dim3A_760 : vector<16xi1>, vector<16xf32>
        %add3A_762 = arith.addf %add3A_742, %select_n3A_761 : vector<16xf32>
        %mul3A_763 = arith.mulf %gather3A_751, %bitcast_convert_type3A_758 : vector<16xf32>
        %jit3A_764 = arith.constant 0.000000e+00 : f32
        %broadcast_in_dim3A_765 = vector.broadcast %jit3A_764 : f32 to vector<16xf32>
        %select_n3A_766 = arith.select %lt3A_757, %mul3A_763, %broadcast_in_dim3A_765 : vector<16xi1>, vector<16xf32>
        %add3A_767 = arith.addf %add3A_747, %select_n3A_766 : vector<16xf32>
        %broadcast_in_dim3A_768 = arith.constant 10 : i32
        %broadcast_in_dim3A_769 = vector.broadcast %broadcast_in_dim3A_768 : i32 to vector<16x1xi32>
        %gather3A_770 = vector.shape_cast %broadcast_in_dim3A_769 : vector<16x1xi32> to vector<16xi32>
        %gather3A_771 = tpu.dynamic_gather %get3A_562[%gather3A_770] in [0] : vector<16xf32>, vector<16xi32> -> vector<16xf32>
        %add3A_772 = arith.constant 160 : i32
        %add3A_773 = arith.addi %multiple_of3A_557, %add3A_772 : i32
        %get3A_774 = arith.index_cast %add3A_773 : i32 to index
        %get3A_775 = tpu.vector_load %arg11[%get3A_774] {strides = array<i32>} : memref<25600xi32, #tpu.memory_space<vmem>>, vector<16xi32>,
        %get3A_776 = vector.shape_cast %get3A_775 : vector<16xi32> to vector<16xi32>
        %lt3A_777 = arith.cmpi slt, %get3A_776, %scan3A_498#1 : vector<16xi32>
        %bitcast_convert_type3A_778 = tpu.bitcast %get3A_776 : vector<16xi32> -> vector<16xf32>
        %jit3A_779 = arith.constant 0.000000e+00 : f32
        %broadcast_in_dim3A_780 = vector.broadcast %jit3A_779 : f32 to vector<16xf32>
        %select_n3A_781 = arith.select %lt3A_777, %gather3A_771, %broadcast_in_dim3A_780 : vector<16xi1>, vector<16xf32>
        %add3A_782 = arith.addf %add3A_762, %select_n3A_781 : vector<16xf32>
        %mul3A_783 = arith.mulf %gather3A_771, %bitcast_convert_type3A_778 : vector<16xf32>
        %jit3A_784 = arith.constant 0.000000e+00 : f32
        %broadcast_in_dim3A_785 = vector.broadcast %jit3A_784 : f32 to vector<16xf32>
        %select_n3A_786 = arith.select %lt3A_777, %mul3A_783, %broadcast_in_dim3A_785 : vector<16xi1>, vector<16xf32>
        %add3A_787 = arith.addf %add3A_767, %select_n3A_786 : vector<16xf32>
        %broadcast_in_dim3A_788 = arith.constant 11 : i32
        %broadcast_in_dim3A_789 = vector.broadcast %broadcast_in_dim3A_788 : i32 to vector<16x1xi32>
        %gather3A_790 = vector.shape_cast %broadcast_in_dim3A_789 : vector<16x1xi32> to vector<16xi32>
        %gather3A_791 = tpu.dynamic_gather %get3A_562[%gather3A_790] in [0] : vector<16xf32>, vector<16xi32> -> vector<16xf32>
        %add3A_792 = arith.constant 176 : i32
        %add3A_793 = arith.addi %multiple_of3A_557, %add3A_792 : i32
        %get3A_794 = arith.index_cast %add3A_793 : i32 to index
        %get3A_795 = tpu.vector_load %arg11[%get3A_794] {strides = array<i32>} : memref<25600xi32, #tpu.memory_space<vmem>>, vector<16xi32>,
        %get3A_796 = vector.shape_cast %get3A_795 : vector<16xi32> to vector<16xi32>
        %lt3A_797 = arith.cmpi slt, %get3A_796, %scan3A_498#1 : vector<16xi32>
        %bitcast_convert_type3A_798 = tpu.bitcast %get3A_796 : vector<16xi32> -> vector<16xf32>
        %jit3A_799 = arith.constant 0.000000e+00 : f32
        %broadcast_in_dim3A_800 = vector.broadcast %jit3A_799 : f32 to vector<16xf32>
        %select_n3A_801 = arith.select %lt3A_797, %gather3A_791, %broadcast_in_dim3A_800 : vector<16xi1>, vector<16xf32>
        %add3A_802 = arith.addf %add3A_782, %select_n3A_801 : vector<16xf32>
        %mul3A_803 = arith.mulf %gather3A_791, %bitcast_convert_type3A_798 : vector<16xf32>
        %jit3A_804 = arith.constant 0.000000e+00 : f32
        %broadcast_in_dim3A_805 = vector.broadcast %jit3A_804 : f32 to vector<16xf32>
        %select_n3A_806 = arith.select %lt3A_797, %mul3A_803, %broadcast_in_dim3A_805 : vector<16xi1>, vector<16xf32>
        %add3A_807 = arith.addf %add3A_787, %select_n3A_806 : vector<16xf32>
        %broadcast_in_dim3A_808 = arith.constant 12 : i32
        %broadcast_in_dim3A_809 = vector.broadcast %broadcast_in_dim3A_808 : i32 to vector<16x1xi32>
        %gather3A_810 = vector.shape_cast %broadcast_in_dim3A_809 : vector<16x1xi32> to vector<16xi32>
        %gather3A_811 = tpu.dynamic_gather %get3A_562[%gather3A_810] in [0] : vector<16xf32>, vector<16xi32> -> vector<16xf32>
        %add3A_812 = arith.constant 192 : i32
        %add3A_813 = arith.addi %multiple_of3A_557, %add3A_812 : i32
        %get3A_814 = arith.index_cast %add3A_813 : i32 to index
        %get3A_815 = tpu.vector_load %arg11[%get3A_814] {strides = array<i32>} : memref<25600xi32, #tpu.memory_space<vmem>>, vector<16xi32>,
        %get3A_816 = vector.shape_cast %get3A_815 : vector<16xi32> to vector<16xi32>
        %lt3A_817 = arith.cmpi slt, %get3A_816, %scan3A_498#1 : vector<16xi32>
        %bitcast_convert_type3A_818 = tpu.bitcast %get3A_816 : vector<16xi32> -> vector<16xf32>
        %jit3A_819 = arith.constant 0.000000e+00 : f32
        %broadcast_in_dim3A_820 = vector.broadcast %jit3A_819 : f32 to vector<16xf32>
        %select_n3A_821 = arith.select %lt3A_817, %gather3A_811, %broadcast_in_dim3A_820 : vector<16xi1>, vector<16xf32>
        %add3A_822 = arith.addf %add3A_802, %select_n3A_821 : vector<16xf32>
        %mul3A_823 = arith.mulf %gather3A_811, %bitcast_convert_type3A_818 : vector<16xf32>
        %jit3A_824 = arith.constant 0.000000e+00 : f32
        %broadcast_in_dim3A_825 = vector.broadcast %jit3A_824 : f32 to vector<16xf32>
        %select_n3A_826 = arith.select %lt3A_817, %mul3A_823, %broadcast_in_dim3A_825 : vector<16xi1>, vector<16xf32>
        %add3A_827 = arith.addf %add3A_807, %select_n3A_826 : vector<16xf32>
        %broadcast_in_dim3A_828 = arith.constant 13 : i32
        %broadcast_in_dim3A_829 = vector.broadcast %broadcast_in_dim3A_828 : i32 to vector<16x1xi32>
        %gather3A_830 = vector.shape_cast %broadcast_in_dim3A_829 : vector<16x1xi32> to vector<16xi32>
        %gather3A_831 = tpu.dynamic_gather %get3A_562[%gather3A_830] in [0] : vector<16xf32>, vector<16xi32> -> vector<16xf32>
        %add3A_832 = arith.constant 208 : i32
        %add3A_833 = arith.addi %multiple_of3A_557, %add3A_832 : i32
        %get3A_834 = arith.index_cast %add3A_833 : i32 to index
        %get3A_835 = tpu.vector_load %arg11[%get3A_834] {strides = array<i32>} : memref<25600xi32, #tpu.memory_space<vmem>>, vector<16xi32>,
        %get3A_836 = vector.shape_cast %get3A_835 : vector<16xi32> to vector<16xi32>
        %lt3A_837 = arith.cmpi slt, %get3A_836, %scan3A_498#1 : vector<16xi32>
        %bitcast_convert_type3A_838 = tpu.bitcast %get3A_836 : vector<16xi32> -> vector<16xf32>
        %jit3A_839 = arith.constant 0.000000e+00 : f32
        %broadcast_in_dim3A_840 = vector.broadcast %jit3A_839 : f32 to vector<16xf32>
        %select_n3A_841 = arith.select %lt3A_837, %gather3A_831, %broadcast_in_dim3A_840 : vector<16xi1>, vector<16xf32>
        %add3A_842 = arith.addf %add3A_822, %select_n3A_841 : vector<16xf32>
        %mul3A_843 = arith.mulf %gather3A_831, %bitcast_convert_type3A_838 : vector<16xf32>
        %jit3A_844 = arith.constant 0.000000e+00 : f32
        %broadcast_in_dim3A_845 = vector.broadcast %jit3A_844 : f32 to vector<16xf32>
        %select_n3A_846 = arith.select %lt3A_837, %mul3A_843, %broadcast_in_dim3A_845 : vector<16xi1>, vector<16xf32>
        %add3A_847 = arith.addf %add3A_827, %select_n3A_846 : vector<16xf32>
        %broadcast_in_dim3A_848 = arith.constant 14 : i32
        %broadcast_in_dim3A_849 = vector.broadcast %broadcast_in_dim3A_848 : i32 to vector<16x1xi32>
        %gather3A_850 = vector.shape_cast %broadcast_in_dim3A_849 : vector<16x1xi32> to vector<16xi32>
        %gather3A_851 = tpu.dynamic_gather %get3A_562[%gather3A_850] in [0] : vector<16xf32>, vector<16xi32> -> vector<16xf32>
        %add3A_852 = arith.constant 224 : i32
        %add3A_853 = arith.addi %multiple_of3A_557, %add3A_852 : i32
        %get3A_854 = arith.index_cast %add3A_853 : i32 to index
        %get3A_855 = tpu.vector_load %arg11[%get3A_854] {strides = array<i32>} : memref<25600xi32, #tpu.memory_space<vmem>>, vector<16xi32>,
        %get3A_856 = vector.shape_cast %get3A_855 : vector<16xi32> to vector<16xi32>
        %lt3A_857 = arith.cmpi slt, %get3A_856, %scan3A_498#1 : vector<16xi32>
        %bitcast_convert_type3A_858 = tpu.bitcast %get3A_856 : vector<16xi32> -> vector<16xf32>
        %jit3A_859 = arith.constant 0.000000e+00 : f32
        %broadcast_in_dim3A_860 = vector.broadcast %jit3A_859 : f32 to vector<16xf32>
        %select_n3A_861 = arith.select %lt3A_857, %gather3A_851, %broadcast_in_dim3A_860 : vector<16xi1>, vector<16xf32>
        %add3A_862 = arith.addf %add3A_842, %select_n3A_861 : vector<16xf32>
        %mul3A_863 = arith.mulf %gather3A_851, %bitcast_convert_type3A_858 : vector<16xf32>
        %jit3A_864 = arith.constant 0.000000e+00 : f32
        %broadcast_in_dim3A_865 = vector.broadcast %jit3A_864 : f32 to vector<16xf32>
        %select_n3A_866 = arith.select %lt3A_857, %mul3A_863, %broadcast_in_dim3A_865 : vector<16xi1>, vector<16xf32>
        %add3A_867 = arith.addf %add3A_847, %select_n3A_866 : vector<16xf32>
        %broadcast_in_dim3A_868 = arith.constant 15 : i32
        %broadcast_in_dim3A_869 = vector.broadcast %broadcast_in_dim3A_868 : i32 to vector<16x1xi32>
        %gather3A_870 = vector.shape_cast %broadcast_in_dim3A_869 : vector<16x1xi32> to vector<16xi32>
        %gather3A_871 = tpu.dynamic_gather %get3A_562[%gather3A_870] in [0] : vector<16xf32>, vector<16xi32> -> vector<16xf32>
        %add3A_872 = arith.constant 240 : i32
        %add3A_873 = arith.addi %multiple_of3A_557, %add3A_872 : i32
        %get3A_874 = arith.index_cast %add3A_873 : i32 to index
        %get3A_875 = tpu.vector_load %arg11[%get3A_874] {strides = array<i32>} : memref<25600xi32, #tpu.memory_space<vmem>>, vector<16xi32>,
        %get3A_876 = vector.shape_cast %get3A_875 : vector<16xi32> to vector<16xi32>
        %lt3A_877 = arith.cmpi slt, %get3A_876, %scan3A_498#1 : vector<16xi32>
        %bitcast_convert_type3A_878 = tpu.bitcast %get3A_876 : vector<16xi32> -> vector<16xf32>
        %jit3A_879 = arith.constant 0.000000e+00 : f32
        %broadcast_in_dim3A_880 = vector.broadcast %jit3A_879 : f32 to vector<16xf32>
        %select_n3A_881 = arith.select %lt3A_877, %gather3A_871, %broadcast_in_dim3A_880 : vector<16xi1>, vector<16xf32>
        %add3A_882 = arith.addf %add3A_862, %select_n3A_881 : vector<16xf32>
        %mul3A_883 = arith.mulf %gather3A_871, %bitcast_convert_type3A_878 : vector<16xf32>
        %jit3A_884 = arith.constant 0.000000e+00 : f32
        %broadcast_in_dim3A_885 = vector.broadcast %jit3A_884 : f32 to vector<16xf32>
        %select_n3A_886 = arith.select %lt3A_877, %mul3A_883, %broadcast_in_dim3A_885 : vector<16xi1>, vector<16xf32>
        %add3A_887 = arith.addf %add3A_867, %select_n3A_886 : vector<16xf32>
        %broadcast_in_dim3A_888 = arith.constant 0 : i32
        %broadcast_in_dim3A_889 = vector.broadcast %broadcast_in_dim3A_888 : i32 to vector<16x1xi32>
        %gather3A_890 = vector.shape_cast %broadcast_in_dim3A_889 : vector<16x1xi32> to vector<16xi32>
        %gather3A_891 = tpu.dynamic_gather %get3A_567[%gather3A_890] in [0] : vector<16xf32>, vector<16xi32> -> vector<16xf32>
        %add3A_892 = arith.constant 256 : i32
        %add3A_893 = arith.addi %multiple_of3A_557, %add3A_892 : i32
        %get3A_894 = arith.index_cast %add3A_893 : i32 to index
        %get3A_895 = tpu.vector_load %arg11[%get3A_894] {strides = array<i32>} : memref<25600xi32, #tpu.memory_space<vmem>>, vector<16xi32>,
        %get3A_896 = vector.shape_cast %get3A_895 : vector<16xi32> to vector<16xi32>
        %lt3A_897 = arith.cmpi slt, %get3A_896, %scan3A_498#1 : vector<16xi32>
        %bitcast_convert_type3A_898 = tpu.bitcast %get3A_896 : vector<16xi32> -> vector<16xf32>
        %jit3A_899 = arith.constant 0.000000e+00 : f32
        %broadcast_in_dim3A_900 = vector.broadcast %jit3A_899 : f32 to vector<16xf32>
        %select_n3A_901 = arith.select %lt3A_897, %gather3A_891, %broadcast_in_dim3A_900 : vector<16xi1>, vector<16xf32>
        %add3A_902 = arith.addf %add3A_882, %select_n3A_901 : vector<16xf32>
        %mul3A_903 = arith.mulf %gather3A_891, %bitcast_convert_type3A_898 : vector<16xf32>
        %jit3A_904 = arith.constant 0.000000e+00 : f32
        %broadcast_in_dim3A_905 = vector.broadcast %jit3A_904 : f32 to vector<16xf32>
        %select_n3A_906 = arith.select %lt3A_897, %mul3A_903, %broadcast_in_dim3A_905 : vector<16xi1>, vector<16xf32>
        %add3A_907 = arith.addf %add3A_887, %select_n3A_906 : vector<16xf32>
        %broadcast_in_dim3A_908 = arith.constant 1 : i32
        %broadcast_in_dim3A_909 = vector.broadcast %broadcast_in_dim3A_908 : i32 to vector<16x1xi32>
        %gather3A_910 = vector.shape_cast %broadcast_in_dim3A_909 : vector<16x1xi32> to vector<16xi32>
        %gather3A_911 = tpu.dynamic_gather %get3A_567[%gather3A_910] in [0] : vector<16xf32>, vector<16xi32> -> vector<16xf32>
        %add3A_912 = arith.constant 272 : i32
        %add3A_913 = arith.addi %multiple_of3A_557, %add3A_912 : i32
        %get3A_914 = arith.index_cast %add3A_913 : i32 to index
        %get3A_915 = tpu.vector_load %arg11[%get3A_914] {strides = array<i32>} : memref<25600xi32, #tpu.memory_space<vmem>>, vector<16xi32>,
        %get3A_916 = vector.shape_cast %get3A_915 : vector<16xi32> to vector<16xi32>
        %lt3A_917 = arith.cmpi slt, %get3A_916, %scan3A_498#1 : vector<16xi32>
        %bitcast_convert_type3A_918 = tpu.bitcast %get3A_916 : vector<16xi32> -> vector<16xf32>
        %jit3A_919 = arith.constant 0.000000e+00 : f32
        %broadcast_in_dim3A_920 = vector.broadcast %jit3A_919 : f32 to vector<16xf32>
        %select_n3A_921 = arith.select %lt3A_917, %gather3A_911, %broadcast_in_dim3A_920 : vector<16xi1>, vector<16xf32>
        %add3A_922 = arith.addf %add3A_902, %select_n3A_921 : vector<16xf32>
        %mul3A_923 = arith.mulf %gather3A_911, %bitcast_convert_type3A_918 : vector<16xf32>
        %jit3A_924 = arith.constant 0.000000e+00 : f32
        %broadcast_in_dim3A_925 = vector.broadcast %jit3A_924 : f32 to vector<16xf32>
        %select_n3A_926 = arith.select %lt3A_917, %mul3A_923, %broadcast_in_dim3A_925 : vector<16xi1>, vector<16xf32>
        %add3A_927 = arith.addf %add3A_907, %select_n3A_926 : vector<16xf32>
        %broadcast_in_dim3A_928 = arith.constant 2 : i32
        %broadcast_in_dim3A_929 = vector.broadcast %broadcast_in_dim3A_928 : i32 to vector<16x1xi32>
        %gather3A_930 = vector.shape_cast %broadcast_in_dim3A_929 : vector<16x1xi32> to vector<16xi32>
        %gather3A_931 = tpu.dynamic_gather %get3A_567[%gather3A_930] in [0] : vector<16xf32>, vector<16xi32> -> vector<16xf32>
        %add3A_932 = arith.constant 288 : i32
        %add3A_933 = arith.addi %multiple_of3A_557, %add3A_932 : i32
        %get3A_934 = arith.index_cast %add3A_933 : i32 to index
        %get3A_935 = tpu.vector_load %arg11[%get3A_934] {strides = array<i32>} : memref<25600xi32, #tpu.memory_space<vmem>>, vector<16xi32>,
        %get3A_936 = vector.shape_cast %get3A_935 : vector<16xi32> to vector<16xi32>
        %lt3A_937 = arith.cmpi slt, %get3A_936, %scan3A_498#1 : vector<16xi32>
        %bitcast_convert_type3A_938 = tpu.bitcast %get3A_936 : vector<16xi32> -> vector<16xf32>
        %jit3A_939 = arith.constant 0.000000e+00 : f32
        %broadcast_in_dim3A_940 = vector.broadcast %jit3A_939 : f32 to vector<16xf32>
        %select_n3A_941 = arith.select %lt3A_937, %gather3A_931, %broadcast_in_dim3A_940 : vector<16xi1>, vector<16xf32>
        %add3A_942 = arith.addf %add3A_922, %select_n3A_941 : vector<16xf32>
        %mul3A_943 = arith.mulf %gather3A_931, %bitcast_convert_type3A_938 : vector<16xf32>
        %jit3A_944 = arith.constant 0.000000e+00 : f32
        %broadcast_in_dim3A_945 = vector.broadcast %jit3A_944 : f32 to vector<16xf32>
        %select_n3A_946 = arith.select %lt3A_937, %mul3A_943, %broadcast_in_dim3A_945 : vector<16xi1>, vector<16xf32>
        %add3A_947 = arith.addf %add3A_927, %select_n3A_946 : vector<16xf32>
        %broadcast_in_dim3A_948 = arith.constant 3 : i32
        %broadcast_in_dim3A_949 = vector.broadcast %broadcast_in_dim3A_948 : i32 to vector<16x1xi32>
        %gather3A_950 = vector.shape_cast %broadcast_in_dim3A_949 : vector<16x1xi32> to vector<16xi32>
        %gather3A_951 = tpu.dynamic_gather %get3A_567[%gather3A_950] in [0] : vector<16xf32>, vector<16xi32> -> vector<16xf32>
        %add3A_952 = arith.constant 304 : i32
        %add3A_953 = arith.addi %multiple_of3A_557, %add3A_952 : i32
        %get3A_954 = arith.index_cast %add3A_953 : i32 to index
        %get3A_955 = tpu.vector_load %arg11[%get3A_954] {strides = array<i32>} : memref<25600xi32, #tpu.memory_space<vmem>>, vector<16xi32>,
        %get3A_956 = vector.shape_cast %get3A_955 : vector<16xi32> to vector<16xi32>
        %lt3A_957 = arith.cmpi slt, %get3A_956, %scan3A_498#1 : vector<16xi32>
        %bitcast_convert_type3A_958 = tpu.bitcast %get3A_956 : vector<16xi32> -> vector<16xf32>
        %jit3A_959 = arith.constant 0.000000e+00 : f32
        %broadcast_in_dim3A_960 = vector.broadcast %jit3A_959 : f32 to vector<16xf32>
        %select_n3A_961 = arith.select %lt3A_957, %gather3A_951, %broadcast_in_dim3A_960 : vector<16xi1>, vector<16xf32>
        %add3A_962 = arith.addf %add3A_942, %select_n3A_961 : vector<16xf32>
        %mul3A_963 = arith.mulf %gather3A_951, %bitcast_convert_type3A_958 : vector<16xf32>
        %jit3A_964 = arith.constant 0.000000e+00 : f32
        %broadcast_in_dim3A_965 = vector.broadcast %jit3A_964 : f32 to vector<16xf32>
        %select_n3A_966 = arith.select %lt3A_957, %mul3A_963, %broadcast_in_dim3A_965 : vector<16xi1>, vector<16xf32>
        %add3A_967 = arith.addf %add3A_947, %select_n3A_966 : vector<16xf32>
        %broadcast_in_dim3A_968 = arith.constant 4 : i32
        %broadcast_in_dim3A_969 = vector.broadcast %broadcast_in_dim3A_968 : i32 to vector<16x1xi32>
        %gather3A_970 = vector.shape_cast %broadcast_in_dim3A_969 : vector<16x1xi32> to vector<16xi32>
        %gather3A_971 = tpu.dynamic_gather %get3A_567[%gather3A_970] in [0] : vector<16xf32>, vector<16xi32> -> vector<16xf32>
        %add3A_972 = arith.constant 320 : i32
        %add3A_973 = arith.addi %multiple_of3A_557, %add3A_972 : i32
        %get3A_974 = arith.index_cast %add3A_973 : i32 to index
        %get3A_975 = tpu.vector_load %arg11[%get3A_974] {strides = array<i32>} : memref<25600xi32, #tpu.memory_space<vmem>>, vector<16xi32>,
        %get3A_976 = vector.shape_cast %get3A_975 : vector<16xi32> to vector<16xi32>
        %lt3A_977 = arith.cmpi slt, %get3A_976, %scan3A_498#1 : vector<16xi32>
        %bitcast_convert_type3A_978 = tpu.bitcast %get3A_976 : vector<16xi32> -> vector<16xf32>
        %jit3A_979 = arith.constant 0.000000e+00 : f32
        %broadcast_in_dim3A_980 = vector.broadcast %jit3A_979 : f32 to vector<16xf32>
        %select_n3A_981 = arith.select %lt3A_977, %gather3A_971, %broadcast_in_dim3A_980 : vector<16xi1>, vector<16xf32>
        %add3A_982 = arith.addf %add3A_962, %select_n3A_981 : vector<16xf32>
        %mul3A_983 = arith.mulf %gather3A_971, %bitcast_convert_type3A_978 : vector<16xf32>
        %jit3A_984 = arith.constant 0.000000e+00 : f32
        %broadcast_in_dim3A_985 = vector.broadcast %jit3A_984 : f32 to vector<16xf32>
        %select_n3A_986 = arith.select %lt3A_977, %mul3A_983, %broadcast_in_dim3A_985 : vector<16xi1>, vector<16xf32>
        %add3A_987 = arith.addf %add3A_967, %select_n3A_986 : vector<16xf32>
        %broadcast_in_dim3A_988 = arith.constant 5 : i32
        %broadcast_in_dim3A_989 = vector.broadcast %broadcast_in_dim3A_988 : i32 to vector<16x1xi32>
        %gather3A_990 = vector.shape_cast %broadcast_in_dim3A_989 : vector<16x1xi32> to vector<16xi32>
        %gather3A_991 = tpu.dynamic_gather %get3A_567[%gather3A_990] in [0] : vector<16xf32>, vector<16xi32> -> vector<16xf32>
        %add3A_992 = arith.constant 336 : i32
        %add3A_993 = arith.addi %multiple_of3A_557, %add3A_992 : i32
        %get3A_994 = arith.index_cast %add3A_993 : i32 to index
        %get3A_995 = tpu.vector_load %arg11[%get3A_994] {strides = array<i32>} : memref<25600xi32, #tpu.memory_space<vmem>>, vector<16xi32>,
        %get3A_996 = vector.shape_cast %get3A_995 : vector<16xi32> to vector<16xi32>
        %lt3A_997 = arith.cmpi slt, %get3A_996, %scan3A_498#1 : vector<16xi32>
        %bitcast_convert_type3A_998 = tpu.bitcast %get3A_996 : vector<16xi32> -> vector<16xf32>
        %jit3A_999 = arith.constant 0.000000e+00 : f32
        %broadcast_in_dim3A_1000 = vector.broadcast %jit3A_999 : f32 to vector<16xf32>
        %select_n3A_1001 = arith.select %lt3A_997, %gather3A_991, %broadcast_in_dim3A_1000 : vector<16xi1>, vector<16xf32>
        %add3A_1002 = arith.addf %add3A_982, %select_n3A_1001 : vector<16xf32>
        %mul3A_1003 = arith.mulf %gather3A_991, %bitcast_convert_type3A_998 : vector<16xf32>
        %jit3A_1004 = arith.constant 0.000000e+00 : f32
        %broadcast_in_dim3A_1005 = vector.broadcast %jit3A_1004 : f32 to vector<16xf32>
        %select_n3A_1006 = arith.select %lt3A_997, %mul3A_1003, %broadcast_in_dim3A_1005 : vector<16xi1>, vector<16xf32>
        %add3A_1007 = arith.addf %add3A_987, %select_n3A_1006 : vector<16xf32>
        %broadcast_in_dim3A_1008 = arith.constant 6 : i32
        %broadcast_in_dim3A_1009 = vector.broadcast %broadcast_in_dim3A_1008 : i32 to vector<16x1xi32>
        %gather3A_1010 = vector.shape_cast %broadcast_in_dim3A_1009 : vector<16x1xi32> to vector<16xi32>
        %gather3A_1011 = tpu.dynamic_gather %get3A_567[%gather3A_1010] in [0] : vector<16xf32>, vector<16xi32> -> vector<16xf32>
        %add3A_1012 = arith.constant 352 : i32
        %add3A_1013 = arith.addi %multiple_of3A_557, %add3A_1012 : i32
        %get3A_1014 = arith.index_cast %add3A_1013 : i32 to index
        %get3A_1015 = tpu.vector_load %arg11[%get3A_1014] {strides = array<i32>} : memref<25600xi32, #tpu.memory_space<vmem>>, vector<16xi32>,
        %get3A_1016 = vector.shape_cast %get3A_1015 : vector<16xi32> to vector<16xi32>
        %lt3A_1017 = arith.cmpi slt, %get3A_1016, %scan3A_498#1 : vector<16xi32>
        %bitcast_convert_type3A_1018 = tpu.bitcast %get3A_1016 : vector<16xi32> -> vector<16xf32>
        %jit3A_1019 = arith.constant 0.000000e+00 : f32
        %broadcast_in_dim3A_1020 = vector.broadcast %jit3A_1019 : f32 to vector<16xf32>
        %select_n3A_1021 = arith.select %lt3A_1017, %gather3A_1011, %broadcast_in_dim3A_1020 : vector<16xi1>, vector<16xf32>
        %add3A_1022 = arith.addf %add3A_1002, %select_n3A_1021 : vector<16xf32>
        %mul3A_1023 = arith.mulf %gather3A_1011, %bitcast_convert_type3A_1018 : vector<16xf32>
        %jit3A_1024 = arith.constant 0.000000e+00 : f32
        %broadcast_in_dim3A_1025 = vector.broadcast %jit3A_1024 : f32 to vector<16xf32>
        %select_n3A_1026 = arith.select %lt3A_1017, %mul3A_1023, %broadcast_in_dim3A_1025 : vector<16xi1>, vector<16xf32>
        %add3A_1027 = arith.addf %add3A_1007, %select_n3A_1026 : vector<16xf32>
        %broadcast_in_dim3A_1028 = arith.constant 7 : i32
        %broadcast_in_dim3A_1029 = vector.broadcast %broadcast_in_dim3A_1028 : i32 to vector<16x1xi32>
        %gather3A_1030 = vector.shape_cast %broadcast_in_dim3A_1029 : vector<16x1xi32> to vector<16xi32>
        %gather3A_1031 = tpu.dynamic_gather %get3A_567[%gather3A_1030] in [0] : vector<16xf32>, vector<16xi32> -> vector<16xf32>
        %add3A_1032 = arith.constant 368 : i32
        %add3A_1033 = arith.addi %multiple_of3A_557, %add3A_1032 : i32
        %get3A_1034 = arith.index_cast %add3A_1033 : i32 to index
        %get3A_1035 = tpu.vector_load %arg11[%get3A_1034] {strides = array<i32>} : memref<25600xi32, #tpu.memory_space<vmem>>, vector<16xi32>,
        %get3A_1036 = vector.shape_cast %get3A_1035 : vector<16xi32> to vector<16xi32>
        %lt3A_1037 = arith.cmpi slt, %get3A_1036, %scan3A_498#1 : vector<16xi32>
        %bitcast_convert_type3A_1038 = tpu.bitcast %get3A_1036 : vector<16xi32> -> vector<16xf32>
        %jit3A_1039 = arith.constant 0.000000e+00 : f32
        %broadcast_in_dim3A_1040 = vector.broadcast %jit3A_1039 : f32 to vector<16xf32>
        %select_n3A_1041 = arith.select %lt3A_1037, %gather3A_1031, %broadcast_in_dim3A_1040 : vector<16xi1>, vector<16xf32>
        %add3A_1042 = arith.addf %add3A_1022, %select_n3A_1041 : vector<16xf32>
        %mul3A_1043 = arith.mulf %gather3A_1031, %bitcast_convert_type3A_1038 : vector<16xf32>
        %jit3A_1044 = arith.constant 0.000000e+00 : f32
        %broadcast_in_dim3A_1045 = vector.broadcast %jit3A_1044 : f32 to vector<16xf32>
        %select_n3A_1046 = arith.select %lt3A_1037, %mul3A_1043, %broadcast_in_dim3A_1045 : vector<16xi1>, vector<16xf32>
        %add3A_1047 = arith.addf %add3A_1027, %select_n3A_1046 : vector<16xf32>
        %broadcast_in_dim3A_1048 = arith.constant 8 : i32
        %broadcast_in_dim3A_1049 = vector.broadcast %broadcast_in_dim3A_1048 : i32 to vector<16x1xi32>
        %gather3A_1050 = vector.shape_cast %broadcast_in_dim3A_1049 : vector<16x1xi32> to vector<16xi32>
        %gather3A_1051 = tpu.dynamic_gather %get3A_567[%gather3A_1050] in [0] : vector<16xf32>, vector<16xi32> -> vector<16xf32>
        %add3A_1052 = arith.constant 384 : i32
        %add3A_1053 = arith.addi %multiple_of3A_557, %add3A_1052 : i32
        %get3A_1054 = arith.index_cast %add3A_1053 : i32 to index
        %get3A_1055 = tpu.vector_load %arg11[%get3A_1054] {strides = array<i32>} : memref<25600xi32, #tpu.memory_space<vmem>>, vector<16xi32>,
        %get3A_1056 = vector.shape_cast %get3A_1055 : vector<16xi32> to vector<16xi32>
        %lt3A_1057 = arith.cmpi slt, %get3A_1056, %scan3A_498#1 : vector<16xi32>
        %bitcast_convert_type3A_1058 = tpu.bitcast %get3A_1056 : vector<16xi32> -> vector<16xf32>
        %jit3A_1059 = arith.constant 0.000000e+00 : f32
        %broadcast_in_dim3A_1060 = vector.broadcast %jit3A_1059 : f32 to vector<16xf32>
        %select_n3A_1061 = arith.select %lt3A_1057, %gather3A_1051, %broadcast_in_dim3A_1060 : vector<16xi1>, vector<16xf32>
        %add3A_1062 = arith.addf %add3A_1042, %select_n3A_1061 : vector<16xf32>
        %mul3A_1063 = arith.mulf %gather3A_1051, %bitcast_convert_type3A_1058 : vector<16xf32>
        %jit3A_1064 = arith.constant 0.000000e+00 : f32
        %broadcast_in_dim3A_1065 = vector.broadcast %jit3A_1064 : f32 to vector<16xf32>
        %select_n3A_1066 = arith.select %lt3A_1057, %mul3A_1063, %broadcast_in_dim3A_1065 : vector<16xi1>, vector<16xf32>
        %add3A_1067 = arith.addf %add3A_1047, %select_n3A_1066 : vector<16xf32>
        %broadcast_in_dim3A_1068 = arith.constant 9 : i32
        %broadcast_in_dim3A_1069 = vector.broadcast %broadcast_in_dim3A_1068 : i32 to vector<16x1xi32>
        %gather3A_1070 = vector.shape_cast %broadcast_in_dim3A_1069 : vector<16x1xi32> to vector<16xi32>
        %gather3A_1071 = tpu.dynamic_gather %get3A_567[%gather3A_1070] in [0] : vector<16xf32>, vector<16xi32> -> vector<16xf32>
        %add3A_1072 = arith.constant 400 : i32
        %add3A_1073 = arith.addi %multiple_of3A_557, %add3A_1072 : i32
        %get3A_1074 = arith.index_cast %add3A_1073 : i32 to index
        %get3A_1075 = tpu.vector_load %arg11[%get3A_1074] {strides = array<i32>} : memref<25600xi32, #tpu.memory_space<vmem>>, vector<16xi32>,
        %get3A_1076 = vector.shape_cast %get3A_1075 : vector<16xi32> to vector<16xi32>
        %lt3A_1077 = arith.cmpi slt, %get3A_1076, %scan3A_498#1 : vector<16xi32>
        %bitcast_convert_type3A_1078 = tpu.bitcast %get3A_1076 : vector<16xi32> -> vector<16xf32>
        %jit3A_1079 = arith.constant 0.000000e+00 : f32
        %broadcast_in_dim3A_1080 = vector.broadcast %jit3A_1079 : f32 to vector<16xf32>
        %select_n3A_1081 = arith.select %lt3A_1077, %gather3A_1071, %broadcast_in_dim3A_1080 : vector<16xi1>, vector<16xf32>
        %add3A_1082 = arith.addf %add3A_1062, %select_n3A_1081 : vector<16xf32>
        %mul3A_1083 = arith.mulf %gather3A_1071, %bitcast_convert_type3A_1078 : vector<16xf32>
        %jit3A_1084 = arith.constant 0.000000e+00 : f32
        %broadcast_in_dim3A_1085 = vector.broadcast %jit3A_1084 : f32 to vector<16xf32>
        %select_n3A_1086 = arith.select %lt3A_1077, %mul3A_1083, %broadcast_in_dim3A_1085 : vector<16xi1>, vector<16xf32>
        %add3A_1087 = arith.addf %add3A_1067, %select_n3A_1086 : vector<16xf32>
        %broadcast_in_dim3A_1088 = arith.constant 10 : i32
        %broadcast_in_dim3A_1089 = vector.broadcast %broadcast_in_dim3A_1088 : i32 to vector<16x1xi32>
        %gather3A_1090 = vector.shape_cast %broadcast_in_dim3A_1089 : vector<16x1xi32> to vector<16xi32>
        %gather3A_1091 = tpu.dynamic_gather %get3A_567[%gather3A_1090] in [0] : vector<16xf32>, vector<16xi32> -> vector<16xf32>
        %add3A_1092 = arith.constant 416 : i32
        %add3A_1093 = arith.addi %multiple_of3A_557, %add3A_1092 : i32
        %get3A_1094 = arith.index_cast %add3A_1093 : i32 to index
        %get3A_1095 = tpu.vector_load %arg11[%get3A_1094] {strides = array<i32>} : memref<25600xi32, #tpu.memory_space<vmem>>, vector<16xi32>,
        %get3A_1096 = vector.shape_cast %get3A_1095 : vector<16xi32> to vector<16xi32>
        %lt3A_1097 = arith.cmpi slt, %get3A_1096, %scan3A_498#1 : vector<16xi32>
        %bitcast_convert_type3A_1098 = tpu.bitcast %get3A_1096 : vector<16xi32> -> vector<16xf32>
        %jit3A_1099 = arith.constant 0.000000e+00 : f32
        %broadcast_in_dim3A_1100 = vector.broadcast %jit3A_1099 : f32 to vector<16xf32>
        %select_n3A_1101 = arith.select %lt3A_1097, %gather3A_1091, %broadcast_in_dim3A_1100 : vector<16xi1>, vector<16xf32>
        %add3A_1102 = arith.addf %add3A_1082, %select_n3A_1101 : vector<16xf32>
        %mul3A_1103 = arith.mulf %gather3A_1091, %bitcast_convert_type3A_1098 : vector<16xf32>
        %jit3A_1104 = arith.constant 0.000000e+00 : f32
        %broadcast_in_dim3A_1105 = vector.broadcast %jit3A_1104 : f32 to vector<16xf32>
        %select_n3A_1106 = arith.select %lt3A_1097, %mul3A_1103, %broadcast_in_dim3A_1105 : vector<16xi1>, vector<16xf32>
        %add3A_1107 = arith.addf %add3A_1087, %select_n3A_1106 : vector<16xf32>
        %broadcast_in_dim3A_1108 = arith.constant 11 : i32
        %broadcast_in_dim3A_1109 = vector.broadcast %broadcast_in_dim3A_1108 : i32 to vector<16x1xi32>
        %gather3A_1110 = vector.shape_cast %broadcast_in_dim3A_1109 : vector<16x1xi32> to vector<16xi32>
        %gather3A_1111 = tpu.dynamic_gather %get3A_567[%gather3A_1110] in [0] : vector<16xf32>, vector<16xi32> -> vector<16xf32>
        %add3A_1112 = arith.constant 432 : i32
        %add3A_1113 = arith.addi %multiple_of3A_557, %add3A_1112 : i32
        %get3A_1114 = arith.index_cast %add3A_1113 : i32 to index
        %get3A_1115 = tpu.vector_load %arg11[%get3A_1114] {strides = array<i32>} : memref<25600xi32, #tpu.memory_space<vmem>>, vector<16xi32>,
        %get3A_1116 = vector.shape_cast %get3A_1115 : vector<16xi32> to vector<16xi32>
        %lt3A_1117 = arith.cmpi slt, %get3A_1116, %scan3A_498#1 : vector<16xi32>
        %bitcast_convert_type3A_1118 = tpu.bitcast %get3A_1116 : vector<16xi32> -> vector<16xf32>
        %jit3A_1119 = arith.constant 0.000000e+00 : f32
        %broadcast_in_dim3A_1120 = vector.broadcast %jit3A_1119 : f32 to vector<16xf32>
        %select_n3A_1121 = arith.select %lt3A_1117, %gather3A_1111, %broadcast_in_dim3A_1120 : vector<16xi1>, vector<16xf32>
        %add3A_1122 = arith.addf %add3A_1102, %select_n3A_1121 : vector<16xf32>
        %mul3A_1123 = arith.mulf %gather3A_1111, %bitcast_convert_type3A_1118 : vector<16xf32>
        %jit3A_1124 = arith.constant 0.000000e+00 : f32
        %broadcast_in_dim3A_1125 = vector.broadcast %jit3A_1124 : f32 to vector<16xf32>
        %select_n3A_1126 = arith.select %lt3A_1117, %mul3A_1123, %broadcast_in_dim3A_1125 : vector<16xi1>, vector<16xf32>
        %add3A_1127 = arith.addf %add3A_1107, %select_n3A_1126 : vector<16xf32>
        %broadcast_in_dim3A_1128 = arith.constant 12 : i32
        %broadcast_in_dim3A_1129 = vector.broadcast %broadcast_in_dim3A_1128 : i32 to vector<16x1xi32>
        %gather3A_1130 = vector.shape_cast %broadcast_in_dim3A_1129 : vector<16x1xi32> to vector<16xi32>
        %gather3A_1131 = tpu.dynamic_gather %get3A_567[%gather3A_1130] in [0] : vector<16xf32>, vector<16xi32> -> vector<16xf32>
        %add3A_1132 = arith.constant 448 : i32
        %add3A_1133 = arith.addi %multiple_of3A_557, %add3A_1132 : i32
        %get3A_1134 = arith.index_cast %add3A_1133 : i32 to index
        %get3A_1135 = tpu.vector_load %arg11[%get3A_1134] {strides = array<i32>} : memref<25600xi32, #tpu.memory_space<vmem>>, vector<16xi32>,
        %get3A_1136 = vector.shape_cast %get3A_1135 : vector<16xi32> to vector<16xi32>
        %lt3A_1137 = arith.cmpi slt, %get3A_1136, %scan3A_498#1 : vector<16xi32>
        %bitcast_convert_type3A_1138 = tpu.bitcast %get3A_1136 : vector<16xi32> -> vector<16xf32>
        %jit3A_1139 = arith.constant 0.000000e+00 : f32
        %broadcast_in_dim3A_1140 = vector.broadcast %jit3A_1139 : f32 to vector<16xf32>
        %select_n3A_1141 = arith.select %lt3A_1137, %gather3A_1131, %broadcast_in_dim3A_1140 : vector<16xi1>, vector<16xf32>
        %add3A_1142 = arith.addf %add3A_1122, %select_n3A_1141 : vector<16xf32>
        %mul3A_1143 = arith.mulf %gather3A_1131, %bitcast_convert_type3A_1138 : vector<16xf32>
        %jit3A_1144 = arith.constant 0.000000e+00 : f32
        %broadcast_in_dim3A_1145 = vector.broadcast %jit3A_1144 : f32 to vector<16xf32>
        %select_n3A_1146 = arith.select %lt3A_1137, %mul3A_1143, %broadcast_in_dim3A_1145 : vector<16xi1>, vector<16xf32>
        %add3A_1147 = arith.addf %add3A_1127, %select_n3A_1146 : vector<16xf32>
        %broadcast_in_dim3A_1148 = arith.constant 13 : i32
        %broadcast_in_dim3A_1149 = vector.broadcast %broadcast_in_dim3A_1148 : i32 to vector<16x1xi32>
        %gather3A_1150 = vector.shape_cast %broadcast_in_dim3A_1149 : vector<16x1xi32> to vector<16xi32>
        %gather3A_1151 = tpu.dynamic_gather %get3A_567[%gather3A_1150] in [0] : vector<16xf32>, vector<16xi32> -> vector<16xf32>
        %add3A_1152 = arith.constant 464 : i32
        %add3A_1153 = arith.addi %multiple_of3A_557, %add3A_1152 : i32
        %get3A_1154 = arith.index_cast %add3A_1153 : i32 to index
        %get3A_1155 = tpu.vector_load %arg11[%get3A_1154] {strides = array<i32>} : memref<25600xi32, #tpu.memory_space<vmem>>, vector<16xi32>,
        %get3A_1156 = vector.shape_cast %get3A_1155 : vector<16xi32> to vector<16xi32>
        %lt3A_1157 = arith.cmpi slt, %get3A_1156, %scan3A_498#1 : vector<16xi32>
        %bitcast_convert_type3A_1158 = tpu.bitcast %get3A_1156 : vector<16xi32> -> vector<16xf32>
        %jit3A_1159 = arith.constant 0.000000e+00 : f32
        %broadcast_in_dim3A_1160 = vector.broadcast %jit3A_1159 : f32 to vector<16xf32>
        %select_n3A_1161 = arith.select %lt3A_1157, %gather3A_1151, %broadcast_in_dim3A_1160 : vector<16xi1>, vector<16xf32>
        %add3A_1162 = arith.addf %add3A_1142, %select_n3A_1161 : vector<16xf32>
        %mul3A_1163 = arith.mulf %gather3A_1151, %bitcast_convert_type3A_1158 : vector<16xf32>
        %jit3A_1164 = arith.constant 0.000000e+00 : f32
        %broadcast_in_dim3A_1165 = vector.broadcast %jit3A_1164 : f32 to vector<16xf32>
        %select_n3A_1166 = arith.select %lt3A_1157, %mul3A_1163, %broadcast_in_dim3A_1165 : vector<16xi1>, vector<16xf32>
        %add3A_1167 = arith.addf %add3A_1147, %select_n3A_1166 : vector<16xf32>
        %broadcast_in_dim3A_1168 = arith.constant 14 : i32
        %broadcast_in_dim3A_1169 = vector.broadcast %broadcast_in_dim3A_1168 : i32 to vector<16x1xi32>
        %gather3A_1170 = vector.shape_cast %broadcast_in_dim3A_1169 : vector<16x1xi32> to vector<16xi32>
        %gather3A_1171 = tpu.dynamic_gather %get3A_567[%gather3A_1170] in [0] : vector<16xf32>, vector<16xi32> -> vector<16xf32>
        %add3A_1172 = arith.constant 480 : i32
        %add3A_1173 = arith.addi %multiple_of3A_557, %add3A_1172 : i32
        %get3A_1174 = arith.index_cast %add3A_1173 : i32 to index
        %get3A_1175 = tpu.vector_load %arg11[%get3A_1174] {strides = array<i32>} : memref<25600xi32, #tpu.memory_space<vmem>>, vector<16xi32>,
        %get3A_1176 = vector.shape_cast %get3A_1175 : vector<16xi32> to vector<16xi32>
        %lt3A_1177 = arith.cmpi slt, %get3A_1176, %scan3A_498#1 : vector<16xi32>
        %bitcast_convert_type3A_1178 = tpu.bitcast %get3A_1176 : vector<16xi32> -> vector<16xf32>
        %jit3A_1179 = arith.constant 0.000000e+00 : f32
        %broadcast_in_dim3A_1180 = vector.broadcast %jit3A_1179 : f32 to vector<16xf32>
        %select_n3A_1181 = arith.select %lt3A_1177, %gather3A_1171, %broadcast_in_dim3A_1180 : vector<16xi1>, vector<16xf32>
        %add3A_1182 = arith.addf %add3A_1162, %select_n3A_1181 : vector<16xf32>
        %mul3A_1183 = arith.mulf %gather3A_1171, %bitcast_convert_type3A_1178 : vector<16xf32>
        %jit3A_1184 = arith.constant 0.000000e+00 : f32
        %broadcast_in_dim3A_1185 = vector.broadcast %jit3A_1184 : f32 to vector<16xf32>
        %select_n3A_1186 = arith.select %lt3A_1177, %mul3A_1183, %broadcast_in_dim3A_1185 : vector<16xi1>, vector<16xf32>
        %add3A_1187 = arith.addf %add3A_1167, %select_n3A_1186 : vector<16xf32>
        %broadcast_in_dim3A_1188 = arith.constant 15 : i32
        %broadcast_in_dim3A_1189 = vector.broadcast %broadcast_in_dim3A_1188 : i32 to vector<16x1xi32>
        %gather3A_1190 = vector.shape_cast %broadcast_in_dim3A_1189 : vector<16x1xi32> to vector<16xi32>
        %gather3A_1191 = tpu.dynamic_gather %get3A_567[%gather3A_1190] in [0] : vector<16xf32>, vector<16xi32> -> vector<16xf32>
        %add3A_1192 = arith.constant 496 : i32
        %add3A_1193 = arith.addi %multiple_of3A_557, %add3A_1192 : i32
        %get3A_1194 = arith.index_cast %add3A_1193 : i32 to index
        %get3A_1195 = tpu.vector_load %arg11[%get3A_1194] {strides = array<i32>} : memref<25600xi32, #tpu.memory_space<vmem>>, vector<16xi32>,
        %get3A_1196 = vector.shape_cast %get3A_1195 : vector<16xi32> to vector<16xi32>
        %lt3A_1197 = arith.cmpi slt, %get3A_1196, %scan3A_498#1 : vector<16xi32>
        %bitcast_convert_type3A_1198 = tpu.bitcast %get3A_1196 : vector<16xi32> -> vector<16xf32>
        %jit3A_1199 = arith.constant 0.000000e+00 : f32
        %broadcast_in_dim3A_1200 = vector.broadcast %jit3A_1199 : f32 to vector<16xf32>
        %select_n3A_1201 = arith.select %lt3A_1197, %gather3A_1191, %broadcast_in_dim3A_1200 : vector<16xi1>, vector<16xf32>
        %add3A_1202 = arith.addf %add3A_1182, %select_n3A_1201 : vector<16xf32>
        %mul3A_1203 = arith.mulf %gather3A_1191, %bitcast_convert_type3A_1198 : vector<16xf32>
        %jit3A_1204 = arith.constant 0.000000e+00 : f32
        %broadcast_in_dim3A_1205 = vector.broadcast %jit3A_1204 : f32 to vector<16xf32>
        %select_n3A_1206 = arith.select %lt3A_1197, %mul3A_1203, %broadcast_in_dim3A_1205 : vector<16xi1>, vector<16xf32>
        %add3A_1207 = arith.addf %add3A_1187, %select_n3A_1206 : vector<16xf32>
        scf.yield %add3A_1202, %add3A_1207 : vector<16xf32>, vector<16xf32>
      }
      %scan3A_505 = arith.constant 50 : i32
      %bitcast_convert_type3A_506 = tpu.bitcast %scan3A_498#1 : vector<16xi32> -> vector<16xf32>
      %sub3A_507 = arith.subf %mul3A_463, %scan3A_504#0 : vector<16xf32>
      %mul3A_508 = arith.mulf %bitcast_convert_type3A_506, %sub3A_507 : vector<16xf32>
      %add3A_509 = arith.addf %scan3A_504#1, %mul3A_508 : vector<16xf32>
      %max3A = arith.constant 0.000000e+00 : f32
      %max3A_510 = vector.broadcast %max3A : f32 to vector<16xf32>
      %max3A_511 = arith.maximumf %add3A_509, %max3A_510 : vector<16xf32>
      %div3A_512 = arith.divf %max3A_511, %mul3A_463 : vector<16xf32>
      %bitcast_convert_type3A_513 = tpu.bitcast %div3A_512 : vector<16xf32> -> vector<16xi32>
      %shift_right_arithmetic3A = arith.constant 1 : i32
      %shift_right_arithmetic3A_514 = vector.broadcast %shift_right_arithmetic3A : i32 to vector<16xi32>
      %shift_right_arithmetic3A_515 = arith.shrsi %bitcast_convert_type3A_513, %shift_right_arithmetic3A_514 : vector<16xi32>
      %add3A_516 = arith.constant 532487669 : i32
      %add3A_517 = vector.broadcast %add3A_516 : i32 to vector<16xi32>
      %add3A_518 = arith.addi %shift_right_arithmetic3A_515, %add3A_517 : vector<16xi32>
      %bitcast_convert_type3A_519 = tpu.bitcast %add3A_518 : vector<16xi32> -> vector<16xf32>
      %div3A_520 = arith.divf %div3A_512, %bitcast_convert_type3A_519 : vector<16xf32>
      %add3A_521 = arith.addf %bitcast_convert_type3A_519, %div3A_520 : vector<16xf32>
      %mul3A_522 = arith.constant 5.000000e-01 : f32
      %mul3A_523 = vector.broadcast %mul3A_522 : f32 to vector<16xf32>
      %mul3A_524 = arith.mulf %mul3A_523, %add3A_521 : vector<16xf32>
      %div3A_525 = arith.divf %div3A_512, %mul3A_524 : vector<16xf32>
      %add3A_526 = arith.addf %mul3A_524, %div3A_525 : vector<16xf32>
      %mul3A_527 = arith.constant 5.000000e-01 : f32
      %mul3A_528 = vector.broadcast %mul3A_527 : f32 to vector<16xf32>
      %mul3A_529 = arith.mulf %mul3A_528, %add3A_526 : vector<16xf32>
      %div3A_530 = arith.divf %div3A_512, %mul3A_529 : vector<16xf32>
      %add3A_531 = arith.addf %mul3A_529, %div3A_530 : vector<16xf32>
      %mul3A_532 = arith.constant 5.000000e-01 : f32
      %mul3A_533 = vector.broadcast %mul3A_532 : f32 to vector<16xf32>
      %mul3A_534 = arith.mulf %mul3A_533, %add3A_531 : vector<16xf32>
      %div3A_535 = arith.divf %div3A_512, %mul3A_534 : vector<16xf32>
      %add3A_536 = arith.addf %mul3A_534, %div3A_535 : vector<16xf32>
      %mul3A_537 = arith.constant 5.000000e-01 : f32
      %mul3A_538 = vector.broadcast %mul3A_537 : f32 to vector<16xf32>
      %mul3A_539 = arith.mulf %mul3A_538, %add3A_536 : vector<16xf32>
      %gt3A = arith.constant 0.000000e+00 : f32
      %gt3A_540 = vector.broadcast %gt3A : f32 to vector<16xf32>
      %gt3A_541 = arith.cmpf ogt, %div3A_512, %gt3A_540 : vector<16xf32>
      %jit3A_542 = arith.constant 0.000000e+00 : f32
      %broadcast_in_dim3A_543 = vector.broadcast %jit3A_542 : f32 to vector<16xf32>
      %select_n3A_544 = arith.select %gt3A_541, %mul3A_539, %broadcast_in_dim3A_543 : vector<16xi1>, vector<16xf32>
      %swap3A = arith.index_cast %multiple_of3A : i32 to index
      %swap3A_545 = tpu.vector_load %arg14[%swap3A] {strides = array<i32>} : memref<96xf32, #tpu.memory_space<vmem>>, vector<16xf32>,
      %swap3A_546 = vector.shape_cast %swap3A_545 : vector<16xf32> to vector<16xf32>
      %swap3A_547 = vector.shape_cast %select_n3A_544 : vector<16xf32> to vector<16xf32>
      tpu.vector_store %arg14[%swap3A], %swap3A_547 {strides = array<i32>} : memref<96xf32, #tpu.memory_space<vmem>>, vector<16xf32>,
      %scan3A_548 = arith.constant 0 : i32
      scf.yield %scan3A_548 : i32
    }
    %scan3A_469 = arith.constant 6 : i32
    "tpu.region"() ({
      %run_scoped3A = tpu.sem_alloc : memref<!tpu.dma_semaphore, #tpu.memory_space<semaphore_mem>>
      %dma_start3A = arith.constant 0 : i32
      %dma_start3A_470 = tpu.memref_slice %arg7[%add3A, %dma_start3A] : memref<32x96xf32, #tpu.memory_space<hbm>> -> memref<1x96xf32, #tpu.memory_space<hbm>>
      %dma_start3A_471 = tpu.memref_squeeze %dma_start3A_470 : memref<1x96xf32, #tpu.memory_space<hbm>> -> memref<96xf32, #tpu.memory_space<hbm>>
      %dma_start3A_472 = arith.constant 0 : i32
      %dma_start3A_473 = tpu.memref_slice %arg7[%add3A, %dma_start3A_472] : memref<32x96xf32, #tpu.memory_space<hbm>> -> memref<1x96xf32, #tpu.memory_space<hbm>>
      %dma_start3A_474 = tpu.memref_squeeze %dma_start3A_473 : memref<1x96xf32, #tpu.memory_space<hbm>> -> memref<96xf32, #tpu.memory_space<hbm>>
      tpu.enqueue_dma source(%arg14 : memref<96xf32, #tpu.memory_space<vmem>>) target(%dma_start3A_474 : memref<96xf32, #tpu.memory_space<hbm>>) target_semaphore(%run_scoped3A : memref<!tpu.dma_semaphore, #tpu.memory_space<semaphore_mem>>)
      %dma_wait3A = arith.constant 0 : i32
      %dma_wait3A_475 = tpu.memref_slice %arg7[%add3A, %dma_wait3A] : memref<32x96xf32, #tpu.memory_space<hbm>> -> memref<1x96xf32, #tpu.memory_space<hbm>>
      %dma_wait3A_476 = tpu.memref_squeeze %dma_wait3A_475 : memref<1x96xf32, #tpu.memory_space<hbm>> -> memref<96xf32, #tpu.memory_space<hbm>>
      %dma_wait3A_477 = arith.constant 0 : i32
      %dma_wait3A_478 = tpu.memref_slice %arg7[%add3A, %dma_wait3A_477] : memref<32x96xf32, #tpu.memory_space<hbm>> -> memref<1x96xf32, #tpu.memory_space<hbm>>
      %dma_wait3A_479 = tpu.memref_squeeze %dma_wait3A_478 : memref<1x96xf32, #tpu.memory_space<hbm>> -> memref<96xf32, #tpu.memory_space<hbm>>
      tpu.wait_dma2 semaphore(%run_scoped3A : memref<!tpu.dma_semaphore, #tpu.memory_space<semaphore_mem>>) src(%arg14 : memref<96xf32, #tpu.memory_space<vmem>>) dst(%dma_wait3A_479 : memref<96xf32, #tpu.memory_space<hbm>>)
      tpu.yield
    }) : () -> ()
    return
  }
}

module attributes {stable_mosaic.version = 14 : i64} {
  func.func @_tc_body(%arg0: i32, %arg1: i32, %arg2: memref<608x1xf32, #tpu.memory_space<vmem>>, %arg3: memref<608x1xf32, #tpu.memory_space<vmem>>, %arg4: memref<1x2x1600xf32, #tpu.memory_space<vmem>>, %arg5: memref<1x1x1600xf32, #tpu.memory_space<vmem>>, %arg6: memref<1x608x1xf32, #tpu.memory_space<vmem>>) attributes {dimension_semantics = [#tpu.dimension_semantics<arbitrary>, #tpu.dimension_semantics<arbitrary>], iteration_bounds = array<i64: 8, 2>, scalar_prefetch = 0 : i64, scratch_operands = 0 : i64, tpu.core_type = #tpu.core_type<tc>, window_params = [{transform_indices = @transform_0, window_bounds = array<i64: 608, 1>}, {transform_indices = @transform_1, window_bounds = array<i64: 608, 1>}, {transform_indices = @transform_2, window_bounds = array<i64: 1, 2, 1600>}, {transform_indices = @transform_3, window_bounds = array<i64: 1, 1, 1600>}, {transform_indices = @transform_4, window_bounds = array<i64: 1, 608, 1>}]} {
    %get3A = arith.constant 0 : index
    %get3A_0 = arith.constant 0 : index
    %get3A_1 = vector.load %arg2[%get3A, %get3A_0] : memref<608x1xf32, #tpu.memory_space<vmem>>, vector<608x1xf32>
    %get3A_2 = arith.constant 0 : index
    %get3A_3 = arith.constant 0 : index
    %get3A_4 = vector.load %arg3[%get3A_2, %get3A_3] : memref<608x1xf32, #tpu.memory_space<vmem>>, vector<608x1xf32>
    %get3A_5 = arith.constant 0 : index
    %get3A_6 = arith.constant 0 : index
    %get3A_7 = arith.constant 0 : index
    %get3A_8 = vector.load %arg4[%get3A_5, %get3A_6, %get3A_7] : memref<1x2x1600xf32, #tpu.memory_space<vmem>>, vector<1x1x1600xf32>
    %get3A_9 = vector.shape_cast %get3A_8 : vector<1x1x1600xf32> to vector<1x1600xf32>
    %get3A_10 = arith.constant 0 : index
    %get3A_11 = arith.constant 1 : index
    %get3A_12 = arith.constant 0 : index
    %get3A_13 = vector.load %arg4[%get3A_10, %get3A_11, %get3A_12] : memref<1x2x1600xf32, #tpu.memory_space<vmem>>, vector<1x1x1600xf32>
    %get3A_14 = vector.shape_cast %get3A_13 : vector<1x1x1600xf32> to vector<1x1600xf32>
    %get3A_15 = arith.constant 0 : index
    %get3A_16 = arith.constant 0 : index
    %get3A_17 = arith.constant 0 : index
    %get3A_18 = vector.load %arg5[%get3A_15, %get3A_16, %get3A_17] : memref<1x1x1600xf32, #tpu.memory_space<vmem>>, vector<1x1x1600xf32>
    %get3A_19 = vector.shape_cast %get3A_18 : vector<1x1x1600xf32> to vector<1x1600xf32>
    %sub3A = vector.broadcast %get3A_1 : vector<608x1xf32> to vector<608x1600xf32>
    %sub3A_20 = vector.broadcast %get3A_9 : vector<1x1600xf32> to vector<608x1600xf32>
    %sub3A_21 = arith.subf %sub3A, %sub3A_20 : vector<608x1600xf32>
    %sub3A_22 = vector.broadcast %get3A_4 : vector<608x1xf32> to vector<608x1600xf32>
    %sub3A_23 = vector.broadcast %get3A_14 : vector<1x1600xf32> to vector<608x1600xf32>
    %sub3A_24 = arith.subf %sub3A_22, %sub3A_23 : vector<608x1600xf32>
    %mul3A = arith.mulf %sub3A_21, %sub3A_21 : vector<608x1600xf32>
    %mul3A_25 = arith.mulf %sub3A_24, %sub3A_24 : vector<608x1600xf32>
    %add3A = arith.addf %mul3A, %mul3A_25 : vector<608x1600xf32>
    %sqrt3A = math.sqrt %add3A : vector<608x1600xf32>
    %mul3A_26 = arith.mulf %sqrt3A, %sqrt3A : vector<608x1600xf32>
    %bitcast_convert_type3A = tpu.bitcast %mul3A_26 : vector<608x1600xf32> -> vector<608x1600xi32>
    %reduce_sum3A = vector.shape_cast %get3A_19 : vector<1x1600xf32> to vector<1x1x1600xf32>
    %reduce_sum3A_27 = arith.constant dense<0.000000e+00> : vector<1xf32>
    %reduce_sum3A_28 = vector.multi_reduction <add>, %reduce_sum3A, %reduce_sum3A_27 [1, 2] : vector<1x1x1600xf32> to vector<1xf32>
    %reduce_sum3A_29 = vector.shape_cast %reduce_sum3A_28 : vector<1xf32> to vector<1x1x1xf32>
    %reduce_sum3A_30 = vector.extract %reduce_sum3A_29[0, 0, 0] : f32 from vector<1x1x1xf32>
    %mul3A_31 = arith.constant 3.000000e-01 : f32
    %mul3A_32 = arith.mulf %mul3A_31, %reduce_sum3A_30 : f32
    %reduce_min3A = arith.constant dense<2147483647> : vector<608xi32>
    %reduce_min3A_33 = vector.multi_reduction <minsi>, %bitcast_convert_type3A, %reduce_min3A [1] : vector<608x1600xi32> to vector<608xi32>
    %broadcast_in_dim3A = vector.shape_cast %reduce_min3A_33 : vector<608xi32> to vector<608x1xi32>
    %sub3A_34 = arith.constant 1 : i32
    %sub3A_35 = vector.broadcast %sub3A_34 : i32 to vector<608x1xi32>
    %sub3A_36 = arith.subi %broadcast_in_dim3A, %sub3A_35 : vector<608x1xi32>
    %reduce_max3A = arith.constant dense<-2147483648> : vector<608xi32>
    %reduce_max3A_37 = vector.multi_reduction <maxsi>, %bitcast_convert_type3A, %reduce_max3A [1] : vector<608x1600xi32> to vector<608xi32>
    %broadcast_in_dim3A_38 = vector.shape_cast %reduce_max3A_37 : vector<608xi32> to vector<608x1xi32>
    %scan3A = arith.constant 0 : i32
    %scan3A_39 = arith.constant 14 : i32
    %scan3A_40 = arith.addi %scan3A, %scan3A_39 : i32
    %scan3A_41 = arith.constant 1 : i32
    %scan3A_42:2 = scf.for %scan3A_72 = %scan3A to %scan3A_40 step %scan3A_41 iter_args(%scan3A_73 = %sub3A_36, %scan3A_74 = %broadcast_in_dim3A_38) -> (vector<608x1xi32>, vector<608x1xi32>)  : i32 {
      %sub3A_75 = arith.subi %scan3A_74, %scan3A_73 : vector<608x1xi32>
      %shift_right_arithmetic3A = arith.constant 1 : i32
      %shift_right_arithmetic3A_76 = vector.broadcast %shift_right_arithmetic3A : i32 to vector<608x1xi32>
      %shift_right_arithmetic3A_77 = arith.shrsi %sub3A_75, %shift_right_arithmetic3A_76 : vector<608x1xi32>
      %add3A_78 = arith.addi %scan3A_73, %shift_right_arithmetic3A_77 : vector<608x1xi32>
      %le3A = vector.broadcast %add3A_78 : vector<608x1xi32> to vector<608x1600xi32>
      %le3A_79 = arith.cmpi sle, %bitcast_convert_type3A, %le3A : vector<608x1600xi32>
      %jit3A_80 = arith.constant 0.000000e+00 : f32
      %broadcast_in_dim3A_81 = vector.shape_cast %get3A_19 : vector<1x1600xf32> to vector<1x1600xf32>
      %broadcast_in_dim3A_82 = vector.broadcast %broadcast_in_dim3A_81 : vector<1x1600xf32> to vector<608x1600xf32>
      %broadcast_in_dim3A_83 = vector.broadcast %jit3A_80 : f32 to vector<608x1600xf32>
      %select_n3A_84 = arith.select %le3A_79, %broadcast_in_dim3A_82, %broadcast_in_dim3A_83 : vector<608x1600xi1>, vector<608x1600xf32>
      %reduce_sum3A_85 = arith.constant dense<0.000000e+00> : vector<608xf32>
      %reduce_sum3A_86 = vector.multi_reduction <add>, %select_n3A_84, %reduce_sum3A_85 [1] : vector<608x1600xf32> to vector<608xf32>
      %broadcast_in_dim3A_87 = vector.shape_cast %reduce_sum3A_86 : vector<608xf32> to vector<608x1xf32>
      %ge3A = vector.broadcast %mul3A_32 : f32 to vector<608x1xf32>
      %ge3A_88 = arith.cmpf oge, %broadcast_in_dim3A_87, %ge3A : vector<608x1xf32>
      %select_n3A_89 = arith.select %ge3A_88, %scan3A_73, %add3A_78 : vector<608x1xi1>, vector<608x1xi32>
      %select_n3A_90 = arith.select %ge3A_88, %add3A_78, %scan3A_74 : vector<608x1xi1>, vector<608x1xi32>
      scf.yield %select_n3A_89, %select_n3A_90 : vector<608x1xi32>, vector<608x1xi32>
    }
    %bitcast_convert_type3A_43 = tpu.bitcast %scan3A_42#1 : vector<608x1xi32> -> vector<608x1xf32>
    %lt3A = vector.broadcast %scan3A_42#1 : vector<608x1xi32> to vector<608x1600xi32>
    %lt3A_44 = arith.cmpi slt, %bitcast_convert_type3A, %lt3A : vector<608x1600xi32>
    %jit3A = arith.constant 0.000000e+00 : f32
    %broadcast_in_dim3A_45 = vector.shape_cast %get3A_19 : vector<1x1600xf32> to vector<1x1600xf32>
    %broadcast_in_dim3A_46 = vector.broadcast %broadcast_in_dim3A_45 : vector<1x1600xf32> to vector<608x1600xf32>
    %broadcast_in_dim3A_47 = vector.broadcast %jit3A : f32 to vector<608x1600xf32>
    %select_n3A = arith.select %lt3A_44, %broadcast_in_dim3A_46, %broadcast_in_dim3A_47 : vector<608x1600xi1>, vector<608x1600xf32>
    %reduce_sum3A_48 = arith.constant dense<0.000000e+00> : vector<608xf32>
    %reduce_sum3A_49 = vector.multi_reduction <add>, %select_n3A, %reduce_sum3A_48 [1] : vector<608x1600xf32> to vector<608xf32>
    %broadcast_in_dim3A_50 = vector.shape_cast %reduce_sum3A_49 : vector<608xf32> to vector<608x1xf32>
    %mul3A_51 = vector.broadcast %get3A_19 : vector<1x1600xf32> to vector<608x1600xf32>
    %mul3A_52 = arith.mulf %mul3A_51, %mul3A_26 : vector<608x1600xf32>
    %jit3A_53 = arith.constant 0.000000e+00 : f32
    %broadcast_in_dim3A_54 = vector.broadcast %jit3A_53 : f32 to vector<608x1600xf32>
    %select_n3A_55 = arith.select %lt3A_44, %mul3A_52, %broadcast_in_dim3A_54 : vector<608x1600xi1>, vector<608x1600xf32>
    %reduce_sum3A_56 = arith.constant dense<0.000000e+00> : vector<608xf32>
    %reduce_sum3A_57 = vector.multi_reduction <add>, %select_n3A_55, %reduce_sum3A_56 [1] : vector<608x1600xf32> to vector<608xf32>
    %broadcast_in_dim3A_58 = vector.shape_cast %reduce_sum3A_57 : vector<608xf32> to vector<608x1xf32>
    %sub3A_59 = vector.broadcast %mul3A_32 : f32 to vector<608x1xf32>
    %sub3A_60 = arith.subf %sub3A_59, %broadcast_in_dim3A_50 : vector<608x1xf32>
    %mul3A_61 = arith.mulf %bitcast_convert_type3A_43, %sub3A_60 : vector<608x1xf32>
    %add3A_62 = arith.addf %broadcast_in_dim3A_58, %mul3A_61 : vector<608x1xf32>
    %max3A = arith.constant 0.000000e+00 : f32
    %max3A_63 = vector.broadcast %max3A : f32 to vector<608x1xf32>
    %max3A_64 = arith.maximumf %add3A_62, %max3A_63 : vector<608x1xf32>
    %div3A = vector.broadcast %mul3A_32 : f32 to vector<608x1xf32>
    %div3A_65 = arith.divf %max3A_64, %div3A : vector<608x1xf32>
    %sqrt3A_66 = math.sqrt %div3A_65 : vector<608x1xf32>
    %swap3A = arith.constant 0 : index
    %swap3A_67 = arith.constant 0 : index
    %swap3A_68 = arith.constant 0 : index
    %swap3A_69 = vector.load %arg6[%swap3A, %swap3A_67, %swap3A_68] : memref<1x608x1xf32, #tpu.memory_space<vmem>>, vector<1x608x1xf32>
    %swap3A_70 = vector.shape_cast %swap3A_69 : vector<1x608x1xf32> to vector<608x1xf32>
    %swap3A_71 = vector.shape_cast %sqrt3A_66 : vector<608x1xf32> to vector<1x608x1xf32>
    tpu.vector_store %arg6[%swap3A, %swap3A_67, %swap3A_68], %swap3A_71 {strides = array<i32>} : memref<1x608x1xf32, #tpu.memory_space<vmem>>, vector<1x608x1xf32>,
    return
  }
  func.func @transform_0(%arg0: i32, %arg1: i32) -> (i32, i32) {
    %c0_i32 = arith.constant 0 : i32
    %c0_i32_0 = arith.constant 0 : i32
    return %arg1, %c0_i32 : i32, i32
  }
  func.func @transform_1(%arg0: i32, %arg1: i32) -> (i32, i32) {
    %c0_i32 = arith.constant 0 : i32
    %c0_i32_0 = arith.constant 0 : i32
    return %arg1, %c0_i32 : i32, i32
  }
  func.func @transform_2(%arg0: i32, %arg1: i32) -> (i32, i32, i32) {
    %c0_i32 = arith.constant 0 : i32
    %c0_i32_0 = arith.constant 0 : i32
    %c0_i32_1 = arith.constant 0 : i32
    return %arg0, %c0_i32, %c0_i32_0 : i32, i32, i32
  }
  func.func @transform_3(%arg0: i32, %arg1: i32) -> (i32, i32, i32) {
    %c0_i32 = arith.constant 0 : i32
    %c0_i32_0 = arith.constant 0 : i32
    %c0_i32_1 = arith.constant 0 : i32
    return %arg0, %c0_i32, %c0_i32_0 : i32, i32, i32
  }
  func.func @transform_4(%arg0: i32, %arg1: i32) -> (i32, i32, i32) {
    %c0_i32 = arith.constant 0 : i32
    %c0_i32_0 = arith.constant 0 : i32
    return %arg0, %arg1, %c0_i32 : i32, i32, i32
  }
}

</mosaic_0001>

<sc_bundles>
// kernel: kernel.4.cloned.1.call-start
scs
__scs_entry_jumppad:
0x0: {  	(pc) =	sbr.rel $0x88, $3  }
0x1: {  	(tag) =	ssettag $0x0;
	lr =	simm.s32 $0x1  }
0x2: {  	[smem:$0x3F9F] =	sst lr;
	_ =	strace $0xD0000000  }
0x3: {  	_ = 	snop  }
0x4: {  	_ = 	snop  }
0x5: {  	_ = 	snop  }
0x6: {  	_ = 	snop  }
0x7: {  	_ = 	snop  }
__scs_overlays_trampoline_lowered:
0x8: {  	[smem:$0x3FAE] =	sst s0  }
0x9: {  	[smem:$0x3FAF] =	sst s1  }
0xa: {  	[smem:$0x3FB0] =	sst s2  }
0xb: {  	[smem:$0x3FB1] =	sst s3  }
0xc: {  	[smem:$0x3FB2] =	sst s4  }
0xd: {  	[smem:$0x3FB3] =	sst s5  }
0xe: {  	[smem:$0x3FB4] =	sst s6  }
0xf: {  	[smem:$0x3FB5] =	sst s7  }
0x10: {  	[smem:$0x3FB6] =	sst s8  }
0x11: {  	[smem:$0x3FB7] =	sst s9;
	s0 =	simm.s32 @!p0 $0x0  }
0x12: {  	s1 =	sld [smem:$0x3F9D];
	s0 =	simm.s32 @p0 $0x1  }
0x13: {  	[smem:$0x3FB8] =	sst s0;
	s0 =	simm.s32 @!p1 $0x0  }
0x14: {  	s2 =	sld [smem:$0x3F9C];
	s0 =	simm.s32 @p1 $0x1  }
0x15: {  	[smem:$0x3FB9] =	sst s0;
	s0 =	simm.s32 @!p2 $0x0  }
0x16: {  	s3 =	sld [smem:$0x3FDB];
	s0 =	simm.s32 @p2 $0x1  }
0x17: {  	s4 =	simm.s32 $0x1BF5;
	[smem:$0x3FBB] =	sst s0  }
0x18: {  	s0 =	sld [smem:$0x3F9E];
	_ =	swait.ge [sflag:s4], $0x0  }
0x19: {  	s7 =	sld [smem:$0x3F9F]  }
0x1a: {  	s8 =	sadd.s32 $0xFFFFE003, lr  }
0x1b: {  	s9 =	sadd.s32 $0xFFFFFEF7, lr;
	s5 =	simm.s32 $0xFFFFFFFF;
	p2 =	slt.u32 s8, $0xFFFFF086  }
0x1c: {  	p1 =	slt.u32 s9, $0xF7A;
	s5 =	simm.s32 @!p2 $0x0  }
0x1d: {  	s5 =	simm.s32 @p1 $0x1;
	p0 =	seq.s32 s7, s2  }
0x1e: {  	s7 =	smul.u32 @!p0 $0xF7A, s2;
	p2 =	seq.s32 @!p0 s5, $0x0  }
0x1f: {  	s9 =	smul.u32 $0xF7A, s1;
	s8 =	simm.s32 @!p0 $0x1BF5;
	p2 =	por !p2, p0  }
0x20: {  	[sflag:s8] =	ssyncset.s32 @!p0 $0xFFFFF086;
	s6 =	sadd.s32 @!p0 s3, s7;
	s7 =	simm.s32 @!p0 $0x108  }
0x21: {  	s3 =	sadd.s32 s3, s9;
	s6 =	sadd.s32 @!p0 $0x88, s6;
	s7 =	simm.s32 @p2 $0x1082  }
0x22: {  	[simem:s7], [sflag:s8] =	dma.local @!p0 [hbm:s6], $0xF7A  }
0x23: {  	s9 =	sor.u32 $0xD0000000, s2;
	s6 =	simm.s32 $0x108;
	_ =	swait.ge @!p0 [sflag:s8], $0x0  }
0x24: {  	s3 =	sadd.s32 $0x88, s3;
	s6 =	simm.s32 @!p1 $0x1082;
	[sflag:s4] =	ssyncset.s32 $0xFFFFF086  }
0x25: {  	[simem:s6], [sflag:s4] =	dma.local [hbm:s3], $0xF7A  }
0x26: {  	[smem:$0x3F9F] =	sst s1;
	(tag) =	ssettag s2;
	_ =	strace s9  }
0x27: {  	s1 =	sld [smem:$0x3FAF]  }
0x28: {  	s2 =	sld [smem:$0x3FB0]  }
0x29: {  	s4 =	sld [smem:$0x3FB2]  }
0x2a: {  	p0 =	seq.s32 s5, $0x0;
	s5 =	sld [smem:$0x3FB3]  }
0x2b: {  	s6 =	sld [smem:$0x3FB4]  }
0x2c: {  	s7 =	sld [smem:$0x3FB5]  }
0x2d: {  	s3 =	simm.s32 $0x108;
	s8 =	sld [smem:$0x3FB6]  }
0x2e: {  	s3 =	simm.s32 @!p0 $0x1082;
	s9 =	sld [smem:$0x3FB7]  }
0x2f: {  	lr =	sadd.s32 s0, s3;
	s0 =	sld [smem:$0x3FAE]  }
0x30: {  	s3 =	sld [smem:$0x3FB1]  }
0x31: {  	[smem:$0x3FBA] =	sst s10  }
0x32: {  	s10 =	sld [smem:$0x3FB8];
	_ =	sdelay $0x3  }
0x33: {  	p0 =	seq.s32 s10, $0x1;
	s10 =	sld [smem:$0x3FBA];
	_ =	sdelay $0x3  }
0x34: {  	[smem:$0x3FBA] =	sst s10  }
0x35: {  	s10 =	sld [smem:$0x3FB9];
	_ =	sdelay $0x3  }
0x36: {  	p1 =	seq.s32 s10, $0x1;
	s10 =	sld [smem:$0x3FBA];
	_ =	sdelay $0x3  }
0x37: {  	[smem:$0x3FBA] =	sst s10  }
0x38: {  	s10 =	sld [smem:$0x3FBB]  }
0x39: {  	_ = 	snop;
	(pc) =	sbr.ind lr, $3  }
0x3a: {  	_ = 	snop  }
0x3b: {  	_ = 	snop  }
0x3c: {  	p2 =	seq.s32 s10, $0x1;
	s10 =	sld [smem:$0x3FBA]  }
0x3d: {  	_ =	shalt  }
0x3e: {  	_ =	shalt  }
0x3f: {  	_ =	shalt  }
0x40: {  	_ =	shalt  }
0x41: {  	_ =	shalt  }
0x42: {  	_ =	shalt  }
0x43: {  	_ =	shalt  }
0x44: {  	_ =	shalt  }
0x45: {  	_ =	shalt  }
0x46: {  	_ =	shalt  }
0x47: {  	_ =	shalt  }
0x48: {  	_ =	shalt  }
0x49: {  	_ =	shalt  }
0x4a: {  	_ =	shalt  }
0x4b: {  	_ =	shalt  }
0x4c: {  	_ =	shalt  }
0x4d: {  	_ =	shalt  }
0x4e: {  	_ =	shalt  }
0x4f: {  	_ =	shalt  }
0x50: {  	_ =	shalt  }
0x51: {  	_ =	shalt  }
0x52: {  	_ =	shalt  }
0x53: {  	_ =	shalt  }
0x54: {  	_ =	shalt  }
0x55: {  	_ =	shalt  }
0x56: {  	_ =	shalt  }
0x57: {  	_ =	shalt  }
0x58: {  	_ =	shalt  }
0x59: {  	_ =	shalt  }
0x5a: {  	_ =	shalt  }
0x5b: {  	_ =	shalt  }
0x5c: {  	_ =	shalt  }
0x5d: {  	_ =	shalt  }
0x5e: {  	_ =	shalt  }
0x5f: {  	_ =	shalt  }
0x60: {  	_ =	shalt  }
0x61: {  	_ =	shalt  }
0x62: {  	_ =	shalt  }
0x63: {  	_ =	shalt  }
0x64: {  	_ =	shalt  }
0x65: {  	_ =	shalt  }
0x66: {  	_ =	shalt  }
0x67: {  	_ =	shalt  }
0x68: {  	_ =	shalt  }
0x69: {  	_ =	shalt  }
0x6a: {  	_ =	shalt  }
0x6b: {  	_ =	shalt  }
0x6c: {  	_ =	shalt  }
0x6d: {  	_ =	shalt  }
0x6e: {  	_ =	shalt  }
0x6f: {  	_ =	shalt  }
0x70: {  	_ =	shalt  }
0x71: {  	_ =	shalt  }
0x72: {  	_ =	shalt  }
0x73: {  	_ =	shalt  }
0x74: {  	_ =	shalt  }
0x75: {  	_ =	shalt  }
0x76: {  	_ =	shalt  }
0x77: {  	_ =	shalt  }
0x78: {  	_ =	shalt  }
0x79: {  	_ =	shalt  }
0x7a: {  	_ =	shalt  }
0x7b: {  	_ =	shalt  }
0x7c: {  	_ =	shalt  }
0x7d: {  	_ =	shalt  }
0x7e: {  	_ =	shalt  }
0x7f: {  	_ =	shalt  }
0x80: {  	_ =	shalt  }
0x81: {  	_ =	shalt  }
0x82: {  	_ =	shalt  }
0x83: {  	_ =	shalt  }
0x84: {  	_ =	shalt  }
0x85: {  	_ =	shalt  }
0x86: {  	_ =	shalt  }
0x87: {  	_ =	shalt  }
.Lfunc_end0:
.L_simem_size_0:
called_computation_lowered:
.L_overlay_start_0:
0x88: {  	s2 =	sld [smem:$0x3FD9]  }
0x89: {  	s3 =	sld [smem:$0x3FFE];
	_ =	sdelay $0x1  }
0x8a: {  	s1 =	srdreg.scid  }
0x8b: {  	s0 =	sand.u32 $0x1, s1  }
0x8c: {  	s17 =	sshll.u32 s0, $0xA;
	s2 =	sadd.s32 s3, s2  }
0x8d: {  	s2 =	sadd.s32 s2, s17  }
0x8e: {  	[smem:$0x3FC6] =	sst s2  }
0x8f: {  	_ = 	snop  }
0x90: {  	s2 =	sld [smem:$0x3FC8]  }
0x91: {  	s18 =	sld [smem:$0x3FD0];
	(tm) =	ssettm $0x1  }
0x92: {  	s4 =	sld [smem:$0x3FFB];
	_ =	sdelay $0x3  }
0x93: {  	_ =	strace s4  }
0x94: {  	s4 =	sld [smem:$0x3FFC];
	_ =	sdelay $0x3  }
0x95: {  	_ =	strace s4  }
0x96: {  	s4 =	sld [smem:$0x3FFD];
	_ =	sdelay $0x3  }
0x97: {  	_ =	strace s4  }
0x98: {  	_ =	strace $0x8FFFFFFF  }
0x99: {  	s19 =	sld [smem:$0x3FDB];
	_ =	sdelay $0x1  }
0x9a: {  	s5 =	simm.s32 $_scs_section_size  }
0x9b: {  	s6 =	simm.s32 $_size__tile_overlayer_lowered;
	s7 =	simm.s32 $_tile_overlayer_lowered  }
0x9c: {  	s22 =	simm.s32 $0x1BFF;
	s21 =	sshll.u32 s7, $0x1;
	s4 =	sadd.s32 s5, s19  }
0x9d: {  	s8 =	simm.s32 $0x0;
	s20 =	sshll.u32 s6, $0x1;
	s6 =	sadd.s32 s21, s4  }
0x9e: {  	[timem:s8], [sflag:s22] =	dma.local [hbm:s6], s20  }
0x9f: {  	_ =	swait.ge [sflag:s22], s20  }
0xa0: {  	s5 =	ssub.s32 $0x0, s20;
	[sflag:s22] =	ssyncset.done $0x0  }
0xa1: {  	[sflag:s22] =	ssyncadd.s32 s5;
	_ =	sdelay $0x1  }
0xa2: {  	s23 =	simm.s32 $0x1B8B  }
0xa3: {  	_ =	swait.ge [sflag:s23], $0x1  }
0xa4: {  	[sflag:s23] =	ssyncset.done $0x0  }
0xa5: {  	s25 =	simm.s32 $0x1B8E;
	s24 =	sld [smem:$0x3FFE];
	[sflag:s23] =	ssyncadd.s32 $0xFFFFFFFF  }
0xa6: {  	s26 =	simm.s32 $execute0_lowered;
	[smem:$0x3FD2] =	sst s25  }
0xa7: {  	s6 =	sshll.u32 s26, $0x1;
	_ =	strace $0x80000046;
	[dreg:$0x1] =	wrdreg $0xFFFFFFFF  }
0xa8: {  	s28 =	simm.s32 $_size_execute0_lowered;
	s4 =	sadd.s32 s4, s6;
	[dreg:$0x0] =	wrdreg $0x0  }
0xa9: {  	s6 =	sshll.u32 s28, $0x1;
	[dreg:$0x2] =	wrdreg s4  }
0xaa: {  	[dreg:$0x3] =	wrdreg s6  }
0xab: {  	[dreg:$0x4] =	wrdreg $0xC0  }
0xac: {  	_ =	task [dreg:s8], $0x5FFFF  }
0xad: {  	[dreg:$0x1] =	wrdreg $0xFFFFFFFF  }
0xae: {  	[dreg:$0x0] =	wrdreg $0x60  }
0xaf: {  	[dreg:$0x2] =	wrdreg s24  }
0xb0: {  	[dreg:$0x3] =	wrdreg s18  }
0xb1: {  	[dreg:$0x4] =	wrdreg s2  }
0xb2: {  	[dreg:$0x5] =	wrdreg $0x9  }
0xb3: {  	_ =	task.clear_ibuf [dreg:s8], $0x6FFFF;
	_ =	strace $0x90000046  }
0xb4: {  	s29 =	simm.s32 $0x9;
	_ =	strace $0x80000048  }
0xb5: {  	_ =	swait.ge [sflag:s29], $0x1  }
0xb6: {  	[sflag:s29] =	ssyncadd.s32 $0xFFFFFFFF  }
0xb7: {  	_ =	strace $0x90000048  }
0xb8: {  	_ =	sfence  }
0xb9: {  	s30 =	sld [smem:$0x0];
	_ =	sdelay $0x2  }
0xba: {  	s31 =	sshll.u32 s1, $0xD;
	s1 =	sshrl.u32 s1, $0x2  }
0xbb: {  	s3 =	sand.u32 $0x4000, s31;
	s1 =	sadd.s32 s1, s30  }
0xbc: {  	s0 =	sor.u32 s3, s0;
	s1 =	sshll.u32 s1, $0x11  }
0xbd: {  	s0 =	sor.u32 s1, s0  }
0xbe: {  	s0 =	sadd.s32 $0x8F2B, s0  }
0xbf: {  	[sflag:s0] =	ssyncadd.remote.s32 $0x1  }
0xc0: {  	_ =	sfence.sel $0xFFFF  }
0xc1: {  	[dreg:$0x0] =	wrdreg $0xFFFFFFFF;
	(pc) =	sbr.abs _section_cstart, $3  }
0xc2: {  	[dreg:$0x1] =	wrdreg $0xFFFFFFFF  }
0xc3: {  	_ =	task.clear_ibuf [dreg:s8], $0x2FFFF;
	_ =	strace $0x9FFFFFFF  }
0xc4: {  	(tm) =	ssettm $0x7FFFFFFF  }
0xc5: {  	_ =	shalt  }
tec
execute0_lowered:
.L_overlay_start_1:
0x0: {  	(tag) =	ssettag $0x1  }
0x1: {  	v0 =	vimm.s32 $0xFEDCBA98;
	v1 =	vimm.s32 $0x76543210;
	s4 =	rddreg [dreg:$0x0];
	v2 =	vimm.s32 $0xBA98FEDC  }
0x2: {  	s5 =	rddreg [dreg:$0x1];
	v3 =	vimm.s32 $0x32107654;
	v4 =	vimm.s32 $0xDCFE98BA;
	v5 =	vimm.s32 $0x54761032  }
0x3: {  	s0 =	stileid.u32;
	s1 =	srdreg.scid;
	v6 =	vimm.s32 $0xEFCDAB89;
	v7 =	vimm.s32 $0x67452301;
	v8 =	vimm.s32 $0x4  }
0x4: {  	s6 =	rddreg [dreg:$0x2];
	s2 =	simm.s32 $0x0;
	v9 =	vimm.s32 $0x5;
	v10 =	vimm.s32 $0x6;
	v11 =	vimm.s32 $0x7;
	s13 =	simm.s32 $0x680  }
0x5: {  	v12 =	vimm.s32 $0x8;
	v13 =	vimm.s32 $0x9;
	s14 =	simm.s32 $0xD00;
	s15 =	simm.s32 $0x7780;
	v14 =	vimm.s32 $0xA;
	s16 =	simm.s32 $0x7800  }
0x6: {  	v15 =	vimm.s32 $0xB;
	v16 =	vimm.s32 $0xC;
	v17 =	vimm.s32 $0xD;
	s17 =	simm.s32 $0x7880;
	s3 =	sand.u32 $0x1, s1;
	s1 =	rddreg [dreg:$0x3]  }
0x7: {  	v18 =	vimm.s32 $0xE;
	s18 =	simm.s32 $0x0;
	v0 =	vunpack.c.l.s4.s8 v0;
	v1 =	vunpack.c.l.s4.s8 v1;
	s7 =	sshll.u32 s0, $0x1;
	[smem:$0x7FF] =	sst s2  }
0x8: {  	v2 =	vunpack.c.l.s4.s8 v2;
	v3 =	vunpack.c.l.s4.s8 v3;
	v4 =	vunpack.c.l.s4.s8 v4;
	s8 =	sshll.u32 s0, $0x3;
	s7 =	sor.u32 s3, s7;
	_ =	strace $0x80000047  }
0x9: {  	v5 =	vunpack.c.l.s4.s8 v5;
	v6 =	vunpack.c.l.s4.s8 v6;
	v7 =	vunpack.c.l.s4.s8 v7;
	s8 =	sand.u32 $0x70, s8;
	s3 =	ssub.s32 $0x2, s3;
	s9 =	sand.u32 $0x3, s7  }
0xa: {  	v0 =	vunpack.c.0.s8.s32 v0;
	v1 =	vunpack.c.0.s8.s32 v1;
	v2 =	vunpack.c.0.s8.s32 v2;
	s7 =	sshll.u32 s7, $0x4;
	s30 =	sshrl.u32 s3, $0x1;
	s9 =	smul.u32 $0x60, s9  }
0xb: {  	v3 =	vunpack.c.0.s8.s32 v3;
	v4 =	vunpack.c.0.s8.s32 v4;
	s10 =	sadd.s32 s8, s4;
	v5 =	vunpack.c.0.s8.s32 v5;
	s11 =	sadd.s32 s7, s4;
	s12 =	ssub.s32 s3, s30  }
0xc: {  	v6 =	vunpack.c.0.s8.s32 v6;
	v7 =	vunpack.c.0.s8.s32 v7;
	s3 =	sadd.s32 $0xA00, s10;
	s10 =	simm.s32 $0x80;
	v0 =	vand.u32 $0xF, v0;
	s9 =	sshrl.u32 s9, $0x3  }
0xd: {  	v19 =	vimm.s32 $0xF;
	v0 =	vcombine.low v0, v1;
	v1 =	vcombine.low v3, v2;
	s31 =	sadd.s32 s4, s9;
	s4 =	sadd.s32 s5, s8;
	s5 =	sadd.s32 s6, s8  }
0xe: {  	v2 =	vcombine.low v5, v4;
	v3 =	vcombine.low v7, v6;
	v4 =	vimm.s32 $0x0;
	s8 =	sadd.s32 $0x1200, s11;
	s9 =	smax.u32 s12, $0x1;
	s11 =	simm.s32 $0x400  }
0xf: {  	v5 =	vimm.s32 $0x1;
	v6 =	vimm.s32 $0x2;
	v7 =	vimm.s32 $0x3;
	s12 =	simm.s32 $0x1;
	s6 =	sadd.s32 $0x698, s31;
	s7 =	sadd.s32 $0x898, s31  }
.LBB2_1:
0x10: {  	[tilespmem:s2], [sflag:$0x1] =	stream.strided.gather [hbm4b:s3+s10], $0x680, s11, s10, $0x38;
	[tilespmem:$0x7900] =	vst v63  }
0x11: {  	_ =	swait.ge [sflag:s12], $0x680  }
0x12: {  	[sflag:s12] =	ssyncset.done $0x0  }
0x13: {  	[sflag:s12] =	ssyncadd.s32 $0xFFFFF980  }
0x14: {  	[tilespmem:s13], [sflag:$0x1] =	stream.strided.gather [hbm4b:s4+s10], $0x680, s11, s10, $0x38;
	[tilespmem:$0x7900] =	vst v63  }
0x15: {  	_ =	swait.ge [sflag:s12], $0x680  }
0x16: {  	[sflag:s12] =	ssyncset.done $0x0  }
0x17: {  	[sflag:s12] =	ssyncadd.s32 $0xFFFFF980  }
0x18: {  	[tilespmem:s14], [sflag:$0x1] =	stream.strided.gather [hbm4b:s5+s10], $0x680, s11, s10, $0x38;
	[tilespmem:$0x7900] =	vst v63  }
0x19: {  	_ =	swait.ge [sflag:s12], $0x680  }
0x1a: {  	[sflag:s12] =	ssyncset.done $0x0  }
0x1b: {  	[sflag:s12] =	ssyncadd.s32 $0xFFFFF980  }
0x1c: {  	[tilespmem:s15], [sflag:$0x1] =	stream.linear.gather [hbm4b:s6+s2], $0x60, $0x38;
	[tilespmem:$0x7900] =	vst v63  }
0x1d: {  	_ =	swait.ge [sflag:s12], $0x60  }
0x1e: {  	[sflag:s12] =	ssyncset.done $0x0  }
0x1f: {  	[sflag:s12] =	ssyncadd.s32 $0xFFFFFFA0  }
0x20: {  	[tilespmem:s16], [sflag:$0x1] =	stream.linear.gather [hbm4b:s7+s2], $0x60, $0x38;
	[tilespmem:$0x7900] =	vst v63  }
0x21: {  	_ =	swait.ge [sflag:s12], $0x60  }
0x22: {  	[sflag:s12] =	ssyncset.done $0x0  }
0x23: {  	[sflag:s12] =	ssyncadd.s32 $0xFFFFFFA0  }
0x24: {  	v20 =	vld [tilespmem:$0xD00];
	_ =	sdelay $0x1  }
0x25: {  	v21 =	vld [tilespmem:$0xD10];
	_ =	sdelay $0x1  }
0x26: {  	v22 =	vld [tilespmem:$0xD20]  }
0x27: {  	v20 =	vadd.f32 $0.0e+00, v20  }
0x28: {  	v23 =	vld [tilespmem:$0xD30]  }
0x29: {  	v20 =	vadd.f32 v21, v20  }
0x2a: {  	v21 =	vld [tilespmem:$0xD40]  }
0x2b: {  	v20 =	vadd.f32 v22, v20  }
0x2c: {  	v22 =	vld [tilespmem:$0xD50]  }
0x2d: {  	v20 =	vadd.f32 v23, v20  }
0x2e: {  	v23 =	vld [tilespmem:$0xD60]  }
0x2f: {  	v20 =	vadd.f32 v21, v20  }
0x30: {  	v21 =	vld [tilespmem:$0xD70]  }
0x31: {  	v20 =	vadd.f32 v22, v20  }
0x32: {  	v22 =	vld [tilespmem:$0xD80]  }
0x33: {  	v20 =	vadd.f32 v23, v20  }
0x34: {  	v23 =	vld [tilespmem:$0xD90]  }
0x35: {  	v20 =	vadd.f32 v21, v20  }
0x36: {  	v21 =	vld [tilespmem:$0xDA0]  }
0x37: {  	v20 =	vadd.f32 v22, v20  }
0x38: {  	v22 =	vld [tilespmem:$0xDB0]  }
0x39: {  	v20 =	vadd.f32 v23, v20  }
0x3a: {  	v23 =	vld [tilespmem:$0xDC0]  }
0x3b: {  	v20 =	vadd.f32 v21, v20  }
0x3c: {  	v21 =	vld [tilespmem:$0xDD0]  }
0x3d: {  	v20 =	vadd.f32 v22, v20  }
0x3e: {  	v22 =	vld [tilespmem:$0xDE0]  }
0x3f: {  	v20 =	vadd.f32 v23, v20  }
0x40: {  	v23 =	vld [tilespmem:$0xDF0]  }
0x41: {  	v20 =	vadd.f32 v21, v20  }
0x42: {  	v21 =	vld [tilespmem:$0xE00]  }
0x43: {  	v20 =	vadd.f32 v22, v20  }
0x44: {  	v22 =	vld [tilespmem:$0xE10]  }
0x45: {  	v20 =	vadd.f32 v23, v20  }
0x46: {  	v23 =	vld [tilespmem:$0xE20]  }
0x47: {  	v20 =	vadd.f32 v21, v20  }
0x48: {  	v21 =	vld [tilespmem:$0xE30]  }
0x49: {  	v20 =	vadd.f32 v22, v20  }
0x4a: {  	v22 =	vld [tilespmem:$0xE40]  }
0x4b: {  	v20 =	vadd.f32 v23, v20  }
0x4c: {  	v23 =	vld [tilespmem:$0xE50]  }
0x4d: {  	v20 =	vadd.f32 v21, v20  }
0x4e: {  	v21 =	vld [tilespmem:$0xE60]  }
0x4f: {  	v20 =	vadd.f32 v22, v20  }
0x50: {  	v22 =	vld [tilespmem:$0xE70]  }
0x51: {  	v20 =	vadd.f32 v23, v20  }
0x52: {  	v23 =	vld [tilespmem:$0xE80]  }
0x53: {  	v20 =	vadd.f32 v21, v20  }
0x54: {  	v21 =	vld [tilespmem:$0xE90]  }
0x55: {  	v20 =	vadd.f32 v22, v20  }
0x56: {  	v22 =	vld [tilespmem:$0xEA0]  }
0x57: {  	v20 =	vadd.f32 v23, v20  }
0x58: {  	v23 =	vld [tilespmem:$0xEB0]  }
0x59: {  	v20 =	vadd.f32 v21, v20  }
0x5a: {  	v21 =	vld [tilespmem:$0xEC0]  }
0x5b: {  	v20 =	vadd.f32 v22, v20  }
0x5c: {  	v22 =	vld [tilespmem:$0xED0]  }
0x5d: {  	v20 =	vadd.f32 v23, v20  }
0x5e: {  	v23 =	vld [tilespmem:$0xEE0]  }
0x5f: {  	v20 =	vadd.f32 v21, v20  }
0x60: {  	v21 =	vld [tilespmem:$0xEF0]  }
0x61: {  	v20 =	vadd.f32 v22, v20  }
0x62: {  	v22 =	vld [tilespmem:$0xF00]  }
0x63: {  	v20 =	vadd.f32 v23, v20  }
0x64: {  	v23 =	vld [tilespmem:$0xF10]  }
0x65: {  	v20 =	vadd.f32 v21, v20  }
0x66: {  	v21 =	vld [tilespmem:$0xF20]  }
0x67: {  	v20 =	vadd.f32 v22, v20  }
0x68: {  	v22 =	vld [tilespmem:$0xF30]  }
0x69: {  	v20 =	vadd.f32 v23, v20  }
0x6a: {  	v23 =	vld [tilespmem:$0xF40]  }
0x6b: {  	v20 =	vadd.f32 v21, v20  }
0x6c: {  	v21 =	vld [tilespmem:$0xF50]  }
0x6d: {  	v20 =	vadd.f32 v22, v20  }
0x6e: {  	v22 =	vld [tilespmem:$0xF60]  }
0x6f: {  	v20 =	vadd.f32 v23, v20  }
0x70: {  	v23 =	vld [tilespmem:$0xF70]  }
0x71: {  	v20 =	vadd.f32 v21, v20  }
0x72: {  	v21 =	vld [tilespmem:$0xF80]  }
0x73: {  	v20 =	vadd.f32 v22, v20  }
0x74: {  	v22 =	vld [tilespmem:$0xF90]  }
0x75: {  	v20 =	vadd.f32 v23, v20  }
0x76: {  	v23 =	vld [tilespmem:$0xFA0]  }
0x77: {  	v20 =	vadd.f32 v21, v20  }
0x78: {  	v21 =	vld [tilespmem:$0xFB0]  }
0x79: {  	v20 =	vadd.f32 v22, v20  }
0x7a: {  	v22 =	vld [tilespmem:$0xFC0]  }
0x7b: {  	v20 =	vadd.f32 v23, v20  }
0x7c: {  	v23 =	vld [tilespmem:$0xFD0]  }
0x7d: {  	v20 =	vadd.f32 v21, v20  }
0x7e: {  	v21 =	vld [tilespmem:$0xFE0]  }
0x7f: {  	v20 =	vadd.f32 v22, v20  }
0x80: {  	v22 =	vld [tilespmem:$0xFF0]  }
0x81: {  	v20 =	vadd.f32 v23, v20  }
0x82: {  	v23 =	vld [tilespmem:$0x1000]  }
0x83: {  	v20 =	vadd.f32 v21, v20  }
0x84: {  	v21 =	vld [tilespmem:$0x1010]  }
0x85: {  	v20 =	vadd.f32 v22, v20  }
0x86: {  	v22 =	vld [tilespmem:$0x1020]  }
0x87: {  	v20 =	vadd.f32 v23, v20  }
0x88: {  	v23 =	vld [tilespmem:$0x1030]  }
0x89: {  	v20 =	vadd.f32 v21, v20  }
0x8a: {  	v21 =	vld [tilespmem:$0x1040]  }
0x8b: {  	v20 =	vadd.f32 v22, v20  }
0x8c: {  	v22 =	vld [tilespmem:$0x1050]  }
0x8d: {  	v20 =	vadd.f32 v23, v20  }
0x8e: {  	v23 =	vld [tilespmem:$0x1060]  }
0x8f: {  	v20 =	vadd.f32 v21, v20  }
0x90: {  	v21 =	vld [tilespmem:$0x1070]  }
0x91: {  	v20 =	vadd.f32 v22, v20  }
0x92: {  	v22 =	vld [tilespmem:$0x1080]  }
0x93: {  	v20 =	vadd.f32 v23, v20  }
0x94: {  	v23 =	vld [tilespmem:$0x1090]  }
0x95: {  	v20 =	vadd.f32 v21, v20  }
0x96: {  	v21 =	vld [tilespmem:$0x10A0]  }
0x97: {  	v20 =	vadd.f32 v22, v20  }
0x98: {  	v22 =	vld [tilespmem:$0x10B0]  }
0x99: {  	v20 =	vadd.f32 v23, v20  }
0x9a: {  	v23 =	vld [tilespmem:$0x10C0]  }
0x9b: {  	v20 =	vadd.f32 v21, v20  }
0x9c: {  	v21 =	vld [tilespmem:$0x10D0]  }
0x9d: {  	v20 =	vadd.f32 v22, v20  }
0x9e: {  	v22 =	vld [tilespmem:$0x10E0]  }
0x9f: {  	v20 =	vadd.f32 v23, v20  }
0xa0: {  	v23 =	vld [tilespmem:$0x10F0]  }
0xa1: {  	v20 =	vadd.f32 v21, v20  }
0xa2: {  	v21 =	vld [tilespmem:$0x1100]  }
0xa3: {  	v20 =	vadd.f32 v22, v20  }
0xa4: {  	v22 =	vld [tilespmem:$0x1110]  }
0xa5: {  	v20 =	vadd.f32 v23, v20  }
0xa6: {  	v23 =	vld [tilespmem:$0x1120]  }
0xa7: {  	v20 =	vadd.f32 v21, v20  }
0xa8: {  	v21 =	vld [tilespmem:$0x1130]  }
0xa9: {  	v20 =	vadd.f32 v22, v20  }
0xaa: {  	v22 =	vld [tilespmem:$0x1140]  }
0xab: {  	v20 =	vadd.f32 v23, v20  }
0xac: {  	v23 =	vld [tilespmem:$0x1150]  }
0xad: {  	v20 =	vadd.f32 v21, v20  }
0xae: {  	v21 =	vld [tilespmem:$0x1160]  }
0xaf: {  	v20 =	vadd.f32 v22, v20  }
0xb0: {  	v22 =	vld [tilespmem:$0x1170]  }
0xb1: {  	v20 =	vadd.f32 v23, v20  }
0xb2: {  	v23 =	vld [tilespmem:$0x1180]  }
0xb3: {  	v20 =	vadd.f32 v21, v20  }
0xb4: {  	v21 =	vld [tilespmem:$0x1190]  }
0xb5: {  	v20 =	vadd.f32 v22, v20  }
0xb6: {  	v22 =	vld [tilespmem:$0x11A0]  }
0xb7: {  	v20 =	vadd.f32 v23, v20  }
0xb8: {  	v23 =	vld [tilespmem:$0x11B0]  }
0xb9: {  	v20 =	vadd.f32 v21, v20  }
0xba: {  	v21 =	vld [tilespmem:$0x11C0]  }
0xbb: {  	v20 =	vadd.f32 v22, v20  }
0xbc: {  	v22 =	vld [tilespmem:$0x11D0]  }
0xbd: {  	v20 =	vadd.f32 v23, v20  }
0xbe: {  	v23 =	vld [tilespmem:$0x11E0]  }
0xbf: {  	v20 =	vadd.f32 v21, v20  }
0xc0: {  	v21 =	vld [tilespmem:$0x11F0]  }
0xc1: {  	v20 =	vadd.f32 v22, v20  }
0xc2: {  	v22 =	vld [tilespmem:$0x1200]  }
0xc3: {  	v20 =	vadd.f32 v23, v20  }
0xc4: {  	v23 =	vld [tilespmem:$0x1210]  }
0xc5: {  	v20 =	vadd.f32 v21, v20  }
0xc6: {  	v21 =	vld [tilespmem:$0x1220]  }
0xc7: {  	v20 =	vadd.f32 v22, v20  }
0xc8: {  	v22 =	vld [tilespmem:$0x1230]  }
0xc9: {  	v20 =	vadd.f32 v23, v20  }
0xca: {  	v23 =	vld [tilespmem:$0x1240]  }
0xcb: {  	v20 =	vadd.f32 v21, v20  }
0xcc: {  	v21 =	vld [tilespmem:$0x1250]  }
0xcd: {  	v20 =	vadd.f32 v22, v20  }
0xce: {  	v22 =	vld [tilespmem:$0x1260]  }
0xcf: {  	v20 =	vadd.f32 v23, v20  }
0xd0: {  	v23 =	vld [tilespmem:$0x1270]  }
0xd1: {  	v20 =	vadd.f32 v21, v20  }
0xd2: {  	v21 =	vld [tilespmem:$0x1280]  }
0xd3: {  	v20 =	vadd.f32 v22, v20  }
0xd4: {  	v22 =	vld [tilespmem:$0x1290]  }
0xd5: {  	v20 =	vadd.f32 v23, v20  }
0xd6: {  	v23 =	vld [tilespmem:$0x12A0]  }
0xd7: {  	v20 =	vadd.f32 v21, v20  }
0xd8: {  	v21 =	vld [tilespmem:$0x12B0]  }
0xd9: {  	v20 =	vadd.f32 v22, v20  }
0xda: {  	v22 =	vld [tilespmem:$0x12C0]  }
0xdb: {  	v20 =	vadd.f32 v23, v20  }
0xdc: {  	v23 =	vld [tilespmem:$0x12D0]  }
0xdd: {  	v20 =	vadd.f32 v21, v20  }
0xde: {  	v21 =	vld [tilespmem:$0x12E0]  }
0xdf: {  	v20 =	vadd.f32 v22, v20  }
0xe0: {  	v22 =	vld [tilespmem:$0x12F0]  }
0xe1: {  	v20 =	vadd.f32 v23, v20  }
0xe2: {  	v23 =	vld [tilespmem:$0x1300]  }
0xe3: {  	v20 =	vadd.f32 v21, v20  }
0xe4: {  	v21 =	vld [tilespmem:$0x1310]  }
0xe5: {  	v20 =	vadd.f32 v22, v20  }
0xe6: {  	v22 =	vld [tilespmem:$0x1320]  }
0xe7: {  	v20 =	vadd.f32 v23, v20  }
0xe8: {  	v23 =	vld [tilespmem:$0x1330]  }
0xe9: {  	v20 =	vadd.f32 v21, v20;
	_ =	sdelay $0x1  }
0xea: {  	v20 =	vadd.f32 v22, v20;
	_ =	sdelay $0x1  }
0xeb: {  	v20 =	vadd.f32 v23, v20;
	_ =	sdelay $0x1  }
0xec: {  	v21 =	vperm.xlane v20, v0;
	_ =	sdelay $0x1  }
0xed: {  	v20 =	vadd.f32 v21, v20;
	_ =	sdelay $0x1  }
0xee: {  	v21 =	vperm.xlane v20, v1;
	_ =	sdelay $0x1  }
0xef: {  	v20 =	vadd.f32 v21, v20;
	_ =	sdelay $0x1  }
0xf0: {  	v21 =	vperm.xlane v20, v2;
	_ =	sdelay $0x1  }
0xf1: {  	v20 =	vadd.f32 v21, v20;
	_ =	sdelay $0x1  }
0xf2: {  	v21 =	vperm.xlane v20, v3;
	_ =	sdelay $0x1  }
0xf3: {  	v20 =	vadd.f32 v21, v20;
	_ =	sdelay $0x1  }
0xf4: {  	v20 =	vmul.f32 $3.000000120e-01, v20;
	_ =	sdelay $0x1  }
0xf5: {  	(erf) = vrcp.f32 v20;
	_ =	sdelay $0x8  }
0xf6: {  	s19 =	simm.s32 $0x0;
	v21 =	vpop (erf)  }
.LBB2_2:
0xf7: {  	s20 =	sshll.u32 s19, $0x4  }
0xf8: {  	v23 =	vld [tilespmem:s20+$0x7780]  }
0xf9: {  	v27 =	vimm.f32 $3.399999950e+38;
	v22 =	vimm.f32 $0.0e+00;
	s21 =	simm.s32 $0x0;
	s22 =	simm.s32 $0x1480;
	v24 =	vld [tilespmem:s20+$0x7800]  }
.LBB2_3:
0xfa: {  	s23 =	sshra.s32 s21, $0x2  }
0xfb: {  	v39 =	vld [tilespmem:s23+$0x0]  }
0xfc: {  	v37 =	vld [tilespmem:s23+$0x680];
	_ =	sdelay $0x4  }
0xfd: {  	v25 =	vperm.xlane v39, v4;
	v26 =	vperm.xlane v37, v4  }
0xfe: {  	v28 =	vperm.xlane v39, v5;
	v29 =	vperm.xlane v37, v5  }
0xff: {  	v30 =	vperm.xlane v39, v6;
	v31 =	vperm.xlane v37, v6  }
0x100: {  	v32 =	vperm.xlane v39, v7;
	v44 =	vperm.xlane v39, v8  }
0x101: {  	v45 =	vperm.xlane v37, v8;
	v33 =	vperm.xlane v39, v9  }
0x102: {  	v34 =	vperm.xlane v37, v9;
	v35 =	vperm.xlane v39, v10  }
0x103: {  	v36 =	vperm.xlane v37, v10;
	v49 =	vperm.xlane v39, v11  }
0x104: {  	v50 =	vperm.xlane v37, v11;
	v51 =	vperm.xlane v39, v12  }
0x105: {  	v52 =	vperm.xlane v37, v12;
	v53 =	vperm.xlane v39, v13  }
0x106: {  	v40 =	vperm.xlane v37, v13;
	v54 =	vperm.xlane v39, v14;
	v25 =	vsub.f32 v23, v25  }
0x107: {  	v41 =	vperm.xlane v37, v14;
	v26 =	vsub.f32 v24, v26;
	v28 =	vsub.f32 v23, v28  }
0x108: {  	v56 =	vperm.xlane v39, v15;
	v29 =	vsub.f32 v24, v29;
	v30 =	vsub.f32 v23, v30  }
0x109: {  	v57 =	vperm.xlane v37, v15;
	v31 =	vsub.f32 v24, v31;
	v32 =	vsub.f32 v23, v32  }
0x10a: {  	v58 =	vperm.xlane v37, v16;
	v33 =	vsub.f32 v23, v33;
	v34 =	vsub.f32 v24, v34  }
0x10b: {  	v61 =	vperm.xlane v37, v17;
	v35 =	vsub.f32 v23, v35;
	v36 =	vsub.f32 v24, v36  }
0x10c: {  	v40 =	vsub.f32 v24, v40;
	v25 =	vmul.f32 v25, v25;
	v26 =	vmul.f32 v26, v26  }
0x10d: {  	v55 =	vsub.f32 v24, v41;
	v28 =	vmul.f32 v28, v28;
	v29 =	vmul.f32 v29, v29  }
0x10e: {  	v41 =	vsub.f32 v24, v57;
	v30 =	vmul.f32 v30, v30;
	v46 =	vmul.f32 v34, v34  }
0x10f: {  	v47 =	vmul.f32 v35, v35;
	v48 =	vmul.f32 v36, v36;
	v34 =	vsub.f32 v24, v50  }
0x110: {  	v35 =	vsub.f32 v23, v51;
	v36 =	vsub.f32 v24, v52;
	v40 =	vmul.f32 v40, v40  }
0x111: {  	v41 =	vmul.f32 v41, v41;
	v50 =	vperm.xlane v39, v18;
	v51 =	vsub.f32 v24, v61  }
0x112: {  	v26 =	vadd.f32 v26, v25;
	v25 =	vadd.f32 v29, v28;
	v28 =	vmul.f32 v31, v31  }
0x113: {  	v29 =	vperm.xlane v37, v7;
	v31 =	vsub.f32 v23, v44;
	v34 =	vmul.f32 v34, v34  }
0x114: {  	v35 =	vmul.f32 v35, v35;
	v36 =	vmul.f32 v36, v36;
	v44 =	vsub.f32 v24, v58  }
0x115: {  	v27 =	vmin.f32 v27, v26;
	v42 =	vmax.f32 v22, v26;
	v22 =	vadd.f32 v28, v30  }
0x116: {  	v28 =	vsub.f32 v24, v29;
	v29 =	vmul.f32 v32, v32;
	v38 =	vmul.f32 v31, v31  }
0x117: {  	v32 =	vsub.f32 v24, v45;
	v45 =	vperm.xlane v39, v17;
	v60 =	vmul.f32 v44, v44  }
0x118: {  	v27 =	vmin.f32 v27, v25;
	v43 =	vmax.f32 v42, v25;
	v42 =	vperm.xlane v39, v16  }
0x119: {  	v39 =	vperm.xlane v39, v19;
	v27 =	vmin.f32 v27, v22;
	v28 =	vmul.f32 v28, v28  }
0x11a: {  	v32 =	vmul.f32 v32, v32;
	v62 =	vsub.f32 v23, v45;
	v42 =	vsub.f32 v23, v42  }
0x11b: {  	v30 =	vmax.f32 v43, v22;
	v39 =	vsub.f32 v23, v39;
	v31 =	vadd.f32 v28, v29  }
0x11c: {  	v28 =	vmul.f32 v33, v33;
	v29 =	vadd.f32 v32, v38;
	v33 =	vsub.f32 v23, v49  }
0x11d: {  	v38 =	vsub.f32 v23, v53;
	v52 =	vmul.f32 v62, v62;
	v53 =	vperm.xlane v37, v18  }
0x11e: {  	v37 =	vperm.xlane v37, v19;
	v27 =	vmin.f32 v27, v31;
	v33 =	vmul.f32 v33, v33  }
0x11f: {  	v32 =	vadd.f32 v46, v28;
	v28 =	vmax.f32 v30, v31;
	v30 =	vadd.f32 v48, v47  }
0x120: {  	v38 =	vmul.f32 v38, v38;
	v27 =	vmin.f32 v27, v29;
	v34 =	vadd.f32 v34, v33  }
0x121: {  	v28 =	vmax.f32 v28, v29;
	v33 =	vadd.f32 v36, v35;
	v36 =	vsub.f32 v23, v54  }
0x122: {  	v27 =	vmin.f32 v27, v32;
	v28 =	vmax.f32 v28, v32;
	v35 =	vadd.f32 v40, v38  }
0x123: {  	v38 =	vmul.f32 v55, v55;
	v27 =	vmin.f32 v27, v30;
	v36 =	vmul.f32 v36, v36  }
0x124: {  	v40 =	vsub.f32 v23, v56;
	v28 =	vmax.f32 v28, v30;
	v27 =	vmin.f32 v27, v34  }
0x125: {  	v28 =	vmax.f32 v28, v34;
	v27 =	vmin.f32 v27, v33;
	v36 =	vadd.f32 v38, v36  }
0x126: {  	v40 =	vmul.f32 v40, v40;
	v28 =	vmax.f32 v28, v33;
	v27 =	vmin.f32 v27, v35  }
0x127: {  	v37 =	vsub.f32 v24, v37;
	v28 =	vmax.f32 v28, v35;
	v43 =	vmin.f32 v27, v36;
	v27 =	vld [tilespmem:s23+$0x10]  }
0x128: {  	v59 =	vmul.f32 v42, v42;
	v38 =	vadd.f32 v41, v40;
	v46 =	vmax.f32 v28, v36;
	v28 =	vld [tilespmem:s23+$0x690]  }
0x129: {  	v39 =	vmul.f32 v39, v39;
	v44 =	vsub.f32 v24, v53;
	v37 =	vmul.f32 v37, v37  }
0x12a: {  	v41 =	vmul.f32 v51, v51;
	v63 =	vmax.f32 v46, v38;
	v46 =	vsub.f32 v23, v50  }
0x12b: {  	v54 =	vmul.f32 v44, v44;
	v37 =	vadd.f32 v37, v39;
	v40 =	vadd.f32 v60, v59  }
0x12c: {  	v41 =	vadd.f32 v41, v52;
	v43 =	vmin.f32 v43, v38;
	v46 =	vmul.f32 v46, v46  }
0x12d: {  	v43 =	vmin.f32 v43, v40;
	v47 =	vperm.xlane v27, v4;
	v48 =	vperm.xlane v28, v4  }
0x12e: {  	v45 =	vmax.f32 v63, v40;
	v59 =	vperm.xlane v27, v5;
	v60 =	vperm.xlane v28, v5  }
0x12f: {  	v43 =	vmin.f32 v43, v41;
	v61 =	vperm.xlane v27, v6;
	v62 =	vperm.xlane v28, v6  }
0x130: {  	v42 =	vadd.f32 v54, v46;
	v49 =	vperm.xlane v27, v7;
	v50 =	vperm.xlane v28, v7  }
0x131: {  	v45 =	vmax.f32 v45, v41;
	v63 =	vperm.xlane v27, v8;
	v51 =	vperm.xlane v28, v8  }
0x132: {  	v55 =	vsub.f32 v23, v47;
	v56 =	vsub.f32 v24, v48;
	v43 =	vmin.f32 v43, v42  }
0x133: {  	v45 =	vmax.f32 v45, v42;
	v46 =	vsub.f32 v23, v59;
	v44 =	vsub.f32 v24, v60  }
0x134: {  	v47 =	vsub.f32 v23, v61;
	v59 =	vperm.xlane v27, v10;
	v60 =	vperm.xlane v28, v10  }
0x135: {  	v48 =	vsub.f32 v24, v62;
	v61 =	vperm.xlane v27, v11;
	v62 =	vperm.xlane v28, v11  }
0x136: {  	v49 =	vsub.f32 v23, v49;
	v57 =	vmul.f32 v55, v55;
	v58 =	vmul.f32 v56, v56  }
0x137: {  	v50 =	vsub.f32 v24, v50;
	v46 =	vmul.f32 v46, v46;
	v44 =	vmul.f32 v44, v44  }
0x138: {  	v43 =	vmin.f32 v43, v37;
	v47 =	vmul.f32 v47, v47;
	v48 =	vmul.f32 v48, v48  }
0x139: {  	v45 =	vmax.f32 v45, v37;
	v53 =	vmul.f32 v49, v49;
	v54 =	vmul.f32 v50, v50  }
0x13a: {  	[tilespmem:s22+$0xFFFFFF20] =	vst v22;
	v55 =	vsub.f32 v24, v51;
	v56 =	vperm.xlane v27, v9;
	v22 =	vsub.f32 v23, v59  }
0x13b: {  	[tilespmem:s22+$0xFFFFFF40] =	vst v29;
	v52 =	vsub.f32 v24, v60;
	v29 =	vsub.f32 v24, v62;
	v60 =	vperm.xlane v27, v13  }
0x13c: {  	v62 =	vperm.xlane v28, v13;
	v39 =	vadd.f32 v58, v57;
	v44 =	vadd.f32 v44, v46  }
0x13d: {  	v47 =	vadd.f32 v48, v47;
	v46 =	vsub.f32 v23, v63;
	v57 =	vperm.xlane v28, v9  }
0x13e: {  	v48 =	vadd.f32 v54, v53;
	v50 =	vmul.f32 v55, v55;
	v63 =	vperm.xlane v27, v12  }
0x13f: {  	v49 =	vsub.f32 v23, v56;
	v54 =	vperm.xlane v28, v12;
	v22 =	vmul.f32 v22, v22  }
0x140: {  	[tilespmem:s22+$0xFFFFFF30] =	vst v31;
	v53 =	vsub.f32 v23, v61;
	v31 =	vmul.f32 v52, v52;
	v29 =	vmul.f32 v29, v29  }
0x141: {  	[tilespmem:s22+$0xFFFFFF50] =	vst v32;
	v32 =	vsub.f32 v24, v62;
	v52 =	vperm.xlane v28, v15;
	v43 =	vmin.f32 v43, v39  }
0x142: {  	v45 =	vmax.f32 v45, v39;
	v46 =	vmul.f32 v46, v46;
	v51 =	vsub.f32 v24, v57  }
0x143: {  	v49 =	vmul.f32 v49, v49;
	v55 =	vsub.f32 v23, v63;
	v57 =	vsub.f32 v24, v54  }
0x144: {  	v56 =	vmul.f32 v53, v53;
	v22 =	vadd.f32 v31, v22;
	v63 =	vsub.f32 v23, v60  }
0x145: {  	[tilespmem:s22+$0xFFFFFFA0] =	vst v36;
	v32 =	vmul.f32 v32, v32;
	v53 =	vperm.xlane v27, v16;
	v36 =	vsub.f32 v24, v52  }
0x146: {  	[tilespmem:s22+$0xFFFFFF00] =	vst v26;
	v54 =	vperm.xlane v28, v16;
	v43 =	vmin.f32 v43, v44;
	v45 =	vmax.f32 v45, v44  }
0x147: {  	[tilespmem:s22+$0xFFFFFF10] =	vst v25;
	v43 =	vmin.f32 v43, v47;
	v45 =	vmax.f32 v45, v47;
	v58 =	vmul.f32 v51, v51  }
0x148: {  	[tilespmem:s22+$0xFFFFFF60] =	vst v30;
	v46 =	vadd.f32 v50, v46;
	v59 =	vmul.f32 v57, v57;
	v31 =	vmul.f32 v63, v63  }
0x149: {  	[tilespmem:s22+$0xFFFFFF70] =	vst v34;
	v29 =	vadd.f32 v29, v56;
	v51 =	vperm.xlane v27, v15;
	v36 =	vmul.f32 v36, v36  }
0x14a: {  	[tilespmem:s22+$0xFFFFFFF0] =	vst v37;
	v37 =	vsub.f32 v24, v54;
	v57 =	vperm.xlane v28, v17;
	v43 =	vmin.f32 v43, v48  }
0x14b: {  	[tilespmem:s22+$0xFFFFFF80] =	vst v33;
	v45 =	vmax.f32 v45, v48;
	v26 =	vmin.f32 v43, v46;
	v25 =	vadd.f32 v58, v49  }
0x14c: {  	[tilespmem:s22+$0xFFFFFF90] =	vst v35;
	v43 =	vmax.f32 v45, v46;
	v58 =	vmul.f32 v55, v55;
	v45 =	vperm.xlane v28, v14  }
0x14d: {  	[tilespmem:s22+$0xFFFFFFB0] =	vst v38;
	v31 =	vadd.f32 v32, v31;
	v55 =	vperm.xlane v27, v17;
	v26 =	vmin.f32 v26, v25  }
0x14e: {  	[tilespmem:s22+$0xFFFFFFC0] =	vst v40;
	v61 =	vmax.f32 v43, v25;
	v30 =	vadd.f32 v59, v58;
	v43 =	vperm.xlane v27, v14  }
0x14f: {  	[tilespmem:s22+$0xFFFFFFD0] =	vst v41;
	v35 =	vsub.f32 v24, v45;
	v58 =	vperm.xlane v27, v18;
	v59 =	vperm.xlane v28, v18  }
0x150: {  	[tilespmem:s22+$0xFFFFFFE0] =	vst v42;
	v27 =	vperm.xlane v27, v19;
	v28 =	vperm.xlane v28, v19;
	v26 =	vmin.f32 v26, v22  }
0x151: {  	[tilespmem:s22+$0x60] =	vst v22;
	v33 =	vmax.f32 v61, v22;
	v22 =	vsub.f32 v23, v55;
	v26 =	vmin.f32 v26, v29  }
0x152: {  	[tilespmem:s22+$0x0] =	vst v39;
	v34 =	vsub.f32 v23, v43;
	v50 =	vmul.f32 v35, v35;
	v35 =	vsub.f32 v23, v51  }
0x153: {  	[tilespmem:s22+$0x70] =	vst v29;
	v33 =	vmax.f32 v33, v29;
	v29 =	vsub.f32 v24, v57;
	v60 =	vsub.f32 v23, v58  }
0x154: {  	[tilespmem:s22+$0x10] =	vst v44;
	v56 =	vmul.f32 v37, v37;
	v61 =	vsub.f32 v24, v59;
	v27 =	vsub.f32 v23, v27  }
0x155: {  	[tilespmem:s22+$0x20] =	vst v47;
	v28 =	vsub.f32 v24, v28;
	v26 =	vmin.f32 v26, v30;
	v33 =	vmax.f32 v33, v30  }
0x156: {  	[tilespmem:s22+$0x30] =	vst v48;
	v22 =	vmul.f32 v22, v22;
	v49 =	vmul.f32 v34, v34;
	v26 =	vmin.f32 v26, v31  }
0x157: {  	[tilespmem:s22+$0x40] =	vst v46;
	v34 =	vsub.f32 v23, v53;
	v35 =	vmul.f32 v35, v35;
	v29 =	vmul.f32 v29, v29  }
0x158: {  	[tilespmem:s22+$0x80] =	vst v30;
	v33 =	vmax.f32 v33, v31;
	v30 =	vmul.f32 v60, v60;
	v63 =	vmul.f32 v61, v61  }
0x159: {  	[tilespmem:s22+$0x50] =	vst v25;
	v27 =	vmul.f32 v27, v27;
	v32 =	vadd.f32 v50, v49;
	v34 =	vmul.f32 v34, v34  }
0x15a: {  	[tilespmem:s22+$0x90] =	vst v31;
	v28 =	vmul.f32 v28, v28;
	v25 =	vadd.f32 v36, v35;
	v22 =	vadd.f32 v29, v22  }
0x15b: {  	p0 =	sne.s32 s21, $0x1880;
	v26 =	vmin.f32 v26, v32;
	v33 =	vmax.f32 v33, v32;
	[tilespmem:s22+$0xA0] =	vst v32;
	v62 =	vadd.f32 v56, v34  }
.Ltmp0:
0x15c: {  	v29 =	vadd.f32 v63, v30;
	[tilespmem:s22+$0xB0] =	vst v25;
	v26 =	vmin.f32 v26, v25;
	v25 =	vmax.f32 v33, v25;
	(pc) =	sbr.rel @p0 .LBB2_3-.Ltmp0, $4  }
0x15d: {  	v28 =	vadd.f32 v28, v27;
	[tilespmem:s22+$0xD0] =	vst v22;
	v26 =	vmin.f32 v26, v62;
	v25 =	vmax.f32 v25, v62  }
0x15e: {  	[tilespmem:s22+$0xE0] =	vst v29;
	v26 =	vmin.f32 v26, v22;
	v22 =	vmax.f32 v25, v22  }
0x15f: {  	[tilespmem:s22+$0xF0] =	vst v28;
	v25 =	vmin.f32 v26, v29;
	v22 =	vmax.f32 v22, v29  }
0x160: {  	s21 =	sadd.s32 $0x80, s21;
	[tilespmem:s22+$0xC0] =	vst v62;
	s22 =	sadd.s32 $0x200, s22;
	v27 =	vmin.f32 v25, v28;
	v22 =	vmax.f32 v22, v28  }
0x161: {  	v23 =	vadd.s32 $0xFFFFFFFF, v27;
	s21 =	simm.s32 $0x0  }
.LBB2_5:
0x162: {  	s23 =	simm.s32 $0x10  }
0x163: {  	s22 =	simm.s32 $0x1480;
	v26 =	vld [tilespmem:s23+$0xCF0]  }
0x164: {  	v25 =	vld [tilespmem:s22+$0xFFFFFF00];
	_ =	sdelay $0x1  }
0x165: {  	v24 =	vsub.s32 v22, v23;
	v27 =	vld [tilespmem:s22+$0xFFFFFF10]  }
0x166: {  	v24 =	vshra.s32 v24, $0x1  }
0x167: {  	v29 =	vld [tilespmem:s22+$0xFFFFFF20];
	v24 =	vadd.s32 v23, v24;
	v28 =	vperm.xlane v26, v4  }
0x168: {  	vm0 =	vgt.s32 v25, v24  }
0x169: {  	v31 =	vld [tilespmem:s22+$0xFFFFFF30];
	v25 =	vimm.f32 $0.0e+00;
	v30 =	vperm.xlane v26, v5;
	v28 =	vsel vm0, $0x0, v28  }
0x16a: {  	vm12 =	vgt.s32 v27, v24;
	v25 =	vadd.f32 v28, v25  }
0x16b: {  	v27 =	vsel vm12, $0x0, v30;
	v30 =	vld [tilespmem:s22+$0xFFFFFF40];
	v28 =	vperm.xlane v26, v6  }
0x16c: {  	vm13 =	vgt.s32 v29, v24;
	v25 =	vadd.f32 v27, v25  }
0x16d: {  	v29 =	vld [tilespmem:s22+$0xFFFFFF50];
	v27 =	vsel vm13, $0x0, v28;
	v28 =	vperm.xlane v26, v7  }
0x16e: {  	vm14 =	vgt.s32 v31, v24;
	v25 =	vadd.f32 v27, v25  }
0x16f: {  	v31 =	vld [tilespmem:s22+$0xFFFFFF60];
	v27 =	vsel vm14, $0x0, v28;
	v28 =	vperm.xlane v26, v8  }
0x170: {  	vm15 =	vgt.s32 v30, v24;
	v25 =	vadd.f32 v27, v25  }
0x171: {  	v30 =	vld [tilespmem:s22+$0xFFFFFF70];
	v27 =	vsel vm15, $0x0, v28;
	v28 =	vperm.xlane v26, v9  }
0x172: {  	vm4 =	vgt.s32 v29, v24;
	v25 =	vadd.f32 v27, v25  }
0x173: {  	v29 =	vld [tilespmem:s22+$0xFFFFFF80];
	v27 =	vsel vm4, $0x0, v28;
	v28 =	vperm.xlane v26, v10  }
0x174: {  	vm5 =	vgt.s32 v31, v24;
	v25 =	vadd.f32 v27, v25  }
0x175: {  	v31 =	vld [tilespmem:s22+$0xFFFFFF90];
	v27 =	vsel vm5, $0x0, v28;
	v28 =	vperm.xlane v26, v11  }
0x176: {  	vm6 =	vgt.s32 v30, v24;
	v25 =	vadd.f32 v27, v25  }
0x177: {  	v30 =	vld [tilespmem:s22+$0xFFFFFFA0];
	v27 =	vsel vm6, $0x0, v28;
	v28 =	vperm.xlane v26, v12  }
0x178: {  	vm7 =	vgt.s32 v29, v24;
	v25 =	vadd.f32 v27, v25  }
0x179: {  	v29 =	vld [tilespmem:s22+$0xFFFFFFB0];
	v27 =	vsel vm7, $0x0, v28;
	v28 =	vperm.xlane v26, v13  }
0x17a: {  	vm8 =	vgt.s32 v31, v24;
	v25 =	vadd.f32 v27, v25  }
0x17b: {  	v31 =	vld [tilespmem:s22+$0xFFFFFFC0];
	v27 =	vsel vm8, $0x0, v28;
	v28 =	vperm.xlane v26, v14  }
0x17c: {  	vm9 =	vgt.s32 v30, v24;
	v25 =	vadd.f32 v27, v25  }
0x17d: {  	v30 =	vld [tilespmem:s22+$0xFFFFFFD0];
	v27 =	vsel vm9, $0x0, v28;
	v28 =	vperm.xlane v26, v15  }
0x17e: {  	vm10 =	vgt.s32 v29, v24;
	v25 =	vadd.f32 v27, v25  }
0x17f: {  	v29 =	vld [tilespmem:s22+$0xFFFFFFE0];
	v27 =	vsel vm10, $0x0, v28;
	v28 =	vperm.xlane v26, v16  }
0x180: {  	vm11 =	vgt.s32 v31, v24;
	v27 =	vadd.f32 v27, v25  }
0x181: {  	v32 =	vld [tilespmem:s22+$0xFFFFFFF0];
	v31 =	vperm.xlane v26, v17;
	v28 =	vsel vm11, $0x0, v28  }
0x182: {  	vm12 =	vgt.s32 v30, v24;
	v25 =	vld [tilespmem:s23+$0xD00];
	v27 =	vadd.f32 v28, v27  }
0x183: {  	v30 =	vperm.xlane v26, v18;
	v28 =	vsel vm12, $0x0, v31;
	v31 =	vld [tilespmem:s22+$0x0]  }
0x184: {  	vm13 =	vgt.s32 v29, v24;
	v27 =	vadd.f32 v28, v27  }
0x185: {  	v29 =	vld [tilespmem:s22+$0x10];
	v26 =	vperm.xlane v26, v19;
	v28 =	vsel vm13, $0x0, v30  }
0x186: {  	vm14 =	vgt.s32 v32, v24;
	v27 =	vadd.f32 v28, v27  }
0x187: {  	v26 =	vsel vm14, $0x0, v26;
	v30 =	vld [tilespmem:s22+$0x20];
	v28 =	vperm.xlane v25, v4  }
0x188: {  	vm15 =	vgt.s32 v31, v24;
	v26 =	vadd.f32 v26, v27  }
0x189: {  	v31 =	vld [tilespmem:s22+$0x30];
	v27 =	vsel vm15, $0x0, v28;
	v28 =	vperm.xlane v25, v5  }
0x18a: {  	vm4 =	vgt.s32 v29, v24;
	v26 =	vadd.f32 v27, v26  }
0x18b: {  	v29 =	vld [tilespmem:s22+$0x40];
	v27 =	vsel vm4, $0x0, v28;
	v28 =	vperm.xlane v25, v6  }
0x18c: {  	vm5 =	vgt.s32 v30, v24;
	v26 =	vadd.f32 v27, v26  }
0x18d: {  	v30 =	vld [tilespmem:s22+$0x50];
	v27 =	vsel vm5, $0x0, v28;
	v28 =	vperm.xlane v25, v7  }
0x18e: {  	vm6 =	vgt.s32 v31, v24;
	v26 =	vadd.f32 v27, v26  }
0x18f: {  	v31 =	vld [tilespmem:s22+$0x60];
	v27 =	vsel vm6, $0x0, v28;
	v28 =	vperm.xlane v25, v8  }
0x190: {  	vm7 =	vgt.s32 v29, v24;
	v26 =	vadd.f32 v27, v26  }
0x191: {  	v29 =	vld [tilespmem:s22+$0x70];
	v27 =	vsel vm7, $0x0, v28;
	v28 =	vperm.xlane v25, v9  }
0x192: {  	vm8 =	vgt.s32 v30, v24;
	v26 =	vadd.f32 v27, v26  }
0x193: {  	v30 =	vld [tilespmem:s22+$0x80];
	v27 =	vsel vm8, $0x0, v28;
	v28 =	vperm.xlane v25, v10  }
0x194: {  	vm9 =	vgt.s32 v31, v24;
	v26 =	vadd.f32 v27, v26  }
0x195: {  	v31 =	vld [tilespmem:s22+$0x90];
	v27 =	vsel vm9, $0x0, v28;
	v28 =	vperm.xlane v25, v11  }
0x196: {  	vm10 =	vgt.s32 v29, v24;
	v26 =	vadd.f32 v27, v26  }
0x197: {  	v29 =	vld [tilespmem:s22+$0xA0];
	v27 =	vsel vm10, $0x0, v28;
	v28 =	vperm.xlane v25, v12  }
0x198: {  	vm11 =	vgt.s32 v30, v24;
	v26 =	vadd.f32 v27, v26  }
0x199: {  	v30 =	vld [tilespmem:s22+$0xB0];
	v27 =	vsel vm11, $0x0, v28;
	v28 =	vperm.xlane v25, v13  }
0x19a: {  	vm12 =	vgt.s32 v31, v24;
	v26 =	vadd.f32 v27, v26  }
0x19b: {  	v31 =	vld [tilespmem:s22+$0xC0];
	v27 =	vsel vm12, $0x0, v28;
	v28 =	vperm.xlane v25, v14  }
0x19c: {  	vm13 =	vgt.s32 v29, v24;
	v26 =	vadd.f32 v27, v26  }
0x19d: {  	v29 =	vperm.xlane v25, v15;
	v28 =	vsel vm13, $0x0, v28;
	v27 =	vld [tilespmem:s22+$0xD0]  }
0x19e: {  	vm14 =	vgt.s32 v30, v24;
	v28 =	vadd.f32 v28, v26  }
0x19f: {  	v30 =	vperm.xlane v25, v16;
	v29 =	vsel vm14, $0x0, v29;
	v26 =	vld [tilespmem:s22+$0xE0]  }
0x1a0: {  	vm15 =	vgt.s32 v31, v24;
	v29 =	vadd.f32 v29, v28  }
0x1a1: {  	s24 =	simm.s32 $0x30;
	s23 =	simm.s32 $0x140;
	v31 =	vsel vm15, $0x0, v30;
	v30 =	vperm.xlane v25, v17;
	v28 =	vld [tilespmem:s22+$0xF0]  }
.LBB2_6:
0x1a2: {  	p0 =	sne.s32 s23, $0x18C0;
	v32 =	vld [tilespmem:s24+$0xCF0];
	v29 =	vadd.f32 v31, v29;
	vm0 =	vgt.s32 v27, v24;
	s22 =	sadd.s32 $0x200, s22  }
0x1a3: {  	v31 =	vperm.xlane v25, v18;
	v27 =	vld [tilespmem:s22+$0xFFFFFF00];
	v30 =	vsel vm0, $0x0, v30  }
0x1a4: {  	v29 =	vadd.f32 v30, v29;
	vm0 =	vgt.s32 v26, v24  }
0x1a5: {  	v25 =	vperm.xlane v25, v19;
	v26 =	vld [tilespmem:s22+$0xFFFFFF10];
	v30 =	vsel vm0, $0x0, v31  }
0x1a6: {  	v29 =	vadd.f32 v30, v29;
	vm0 =	vgt.s32 v28, v24  }
0x1a7: {  	v28 =	vperm.xlane v32, v4;
	v30 =	vld [tilespmem:s22+$0xFFFFFF20];
	v25 =	vsel vm0, $0x0, v25  }
0x1a8: {  	vm0 =	vgt.s32 v27, v24;
	v25 =	vadd.f32 v25, v29  }
0x1a9: {  	v27 =	vsel vm0, $0x0, v28;
	v28 =	vperm.xlane v32, v5;
	v29 =	vld [tilespmem:s22+$0xFFFFFF30]  }
0x1aa: {  	v25 =	vadd.f32 v27, v25;
	vm0 =	vgt.s32 v26, v24  }
0x1ab: {  	v27 =	vperm.xlane v32, v6;
	v26 =	vsel vm0, $0x0, v28;
	v28 =	vld [tilespmem:s22+$0xFFFFFF40]  }
0x1ac: {  	v25 =	vadd.f32 v26, v25;
	vm0 =	vgt.s32 v30, v24  }
0x1ad: {  	v26 =	vsel vm0, $0x0, v27;
	v27 =	vperm.xlane v32, v7;
	v30 =	vld [tilespmem:s22+$0xFFFFFF50]  }
0x1ae: {  	v25 =	vadd.f32 v26, v25;
	vm0 =	vgt.s32 v29, v24  }
0x1af: {  	v26 =	vsel vm0, $0x0, v27;
	v27 =	vperm.xlane v32, v8;
	v29 =	vld [tilespmem:s22+$0xFFFFFF60]  }
0x1b0: {  	v25 =	vadd.f32 v26, v25;
	vm0 =	vgt.s32 v28, v24  }
0x1b1: {  	v26 =	vsel vm0, $0x0, v27;
	v27 =	vperm.xlane v32, v9;
	v28 =	vld [tilespmem:s22+$0xFFFFFF70]  }
0x1b2: {  	v25 =	vadd.f32 v26, v25;
	vm0 =	vgt.s32 v30, v24  }
0x1b3: {  	v26 =	vsel vm0, $0x0, v27;
	v27 =	vperm.xlane v32, v10;
	v30 =	vld [tilespmem:s22+$0xFFFFFF80]  }
0x1b4: {  	v25 =	vadd.f32 v26, v25;
	vm0 =	vgt.s32 v29, v24  }
0x1b5: {  	v26 =	vsel vm0, $0x0, v27;
	v27 =	vperm.xlane v32, v11;
	v29 =	vld [tilespmem:s22+$0xFFFFFF90]  }
0x1b6: {  	v25 =	vadd.f32 v26, v25;
	vm0 =	vgt.s32 v28, v24  }
0x1b7: {  	v26 =	vsel vm0, $0x0, v27;
	v27 =	vperm.xlane v32, v12;
	v28 =	vld [tilespmem:s22+$0xFFFFFFA0]  }
0x1b8: {  	v25 =	vadd.f32 v26, v25;
	vm0 =	vgt.s32 v30, v24  }
0x1b9: {  	v26 =	vsel vm0, $0x0, v27;
	v27 =	vperm.xlane v32, v13;
	v30 =	vld [tilespmem:s22+$0xFFFFFFB0]  }
0x1ba: {  	v25 =	vadd.f32 v26, v25;
	vm0 =	vgt.s32 v29, v24  }
0x1bb: {  	v26 =	vsel vm0, $0x0, v27;
	v27 =	vperm.xlane v32, v14;
	v29 =	vld [tilespmem:s22+$0xFFFFFFC0]  }
0x1bc: {  	v25 =	vadd.f32 v26, v25;
	vm0 =	vgt.s32 v28, v24  }
0x1bd: {  	v26 =	vsel vm0, $0x0, v27;
	v27 =	vperm.xlane v32, v15;
	v28 =	vld [tilespmem:s22+$0xFFFFFFD0]  }
0x1be: {  	v25 =	vadd.f32 v26, v25;
	vm0 =	vgt.s32 v30, v24  }
0x1bf: {  	v26 =	vsel vm0, $0x0, v27;
	v27 =	vperm.xlane v32, v16;
	v30 =	vld [tilespmem:s22+$0xFFFFFFE0]  }
0x1c0: {  	v26 =	vadd.f32 v26, v25;
	vm0 =	vgt.s32 v29, v24  }
0x1c1: {  	v29 =	vperm.xlane v32, v17;
	v27 =	vsel vm0, $0x0, v27;
	v31 =	vld [tilespmem:s22+$0xFFFFFFF0]  }
0x1c2: {  	v25 =	vld [tilespmem:s24+$0xD00];
	v26 =	vadd.f32 v27, v26;
	vm0 =	vgt.s32 v28, v24  }
0x1c3: {  	v28 =	vperm.xlane v32, v18;
	v27 =	vsel vm0, $0x0, v29;
	v29 =	vld [tilespmem:s22+$0x0]  }
0x1c4: {  	v26 =	vadd.f32 v27, v26;
	vm0 =	vgt.s32 v30, v24  }
0x1c5: {  	v27 =	vsel vm0, $0x0, v28;
	v28 =	vperm.xlane v32, v19;
	v30 =	vld [tilespmem:s22+$0x10]  }
0x1c6: {  	v26 =	vadd.f32 v27, v26;
	vm0 =	vgt.s32 v31, v24  }
0x1c7: {  	v27 =	vsel vm0, $0x0, v28;
	v28 =	vperm.xlane v25, v4;
	v31 =	vld [tilespmem:s22+$0x20]  }
0x1c8: {  	v26 =	vadd.f32 v27, v26;
	vm0 =	vgt.s32 v29, v24  }
0x1c9: {  	v27 =	vsel vm0, $0x0, v28;
	v28 =	vperm.xlane v25, v5;
	v29 =	vld [tilespmem:s22+$0x30]  }
0x1ca: {  	v26 =	vadd.f32 v27, v26;
	vm0 =	vgt.s32 v30, v24  }
0x1cb: {  	v27 =	vsel vm0, $0x0, v28;
	v28 =	vperm.xlane v25, v6;
	v30 =	vld [tilespmem:s22+$0x40]  }
0x1cc: {  	v26 =	vadd.f32 v27, v26;
	vm0 =	vgt.s32 v31, v24  }
0x1cd: {  	v27 =	vsel vm0, $0x0, v28;
	v28 =	vperm.xlane v25, v7;
	v31 =	vld [tilespmem:s22+$0x50]  }
0x1ce: {  	v26 =	vadd.f32 v27, v26;
	vm0 =	vgt.s32 v29, v24  }
0x1cf: {  	v27 =	vsel vm0, $0x0, v28;
	v28 =	vperm.xlane v25, v8;
	v29 =	vld [tilespmem:s22+$0x60]  }
0x1d0: {  	v26 =	vadd.f32 v27, v26;
	vm0 =	vgt.s32 v30, v24  }
0x1d1: {  	v27 =	vsel vm0, $0x0, v28;
	v28 =	vperm.xlane v25, v9;
	v30 =	vld [tilespmem:s22+$0x70]  }
0x1d2: {  	v26 =	vadd.f32 v27, v26;
	vm0 =	vgt.s32 v31, v24  }
0x1d3: {  	v27 =	vsel vm0, $0x0, v28;
	v28 =	vperm.xlane v25, v10;
	v31 =	vld [tilespmem:s22+$0x80]  }
0x1d4: {  	v26 =	vadd.f32 v27, v26;
	vm0 =	vgt.s32 v29, v24  }
0x1d5: {  	v27 =	vsel vm0, $0x0, v28;
	v28 =	vperm.xlane v25, v11;
	v29 =	vld [tilespmem:s22+$0x90]  }
0x1d6: {  	v26 =	vadd.f32 v27, v26;
	vm0 =	vgt.s32 v30, v24  }
0x1d7: {  	v27 =	vsel vm0, $0x0, v28;
	v28 =	vperm.xlane v25, v12;
	v30 =	vld [tilespmem:s22+$0xA0]  }
0x1d8: {  	v26 =	vadd.f32 v27, v26;
	vm0 =	vgt.s32 v31, v24  }
0x1d9: {  	v27 =	vsel vm0, $0x0, v28;
	v28 =	vperm.xlane v25, v13;
	v31 =	vld [tilespmem:s22+$0xB0]  }
0x1da: {  	v26 =	vadd.f32 v27, v26;
	vm0 =	vgt.s32 v29, v24  }
0x1db: {  	v27 =	vsel vm0, $0x0, v28;
	v28 =	vperm.xlane v25, v14;
	v32 =	vld [tilespmem:s22+$0xC0]  }
0x1dc: {  	v26 =	vadd.f32 v27, v26;
	vm0 =	vgt.s32 v30, v24  }
.Ltmp1:
0x1dd: {  	v29 =	vperm.xlane v25, v15;
	v28 =	vsel vm0, $0x0, v28;
	v27 =	vld [tilespmem:s22+$0xD0];
	(pc) =	sbr.rel @p0 .LBB2_6-.Ltmp1, $4  }
0x1de: {  	v28 =	vadd.f32 v28, v26;
	vm0 =	vgt.s32 v31, v24  }
0x1df: {  	v30 =	vperm.xlane v25, v16;
	v29 =	vsel vm0, $0x0, v29;
	v26 =	vld [tilespmem:s22+$0xE0]  }
0x1e0: {  	v29 =	vadd.f32 v29, v28;
	vm0 =	vgt.s32 v32, v24  }
0x1e1: {  	s24 =	sshra.s32 s23, $0x2;
	s23 =	sadd.s32 $0x80, s23;
	v31 =	vsel vm0, $0x0, v30;
	v30 =	vperm.xlane v25, v17;
	v28 =	vld [tilespmem:s22+$0xF0]  }
0x1e2: {  	v32 =	vld [tilespmem:s24+$0xCF0];
	v29 =	vadd.f32 v31, v29;
	vm0 =	vgt.s32 v27, v24;
	s22 =	sadd.s32 $0x200, s22  }
0x1e3: {  	v61 =	vperm.xlane v25, v18;
	v60 =	vld [tilespmem:s22+$0xFFFFFF00];
	v30 =	vsel vm0, $0x0, v30  }
0x1e4: {  	v29 =	vadd.f32 v30, v29;
	vm5 =	vgt.s32 v26, v24  }
0x1e5: {  	v33 =	vperm.xlane v25, v19;
	v62 =	vld [tilespmem:s22+$0xFFFFFF10];
	v63 =	vsel vm5, $0x0, v61  }
0x1e6: {  	v29 =	vadd.f32 v63, v29;
	vm6 =	vgt.s32 v28, v24  }
0x1e7: {  	v35 =	vld [tilespmem:s22+$0xFFFFFF20];
	v34 =	vperm.xlane v32, v4;
	v25 =	vsel vm6, $0x0, v33  }
0x1e8: {  	vm7 =	vgt.s32 v60, v24;
	v25 =	vadd.f32 v25, v29  }
0x1e9: {  	v37 =	vld [tilespmem:s22+$0xFFFFFF30];
	v36 =	vperm.xlane v32, v5;
	v27 =	vsel vm7, $0x0, v34  }
0x1ea: {  	vm8 =	vgt.s32 v62, v24;
	v25 =	vadd.f32 v27, v25  }
0x1eb: {  	v39 =	vld [tilespmem:s22+$0xFFFFFF40];
	v38 =	vperm.xlane v32, v6;
	v26 =	vsel vm8, $0x0, v36  }
0x1ec: {  	vm9 =	vgt.s32 v35, v24;
	v25 =	vadd.f32 v26, v25  }
0x1ed: {  	v42 =	vld [tilespmem:s22+$0xFFFFFF50];
	v41 =	vperm.xlane v32, v7;
	v40 =	vsel vm9, $0x0, v38  }
0x1ee: {  	vm10 =	vgt.s32 v37, v24;
	v25 =	vadd.f32 v40, v25  }
0x1ef: {  	v45 =	vld [tilespmem:s22+$0xFFFFFF60];
	v44 =	vperm.xlane v32, v8;
	v43 =	vsel vm10, $0x0, v41  }
0x1f0: {  	vm11 =	vgt.s32 v39, v24;
	v25 =	vadd.f32 v43, v25  }
0x1f1: {  	v48 =	vld [tilespmem:s22+$0xFFFFFF70];
	v47 =	vperm.xlane v32, v9;
	v46 =	vsel vm11, $0x0, v44  }
0x1f2: {  	vm12 =	vgt.s32 v42, v24;
	v25 =	vadd.f32 v46, v25  }
0x1f3: {  	v51 =	vld [tilespmem:s22+$0xFFFFFF80];
	v50 =	vperm.xlane v32, v10;
	v49 =	vsel vm12, $0x0, v47  }
0x1f4: {  	vm13 =	vgt.s32 v45, v24;
	v25 =	vadd.f32 v49, v25  }
0x1f5: {  	v54 =	vld [tilespmem:s22+$0xFFFFFF90];
	v53 =	vperm.xlane v32, v11;
	v52 =	vsel vm13, $0x0, v50  }
0x1f6: {  	vm14 =	vgt.s32 v48, v24;
	v25 =	vadd.f32 v52, v25  }
0x1f7: {  	v57 =	vld [tilespmem:s22+$0xFFFFFFA0];
	v56 =	vperm.xlane v32, v12;
	v55 =	vsel vm14, $0x0, v53  }
0x1f8: {  	vm15 =	vgt.s32 v51, v24;
	v25 =	vadd.f32 v55, v25  }
0x1f9: {  	v59 =	vperm.xlane v32, v13;
	v60 =	vld [tilespmem:s22+$0xFFFFFFB0];
	v58 =	vsel vm15, $0x0, v56  }
0x1fa: {  	vm4 =	vgt.s32 v54, v24;
	v25 =	vadd.f32 v58, v25  }
0x1fb: {  	v63 =	vld [tilespmem:s22+$0xFFFFFFC0];
	v62 =	vperm.xlane v32, v14;
	v61 =	vsel vm4, $0x0, v59  }
0x1fc: {  	vm5 =	vgt.s32 v57, v24;
	v25 =	vadd.f32 v61, v25  }
0x1fd: {  	v35 =	vld [tilespmem:s22+$0xFFFFFFD0];
	v34 =	vperm.xlane v32, v15;
	v33 =	vsel vm5, $0x0, v62  }
0x1fe: {  	vm6 =	vgt.s32 v60, v24;
	v25 =	vadd.f32 v33, v25  }
0x1ff: {  	v37 =	vperm.xlane v32, v16;
	v38 =	vld [tilespmem:s22+$0xFFFFFFE0];
	v36 =	vsel vm6, $0x0, v34  }
0x200: {  	vm7 =	vgt.s32 v63, v24;
	v25 =	vadd.f32 v36, v25  }
0x201: {  	v41 =	vld [tilespmem:s22+$0xFFFFFFF0];
	v39 =	vsel vm7, $0x0, v37;
	v40 =	vperm.xlane v32, v17  }
0x202: {  	v31 =	vld [tilespmem:s24+$0xD00];
	vm8 =	vgt.s32 v35, v24;
	v25 =	vadd.f32 v39, v25  }
0x203: {  	v44 =	vld [tilespmem:s22+$0x0];
	v42 =	vsel vm8, $0x0, v40;
	v43 =	vperm.xlane v32, v18  }
0x204: {  	vm9 =	vgt.s32 v38, v24;
	v25 =	vadd.f32 v42, v25  }
0x205: {  	v47 =	vld [tilespmem:s22+$0x10];
	v45 =	vsel vm9, $0x0, v43;
	v46 =	vperm.xlane v32, v19  }
0x206: {  	vm10 =	vgt.s32 v41, v24;
	v25 =	vadd.f32 v45, v25  }
0x207: {  	v50 =	vld [tilespmem:s22+$0x20];
	v48 =	vsel vm10, $0x0, v46;
	v49 =	vperm.xlane v31, v4  }
0x208: {  	vm11 =	vgt.s32 v44, v24;
	v25 =	vadd.f32 v48, v25  }
0x209: {  	v53 =	vld [tilespmem:s22+$0x30];
	v51 =	vsel vm11, $0x0, v49;
	v52 =	vperm.xlane v31, v5  }
0x20a: {  	vm12 =	vgt.s32 v47, v24;
	v25 =	vadd.f32 v51, v25  }
0x20b: {  	v56 =	vld [tilespmem:s22+$0x40];
	v54 =	vsel vm12, $0x0, v52;
	v55 =	vperm.xlane v31, v6  }
0x20c: {  	vm13 =	vgt.s32 v50, v24;
	v25 =	vadd.f32 v54, v25  }
0x20d: {  	v59 =	vld [tilespmem:s22+$0x50];
	v57 =	vsel vm13, $0x0, v55;
	v58 =	vperm.xlane v31, v7  }
0x20e: {  	vm14 =	vgt.s32 v53, v24;
	v25 =	vadd.f32 v57, v25  }
0x20f: {  	v62 =	vld [tilespmem:s22+$0x60];
	v60 =	vsel vm14, $0x0, v58;
	v61 =	vperm.xlane v31, v8  }
0x210: {  	vm15 =	vgt.s32 v56, v24;
	v25 =	vadd.f32 v60, v25  }
0x211: {  	v34 =	vld [tilespmem:s22+$0x70];
	v63 =	vsel vm15, $0x0, v61;
	v33 =	vperm.xlane v31, v9  }
0x212: {  	vm4 =	vgt.s32 v59, v24;
	v25 =	vadd.f32 v63, v25  }
0x213: {  	v37 =	vld [tilespmem:s22+$0x80];
	v35 =	vsel vm4, $0x0, v33;
	v36 =	vperm.xlane v31, v10  }
0x214: {  	vm5 =	vgt.s32 v62, v24;
	v25 =	vadd.f32 v35, v25  }
0x215: {  	v40 =	vld [tilespmem:s22+$0x90];
	v38 =	vsel vm5, $0x0, v36;
	v39 =	vperm.xlane v31, v11  }
0x216: {  	vm6 =	vgt.s32 v34, v24;
	v25 =	vadd.f32 v38, v25  }
0x217: {  	v43 =	vld [tilespmem:s22+$0xA0];
	v41 =	vsel vm6, $0x0, v39;
	v42 =	vperm.xlane v31, v12  }
0x218: {  	vm7 =	vgt.s32 v37, v24;
	v25 =	vadd.f32 v41, v25  }
0x219: {  	v46 =	vld [tilespmem:s22+$0xB0];
	v44 =	vsel vm7, $0x0, v42;
	v45 =	vperm.xlane v31, v13  }
0x21a: {  	vm8 =	vgt.s32 v40, v24;
	v25 =	vadd.f32 v44, v25  }
0x21b: {  	v49 =	vld [tilespmem:s22+$0xC0];
	v47 =	vsel vm8, $0x0, v45;
	v48 =	vperm.xlane v31, v14  }
0x21c: {  	vm9 =	vgt.s32 v43, v24;
	v25 =	vadd.f32 v47, v25  }
0x21d: {  	v52 =	vld [tilespmem:s22+$0xD0];
	v50 =	vsel vm9, $0x0, v48;
	v51 =	vperm.xlane v31, v15  }
0x21e: {  	vm10 =	vgt.s32 v46, v24;
	v25 =	vadd.f32 v50, v25  }
0x21f: {  	v55 =	vld [tilespmem:s22+$0xE0];
	v53 =	vsel vm10, $0x0, v51;
	v54 =	vperm.xlane v31, v16  }
0x220: {  	vm11 =	vgt.s32 v49, v24;
	v25 =	vadd.f32 v53, v25  }
0x221: {  	v58 =	vld [tilespmem:s22+$0xF0];
	v56 =	vsel vm11, $0x0, v54;
	v57 =	vperm.xlane v31, v17  }
0x222: {  	vm12 =	vgt.s32 v52, v24;
	v25 =	vadd.f32 v56, v25  }
0x223: {  	v59 =	vsel vm12, $0x0, v57;
	v60 =	vperm.xlane v31, v18  }
0x224: {  	vm13 =	vgt.s32 v55, v24;
	v25 =	vadd.f32 v59, v25  }
0x225: {  	s21 =	sadd.s32 $0x1, s21;
	v62 =	vperm.xlane v31, v19;
	v61 =	vsel vm13, $0x0, v60  }
0x226: {  	p0 =	sne.s32 s21, $0xE;
	vm14 =	vgt.s32 v58, v24;
	v25 =	vadd.f32 v61, v25  }
.Ltmp2:
0x227: {  	v63 =	vsel vm14, $0x0, v62;
	(pc) =	sbr.rel @p0 .LBB2_5-.Ltmp2, $3  }
0x228: {  	v25 =	vadd.f32 v63, v25;
	_ =	sdelay $0x1  }
0x229: {  	vm15 =	vge.f32 v25, v20  }
0x22a: {  	v23 =	vsel vm15, v23, v24;
	v22 =	vsel vm15, v24, v22  }
0x22b: {  	s21 =	simm.s32 $0x1480  }
0x22c: {  	v23 =	vld [tilespmem:s21+$0xD0]  }
0x22d: {  	v24 =	vld [tilespmem:s21+$0xC0]  }
0x22e: {  	v25 =	vld [tilespmem:s21+$0xB0]  }
0x22f: {  	v26 =	vld [tilespmem:s21+$0xA0]  }
0x230: {  	v27 =	vld [tilespmem:s21+$0x90]  }
0x231: {  	v29 =	vld [tilespmem:s21+$0x80]  }
0x232: {  	v28 =	vld [tilespmem:s21+$0x70]  }
0x233: {  	v30 =	vld [tilespmem:s21+$0x60]  }
0x234: {  	v31 =	vld [tilespmem:s21+$0x50]  }
0x235: {  	v32 =	vld [tilespmem:s21+$0x40]  }
0x236: {  	v33 =	vld [tilespmem:s21+$0x30]  }
0x237: {  	v34 =	vld [tilespmem:s21+$0x20]  }
0x238: {  	v35 =	vld [tilespmem:s21+$0x10]  }
0x239: {  	v36 =	vld [tilespmem:s21+$0x0]  }
0x23a: {  	v37 =	vld [tilespmem:s21+$0xFFFFFFF0]  }
0x23b: {  	v38 =	vld [tilespmem:s21+$0xFFFFFFE0]  }
0x23c: {  	v39 =	vld [tilespmem:s21+$0xFFFFFFD0]  }
0x23d: {  	v40 =	vld [tilespmem:s21+$0xFFFFFFC0]  }
0x23e: {  	v41 =	vld [tilespmem:s21+$0xFFFFFFB0]  }
0x23f: {  	v42 =	vld [tilespmem:s21+$0xFFFFFFA0]  }
0x240: {  	v43 =	vld [tilespmem:s21+$0xFFFFFF90]  }
0x241: {  	v44 =	vld [tilespmem:s21+$0xFFFFFF80]  }
0x242: {  	v45 =	vld [tilespmem:s21+$0xFFFFFF70]  }
0x243: {  	v46 =	vld [tilespmem:s21+$0xFFFFFF60]  }
0x244: {  	v51 =	vimm.f32 $0.0e+00;
	v52 =	vimm.f32 $0.0e+00;
	v47 =	vld [tilespmem:s21+$0xFFFFFF50];
	vm2 =	vlt.s32 v23, v22  }
0x245: {  	v49 =	vld [tilespmem:s21+$0xFFFFFF40];
	vm5 =	vlt.s32 v26, v22;
	vm4 =	vlt.s32 v25, v22;
	vm3 =	vlt.s32 v24, v22  }
0x246: {  	s23 =	simm.s32 $0x10;
	s22 =	simm.s32 $0xC0;
	v50 =	vld [tilespmem:s21+$0xFFFFFF30];
	vm9 =	vlt.s32 v28, v22;
	vm8 =	vlt.s32 v29, v22;
	vm6 =	vlt.s32 v27, v22  }
.LBB2_9:
0x247: {  	v48 =	vimm.s32 $0x0;
	v63 =	vimm.s32 $0x0  }
0x248: {  	v53 =	vimm.s32 $0x0;
	v54 =	vimm.s32 $0x0;
	v55 =	vimm.s32 $0x0  }
0x249: {  	v56 =	vimm.s32 $0x0;
	v57 =	vimm.s32 $0x0;
	v48 =	vsel vm9, $0xFFFFFFFF, v48  }
0x24a: {  	v58 =	vimm.s32 $0x0;
	v59 =	vimm.s32 $0x0;
	[tilespmem:$0x1FF90] =	vst v48;
	v48 =	vsel vm8, $0xFFFFFFFF, v63  }
0x24b: {  	v60 =	vimm.s32 $0x0;
	v61 =	vimm.s32 $0x0;
	[tilespmem:$0x1FFA0] =	vst v48;
	v48 =	vsel vm6, $0xFFFFFFFF, v53  }
0x24c: {  	v53 =	vimm.s32 $0x0;
	[tilespmem:$0x1FFB0] =	vst v48;
	v48 =	vsel vm5, $0xFFFFFFFF, v54;
	vm0 =	vlt.s32 v32, v22  }
0x24d: {  	v54 =	vimm.s32 $0x0;
	vm15 =	vlt.s32 v38, v22;
	vm14 =	vlt.s32 v37, v22  }
0x24e: {  	vm11 =	vlt.s32 v41, v22;
	vm12 =	vlt.s32 v40, v22;
	[tilespmem:$0x1FFC0] =	vst v48;
	v48 =	vsel vm4, $0xFFFFFFFF, v55  }
0x24f: {  	vm13 =	vlt.s32 v39, v22;
	vm8 =	vlt.s32 v44, v22;
	v53 =	vsel vm0, $0xFFFFFFFF, v53;
	[tilespmem:$0x1FFD0] =	vst v48  }
0x250: {  	vm9 =	vlt.s32 v43, v22;
	vm10 =	vlt.s32 v42, v22;
	v48 =	vsel vm3, $0xFFFFFFFF, v56;
	[tilespmem:$0x1FF60] =	vst v53  }
0x251: {  	v63 =	vld [tilespmem:s21+$0xFFFFFF10];
	vm6 =	vlt.s32 v46, v22;
	vm0 =	vlt.s32 v31, v22;
	[tilespmem:$0x1FFE0] =	vst v48;
	v48 =	vsel vm2, $0xFFFFFFFF, v57  }
0x252: {  	vm7 =	vlt.s32 v45, v22;
	v53 =	vsel vm0, $0xFFFFFFFF, v58;
	vm0 =	vlt.s32 v30, v22;
	[tilespmem:$0x1FFF0] =	vst v48;
	v48 =	vld [tilespmem:s23+$0xCF0]  }
0x253: {  	v62 =	vld [tilespmem:s21+$0xFFFFFF00];
	vm5 =	vlt.s32 v47, v22;
	[tilespmem:$0x1FF70] =	vst v53;
	v53 =	vsel vm0, $0xFFFFFFFF, v59;
	vm0 =	vlt.s32 v35, v22  }
0x254: {  	v55 =	vimm.s32 $0x0;
	[tilespmem:$0x1FF80] =	vst v53;
	v53 =	vld [tilespmem:s21+$0xFFFFFF20];
	v54 =	vsel vm0, $0xFFFFFFFF, v54;
	vm0 =	vlt.s32 v34, v22  }
0x255: {  	vm4 =	vlt.s32 v49, v22;
	[tilespmem:$0x1FF30] =	vst v54;
	v54 =	vsel vm0, $0xFFFFFFFF, v60;
	vm0 =	vlt.s32 v33, v22  }
0x256: {  	vm3 =	vlt.s32 v50, v22;
	[tilespmem:$0x1FF40] =	vst v54;
	v54 =	vsel vm0, $0xFFFFFFFF, v61;
	vm0 =	vlt.s32 v36, v22  }
0x257: {  	vm1 =	vlt.s32 v63, v22;
	v55 =	vsel vm0, $0xFFFFFFFF, v55;
	v56 =	vperm.xlane v48, v4  }
0x258: {  	vm0 =	vlt.s32 v62, v22;
	v58 =	vperm.xlane v48, v5;
	v60 =	vperm.xlane v48, v6  }
0x259: {  	vm2 =	vlt.s32 v53, v22;
	v61 =	vperm.xlane v48, v7;
	v57 =	vmul.f32 v62, v56  }
0x25a: {  	[tilespmem:$0x1FF20] =	vst v55;
	v56 =	vnsel vm0, $0x0, v56;
	v55 =	vmul.f32 v63, v58;
	v62 =	vnsel vm1, $0x0, v58  }
0x25b: {  	v53 =	vmul.f32 v53, v60;
	v63 =	vperm.xlane v48, v8;
	v57 =	vnsel vm0, $0x0, v57  }
0x25c: {  	[tilespmem:$0x1FF50] =	vst v54;
	v54 =	vnsel vm2, $0x0, v60;
	v51 =	vadd.f32 v56, v51;
	v52 =	vadd.f32 v57, v52  }
0x25d: {  	v58 =	vperm.xlane v48, v9;
	v59 =	vnsel vm3, $0x0, v61;
	v55 =	vnsel vm1, $0x0, v55  }
0x25e: {  	v56 =	vperm.xlane v48, v11;
	v51 =	vadd.f32 v62, v51;
	v52 =	vadd.f32 v55, v52  }
0x25f: {  	v53 =	vnsel vm2, $0x0, v53;
	v60 =	vmul.f32 v49, v63;
	v57 =	vmul.f32 v50, v61  }
0x260: {  	v61 =	vperm.xlane v48, v10;
	v51 =	vadd.f32 v54, v51;
	v52 =	vadd.f32 v53, v52  }
0x261: {  	v62 =	vnsel vm4, $0x0, v63;
	v63 =	vmul.f32 v47, v58;
	v50 =	vnsel vm3, $0x0, v57  }
0x262: {  	v49 =	vnsel vm4, $0x0, v60;
	v51 =	vadd.f32 v59, v51;
	v50 =	vadd.f32 v50, v52  }
0x263: {  	v60 =	vperm.xlane v48, v13;
	v47 =	vnsel vm5, $0x0, v63;
	v57 =	vmul.f32 v46, v61  }
0x264: {  	v54 =	vperm.xlane v48, v17;
	v51 =	vadd.f32 v62, v51;
	v49 =	vadd.f32 v49, v50  }
0x265: {  	v63 =	vmul.f32 v43, v60;
	v53 =	vnsel vm5, $0x0, v58;
	v58 =	vperm.xlane v48, v12  }
0x266: {  	v46 =	vnsel vm6, $0x0, v57;
	v51 =	vadd.f32 v53, v51;
	v47 =	vadd.f32 v47, v49  }
0x267: {  	v59 =	vmul.f32 v45, v56;
	v57 =	vmul.f32 v39, v54;
	v52 =	vnsel vm6, $0x0, v61  }
0x268: {  	v43 =	vnsel vm9, $0x0, v63;
	v51 =	vadd.f32 v52, v51;
	v46 =	vadd.f32 v46, v47  }
0x269: {  	v45 =	vnsel vm7, $0x0, v59;
	v61 =	vmul.f32 v44, v58;
	v50 =	vnsel vm7, $0x0, v56  }
0x26a: {  	v62 =	vperm.xlane v48, v14;
	v50 =	vadd.f32 v50, v51;
	v45 =	vadd.f32 v45, v46  }
0x26b: {  	v59 =	vnsel vm13, $0x0, v54;
	v44 =	vnsel vm8, $0x0, v61;
	v49 =	vnsel vm8, $0x0, v58  }
0x26c: {  	v39 =	vnsel vm13, $0x0, v57;
	v49 =	vadd.f32 v49, v50;
	v44 =	vadd.f32 v44, v45  }
0x26d: {  	v47 =	vnsel vm9, $0x0, v60;
	v51 =	vmul.f32 v42, v62;
	v50 =	vperm.xlane v48, v15  }
0x26e: {  	v52 =	vperm.xlane v48, v16;
	v47 =	vadd.f32 v47, v49;
	v43 =	vadd.f32 v43, v44  }
0x26f: {  	v46 =	vnsel vm10, $0x0, v62;
	v42 =	vnsel vm10, $0x0, v51;
	v53 =	vmul.f32 v41, v50  }
0x270: {  	v56 =	vperm.xlane v48, v18;
	v46 =	vadd.f32 v46, v47;
	v47 =	vld [tilespmem:$0x1FF20];
	v43 =	vadd.f32 v42, v43  }
0x271: {  	v58 =	vperm.xlane v48, v19;
	v55 =	vmul.f32 v40, v52;
	v41 =	vnsel vm11, $0x0, v53;
	v42 =	vld [tilespmem:s23+$0xD00]  }
0x272: {  	v60 =	vmul.f32 v38, v56;
	v45 =	vnsel vm11, $0x0, v50;
	v41 =	vadd.f32 v41, v43  }
0x273: {  	v40 =	vnsel vm12, $0x0, v55;
	v62 =	vmul.f32 v37, v58;
	v45 =	vadd.f32 v45, v46  }
0x274: {  	v38 =	vnsel vm15, $0x0, v60;
	v44 =	vnsel vm12, $0x0, v52;
	v40 =	vadd.f32 v40, v41  }
0x275: {  	v37 =	vnsel vm14, $0x0, v62;
	v44 =	vadd.f32 v44, v45;
	v43 =	vnsel vm15, $0x0, v56  }
0x276: {  	vm0 =	vnez.u8 v47;
	v61 =	vperm.xlane v42, v4;
	v39 =	vadd.f32 v39, v40  }
0x277: {  	v50 =	vld [tilespmem:$0x1FF30];
	v44 =	vadd.f32 v59, v44;
	v63 =	vperm.xlane v42, v5;
	v46 =	vperm.xlane v42, v6  }
0x278: {  	v49 =	vperm.xlane v42, v7;
	v52 =	vperm.xlane v42, v8;
	v38 =	vadd.f32 v38, v39  }
0x279: {  	v53 =	vld [tilespmem:$0x1FF40];
	v41 =	vnsel vm14, $0x0, v58;
	v55 =	vperm.xlane v42, v9;
	v45 =	vmul.f32 v36, v61  }
0x27a: {  	v58 =	vperm.xlane v42, v10;
	v60 =	vperm.xlane v42, v11;
	v37 =	vadd.f32 v37, v38  }
0x27b: {  	v56 =	vld [tilespmem:$0x1FF50];
	v43 =	vadd.f32 v43, v44;
	v48 =	vmul.f32 v35, v63;
	v36 =	vnsel vm0, $0x0, v45  }
0x27c: {  	v40 =	vnsel vm0, $0x0, v61;
	vm0 =	vnez.u8 v50;
	v36 =	vadd.f32 v36, v37  }
0x27d: {  	v59 =	vld [tilespmem:$0x1FF60];
	v51 =	vmul.f32 v34, v46;
	v41 =	vadd.f32 v41, v43;
	v35 =	vnsel vm0, $0x0, v48  }
0x27e: {  	v44 =	vld [tilespmem:s21+$0xE0];
	v39 =	vnsel vm0, $0x0, v63;
	vm0 =	vnez.u8 v53;
	v35 =	vadd.f32 v35, v36  }
0x27f: {  	v54 =	vmul.f32 v33, v49;
	v61 =	vld [tilespmem:$0x1FF70];
	v40 =	vadd.f32 v40, v41;
	v34 =	vnsel vm0, $0x0, v51  }
0x280: {  	v38 =	vnsel vm0, $0x0, v46;
	v46 =	vld [tilespmem:s21+$0xF0];
	vm0 =	vnez.u8 v56;
	v34 =	vadd.f32 v34, v35  }
0x281: {  	v57 =	vmul.f32 v32, v52;
	s21 =	sadd.s32 $0x200, s21;
	v39 =	vadd.f32 v39, v40;
	v33 =	vnsel vm0, $0x0, v54;
	v54 =	vld [tilespmem:$0x1FF80]  }
0x282: {  	v37 =	vnsel vm0, $0x0, v49;
	v41 =	vld [tilespmem:s21+$0xD0];
	vm0 =	vnez.u8 v59;
	v33 =	vadd.f32 v33, v34  }
0x283: {  	v31 =	vmul.f32 v31, v55;
	v40 =	vld [tilespmem:s21+$0x90];
	v32 =	vnsel vm0, $0x0, v57;
	v38 =	vadd.f32 v38, v39  }
0x284: {  	v43 =	vld [tilespmem:s21+$0x80];
	v36 =	vnsel vm0, $0x0, v52;
	vm0 =	vnez.u8 v61;
	v32 =	vadd.f32 v32, v33  }
0x285: {  	v30 =	vmul.f32 v30, v58;
	v39 =	vld [tilespmem:s21+$0xC0];
	v31 =	vnsel vm0, $0x0, v31;
	v37 =	vadd.f32 v37, v38  }
0x286: {  	v38 =	vld [tilespmem:s21+$0xB0];
	v35 =	vnsel vm0, $0x0, v55;
	vm0 =	vnez.u8 v54;
	v31 =	vadd.f32 v31, v32  }
0x287: {  	v55 =	vmul.f32 v28, v60;
	v28 =	vld [tilespmem:s21+$0x70];
	v36 =	vadd.f32 v36, v37;
	v30 =	vnsel vm0, $0x0, v30  }
0x288: {  	v56 =	vadd.f32 v30, v31;
	v31 =	vld [tilespmem:$0x1FF90]  }
0x289: {  	v37 =	vld [tilespmem:s21+$0xA0];
	v35 =	vadd.f32 v35, v36  }
0x28a: {  	v32 =	vnsel vm0, $0x0, v58;
	v58 =	vld [tilespmem:$0x1FFA0]  }
0x28b: {  	v32 =	vadd.f32 v32, v35;
	v35 =	vld [tilespmem:s21+$0x10]  }
0x28c: {  	v62 =	vperm.xlane v42, v12;
	v30 =	vld [tilespmem:s21+$0x60]  }
0x28d: {  	vm0 =	vnez.u8 v31;
	v31 =	vld [tilespmem:s21+$0x50]  }
0x28e: {  	v63 =	vmul.f32 v29, v62;
	v33 =	vnsel vm0, $0x0, v60;
	v34 =	vnsel vm0, $0x0, v55;
	v55 =	vld [tilespmem:$0x1FFB0]  }
0x28f: {  	v57 =	vperm.xlane v42, v13;
	vm0 =	vnez.u8 v58;
	v53 =	vadd.f32 v33, v32;
	v32 =	vld [tilespmem:s21+$0x40]  }
0x290: {  	v52 =	vperm.xlane v42, v15;
	v34 =	vadd.f32 v34, v56;
	v59 =	vnsel vm0, $0x0, v62;
	v33 =	vld [tilespmem:s21+$0x30]  }
0x291: {  	v61 =	vmul.f32 v27, v57;
	v29 =	vmovc v43;
	v60 =	vnsel vm0, $0x0, v63;
	v62 =	vadd.f32 v59, v53;
	v53 =	vld [tilespmem:$0x1FFC0]  }
0x292: {  	v54 =	vperm.xlane v42, v14;
	v27 =	vmovc v40;
	vm8 =	vlt.s32 v29, v22;
	v63 =	vadd.f32 v60, v34;
	v60 =	vld [tilespmem:$0x1FFD0]  }
0x293: {  	vm6 =	vlt.s32 v27, v22;
	vm9 =	vlt.s32 v28, v22;
	v34 =	vld [tilespmem:s21+$0x20];
	vm0 =	vnez.u8 v55  }
0x294: {  	v59 =	vperm.xlane v42, v16;
	v56 =	vnsel vm0, $0x0, v57;
	v57 =	vmul.f32 v26, v54;
	v26 =	vmovc v37;
	v37 =	vld [tilespmem:s21+$0xFFFFFFF0]  }
0x295: {  	v55 =	vperm.xlane v42, v17;
	v36 =	vnsel vm0, $0x0, v61;
	v40 =	vadd.f32 v56, v62;
	v56 =	vld [tilespmem:$0x1FFE0]  }
0x296: {  	v58 =	vadd.f32 v36, v63;
	v36 =	vld [tilespmem:s21+$0x0];
	v62 =	vmul.f32 v24, v59;
	vm0 =	vnez.u8 v53  }
0x297: {  	v48 =	vnsel vm0, $0x0, v54;
	v45 =	vnsel vm0, $0x0, v57;
	vm0 =	vnez.u8 v60;
	v60 =	vld [tilespmem:$0x1FFF0]  }
0x298: {  	v24 =	vmovc v39;
	v39 =	vld [tilespmem:s21+$0xFFFFFFD0];
	v63 =	vperm.xlane v42, v18;
	v54 =	vmul.f32 v25, v52;
	v40 =	vadd.f32 v48, v40  }
0x299: {  	v25 =	vmovc v38;
	v38 =	vld [tilespmem:s21+$0xFFFFFFE0];
	v57 =	vmul.f32 v23, v55;
	v43 =	vadd.f32 v45, v58;
	v48 =	vnsel vm0, $0x0, v52  }
0x29a: {  	v23 =	vmovc v41;
	v41 =	vld [tilespmem:s21+$0xFFFFFFB0];
	v61 =	vnsel vm0, $0x0, v54;
	v48 =	vadd.f32 v48, v40;
	vm0 =	vnez.u8 v56  }
0x29b: {  	v43 =	vadd.f32 v61, v43;
	v40 =	vld [tilespmem:s21+$0xFFFFFFC0];
	v47 =	vnsel vm0, $0x0, v59;
	v50 =	vnsel vm0, $0x0, v62  }
0x29c: {  	v59 =	vperm.xlane v42, v19;
	v42 =	vld [tilespmem:s21+$0xFFFFFFA0];
	v47 =	vadd.f32 v47, v48;
	vm0 =	vnez.u8 v60  }
0x29d: {  	v61 =	vmul.f32 v44, v63;
	v58 =	vadd.f32 v50, v43;
	v43 =	vld [tilespmem:s21+$0xFFFFFF90];
	v45 =	vnsel vm0, $0x0, v55  }
0x29e: {  	p0 =	sne.s32 s22, $0x18C0;
	v51 =	vnsel vm0, $0x0, v57;
	vm0 =	vlt.s32 v44, v22;
	v44 =	vld [tilespmem:s21+$0xFFFFFF80];
	v47 =	vadd.f32 v45, v47  }
.Ltmp3:
0x29f: {  	v48 =	vadd.f32 v51, v58;
	v49 =	vnsel vm0, $0x0, v63;
	v62 =	vnsel vm0, $0x0, v61;
	v45 =	vld [tilespmem:s21+$0xFFFFFF70];
	(pc) =	sbr.rel @p0 .LBB2_9-.Ltmp3, $4  }
0x2a0: {  	v63 =	vmul.f32 v46, v59;
	vm0 =	vlt.s32 v46, v22;
	v46 =	vld [tilespmem:s21+$0xFFFFFF60];
	v49 =	vadd.f32 v49, v47  }
0x2a1: {  	vm5 =	vlt.s32 v26, v22;
	v50 =	vnsel vm0, $0x0, v59;
	v48 =	vadd.f32 v62, v48;
	v47 =	vld [tilespmem:s21+$0xFFFFFF50]  }
0x2a2: {  	vm3 =	vlt.s32 v24, v22;
	v52 =	vnsel vm0, $0x0, v63;
	v51 =	vadd.f32 v50, v49;
	v49 =	vld [tilespmem:s21+$0xFFFFFF40]  }
0x2a3: {  	s23 =	sshra.s32 s22, $0x2;
	s22 =	sadd.s32 $0x80, s22;
	vm2 =	vlt.s32 v23, v22;
	vm4 =	vlt.s32 v25, v22;
	v52 =	vadd.f32 v52, v48;
	v50 =	vld [tilespmem:s21+$0xFFFFFF30]  }
0x2a4: {  	v48 =	vld [tilespmem:s23+$0xCF0]  }
0x2a5: {  	v53 =	vld [tilespmem:s21+$0xFFFFFF00]  }
0x2a6: {  	v54 =	vld [tilespmem:s21+$0xFFFFFF10]  }
0x2a7: {  	v55 =	vld [tilespmem:s21+$0xFFFFFF20]  }
0x2a8: {  	vm7 =	vlt.s32 v32, v22;
	vm10 =	vlt.s32 v45, v22;
	vm15 =	vlt.s32 v46, v22  }
0x2a9: {  	vm14 =	vlt.s32 v47, v22;
	vm13 =	vlt.s32 v49, v22;
	vm12 =	vlt.s32 v50, v22  }
0x2aa: {  	v56 =	vperm.xlane v48, v4;
	v58 =	vperm.xlane v48, v5;
	vm0 =	vlt.s32 v53, v22  }
0x2ab: {  	vm1 =	vlt.s32 v54, v22;
	v61 =	vperm.xlane v48, v6;
	v62 =	vperm.xlane v48, v7  }
0x2ac: {  	vm11 =	vlt.s32 v55, v22;
	v60 =	vperm.xlane v48, v8;
	v57 =	vmul.f32 v53, v56  }
0x2ad: {  	v56 =	vnsel vm0, $0x0, v56;
	v54 =	vmul.f32 v54, v58;
	v58 =	vnsel vm1, $0x0, v58  }
0x2ae: {  	v55 =	vmul.f32 v55, v61;
	v53 =	vnsel vm11, $0x0, v61;
	v63 =	vmul.f32 v50, v62  }
0x2af: {  	v61 =	vnsel vm12, $0x0, v62;
	v59 =	vmul.f32 v49, v60;
	v51 =	vadd.f32 v56, v51  }
0x2b0: {  	v56 =	vperm.xlane v48, v13;
	v57 =	vnsel vm0, $0x0, v57;
	v54 =	vnsel vm1, $0x0, v54  }
0x2b1: {  	v55 =	vnsel vm11, $0x0, v55;
	v62 =	vnsel vm12, $0x0, v63;
	v63 =	vperm.xlane v48, v9  }
0x2b2: {  	v49 =	vnsel vm13, $0x0, v59;
	v52 =	vadd.f32 v57, v52;
	v51 =	vadd.f32 v58, v51  }
0x2b3: {  	v59 =	vperm.xlane v48, v11;
	vm11 =	vlt.s32 v44, v22;
	vm12 =	vlt.s32 v43, v22  }
0x2b4: {  	v50 =	vadd.f32 v54, v52;
	v51 =	vadd.f32 v53, v51;
	v53 =	vperm.xlane v48, v10  }
0x2b5: {  	v52 =	vnsel vm13, $0x0, v60;
	v60 =	vmul.f32 v47, v63;
	v63 =	vnsel vm14, $0x0, v63  }
0x2b6: {  	v47 =	vnsel vm10, $0x0, v59;
	v50 =	vadd.f32 v55, v50;
	v51 =	vadd.f32 v61, v51  }
0x2b7: {  	v54 =	vnsel vm12, $0x0, v56;
	vm13 =	vlt.s32 v42, v22;
	v55 =	vmul.f32 v45, v59  }
0x2b8: {  	v57 =	vmul.f32 v46, v53;
	v61 =	vadd.f32 v62, v50;
	v62 =	vadd.f32 v52, v51  }
0x2b9: {  	v52 =	vnsel vm14, $0x0, v60;
	v45 =	vnsel vm10, $0x0, v55;
	vm14 =	vlt.s32 v41, v22  }
0x2ba: {  	v51 =	vperm.xlane v48, v17;
	v58 =	vadd.f32 v49, v61;
	v60 =	vadd.f32 v63, v62  }
0x2bb: {  	vm10 =	vlt.s32 v39, v22;
	v61 =	vnsel vm15, $0x0, v53;
	v63 =	vperm.xlane v48, v12  }
0x2bc: {  	v62 =	vnsel vm15, $0x0, v57;
	v46 =	vadd.f32 v52, v58;
	v49 =	vadd.f32 v61, v60  }
0x2bd: {  	vm15 =	vlt.s32 v40, v22;
	v57 =	vmul.f32 v44, v63;
	v60 =	vnsel vm11, $0x0, v63  }
0x2be: {  	v52 =	vperm.xlane v48, v14;
	v58 =	vadd.f32 v62, v46;
	v59 =	vadd.f32 v47, v49  }
0x2bf: {  	v61 =	vnsel vm11, $0x0, v57;
	v62 =	vmul.f32 v43, v56;
	v56 =	vperm.xlane v48, v15  }
0x2c0: {  	v57 =	vmul.f32 v42, v52;
	v44 =	vnsel vm13, $0x0, v52;
	v53 =	vadd.f32 v60, v59  }
0x2c1: {  	vm11 =	vlt.s32 v38, v22;
	v63 =	vadd.f32 v45, v58;
	v55 =	vnsel vm12, $0x0, v62  }
0x2c2: {  	v58 =	vperm.xlane v48, v16;
	v42 =	vnsel vm13, $0x0, v57;
	v45 =	vadd.f32 v54, v53  }
0x2c3: {  	v59 =	vmul.f32 v41, v56;
	v62 =	vnsel vm14, $0x0, v56;
	v56 =	vmul.f32 v39, v51  }
0x2c4: {  	v57 =	vperm.xlane v48, v19;
	v43 =	vadd.f32 v61, v63;
	v61 =	vadd.f32 v44, v45  }
0x2c5: {  	v46 =	vld [tilespmem:s23+$0xD00];
	v41 =	vnsel vm10, $0x0, v51;
	vm12 =	vlt.s32 v37, v22;
	vm13 =	vlt.s32 v36, v22  }
0x2c6: {  	v63 =	vnsel vm14, $0x0, v59;
	v60 =	vadd.f32 v55, v43;
	v52 =	vadd.f32 v62, v61  }
0x2c7: {  	v49 =	vmul.f32 v40, v58;
	v53 =	vnsel vm15, $0x0, v58;
	v39 =	vnsel vm10, $0x0, v56  }
0x2c8: {  	vm14 =	vlt.s32 v35, v22;
	v50 =	vadd.f32 v42, v60;
	v42 =	vadd.f32 v53, v52  }
0x2c9: {  	vm10 =	vlt.s32 v33, v22;
	v54 =	vnsel vm15, $0x0, v49;
	v55 =	vperm.xlane v48, v18  }
0x2ca: {  	v48 =	vperm.xlane v46, v4;
	v40 =	vadd.f32 v63, v50;
	v60 =	vadd.f32 v41, v42  }
0x2cb: {  	vm15 =	vlt.s32 v34, v22;
	v44 =	vperm.xlane v46, v8;
	v61 =	vnsel vm11, $0x0, v55  }
0x2cc: {  	v58 =	vmul.f32 v38, v55;
	v59 =	vadd.f32 v54, v40;
	v49 =	vadd.f32 v61, v60  }
0x2cd: {  	v38 =	vnsel vm13, $0x0, v48;
	v63 =	vmul.f32 v37, v57;
	v50 =	vnsel vm12, $0x0, v57  }
0x2ce: {  	v52 =	vperm.xlane v46, v5;
	v47 =	vadd.f32 v39, v59;
	v39 =	vadd.f32 v50, v49  }
0x2cf: {  	v62 =	vnsel vm11, $0x0, v58;
	v53 =	vmul.f32 v36, v48;
	v48 =	vmul.f32 v32, v44  }
0x2d0: {  	vm11 =	vlt.s32 v31, v22;
	v37 =	vadd.f32 v62, v47;
	v57 =	vadd.f32 v38, v39  }
0x2d1: {  	v51 =	vnsel vm12, $0x0, v63;
	v54 =	vperm.xlane v46, v6;
	v58 =	vnsel vm14, $0x0, v52  }
0x2d2: {  	v36 =	vnsel vm13, $0x0, v53;
	v56 =	vadd.f32 v51, v37;
	v62 =	vadd.f32 v58, v57  }
0x2d3: {  	v55 =	vmul.f32 v35, v52;
	v63 =	vperm.xlane v46, v7;
	v42 =	vnsel vm15, $0x0, v54  }
0x2d4: {  	vm12 =	vlt.s32 v30, v22;
	v61 =	vadd.f32 v36, v56;
	v35 =	vadd.f32 v42, v62  }
0x2d5: {  	v59 =	vnsel vm14, $0x0, v55;
	v60 =	vmul.f32 v34, v54;
	v36 =	vnsel vm10, $0x0, v63  }
0x2d6: {  	v45 =	vmul.f32 v33, v63;
	v34 =	vadd.f32 v59, v61;
	v35 =	vadd.f32 v36, v35  }
0x2d7: {  	v43 =	vnsel vm15, $0x0, v60;
	v47 =	vperm.xlane v46, v9;
	v49 =	vnsel vm7, $0x0, v44  }
0x2d8: {  	v54 =	vperm.xlane v46, v11;
	v34 =	vadd.f32 v43, v34;
	v50 =	vadd.f32 v49, v35  }
0x2d9: {  	v33 =	vnsel vm10, $0x0, v45;
	v51 =	vperm.xlane v46, v10;
	v52 =	vnsel vm11, $0x0, v47  }
0x2da: {  	v41 =	vld [tilespmem:s21+$0xE0];
	v53 =	vmul.f32 v31, v47;
	v33 =	vadd.f32 v33, v34;
	v34 =	vadd.f32 v52, v50  }
0x2db: {  	v32 =	vnsel vm7, $0x0, v48;
	v28 =	vmul.f32 v28, v54;
	v55 =	vnsel vm12, $0x0, v51  }
0x2dc: {  	v31 =	vnsel vm11, $0x0, v53;
	v32 =	vadd.f32 v32, v33;
	v34 =	vadd.f32 v55, v34  }
0x2dd: {  	v56 =	vmul.f32 v30, v51;
	v57 =	vperm.xlane v46, v12;
	v58 =	vnsel vm9, $0x0, v54  }
0x2de: {  	v60 =	vperm.xlane v46, v13;
	v31 =	vadd.f32 v31, v32;
	v59 =	vadd.f32 v58, v34  }
0x2df: {  	vm13 =	vlt.s32 v41, v22;
	v30 =	vnsel vm12, $0x0, v56;
	v61 =	vnsel vm8, $0x0, v57  }
0x2e0: {  	v28 =	vnsel vm9, $0x0, v28;
	v30 =	vadd.f32 v30, v31;
	v62 =	vadd.f32 v61, v59  }
0x2e1: {  	v63 =	vperm.xlane v46, v14;
	v29 =	vmul.f32 v29, v57;
	v36 =	vnsel vm6, $0x0, v60  }
0x2e2: {  	v27 =	vmul.f32 v27, v60;
	v28 =	vadd.f32 v28, v30;
	v37 =	vadd.f32 v36, v62  }
0x2e3: {  	v38 =	vperm.xlane v46, v15;
	v39 =	vnsel vm5, $0x0, v63;
	v29 =	vnsel vm8, $0x0, v29  }
0x2e4: {  	v27 =	vnsel vm6, $0x0, v27;
	v28 =	vadd.f32 v29, v28;
	v40 =	vadd.f32 v39, v37  }
0x2e5: {  	v26 =	vmul.f32 v26, v63;
	v42 =	vperm.xlane v46, v16;
	v43 =	vnsel vm4, $0x0, v38  }
0x2e6: {  	v47 =	vperm.xlane v46, v17;
	v27 =	vadd.f32 v27, v28;
	v44 =	vadd.f32 v43, v40  }
0x2e7: {  	v45 =	vld [tilespmem:s21+$0xF0];
	v25 =	vmul.f32 v25, v38;
	v26 =	vnsel vm5, $0x0, v26;
	v48 =	vnsel vm3, $0x0, v42  }
0x2e8: {  	v51 =	vnsel vm2, $0x0, v47;
	v26 =	vadd.f32 v26, v27;
	v49 =	vadd.f32 v48, v44  }
0x2e9: {  	v25 =	vnsel vm4, $0x0, v25;
	v24 =	vmul.f32 v24, v42;
	v50 =	vperm.xlane v46, v18  }
0x2ea: {  	v23 =	vmul.f32 v23, v47;
	v25 =	vadd.f32 v25, v26;
	v28 =	vadd.f32 v51, v49  }
0x2eb: {  	v24 =	vnsel vm3, $0x0, v24;
	v52 =	vperm.xlane v46, v19;
	v53 =	vnsel vm13, $0x0, v50  }
0x2ec: {  	vm14 =	vlt.s32 v45, v22;
	v24 =	vadd.f32 v24, v25;
	v54 =	vadd.f32 v53, v28  }
0x2ed: {  	v23 =	vnsel vm2, $0x0, v23;
	v55 =	vnsel vm14, $0x0, v52;
	v26 =	vmul.f32 v41, v50  }
0x2ee: {  	v23 =	vadd.f32 v23, v24;
	v56 =	vadd.f32 v55, v54  }
0x2ef: {  	v58 =	vmul.f32 v45, v52;
	v57 =	vnsel vm13, $0x0, v26  }
0x2f0: {  	v23 =	vadd.f32 v57, v23;
	v24 =	vsub.f32 v20, v56  }
0x2f1: {  	v59 =	vnsel vm14, $0x0, v58  }
0x2f2: {  	v23 =	vadd.f32 v59, v23;
	v22 =	vmul.f32 v22, v24;
	_ =	sdelay $0x1  }
0x2f3: {  	v22 =	vadd.f32 v22, v23;
	_ =	sdelay $0x1  }
0x2f4: {  	v22 =	vmax.f32 v22, $0.0e+00  }
0x2f5: {  	v22 =	vmul.f32 v22, v21;
	_ =	sdelay $0x1  }
0x2f6: {  	v23 =	vshra.s32 v22, $0x1  }
0x2f7: {  	v23 =	vadd.s32 $0x1FBD1DF5, v23  }
0x2f8: {  	(erf) = vrcp.f32 v23;
	_ =	sdelay $0x8  }
0x2f9: {  	v60 =	vpop (erf)  }
0x2fa: {  	v24 =	vmul.f32 v60, v22;
	_ =	sdelay $0x1  }
0x2fb: {  	v23 =	vadd.f32 v23, v24;
	_ =	sdelay $0x1  }
0x2fc: {  	v23 =	vmul.f32 $5.000000000e-01, v23;
	_ =	sdelay $0x1  }
0x2fd: {  	(erf) = vrcp.f32 v23;
	_ =	sdelay $0x8  }
0x2fe: {  	v61 =	vpop (erf)  }
0x2ff: {  	v24 =	vmul.f32 v61, v22;
	_ =	sdelay $0x1  }
0x300: {  	v23 =	vadd.f32 v24, v23;
	_ =	sdelay $0x1  }
0x301: {  	v23 =	vmul.f32 $5.000000000e-01, v23;
	_ =	sdelay $0x1  }
0x302: {  	(erf) = vrcp.f32 v23;
	_ =	sdelay $0x8  }
0x303: {  	v62 =	vpop (erf)  }
0x304: {  	v24 =	vmul.f32 v62, v22;
	_ =	sdelay $0x1  }
0x305: {  	v23 =	vadd.f32 v24, v23;
	_ =	sdelay $0x1  }
0x306: {  	v23 =	vmul.f32 $5.000000000e-01, v23;
	_ =	sdelay $0x1  }
0x307: {  	(erf) = vrcp.f32 v23;
	_ =	sdelay $0x8  }
0x308: {  	v63 =	vpop (erf)  }
0x309: {  	v24 =	vmul.f32 v63, v22  }
0x30a: {  	s19 =	sadd.s32 $0x1, s19  }
0x30b: {  	p0 =	sne.s32 s19, $0x6;
	v23 =	vadd.f32 v24, v23  }
.Ltmp4:
0x30c: {  	_ = 	snop;
	(pc) =	sbr.rel @p0 .LBB2_2-.Ltmp4, $4  }
0x30d: {  	v23 =	vmul.f32 $5.000000000e-01, v23  }
0x30e: {  	vm15 =	vgt.f32 v22, $0.0e+00  }
0x30f: {  	v22 =	vnsel vm15, $0x0, v23  }
0x310: {  	[tilespmem:s20+$0x7880] =	vst v22  }
0x311: {  	s18 =	sadd.s32 $0x1, s18  }
0x312: {  	p0 =	sne.s32 s18, s9  }
.Ltmp5:
0x313: {  	_ = 	snop;
	(pc) =	sbr.rel @p0 .LBB2_1-.Ltmp5, $4  }
0x314: {  	[hbm4b:s8+s2] =	stream.linear.scatter [tilespmem:s17], [sflag:$0x1], $0x80, $0x38;
	[tilespmem:$0x7900] =	vst v63  }
0x315: {  	_ =	swait.ge [sflag:s12], $0x80  }
0x316: {  	[sflag:s12] =	ssyncset.done $0x0  }
0x317: {  	[sflag:s12] =	ssyncadd.s32 $0xFFFFFF80  }
0x318: {  	_ =	sfence.sel $0x180000  }
0x319: {  	[bflag:$0x0] =	sbarrier.arrive $0xFFFF  }
0x31a: {  	p0 =	sne.s32 s0, $0x0;
	_ =	strace $0x90000047  }
0x31b: {  	s0 =	sadd.s32 @!p0 $0x100000, s1;
	[bflag:$0x2] =	sbarrier.arrive $0xFFFF  }
0x31c: {  	[sflag:s0] =	ssyncadd.tile.s32 @!p0 $0x1;
	_ =	shalt  }
.Lfunc_end2:
_tile_overlayer_lowered:
.L_overlay_start_2:
0x31d: {  	(tag) =	ssettag $0x2  }
0x31e: {  	s0 =	rddreg [dreg:$0x0];
	s2 =	stileid.u32  }
0x31f: {  	s1 =	rddreg [dreg:$0x1];
	p0 =	sne.s32 s2, $0x0  }
0x320: {  	s3 =	rddreg [dreg:$0x2];
	[bflag:$0x3] =	sbarrier.arrive $0xFFFF;
	s2 =	simm.s32 @!p0 $0x1C01  }
0x321: {  	[timem:s3], [sflag:s2] =	dma.local @!p0 [hbm:s0], s1  }
0x322: {  	s0 =	simm.s32 @!p0 $0x1  }
0x323: {  	_ =	swait.ge @!p0 [sflag:s0], s1  }
0x324: {  	s1 =	ssub.s32 @!p0 $0x0, s1;
	[sflag:s0] =	ssyncset.done @!p0 $0x0  }
0x325: {  	[sflag:s0] =	ssyncadd.s32 @!p0 s1  }
0x326: {  	[bflag:$0x3] =	sbarrier.arrive $0xFFFF  }
0x327: {  	_ =	shalt  }

</sc_bundles>
